<compile_context>
chip_gen: v7x
topology: tpu7x:2x2x1
jax: 0.10.2.dev20260603
libtpu: 0.0.44.dev20260713+nightly
codegen_flags: <defaults>
</compile_context>

<pallas_src>
import functools

import jax
import jax.numpy as jnp
from jax import lax
from jax.experimental import pallas as pl
from jax.experimental.pallas import tpu as pltpu
from jax.experimental.pallas import tpu_sc as plsc

NC = 2
NS = 16
K = 80
CW = 16


def _dot_nt(a, w):
    return lax.dot_general(a, w, (((1,), (1,)), ((), ())),
                           preferred_element_type=jnp.float32)


def _proj_body(x_ref, w_ref, b_ref, o_ref):
    o_ref[...] = jnp.maximum(_dot_nt(x_ref[...], w_ref[...]) + b_ref[...],
                             0.0)


@functools.lru_cache(maxsize=None)
def _make_proj(N, D, RB):
    return pl.pallas_call(
        _proj_body,
        grid=(N // RB,),
        in_specs=[
            pl.BlockSpec((RB, D), lambda i: (i, 0)),
            pl.BlockSpec((D, D), lambda i: (0, 0)),
            pl.BlockSpec((1, D), lambda i: (0, 0)),
        ],
        out_specs=pl.BlockSpec((RB, D), lambda i: (i, 0)),
        out_shape=jax.ShapeDtypeStruct((N, D), jnp.float32),
    )


@functools.lru_cache(maxsize=None)
def _make_sc_aggregate(N, D, E):
    NP = -(-N // (NS * 8)) * (NS * 8)
    rpt = NP // NS
    e_per_tile = E // (NC * NS)
    n_chunks = e_per_tile // K
    assert n_chunks * K == e_per_tile

    mesh = plsc.VectorSubcoreMesh(core_axis_name="c", subcore_axis_name="s")

    NB = 5
    RR = 4
    GA = 3
    LL = 4
    UN = 20
    n_main = n_chunks - NB
    assert n_main % UN == 0 and n_chunks > 2 * NB

    def body(h_hbm, src_hbm, dst_hbm, zf_hbm,
             agg_out, cnt_out,
             s0, s1, s2, s3, s4, d0, d1, d2, d3, d4, r0_, r1_, r2_, r3_,
             ones_v, zc_v, acc_sp, cnt_sp, ssem, dsem, gsem, wsem, csem):
        srcs = [s0, s1, s2, s3, s4]
        dsts = [d0, d1, d2, d3, d4]
        rows = [r0_, r1_, r2_, r3_]
        c = lax.axis_index("c")
        s = lax.axis_index("s")
        r0 = s * rpt
        pltpu.sync_copy(zf_hbm, acc_sp.at[pl.ds(r0, rpt)])

        def zfill(i, carry):
            zc_v[pl.ds(i * 16, 16)] = jnp.zeros((16,), jnp.float32)
            return carry

        lax.fori_loop(0, rpt // 16, zfill, 0)
        for j in range(K // 16):
            ones_v[pl.ds(j * 16, 16)] = jnp.ones((16,), jnp.float32)
        pltpu.sync_copy(zc_v, cnt_sp.at[pl.ds(r0, rpt)])
        plsc.subcore_barrier()

        base = c * (E // NC) + s * e_per_tile

        def issue_loads(j, u):
            off = pl.multiple_of(base + j * K, 8)
            pltpu.async_copy(src_hbm.at[pl.ds(off, K)], srcs[u], ssem.at[u])
            pltpu.async_copy(dst_hbm.at[pl.ds(off, K)], dsts[u], dsem.at[u])

        def wait_src(u):
            pltpu.make_async_copy(src_hbm.at[pl.ds(0, K)], srcs[u],
                                  ssem.at[u]).wait()

        def wait_dst(u):
            pltpu.make_async_copy(dst_hbm.at[pl.ds(0, K)], dsts[u],
                                  dsem.at[u]).wait()

        def issue_gather(us, ur):
            pltpu.async_copy(h_hbm.at[srcs[us]], rows[ur], gsem.at[ur])

        def wait_gather(us, ur):
            pltpu.make_async_copy(h_hbm.at[srcs[us]], rows[ur],
                                  gsem.at[ur]).wait()

        def wait_rowscatter(u4, u5):
            pltpu.make_async_copy(rows[u4], acc_sp.at[dsts[u5]],
                                  wsem.at[u4]).wait()

        def wait_cntscatter(u5):
            pltpu.make_async_copy(ones_v, cnt_sp.at[dsts[u5]],
                                  csem.at[u5]).wait()

        def step(j, u5, u4, first=False, do_load=True, do_gather=True):
            del first
            wait_gather(u5, u4)
            wait_dst(u5)
            pltpu.sync_copy(rows[u4], acc_sp.at[dsts[u5]], add=True)
            pltpu.sync_copy(ones_v, cnt_sp.at[dsts[u5]], add=True)
            if do_load:
                issue_loads(j + LL, (u5 + LL) % NB)
            if do_gather:
                wait_src((u5 + GA) % NB)
                issue_gather((u5 + GA) % NB, (u4 + GA) % RR)

        for m in range(LL):
            issue_loads(m, m)
        for m in range(GA):
            wait_src(m)
            issue_gather(m, m)
        step(0, 0, 0, first=True)

        def group(g, carry):
            for k in range(UN):
                j = 1 + g * UN + k
                step(j, (1 + k) % NB, (1 + k) % RR)
            return carry

        lax.fori_loop(0, n_main // UN, group, 0)

        for m in range(NB - 1):
            j = n_main + 1 + m
            step(j, j % NB, j % RR, do_load=(j + LL < n_chunks),
                 do_gather=(j + GA < n_chunks))

        plsc.subcore_barrier()

        q0 = c * NP + r0
        pltpu.sync_copy(acc_sp.at[pl.ds(r0, rpt)], agg_out.at[pl.ds(q0, rpt)])
        pltpu.sync_copy(cnt_sp.at[pl.ds(r0, rpt)], zc_v)
        w = c * NS + s
        pltpu.sync_copy(zc_v, cnt_out.at[w])

    return pl.kernel(
        body,
        out_type=[
            jax.ShapeDtypeStruct((NC * NP, D), jnp.float32),
            jax.ShapeDtypeStruct((NC * NS, rpt), jnp.float32),
        ],
        mesh=mesh,
        scratch_types=(
            [pltpu.VMEM((K,), jnp.int32) for _ in range(2 * NB)]
            + [pltpu.VMEM((K, D), jnp.float32) for _ in range(RR)]
            + [
                pltpu.VMEM((K,), jnp.float32),
                pltpu.VMEM((rpt,), jnp.float32),
                pltpu.VMEM_SHARED((NP, D), jnp.float32),
                pltpu.VMEM_SHARED((NP,), jnp.float32),
                pltpu.SemaphoreType.DMA((NB,)),
                pltpu.SemaphoreType.DMA((NB,)),
                pltpu.SemaphoreType.DMA((RR,)),
                pltpu.SemaphoreType.DMA((RR,)),
                pltpu.SemaphoreType.DMA((NB,)),
            ]
        ),
    ), NP


def _post_body(aggp_ref, cntp_ref, x_ref, wl_ref, bl_ref, wr_ref, br_ref,
               o_ref):
    agg = aggp_ref[0] + aggp_ref[1]
    cnt = jnp.sum(cntp_ref[...], axis=0)
    mean = agg / jnp.maximum(cnt, 1.0)
    x = x_ref[...]
    out = (_dot_nt(mean, wl_ref[...]) + bl_ref[...]
           + _dot_nt(x, wr_ref[...]) + br_ref[...])
    out = jnp.where(out > 0, out, jnp.exp(jnp.minimum(out, 0.0)) - 1.0)
    norm = jnp.maximum(jnp.sqrt(jnp.sum(out * out, axis=1, keepdims=True)),
                       1e-12)
    o_ref[...] = x + out / norm


@functools.lru_cache(maxsize=None)
def _make_post(N, D, RB):
    return pl.pallas_call(
        _post_body,
        grid=(N // RB,),
        in_specs=[
            pl.BlockSpec((NC, RB, D), lambda i: (0, i, 0)),
            pl.BlockSpec((NC, RB, 1), lambda i: (0, i, 0)),
            pl.BlockSpec((RB, D), lambda i: (i, 0)),
            pl.BlockSpec((D, D), lambda i: (0, 0)),
            pl.BlockSpec((1, D), lambda i: (0, 0)),
            pl.BlockSpec((D, D), lambda i: (0, 0)),
            pl.BlockSpec((1, D), lambda i: (0, 0)),
        ],
        out_specs=pl.BlockSpec((RB, D), lambda i: (i, 0)),
        out_shape=jax.ShapeDtypeStruct((N, D), jnp.float32),
    )


def kernel(x, edge_index, W_proj, b_proj, W_l, b_l, W_r, b_r):
    N, D = x.shape
    E = edge_index.shape[1]
    src = edge_index[0].astype(jnp.int32)
    dst = edge_index[1].astype(jnp.int32)

    h = _make_proj(N, D, 1000)(x, W_proj, b_proj.reshape(1, D))

    sc_call, NP = _make_sc_aggregate(N, D, E)
    zf = jnp.zeros((NP // NS, D), jnp.float32)
    aggp, cntp = sc_call(h, src, dst, zf)

    out = _make_post(N, D, 1000)(
        aggp.reshape(NC, NP, D), cntp.reshape(NC, NP, 1),
        x, W_l, b_l.reshape(1, D), W_r, b_r.reshape(1, D))
    return out

# --- scband reference (transcript-rebuilt; emitter-appended) ---
"""Pipeline reference for scband-sageconv-layer-70935679861287 (READ-ONLY COPY).

The authoritative reference and input builder live on the scoring server;
editing this copy changes nothing except your own understanding.
"""

import jax, jax.numpy as jnp
import numpy as np

N = 10000
E = 320000
D = 128


def setup_inputs(seed: int = 0) -> dict:
    key = jax.random.key(seed)
    ks = jax.random.split(key, 8)
    x = jax.random.normal(ks[0], (N, D), dtype=jnp.float32)
    edge_index = jax.random.randint(ks[1], (2, E), 0, N, dtype=jnp.int64)
    s = 1.0 / np.sqrt(D)
    W_proj = jax.random.uniform(ks[2], (D, D), jnp.float32, -s, s)
    b_proj = jax.random.uniform(ks[3], (D,), jnp.float32, -s, s)
    W_l = jax.random.uniform(ks[4], (D, D), jnp.float32, -s, s)
    b_l = jax.random.uniform(ks[5], (D,), jnp.float32, -s, s)
    W_r = jax.random.uniform(ks[6], (D, D), jnp.float32, -s, s)
    b_r = jax.random.uniform(ks[7], (D,), jnp.float32, -s, s)
    return {"x": x, "edge_index": edge_index, "W_proj": W_proj, "b_proj": b_proj,
            "W_l": W_l, "b_l": b_l, "W_r": W_r, "b_r": b_r}


def reference(x, edge_index, W_proj, b_proj, W_l, b_l, W_r, b_r):
    # SAGEConv(project=True, aggr='mean', root_weight=True)
    src = edge_index[0]
    dst = edge_index[1]
    # projection applied to neighbor (source) features
    h = jax.nn.relu(x @ W_proj.T + b_proj)
    msg = jnp.take(h, src, axis=0)                      # gather (SparseCore)
    agg = jax.ops.segment_sum(msg, dst, num_segments=N)  # scatter-add
    cnt = jax.ops.segment_sum(jnp.ones((E,), jnp.float32), dst, num_segments=N)
    mean = agg / jnp.maximum(cnt, 1.0)[:, None]
    out = mean @ W_l.T + b_l + (x @ W_r.T + b_r)
    # layer wrapper: elu -> dropout(p=0.0, eval) -> l2 normalize -> residual
    out = jax.nn.elu(out)
    norm = jnp.maximum(jnp.linalg.norm(out, axis=-1, keepdims=True), 1e-12)
    out = out / norm
    out = x + out
    return out

if __name__ == "__main__":
    import jax
    _d = setup_inputs()
    print(jax.jit(kernel)(*tuple(_d.values())))

</pallas_src>

<mosaic_0001>
#map = affine_map<(d0, d1) -> (0, 0)>
#map1 = affine_map<(d0, d1) -> (0)>
module attributes {stable_mosaic.version = 14 : i64} {
  func.func @body(%arg0: i32, %arg1: i32, %arg2: memref<10000x128xf32, #tpu.memory_space<hbm>>, %arg3: memref<320000xi32, #tpu.memory_space<hbm>>, %arg4: memref<320000xi32, #tpu.memory_space<hbm>>, %arg5: memref<632x128xf32, #tpu.memory_space<hbm>>, %arg6: memref<20224x128xf32, #tpu.memory_space<hbm>>, %arg7: memref<32x632xf32, #tpu.memory_space<hbm>>, %arg8: memref<80xi32, #tpu.memory_space<vmem>>, %arg9: memref<80xi32, #tpu.memory_space<vmem>>, %arg10: memref<80xi32, #tpu.memory_space<vmem>>, %arg11: memref<80xi32, #tpu.memory_space<vmem>>, %arg12: memref<80xi32, #tpu.memory_space<vmem>>, %arg13: memref<80xi32, #tpu.memory_space<vmem>>, %arg14: memref<80xi32, #tpu.memory_space<vmem>>, %arg15: memref<80xi32, #tpu.memory_space<vmem>>, %arg16: memref<80xi32, #tpu.memory_space<vmem>>, %arg17: memref<80xi32, #tpu.memory_space<vmem>>, %arg18: memref<80x128xf32, #tpu.memory_space<vmem>>, %arg19: memref<80x128xf32, #tpu.memory_space<vmem>>, %arg20: memref<80x128xf32, #tpu.memory_space<vmem>>, %arg21: memref<80x128xf32, #tpu.memory_space<vmem>>, %arg22: memref<80xf32, #tpu.memory_space<vmem>>, %arg23: memref<632xf32, #tpu.memory_space<vmem>>, %arg24: memref<10112x128xf32, #tpu.memory_space<vmem_shared>>, %arg25: memref<10112xf32, #tpu.memory_space<vmem_shared>>, %arg26: memref<5x!tpu.dma_semaphore, #tpu.memory_space<semaphore_mem>>, %arg27: memref<5x!tpu.dma_semaphore, #tpu.memory_space<semaphore_mem>>, %arg28: memref<4x!tpu.dma_semaphore, #tpu.memory_space<semaphore_mem>>, %arg29: memref<4x!tpu.dma_semaphore, #tpu.memory_space<semaphore_mem>>, %arg30: memref<5x!tpu.dma_semaphore, #tpu.memory_space<semaphore_mem>>) attributes {dimension_semantics = [#tpu.dimension_semantics<core_parallel>, #tpu.dimension_semantics<subcore_parallel>], iteration_bounds = array<i64: 2, 16>, scalar_prefetch = 0 : i64, scratch_operands = 23 : i64, tpu.core_type = #tpu.core_type<sc_vector_subcore>, window_params = [{transform_indices = #map}, {transform_indices = #map1}, {transform_indices = #map1}, {transform_indices = #map}, {transform_indices = #map}, {transform_indices = #map}]} {
    %mul3A = arith.constant 632 : i32
    %mul3A_0 = arith.muli %arg1, %mul3A : i32
    "tpu.region"() ({
      %run_scoped3A = tpu.sem_alloc : memref<!tpu.dma_semaphore, #tpu.memory_space<semaphore_mem>>
      %dma_start3A_243 = arith.constant 0 : i32
      %dma_start3A_244 = tpu.memref_slice %arg24[%mul3A_0, %dma_start3A_243] : memref<10112x128xf32, #tpu.memory_space<vmem_shared>> -> memref<632x128xf32, #tpu.memory_space<vmem_shared>>
      tpu.enqueue_dma source(%arg5 : memref<632x128xf32, #tpu.memory_space<hbm>>) target(%dma_start3A_244 : memref<632x128xf32, #tpu.memory_space<vmem_shared>>) target_semaphore(%run_scoped3A : memref<!tpu.dma_semaphore, #tpu.memory_space<semaphore_mem>>)
      %dma_wait3A_245 = arith.constant 0 : i32
      %dma_wait3A_246 = tpu.memref_slice %arg24[%mul3A_0, %dma_wait3A_245] : memref<10112x128xf32, #tpu.memory_space<vmem_shared>> -> memref<632x128xf32, #tpu.memory_space<vmem_shared>>
      tpu.wait_dma2 semaphore(%run_scoped3A : memref<!tpu.dma_semaphore, #tpu.memory_space<semaphore_mem>>) src(%arg5 : memref<632x128xf32, #tpu.memory_space<hbm>>) dst(%dma_wait3A_246 : memref<632x128xf32, #tpu.memory_space<vmem_shared>>)
      tpu.yield
    }) : () -> ()
    %scan3A = arith.constant 0 : i32
    %scan3A_1 = arith.constant 0 : i32
    %scan3A_2 = arith.constant 39 : i32
    %scan3A_3 = arith.addi %scan3A_1, %scan3A_2 : i32
    %scan3A_4 = arith.constant 1 : i32
    scf.for %scan3A_243 = %scan3A_1 to %scan3A_3 step %scan3A_4  : i32 {
      %broadcast_in_dim3A_244 = arith.constant 0.000000e+00 : f32
      %broadcast_in_dim3A_245 = vector.broadcast %broadcast_in_dim3A_244 : f32 to vector<16xf32>
      %mul3A_246 = arith.constant 16 : i32
      %mul3A_247 = arith.muli %scan3A_243, %mul3A_246 : i32
      %swap3A_248 = arith.index_cast %mul3A_247 : i32 to index
      %swap3A_249 = tpu.vector_load %arg23[%swap3A_248] {strides = array<i32>} : memref<632xf32, #tpu.memory_space<vmem>>, vector<16xf32>,
      %swap3A_250 = vector.shape_cast %swap3A_249 : vector<16xf32> to vector<16xf32>
      %swap3A_251 = vector.shape_cast %broadcast_in_dim3A_245 : vector<16xf32> to vector<16xf32>
      tpu.vector_store %arg23[%swap3A_248], %swap3A_251 {strides = array<i32>} : memref<632xf32, #tpu.memory_space<vmem>>, vector<16xf32>,
    }
    %scan3A_5 = arith.constant 39 : i32
    %broadcast_in_dim3A = arith.constant 1.000000e+00 : f32
    %broadcast_in_dim3A_6 = vector.broadcast %broadcast_in_dim3A : f32 to vector<16xf32>
    %swap3A = arith.constant 0 : index
    %swap3A_7 = tpu.vector_load %arg22[%swap3A] {strides = array<i32>} : memref<80xf32, #tpu.memory_space<vmem>>, vector<16xf32>,
    %swap3A_8 = vector.shape_cast %swap3A_7 : vector<16xf32> to vector<16xf32>
    %swap3A_9 = vector.shape_cast %broadcast_in_dim3A_6 : vector<16xf32> to vector<16xf32>
    tpu.vector_store %arg22[%swap3A], %swap3A_9 {strides = array<i32>} : memref<80xf32, #tpu.memory_space<vmem>>, vector<16xf32>,
    %broadcast_in_dim3A_10 = arith.constant 1.000000e+00 : f32
    %broadcast_in_dim3A_11 = vector.broadcast %broadcast_in_dim3A_10 : f32 to vector<16xf32>
    %swap3A_12 = arith.constant 16 : index
    %swap3A_13 = tpu.vector_load %arg22[%swap3A_12] {strides = array<i32>} : memref<80xf32, #tpu.memory_space<vmem>>, vector<16xf32>,
    %swap3A_14 = vector.shape_cast %swap3A_13 : vector<16xf32> to vector<16xf32>
    %swap3A_15 = vector.shape_cast %broadcast_in_dim3A_11 : vector<16xf32> to vector<16xf32>
    tpu.vector_store %arg22[%swap3A_12], %swap3A_15 {strides = array<i32>} : memref<80xf32, #tpu.memory_space<vmem>>, vector<16xf32>,
    %broadcast_in_dim3A_16 = arith.constant 1.000000e+00 : f32
    %broadcast_in_dim3A_17 = vector.broadcast %broadcast_in_dim3A_16 : f32 to vector<16xf32>
    %swap3A_18 = arith.constant 32 : index
    %swap3A_19 = tpu.vector_load %arg22[%swap3A_18] {strides = array<i32>} : memref<80xf32, #tpu.memory_space<vmem>>, vector<16xf32>,
    %swap3A_20 = vector.shape_cast %swap3A_19 : vector<16xf32> to vector<16xf32>
    %swap3A_21 = vector.shape_cast %broadcast_in_dim3A_17 : vector<16xf32> to vector<16xf32>
    tpu.vector_store %arg22[%swap3A_18], %swap3A_21 {strides = array<i32>} : memref<80xf32, #tpu.memory_space<vmem>>, vector<16xf32>,
    %broadcast_in_dim3A_22 = arith.constant 1.000000e+00 : f32
    %broadcast_in_dim3A_23 = vector.broadcast %broadcast_in_dim3A_22 : f32 to vector<16xf32>
    %swap3A_24 = arith.constant 48 : index
    %swap3A_25 = tpu.vector_load %arg22[%swap3A_24] {strides = array<i32>} : memref<80xf32, #tpu.memory_space<vmem>>, vector<16xf32>,
    %swap3A_26 = vector.shape_cast %swap3A_25 : vector<16xf32> to vector<16xf32>
    %swap3A_27 = vector.shape_cast %broadcast_in_dim3A_23 : vector<16xf32> to vector<16xf32>
    tpu.vector_store %arg22[%swap3A_24], %swap3A_27 {strides = array<i32>} : memref<80xf32, #tpu.memory_space<vmem>>, vector<16xf32>,
    %broadcast_in_dim3A_28 = arith.constant 1.000000e+00 : f32
    %broadcast_in_dim3A_29 = vector.broadcast %broadcast_in_dim3A_28 : f32 to vector<16xf32>
    %swap3A_30 = arith.constant 64 : index
    %swap3A_31 = tpu.vector_load %arg22[%swap3A_30] {strides = array<i32>} : memref<80xf32, #tpu.memory_space<vmem>>, vector<16xf32>,
    %swap3A_32 = vector.shape_cast %swap3A_31 : vector<16xf32> to vector<16xf32>
    %swap3A_33 = vector.shape_cast %broadcast_in_dim3A_29 : vector<16xf32> to vector<16xf32>
    tpu.vector_store %arg22[%swap3A_30], %swap3A_33 {strides = array<i32>} : memref<80xf32, #tpu.memory_space<vmem>>, vector<16xf32>,
    "tpu.region"() ({
      %run_scoped3A = tpu.sem_alloc : memref<!tpu.dma_semaphore, #tpu.memory_space<semaphore_mem>>
      %dma_start3A_243 = tpu.memref_slice %arg25[%mul3A_0] : memref<10112xf32, #tpu.memory_space<vmem_shared>> -> memref<632xf32, #tpu.memory_space<vmem_shared>>
      %dma_start3A_244 = tpu.memref_slice %arg25[%mul3A_0] : memref<10112xf32, #tpu.memory_space<vmem_shared>> -> memref<632xf32, #tpu.memory_space<vmem_shared>>
      tpu.enqueue_dma source(%arg23 : memref<632xf32, #tpu.memory_space<vmem>>) target(%dma_start3A_244 : memref<632xf32, #tpu.memory_space<vmem_shared>>) target_semaphore(%run_scoped3A : memref<!tpu.dma_semaphore, #tpu.memory_space<semaphore_mem>>)
      %dma_wait3A_245 = tpu.memref_slice %arg25[%mul3A_0] : memref<10112xf32, #tpu.memory_space<vmem_shared>> -> memref<632xf32, #tpu.memory_space<vmem_shared>>
      %dma_wait3A_246 = tpu.memref_slice %arg25[%mul3A_0] : memref<10112xf32, #tpu.memory_space<vmem_shared>> -> memref<632xf32, #tpu.memory_space<vmem_shared>>
      tpu.wait_dma2 semaphore(%run_scoped3A : memref<!tpu.dma_semaphore, #tpu.memory_space<semaphore_mem>>) src(%arg23 : memref<632xf32, #tpu.memory_space<vmem>>) dst(%dma_wait3A_246 : memref<632xf32, #tpu.memory_space<vmem_shared>>)
      tpu.yield
    }) : () -> ()
    %barrier3A = arith.constant 0 : index
    tpu.barrier barrier_id(%barrier3A)
    %mul3A_34 = arith.constant 160000 : i32
    %mul3A_35 = arith.muli %arg0, %mul3A_34 : i32
    %mul3A_36 = arith.constant 10000 : i32
    %mul3A_37 = arith.muli %arg1, %mul3A_36 : i32
    %add3A = arith.addi %mul3A_35, %mul3A_37 : i32
    %add3A_38 = arith.constant 0 : i32
    %add3A_39 = arith.addi %add3A, %add3A_38 : i32
    %multiple_of3A = tpu.assume_multiple %add3A_39, 8 : i32
    %dma_start3A = arith.constant 0 : i32
    %dma_start3A_40 = tpu.memref_slice %arg3[%multiple_of3A] : memref<320000xi32, #tpu.memory_space<hbm>> -> memref<80xi32, #tpu.memory_space<hbm>>
    %dma_start3A_41 = tpu.memref_slice %arg26[%dma_start3A] : memref<5x!tpu.dma_semaphore, #tpu.memory_space<semaphore_mem>> -> memref<1x!tpu.dma_semaphore, #tpu.memory_space<semaphore_mem>>
    %dma_start3A_42 = tpu.memref_squeeze %dma_start3A_41 : memref<1x!tpu.dma_semaphore, #tpu.memory_space<semaphore_mem>> -> memref<!tpu.dma_semaphore, #tpu.memory_space<semaphore_mem>>
    %dma_start3A_43 = tpu.memref_slice %arg3[%multiple_of3A] : memref<320000xi32, #tpu.memory_space<hbm>> -> memref<80xi32, #tpu.memory_space<hbm>>
    tpu.enqueue_dma source(%dma_start3A_43 : memref<80xi32, #tpu.memory_space<hbm>>) target(%arg8 : memref<80xi32, #tpu.memory_space<vmem>>) target_semaphore(%dma_start3A_42 : memref<!tpu.dma_semaphore, #tpu.memory_space<semaphore_mem>>)
    %dma_start3A_44 = arith.constant 0 : i32
    %dma_start3A_45 = tpu.memref_slice %arg4[%multiple_of3A] : memref<320000xi32, #tpu.memory_space<hbm>> -> memref<80xi32, #tpu.memory_space<hbm>>
    %dma_start3A_46 = tpu.memref_slice %arg27[%dma_start3A_44] : memref<5x!tpu.dma_semaphore, #tpu.memory_space<semaphore_mem>> -> memref<1x!tpu.dma_semaphore, #tpu.memory_space<semaphore_mem>>
    %dma_start3A_47 = tpu.memref_squeeze %dma_start3A_46 : memref<1x!tpu.dma_semaphore, #tpu.memory_space<semaphore_mem>> -> memref<!tpu.dma_semaphore, #tpu.memory_space<semaphore_mem>>
    %dma_start3A_48 = tpu.memref_slice %arg4[%multiple_of3A] : memref<320000xi32, #tpu.memory_space<hbm>> -> memref<80xi32, #tpu.memory_space<hbm>>
    tpu.enqueue_dma source(%dma_start3A_48 : memref<80xi32, #tpu.memory_space<hbm>>) target(%arg13 : memref<80xi32, #tpu.memory_space<vmem>>) target_semaphore(%dma_start3A_47 : memref<!tpu.dma_semaphore, #tpu.memory_space<semaphore_mem>>)
    %add3A_49 = arith.constant 80 : i32
    %add3A_50 = arith.addi %add3A, %add3A_49 : i32
    %multiple_of3A_51 = tpu.assume_multiple %add3A_50, 8 : i32
    %dma_start3A_52 = arith.constant 1 : i32
    %dma_start3A_53 = tpu.memref_slice %arg3[%multiple_of3A_51] : memref<320000xi32, #tpu.memory_space<hbm>> -> memref<80xi32, #tpu.memory_space<hbm>>
    %dma_start3A_54 = tpu.memref_slice %arg26[%dma_start3A_52] : memref<5x!tpu.dma_semaphore, #tpu.memory_space<semaphore_mem>> -> memref<1x!tpu.dma_semaphore, #tpu.memory_space<semaphore_mem>>
    %dma_start3A_55 = tpu.memref_squeeze %dma_start3A_54 : memref<1x!tpu.dma_semaphore, #tpu.memory_space<semaphore_mem>> -> memref<!tpu.dma_semaphore, #tpu.memory_space<semaphore_mem>>
    %dma_start3A_56 = tpu.memref_slice %arg3[%multiple_of3A_51] : memref<320000xi32, #tpu.memory_space<hbm>> -> memref<80xi32, #tpu.memory_space<hbm>>
    tpu.enqueue_dma source(%dma_start3A_56 : memref<80xi32, #tpu.memory_space<hbm>>) target(%arg9 : memref<80xi32, #tpu.memory_space<vmem>>) target_semaphore(%dma_start3A_55 : memref<!tpu.dma_semaphore, #tpu.memory_space<semaphore_mem>>)
    %dma_start3A_57 = arith.constant 1 : i32
    %dma_start3A_58 = tpu.memref_slice %arg4[%multiple_of3A_51] : memref<320000xi32, #tpu.memory_space<hbm>> -> memref<80xi32, #tpu.memory_space<hbm>>
    %dma_start3A_59 = tpu.memref_slice %arg27[%dma_start3A_57] : memref<5x!tpu.dma_semaphore, #tpu.memory_space<semaphore_mem>> -> memref<1x!tpu.dma_semaphore, #tpu.memory_space<semaphore_mem>>
    %dma_start3A_60 = tpu.memref_squeeze %dma_start3A_59 : memref<1x!tpu.dma_semaphore, #tpu.memory_space<semaphore_mem>> -> memref<!tpu.dma_semaphore, #tpu.memory_space<semaphore_mem>>
    %dma_start3A_61 = tpu.memref_slice %arg4[%multiple_of3A_51] : memref<320000xi32, #tpu.memory_space<hbm>> -> memref<80xi32, #tpu.memory_space<hbm>>
    tpu.enqueue_dma source(%dma_start3A_61 : memref<80xi32, #tpu.memory_space<hbm>>) target(%arg14 : memref<80xi32, #tpu.memory_space<vmem>>) target_semaphore(%dma_start3A_60 : memref<!tpu.dma_semaphore, #tpu.memory_space<semaphore_mem>>)
    %add3A_62 = arith.constant 160 : i32
    %add3A_63 = arith.addi %add3A, %add3A_62 : i32
    %multiple_of3A_64 = tpu.assume_multiple %add3A_63, 8 : i32
    %dma_start3A_65 = arith.constant 2 : i32
    %dma_start3A_66 = tpu.memref_slice %arg3[%multiple_of3A_64] : memref<320000xi32, #tpu.memory_space<hbm>> -> memref<80xi32, #tpu.memory_space<hbm>>
    %dma_start3A_67 = tpu.memref_slice %arg26[%dma_start3A_65] : memref<5x!tpu.dma_semaphore, #tpu.memory_space<semaphore_mem>> -> memref<1x!tpu.dma_semaphore, #tpu.memory_space<semaphore_mem>>
    %dma_start3A_68 = tpu.memref_squeeze %dma_start3A_67 : memref<1x!tpu.dma_semaphore, #tpu.memory_space<semaphore_mem>> -> memref<!tpu.dma_semaphore, #tpu.memory_space<semaphore_mem>>
    %dma_start3A_69 = tpu.memref_slice %arg3[%multiple_of3A_64] : memref<320000xi32, #tpu.memory_space<hbm>> -> memref<80xi32, #tpu.memory_space<hbm>>
    tpu.enqueue_dma source(%dma_start3A_69 : memref<80xi32, #tpu.memory_space<hbm>>) target(%arg10 : memref<80xi32, #tpu.memory_space<vmem>>) target_semaphore(%dma_start3A_68 : memref<!tpu.dma_semaphore, #tpu.memory_space<semaphore_mem>>)
    %dma_start3A_70 = arith.constant 2 : i32
    %dma_start3A_71 = tpu.memref_slice %arg4[%multiple_of3A_64] : memref<320000xi32, #tpu.memory_space<hbm>> -> memref<80xi32, #tpu.memory_space<hbm>>
    %dma_start3A_72 = tpu.memref_slice %arg27[%dma_start3A_70] : memref<5x!tpu.dma_semaphore, #tpu.memory_space<semaphore_mem>> -> memref<1x!tpu.dma_semaphore, #tpu.memory_space<semaphore_mem>>
    %dma_start3A_73 = tpu.memref_squeeze %dma_start3A_72 : memref<1x!tpu.dma_semaphore, #tpu.memory_space<semaphore_mem>> -> memref<!tpu.dma_semaphore, #tpu.memory_space<semaphore_mem>>
    %dma_start3A_74 = tpu.memref_slice %arg4[%multiple_of3A_64] : memref<320000xi32, #tpu.memory_space<hbm>> -> memref<80xi32, #tpu.memory_space<hbm>>
    tpu.enqueue_dma source(%dma_start3A_74 : memref<80xi32, #tpu.memory_space<hbm>>) target(%arg15 : memref<80xi32, #tpu.memory_space<vmem>>) target_semaphore(%dma_start3A_73 : memref<!tpu.dma_semaphore, #tpu.memory_space<semaphore_mem>>)
    %add3A_75 = arith.constant 240 : i32
    %add3A_76 = arith.addi %add3A, %add3A_75 : i32
    %multiple_of3A_77 = tpu.assume_multiple %add3A_76, 8 : i32
    %dma_start3A_78 = arith.constant 3 : i32
    %dma_start3A_79 = tpu.memref_slice %arg3[%multiple_of3A_77] : memref<320000xi32, #tpu.memory_space<hbm>> -> memref<80xi32, #tpu.memory_space<hbm>>
    %dma_start3A_80 = tpu.memref_slice %arg26[%dma_start3A_78] : memref<5x!tpu.dma_semaphore, #tpu.memory_space<semaphore_mem>> -> memref<1x!tpu.dma_semaphore, #tpu.memory_space<semaphore_mem>>
    %dma_start3A_81 = tpu.memref_squeeze %dma_start3A_80 : memref<1x!tpu.dma_semaphore, #tpu.memory_space<semaphore_mem>> -> memref<!tpu.dma_semaphore, #tpu.memory_space<semaphore_mem>>
    %dma_start3A_82 = tpu.memref_slice %arg3[%multiple_of3A_77] : memref<320000xi32, #tpu.memory_space<hbm>> -> memref<80xi32, #tpu.memory_space<hbm>>
    tpu.enqueue_dma source(%dma_start3A_82 : memref<80xi32, #tpu.memory_space<hbm>>) target(%arg11 : memref<80xi32, #tpu.memory_space<vmem>>) target_semaphore(%dma_start3A_81 : memref<!tpu.dma_semaphore, #tpu.memory_space<semaphore_mem>>)
    %dma_start3A_83 = arith.constant 3 : i32
    %dma_start3A_84 = tpu.memref_slice %arg4[%multiple_of3A_77] : memref<320000xi32, #tpu.memory_space<hbm>> -> memref<80xi32, #tpu.memory_space<hbm>>
    %dma_start3A_85 = tpu.memref_slice %arg27[%dma_start3A_83] : memref<5x!tpu.dma_semaphore, #tpu.memory_space<semaphore_mem>> -> memref<1x!tpu.dma_semaphore, #tpu.memory_space<semaphore_mem>>
    %dma_start3A_86 = tpu.memref_squeeze %dma_start3A_85 : memref<1x!tpu.dma_semaphore, #tpu.memory_space<semaphore_mem>> -> memref<!tpu.dma_semaphore, #tpu.memory_space<semaphore_mem>>
    %dma_start3A_87 = tpu.memref_slice %arg4[%multiple_of3A_77] : memref<320000xi32, #tpu.memory_space<hbm>> -> memref<80xi32, #tpu.memory_space<hbm>>
    tpu.enqueue_dma source(%dma_start3A_87 : memref<80xi32, #tpu.memory_space<hbm>>) target(%arg16 : memref<80xi32, #tpu.memory_space<vmem>>) target_semaphore(%dma_start3A_86 : memref<!tpu.dma_semaphore, #tpu.memory_space<semaphore_mem>>)
    %dma_wait3A = arith.constant 0 : i32
    %dma_wait3A_88 = arith.constant 0 : i32
    %dma_wait3A_89 = tpu.memref_slice %arg3[%dma_wait3A_88] : memref<320000xi32, #tpu.memory_space<hbm>> -> memref<80xi32, #tpu.memory_space<hbm>>
    %dma_wait3A_90 = tpu.memref_slice %arg26[%dma_wait3A] : memref<5x!tpu.dma_semaphore, #tpu.memory_space<semaphore_mem>> -> memref<1x!tpu.dma_semaphore, #tpu.memory_space<semaphore_mem>>
    %dma_wait3A_91 = tpu.memref_squeeze %dma_wait3A_90 : memref<1x!tpu.dma_semaphore, #tpu.memory_space<semaphore_mem>> -> memref<!tpu.dma_semaphore, #tpu.memory_space<semaphore_mem>>
    %dma_wait3A_92 = arith.constant 0 : i32
    %dma_wait3A_93 = tpu.memref_slice %arg3[%dma_wait3A_92] : memref<320000xi32, #tpu.memory_space<hbm>> -> memref<80xi32, #tpu.memory_space<hbm>>
    tpu.wait_dma2 semaphore(%dma_wait3A_91 : memref<!tpu.dma_semaphore, #tpu.memory_space<semaphore_mem>>) src(%dma_wait3A_93 : memref<80xi32, #tpu.memory_space<hbm>>) dst(%arg8 : memref<80xi32, #tpu.memory_space<vmem>>)
    %dma_start3A_94 = arith.constant 0 : i32
    %dma_start3A_95 = arith.constant 0 : i32
    %dma_start3A_96 = arith.constant 0 : i32
    %dma_start3A_97 = tpu.memref_slice %arg2[%dma_start3A_95, %dma_start3A_96] : memref<10000x128xf32, #tpu.memory_space<hbm>> -> memref<10000x128xf32, #tpu.memory_space<hbm>>
    %dma_start3A_98 = tpu.memref_slice %arg28[%dma_start3A_94] : memref<4x!tpu.dma_semaphore, #tpu.memory_space<semaphore_mem>> -> memref<1x!tpu.dma_semaphore, #tpu.memory_space<semaphore_mem>>
    %dma_start3A_99 = tpu.memref_squeeze %dma_start3A_98 : memref<1x!tpu.dma_semaphore, #tpu.memory_space<semaphore_mem>> -> memref<!tpu.dma_semaphore, #tpu.memory_space<semaphore_mem>>
    tpu.enqueue_indirect_dma source(%dma_start3A_97 : memref<10000x128xf32, #tpu.memory_space<hbm>>) target(%arg18 : memref<80x128xf32, #tpu.memory_space<vmem>>) offsets(%arg8 : memref<80xi32, #tpu.memory_space<vmem>>) semaphore(%dma_start3A_99 : memref<!tpu.dma_semaphore, #tpu.memory_space<semaphore_mem>>)
    %dma_wait3A_100 = arith.constant 1 : i32
    %dma_wait3A_101 = arith.constant 0 : i32
    %dma_wait3A_102 = tpu.memref_slice %arg3[%dma_wait3A_101] : memref<320000xi32, #tpu.memory_space<hbm>> -> memref<80xi32, #tpu.memory_space<hbm>>
    %dma_wait3A_103 = tpu.memref_slice %arg26[%dma_wait3A_100] : memref<5x!tpu.dma_semaphore, #tpu.memory_space<semaphore_mem>> -> memref<1x!tpu.dma_semaphore, #tpu.memory_space<semaphore_mem>>
    %dma_wait3A_104 = tpu.memref_squeeze %dma_wait3A_103 : memref<1x!tpu.dma_semaphore, #tpu.memory_space<semaphore_mem>> -> memref<!tpu.dma_semaphore, #tpu.memory_space<semaphore_mem>>
    %dma_wait3A_105 = arith.constant 0 : i32
    %dma_wait3A_106 = tpu.memref_slice %arg3[%dma_wait3A_105] : memref<320000xi32, #tpu.memory_space<hbm>> -> memref<80xi32, #tpu.memory_space<hbm>>
    tpu.wait_dma2 semaphore(%dma_wait3A_104 : memref<!tpu.dma_semaphore, #tpu.memory_space<semaphore_mem>>) src(%dma_wait3A_106 : memref<80xi32, #tpu.memory_space<hbm>>) dst(%arg9 : memref<80xi32, #tpu.memory_space<vmem>>)
    %dma_start3A_107 = arith.constant 1 : i32
    %dma_start3A_108 = arith.constant 0 : i32
    %dma_start3A_109 = arith.constant 0 : i32
    %dma_start3A_110 = tpu.memref_slice %arg2[%dma_start3A_108, %dma_start3A_109] : memref<10000x128xf32, #tpu.memory_space<hbm>> -> memref<10000x128xf32, #tpu.memory_space<hbm>>
    %dma_start3A_111 = tpu.memref_slice %arg28[%dma_start3A_107] : memref<4x!tpu.dma_semaphore, #tpu.memory_space<semaphore_mem>> -> memref<1x!tpu.dma_semaphore, #tpu.memory_space<semaphore_mem>>
    %dma_start3A_112 = tpu.memref_squeeze %dma_start3A_111 : memref<1x!tpu.dma_semaphore, #tpu.memory_space<semaphore_mem>> -> memref<!tpu.dma_semaphore, #tpu.memory_space<semaphore_mem>>
    tpu.enqueue_indirect_dma source(%dma_start3A_110 : memref<10000x128xf32, #tpu.memory_space<hbm>>) target(%arg19 : memref<80x128xf32, #tpu.memory_space<vmem>>) offsets(%arg9 : memref<80xi32, #tpu.memory_space<vmem>>) semaphore(%dma_start3A_112 : memref<!tpu.dma_semaphore, #tpu.memory_space<semaphore_mem>>)
    %dma_wait3A_113 = arith.constant 2 : i32
    %dma_wait3A_114 = arith.constant 0 : i32
    %dma_wait3A_115 = tpu.memref_slice %arg3[%dma_wait3A_114] : memref<320000xi32, #tpu.memory_space<hbm>> -> memref<80xi32, #tpu.memory_space<hbm>>
    %dma_wait3A_116 = tpu.memref_slice %arg26[%dma_wait3A_113] : memref<5x!tpu.dma_semaphore, #tpu.memory_space<semaphore_mem>> -> memref<1x!tpu.dma_semaphore, #tpu.memory_space<semaphore_mem>>
    %dma_wait3A_117 = tpu.memref_squeeze %dma_wait3A_116 : memref<1x!tpu.dma_semaphore, #tpu.memory_space<semaphore_mem>> -> memref<!tpu.dma_semaphore, #tpu.memory_space<semaphore_mem>>
    %dma_wait3A_118 = arith.constant 0 : i32
    %dma_wait3A_119 = tpu.memref_slice %arg3[%dma_wait3A_118] : memref<320000xi32, #tpu.memory_space<hbm>> -> memref<80xi32, #tpu.memory_space<hbm>>
    tpu.wait_dma2 semaphore(%dma_wait3A_117 : memref<!tpu.dma_semaphore, #tpu.memory_space<semaphore_mem>>) src(%dma_wait3A_119 : memref<80xi32, #tpu.memory_space<hbm>>) dst(%arg10 : memref<80xi32, #tpu.memory_space<vmem>>)
    %dma_start3A_120 = arith.constant 2 : i32
    %dma_start3A_121 = arith.constant 0 : i32
    %dma_start3A_122 = arith.constant 0 : i32
    %dma_start3A_123 = tpu.memref_slice %arg2[%dma_start3A_121, %dma_start3A_122] : memref<10000x128xf32, #tpu.memory_space<hbm>> -> memref<10000x128xf32, #tpu.memory_space<hbm>>
    %dma_start3A_124 = tpu.memref_slice %arg28[%dma_start3A_120] : memref<4x!tpu.dma_semaphore, #tpu.memory_space<semaphore_mem>> -> memref<1x!tpu.dma_semaphore, #tpu.memory_space<semaphore_mem>>
    %dma_start3A_125 = tpu.memref_squeeze %dma_start3A_124 : memref<1x!tpu.dma_semaphore, #tpu.memory_space<semaphore_mem>> -> memref<!tpu.dma_semaphore, #tpu.memory_space<semaphore_mem>>
    tpu.enqueue_indirect_dma source(%dma_start3A_123 : memref<10000x128xf32, #tpu.memory_space<hbm>>) target(%arg20 : memref<80x128xf32, #tpu.memory_space<vmem>>) offsets(%arg10 : memref<80xi32, #tpu.memory_space<vmem>>) semaphore(%dma_start3A_125 : memref<!tpu.dma_semaphore, #tpu.memory_space<semaphore_mem>>)
    %dma_wait3A_126 = arith.constant 0 : i32
    %dma_wait3A_127 = arith.constant 0 : i32
    %dma_wait3A_128 = arith.constant 0 : i32
    %dma_wait3A_129 = tpu.memref_slice %arg2[%dma_wait3A_127, %dma_wait3A_128] : memref<10000x128xf32, #tpu.memory_space<hbm>> -> memref<10000x128xf32, #tpu.memory_space<hbm>>
    %dma_wait3A_130 = tpu.memref_slice %arg28[%dma_wait3A_126] : memref<4x!tpu.dma_semaphore, #tpu.memory_space<semaphore_mem>> -> memref<1x!tpu.dma_semaphore, #tpu.memory_space<semaphore_mem>>
    %dma_wait3A_131 = tpu.memref_squeeze %dma_wait3A_130 : memref<1x!tpu.dma_semaphore, #tpu.memory_space<semaphore_mem>> -> memref<!tpu.dma_semaphore, #tpu.memory_space<semaphore_mem>>
    tpu.wait_indirect_dma semaphore(%dma_wait3A_131 : memref<!tpu.dma_semaphore, #tpu.memory_space<semaphore_mem>>) src(%dma_wait3A_129 : memref<10000x128xf32, #tpu.memory_space<hbm>>) dst(%arg18 : memref<80x128xf32, #tpu.memory_space<vmem>>)
    %dma_wait3A_132 = arith.constant 0 : i32
    %dma_wait3A_133 = arith.constant 0 : i32
    %dma_wait3A_134 = tpu.memref_slice %arg4[%dma_wait3A_133] : memref<320000xi32, #tpu.memory_space<hbm>> -> memref<80xi32, #tpu.memory_space<hbm>>
    %dma_wait3A_135 = tpu.memref_slice %arg27[%dma_wait3A_132] : memref<5x!tpu.dma_semaphore, #tpu.memory_space<semaphore_mem>> -> memref<1x!tpu.dma_semaphore, #tpu.memory_space<semaphore_mem>>
    %dma_wait3A_136 = tpu.memref_squeeze %dma_wait3A_135 : memref<1x!tpu.dma_semaphore, #tpu.memory_space<semaphore_mem>> -> memref<!tpu.dma_semaphore, #tpu.memory_space<semaphore_mem>>
    %dma_wait3A_137 = arith.constant 0 : i32
    %dma_wait3A_138 = tpu.memref_slice %arg4[%dma_wait3A_137] : memref<320000xi32, #tpu.memory_space<hbm>> -> memref<80xi32, #tpu.memory_space<hbm>>
    tpu.wait_dma2 semaphore(%dma_wait3A_136 : memref<!tpu.dma_semaphore, #tpu.memory_space<semaphore_mem>>) src(%dma_wait3A_138 : memref<80xi32, #tpu.memory_space<hbm>>) dst(%arg13 : memref<80xi32, #tpu.memory_space<vmem>>)
    "tpu.region"() ({
      %run_scoped3A = tpu.sem_alloc : memref<!tpu.dma_semaphore, #tpu.memory_space<semaphore_mem>>
      %dma_start3A_243 = arith.constant 0 : i32
      %dma_start3A_244 = arith.constant 0 : i32
      %dma_start3A_245 = tpu.memref_slice %arg24[%dma_start3A_243, %dma_start3A_244] : memref<10112x128xf32, #tpu.memory_space<vmem_shared>> -> memref<10112x128xf32, #tpu.memory_space<vmem_shared>>
      tpu.enqueue_indirect_dma source(%arg18 : memref<80x128xf32, #tpu.memory_space<vmem>>) target(%dma_start3A_245 : memref<10112x128xf32, #tpu.memory_space<vmem_shared>>) offsets(%arg13 : memref<80xi32, #tpu.memory_space<vmem>>) semaphore(%run_scoped3A : memref<!tpu.dma_semaphore, #tpu.memory_space<semaphore_mem>>) {add = true}
      %dma_wait3A_246 = arith.constant 0 : i32
      %dma_wait3A_247 = arith.constant 0 : i32
      %dma_wait3A_248 = tpu.memref_slice %arg24[%dma_wait3A_246, %dma_wait3A_247] : memref<10112x128xf32, #tpu.memory_space<vmem_shared>> -> memref<10112x128xf32, #tpu.memory_space<vmem_shared>>
      tpu.wait_indirect_dma semaphore(%run_scoped3A : memref<!tpu.dma_semaphore, #tpu.memory_space<semaphore_mem>>) src(%arg18 : memref<80x128xf32, #tpu.memory_space<vmem>>) dst(%dma_wait3A_248 : memref<10112x128xf32, #tpu.memory_space<vmem_shared>>)
      tpu.yield
    }) : () -> ()
    "tpu.region"() ({
      %run_scoped3A = tpu.sem_alloc : memref<!tpu.dma_semaphore, #tpu.memory_space<semaphore_mem>>
      %dma_start3A_243 = arith.constant 0 : i32
      %dma_start3A_244 = tpu.memref_slice %arg25[%dma_start3A_243] : memref<10112xf32, #tpu.memory_space<vmem_shared>> -> memref<10112xf32, #tpu.memory_space<vmem_shared>>
      tpu.enqueue_indirect_dma source(%arg22 : memref<80xf32, #tpu.memory_space<vmem>>) target(%dma_start3A_244 : memref<10112xf32, #tpu.memory_space<vmem_shared>>) offsets(%arg13 : memref<80xi32, #tpu.memory_space<vmem>>) semaphore(%run_scoped3A : memref<!tpu.dma_semaphore, #tpu.memory_space<semaphore_mem>>) {add = true}
      %dma_wait3A_245 = arith.constant 0 : i32
      %dma_wait3A_246 = tpu.memref_slice %arg25[%dma_wait3A_245] : memref<10112xf32, #tpu.memory_space<vmem_shared>> -> memref<10112xf32, #tpu.memory_space<vmem_shared>>
      tpu.wait_indirect_dma semaphore(%run_scoped3A : memref<!tpu.dma_semaphore, #tpu.memory_space<semaphore_mem>>) src(%arg22 : memref<80xf32, #tpu.memory_space<vmem>>) dst(%dma_wait3A_246 : memref<10112xf32, #tpu.memory_space<vmem_shared>>)
      tpu.yield
    }) : () -> ()
    %add3A_139 = arith.constant 320 : i32
    %add3A_140 = arith.addi %add3A, %add3A_139 : i32
    %multiple_of3A_141 = tpu.assume_multiple %add3A_140, 8 : i32
    %dma_start3A_142 = arith.constant 4 : i32
    %dma_start3A_143 = tpu.memref_slice %arg3[%multiple_of3A_141] : memref<320000xi32, #tpu.memory_space<hbm>> -> memref<80xi32, #tpu.memory_space<hbm>>
    %dma_start3A_144 = tpu.memref_slice %arg26[%dma_start3A_142] : memref<5x!tpu.dma_semaphore, #tpu.memory_space<semaphore_mem>> -> memref<1x!tpu.dma_semaphore, #tpu.memory_space<semaphore_mem>>
    %dma_start3A_145 = tpu.memref_squeeze %dma_start3A_144 : memref<1x!tpu.dma_semaphore, #tpu.memory_space<semaphore_mem>> -> memref<!tpu.dma_semaphore, #tpu.memory_space<semaphore_mem>>
    %dma_start3A_146 = tpu.memref_slice %arg3[%multiple_of3A_141] : memref<320000xi32, #tpu.memory_space<hbm>> -> memref<80xi32, #tpu.memory_space<hbm>>
    tpu.enqueue_dma source(%dma_start3A_146 : memref<80xi32, #tpu.memory_space<hbm>>) target(%arg12 : memref<80xi32, #tpu.memory_space<vmem>>) target_semaphore(%dma_start3A_145 : memref<!tpu.dma_semaphore, #tpu.memory_space<semaphore_mem>>)
    %dma_start3A_147 = arith.constant 4 : i32
    %dma_start3A_148 = tpu.memref_slice %arg4[%multiple_of3A_141] : memref<320000xi32, #tpu.memory_space<hbm>> -> memref<80xi32, #tpu.memory_space<hbm>>
    %dma_start3A_149 = tpu.memref_slice %arg27[%dma_start3A_147] : memref<5x!tpu.dma_semaphore, #tpu.memory_space<semaphore_mem>> -> memref<1x!tpu.dma_semaphore, #tpu.memory_space<semaphore_mem>>
    %dma_start3A_150 = tpu.memref_squeeze %dma_start3A_149 : memref<1x!tpu.dma_semaphore, #tpu.memory_space<semaphore_mem>> -> memref<!tpu.dma_semaphore, #tpu.memory_space<semaphore_mem>>
    %dma_start3A_151 = tpu.memref_slice %arg4[%multiple_of3A_141] : memref<320000xi32, #tpu.memory_space<hbm>> -> memref<80xi32, #tpu.memory_space<hbm>>
    tpu.enqueue_dma source(%dma_start3A_151 : memref<80xi32, #tpu.memory_space<hbm>>) target(%arg17 : memref<80xi32, #tpu.memory_space<vmem>>) target_semaphore(%dma_start3A_150 : memref<!tpu.dma_semaphore, #tpu.memory_space<semaphore_mem>>)
    %dma_wait3A_152 = arith.constant 3 : i32
    %dma_wait3A_153 = arith.constant 0 : i32
    %dma_wait3A_154 = tpu.memref_slice %arg3[%dma_wait3A_153] : memref<320000xi32, #tpu.memory_space<hbm>> -> memref<80xi32, #tpu.memory_space<hbm>>
    %dma_wait3A_155 = tpu.memref_slice %arg26[%dma_wait3A_152] : memref<5x!tpu.dma_semaphore, #tpu.memory_space<semaphore_mem>> -> memref<1x!tpu.dma_semaphore, #tpu.memory_space<semaphore_mem>>
    %dma_wait3A_156 = tpu.memref_squeeze %dma_wait3A_155 : memref<1x!tpu.dma_semaphore, #tpu.memory_space<semaphore_mem>> -> memref<!tpu.dma_semaphore, #tpu.memory_space<semaphore_mem>>
    %dma_wait3A_157 = arith.constant 0 : i32
    %dma_wait3A_158 = tpu.memref_slice %arg3[%dma_wait3A_157] : memref<320000xi32, #tpu.memory_space<hbm>> -> memref<80xi32, #tpu.memory_space<hbm>>
    tpu.wait_dma2 semaphore(%dma_wait3A_156 : memref<!tpu.dma_semaphore, #tpu.memory_space<semaphore_mem>>) src(%dma_wait3A_158 : memref<80xi32, #tpu.memory_space<hbm>>) dst(%arg11 : memref<80xi32, #tpu.memory_space<vmem>>)
    %dma_start3A_159 = arith.constant 3 : i32
    %dma_start3A_160 = arith.constant 0 : i32
    %dma_start3A_161 = arith.constant 0 : i32
    %dma_start3A_162 = tpu.memref_slice %arg2[%dma_start3A_160, %dma_start3A_161] : memref<10000x128xf32, #tpu.memory_space<hbm>> -> memref<10000x128xf32, #tpu.memory_space<hbm>>
    %dma_start3A_163 = tpu.memref_slice %arg28[%dma_start3A_159] : memref<4x!tpu.dma_semaphore, #tpu.memory_space<semaphore_mem>> -> memref<1x!tpu.dma_semaphore, #tpu.memory_space<semaphore_mem>>
    %dma_start3A_164 = tpu.memref_squeeze %dma_start3A_163 : memref<1x!tpu.dma_semaphore, #tpu.memory_space<semaphore_mem>> -> memref<!tpu.dma_semaphore, #tpu.memory_space<semaphore_mem>>
    tpu.enqueue_indirect_dma source(%dma_start3A_162 : memref<10000x128xf32, #tpu.memory_space<hbm>>) target(%arg21 : memref<80x128xf32, #tpu.memory_space<vmem>>) offsets(%arg11 : memref<80xi32, #tpu.memory_space<vmem>>) semaphore(%dma_start3A_164 : memref<!tpu.dma_semaphore, #tpu.memory_space<semaphore_mem>>)
    %scan3A_165 = arith.constant 0 : i32
    %scan3A_166 = arith.constant 0 : i32
    %scan3A_167 = arith.constant 6 : i32
    %scan3A_168 = arith.addi %scan3A_166, %scan3A_167 : i32
    %scan3A_169 = arith.constant 1 : i32
    scf.for %scan3A_243 = %scan3A_166 to %scan3A_168 step %scan3A_169  : i32 {
      %mul3A_244 = arith.constant 20 : i32
      %mul3A_245 = arith.muli %scan3A_243, %mul3A_244 : i32
      %add3A_246 = arith.constant 1 : i32
      %add3A_247 = arith.addi %add3A_246, %mul3A_245 : i32
      %add3A_248 = arith.constant 0 : i32
      %add3A_249 = arith.addi %add3A_247, %add3A_248 : i32
      %dma_wait3A_250 = arith.constant 1 : i32
      %dma_wait3A_251 = arith.constant 0 : i32
      %dma_wait3A_252 = arith.constant 0 : i32
      %dma_wait3A_253 = tpu.memref_slice %arg2[%dma_wait3A_251, %dma_wait3A_252] : memref<10000x128xf32, #tpu.memory_space<hbm>> -> memref<10000x128xf32, #tpu.memory_space<hbm>>
      %dma_wait3A_254 = tpu.memref_slice %arg28[%dma_wait3A_250] : memref<4x!tpu.dma_semaphore, #tpu.memory_space<semaphore_mem>> -> memref<1x!tpu.dma_semaphore, #tpu.memory_space<semaphore_mem>>
      %dma_wait3A_255 = tpu.memref_squeeze %dma_wait3A_254 : memref<1x!tpu.dma_semaphore, #tpu.memory_space<semaphore_mem>> -> memref<!tpu.dma_semaphore, #tpu.memory_space<semaphore_mem>>
      tpu.wait_indirect_dma semaphore(%dma_wait3A_255 : memref<!tpu.dma_semaphore, #tpu.memory_space<semaphore_mem>>) src(%dma_wait3A_253 : memref<10000x128xf32, #tpu.memory_space<hbm>>) dst(%arg19 : memref<80x128xf32, #tpu.memory_space<vmem>>)
      %dma_wait3A_256 = arith.constant 1 : i32
      %dma_wait3A_257 = arith.constant 0 : i32
      %dma_wait3A_258 = tpu.memref_slice %arg4[%dma_wait3A_257] : memref<320000xi32, #tpu.memory_space<hbm>> -> memref<80xi32, #tpu.memory_space<hbm>>
      %dma_wait3A_259 = tpu.memref_slice %arg27[%dma_wait3A_256] : memref<5x!tpu.dma_semaphore, #tpu.memory_space<semaphore_mem>> -> memref<1x!tpu.dma_semaphore, #tpu.memory_space<semaphore_mem>>
      %dma_wait3A_260 = tpu.memref_squeeze %dma_wait3A_259 : memref<1x!tpu.dma_semaphore, #tpu.memory_space<semaphore_mem>> -> memref<!tpu.dma_semaphore, #tpu.memory_space<semaphore_mem>>
      %dma_wait3A_261 = arith.constant 0 : i32
      %dma_wait3A_262 = tpu.memref_slice %arg4[%dma_wait3A_261] : memref<320000xi32, #tpu.memory_space<hbm>> -> memref<80xi32, #tpu.memory_space<hbm>>
      tpu.wait_dma2 semaphore(%dma_wait3A_260 : memref<!tpu.dma_semaphore, #tpu.memory_space<semaphore_mem>>) src(%dma_wait3A_262 : memref<80xi32, #tpu.memory_space<hbm>>) dst(%arg14 : memref<80xi32, #tpu.memory_space<vmem>>)
      "tpu.region"() ({
        %run_scoped3A = tpu.sem_alloc : memref<!tpu.dma_semaphore, #tpu.memory_space<semaphore_mem>>
        %dma_start3A_1204 = arith.constant 0 : i32
        %dma_start3A_1205 = arith.constant 0 : i32
        %dma_start3A_1206 = tpu.memref_slice %arg24[%dma_start3A_1204, %dma_start3A_1205] : memref<10112x128xf32, #tpu.memory_space<vmem_shared>> -> memref<10112x128xf32, #tpu.memory_space<vmem_shared>>
        tpu.enqueue_indirect_dma source(%arg19 : memref<80x128xf32, #tpu.memory_space<vmem>>) target(%dma_start3A_1206 : memref<10112x128xf32, #tpu.memory_space<vmem_shared>>) offsets(%arg14 : memref<80xi32, #tpu.memory_space<vmem>>) semaphore(%run_scoped3A : memref<!tpu.dma_semaphore, #tpu.memory_space<semaphore_mem>>) {add = true}
        %dma_wait3A_1207 = arith.constant 0 : i32
        %dma_wait3A_1208 = arith.constant 0 : i32
        %dma_wait3A_1209 = tpu.memref_slice %arg24[%dma_wait3A_1207, %dma_wait3A_1208] : memref<10112x128xf32, #tpu.memory_space<vmem_shared>> -> memref<10112x128xf32, #tpu.memory_space<vmem_shared>>
        tpu.wait_indirect_dma semaphore(%run_scoped3A : memref<!tpu.dma_semaphore, #tpu.memory_space<semaphore_mem>>) src(%arg19 : memref<80x128xf32, #tpu.memory_space<vmem>>) dst(%dma_wait3A_1209 : memref<10112x128xf32, #tpu.memory_space<vmem_shared>>)
        tpu.yield
      }) : () -> ()
      "tpu.region"() ({
        %run_scoped3A = tpu.sem_alloc : memref<!tpu.dma_semaphore, #tpu.memory_space<semaphore_mem>>
        %dma_start3A_1204 = arith.constant 0 : i32
        %dma_start3A_1205 = tpu.memref_slice %arg25[%dma_start3A_1204] : memref<10112xf32, #tpu.memory_space<vmem_shared>> -> memref<10112xf32, #tpu.memory_space<vmem_shared>>
        tpu.enqueue_indirect_dma source(%arg22 : memref<80xf32, #tpu.memory_space<vmem>>) target(%dma_start3A_1205 : memref<10112xf32, #tpu.memory_space<vmem_shared>>) offsets(%arg14 : memref<80xi32, #tpu.memory_space<vmem>>) semaphore(%run_scoped3A : memref<!tpu.dma_semaphore, #tpu.memory_space<semaphore_mem>>) {add = true}
        %dma_wait3A_1206 = arith.constant 0 : i32
        %dma_wait3A_1207 = tpu.memref_slice %arg25[%dma_wait3A_1206] : memref<10112xf32, #tpu.memory_space<vmem_shared>> -> memref<10112xf32, #tpu.memory_space<vmem_shared>>
        tpu.wait_indirect_dma semaphore(%run_scoped3A : memref<!tpu.dma_semaphore, #tpu.memory_space<semaphore_mem>>) src(%arg22 : memref<80xf32, #tpu.memory_space<vmem>>) dst(%dma_wait3A_1207 : memref<10112xf32, #tpu.memory_space<vmem_shared>>)
        tpu.yield
      }) : () -> ()
      %add3A_263 = arith.constant 4 : i32
      %add3A_264 = arith.addi %add3A_249, %add3A_263 : i32
      %mul3A_265 = arith.constant 80 : i32
      %mul3A_266 = arith.muli %add3A_264, %mul3A_265 : i32
      %add3A_267 = arith.addi %add3A, %mul3A_266 : i32
      %multiple_of3A_268 = tpu.assume_multiple %add3A_267, 8 : i32
      %dma_start3A_269 = arith.constant 0 : i32
      %dma_start3A_270 = tpu.memref_slice %arg3[%multiple_of3A_268] : memref<320000xi32, #tpu.memory_space<hbm>> -> memref<80xi32, #tpu.memory_space<hbm>>
      %dma_start3A_271 = tpu.memref_slice %arg26[%dma_start3A_269] : memref<5x!tpu.dma_semaphore, #tpu.memory_space<semaphore_mem>> -> memref<1x!tpu.dma_semaphore, #tpu.memory_space<semaphore_mem>>
      %dma_start3A_272 = tpu.memref_squeeze %dma_start3A_271 : memref<1x!tpu.dma_semaphore, #tpu.memory_space<semaphore_mem>> -> memref<!tpu.dma_semaphore, #tpu.memory_space<semaphore_mem>>
      %dma_start3A_273 = tpu.memref_slice %arg3[%multiple_of3A_268] : memref<320000xi32, #tpu.memory_space<hbm>> -> memref<80xi32, #tpu.memory_space<hbm>>
      tpu.enqueue_dma source(%dma_start3A_273 : memref<80xi32, #tpu.memory_space<hbm>>) target(%arg8 : memref<80xi32, #tpu.memory_space<vmem>>) target_semaphore(%dma_start3A_272 : memref<!tpu.dma_semaphore, #tpu.memory_space<semaphore_mem>>)
      %dma_start3A_274 = arith.constant 0 : i32
      %dma_start3A_275 = tpu.memref_slice %arg4[%multiple_of3A_268] : memref<320000xi32, #tpu.memory_space<hbm>> -> memref<80xi32, #tpu.memory_space<hbm>>
      %dma_start3A_276 = tpu.memref_slice %arg27[%dma_start3A_274] : memref<5x!tpu.dma_semaphore, #tpu.memory_space<semaphore_mem>> -> memref<1x!tpu.dma_semaphore, #tpu.memory_space<semaphore_mem>>
      %dma_start3A_277 = tpu.memref_squeeze %dma_start3A_276 : memref<1x!tpu.dma_semaphore, #tpu.memory_space<semaphore_mem>> -> memref<!tpu.dma_semaphore, #tpu.memory_space<semaphore_mem>>
      %dma_start3A_278 = tpu.memref_slice %arg4[%multiple_of3A_268] : memref<320000xi32, #tpu.memory_space<hbm>> -> memref<80xi32, #tpu.memory_space<hbm>>
      tpu.enqueue_dma source(%dma_start3A_278 : memref<80xi32, #tpu.memory_space<hbm>>) target(%arg13 : memref<80xi32, #tpu.memory_space<vmem>>) target_semaphore(%dma_start3A_277 : memref<!tpu.dma_semaphore, #tpu.memory_space<semaphore_mem>>)
      %dma_wait3A_279 = arith.constant 4 : i32
      %dma_wait3A_280 = arith.constant 0 : i32
      %dma_wait3A_281 = tpu.memref_slice %arg3[%dma_wait3A_280] : memref<320000xi32, #tpu.memory_space<hbm>> -> memref<80xi32, #tpu.memory_space<hbm>>
      %dma_wait3A_282 = tpu.memref_slice %arg26[%dma_wait3A_279] : memref<5x!tpu.dma_semaphore, #tpu.memory_space<semaphore_mem>> -> memref<1x!tpu.dma_semaphore, #tpu.memory_space<semaphore_mem>>
      %dma_wait3A_283 = tpu.memref_squeeze %dma_wait3A_282 : memref<1x!tpu.dma_semaphore, #tpu.memory_space<semaphore_mem>> -> memref<!tpu.dma_semaphore, #tpu.memory_space<semaphore_mem>>
      %dma_wait3A_284 = arith.constant 0 : i32
      %dma_wait3A_285 = tpu.memref_slice %arg3[%dma_wait3A_284] : memref<320000xi32, #tpu.memory_space<hbm>> -> memref<80xi32, #tpu.memory_space<hbm>>
      tpu.wait_dma2 semaphore(%dma_wait3A_283 : memref<!tpu.dma_semaphore, #tpu.memory_space<semaphore_mem>>) src(%dma_wait3A_285 : memref<80xi32, #tpu.memory_space<hbm>>) dst(%arg12 : memref<80xi32, #tpu.memory_space<vmem>>)
      %dma_start3A_286 = arith.constant 0 : i32
      %dma_start3A_287 = arith.constant 0 : i32
      %dma_start3A_288 = arith.constant 0 : i32
      %dma_start3A_289 = tpu.memref_slice %arg2[%dma_start3A_287, %dma_start3A_288] : memref<10000x128xf32, #tpu.memory_space<hbm>> -> memref<10000x128xf32, #tpu.memory_space<hbm>>
      %dma_start3A_290 = tpu.memref_slice %arg28[%dma_start3A_286] : memref<4x!tpu.dma_semaphore, #tpu.memory_space<semaphore_mem>> -> memref<1x!tpu.dma_semaphore, #tpu.memory_space<semaphore_mem>>
      %dma_start3A_291 = tpu.memref_squeeze %dma_start3A_290 : memref<1x!tpu.dma_semaphore, #tpu.memory_space<semaphore_mem>> -> memref<!tpu.dma_semaphore, #tpu.memory_space<semaphore_mem>>
      tpu.enqueue_indirect_dma source(%dma_start3A_289 : memref<10000x128xf32, #tpu.memory_space<hbm>>) target(%arg18 : memref<80x128xf32, #tpu.memory_space<vmem>>) offsets(%arg12 : memref<80xi32, #tpu.memory_space<vmem>>) semaphore(%dma_start3A_291 : memref<!tpu.dma_semaphore, #tpu.memory_space<semaphore_mem>>)
      %mul3A_292 = arith.constant 20 : i32
      %mul3A_293 = arith.muli %scan3A_243, %mul3A_292 : i32
      %add3A_294 = arith.constant 1 : i32
      %add3A_295 = arith.addi %add3A_294, %mul3A_293 : i32
      %add3A_296 = arith.constant 1 : i32
      %add3A_297 = arith.addi %add3A_295, %add3A_296 : i32
      %dma_wait3A_298 = arith.constant 2 : i32
      %dma_wait3A_299 = arith.constant 0 : i32
      %dma_wait3A_300 = arith.constant 0 : i32
      %dma_wait3A_301 = tpu.memref_slice %arg2[%dma_wait3A_299, %dma_wait3A_300] : memref<10000x128xf32, #tpu.memory_space<hbm>> -> memref<10000x128xf32, #tpu.memory_space<hbm>>
      %dma_wait3A_302 = tpu.memref_slice %arg28[%dma_wait3A_298] : memref<4x!tpu.dma_semaphore, #tpu.memory_space<semaphore_mem>> -> memref<1x!tpu.dma_semaphore, #tpu.memory_space<semaphore_mem>>
      %dma_wait3A_303 = tpu.memref_squeeze %dma_wait3A_302 : memref<1x!tpu.dma_semaphore, #tpu.memory_space<semaphore_mem>> -> memref<!tpu.dma_semaphore, #tpu.memory_space<semaphore_mem>>
      tpu.wait_indirect_dma semaphore(%dma_wait3A_303 : memref<!tpu.dma_semaphore, #tpu.memory_space<semaphore_mem>>) src(%dma_wait3A_301 : memref<10000x128xf32, #tpu.memory_space<hbm>>) dst(%arg20 : memref<80x128xf32, #tpu.memory_space<vmem>>)
      %dma_wait3A_304 = arith.constant 2 : i32
      %dma_wait3A_305 = arith.constant 0 : i32
      %dma_wait3A_306 = tpu.memref_slice %arg4[%dma_wait3A_305] : memref<320000xi32, #tpu.memory_space<hbm>> -> memref<80xi32, #tpu.memory_space<hbm>>
      %dma_wait3A_307 = tpu.memref_slice %arg27[%dma_wait3A_304] : memref<5x!tpu.dma_semaphore, #tpu.memory_space<semaphore_mem>> -> memref<1x!tpu.dma_semaphore, #tpu.memory_space<semaphore_mem>>
      %dma_wait3A_308 = tpu.memref_squeeze %dma_wait3A_307 : memref<1x!tpu.dma_semaphore, #tpu.memory_space<semaphore_mem>> -> memref<!tpu.dma_semaphore, #tpu.memory_space<semaphore_mem>>
      %dma_wait3A_309 = arith.constant 0 : i32
      %dma_wait3A_310 = tpu.memref_slice %arg4[%dma_wait3A_309] : memref<320000xi32, #tpu.memory_space<hbm>> -> memref<80xi32, #tpu.memory_space<hbm>>
      tpu.wait_dma2 semaphore(%dma_wait3A_308 : memref<!tpu.dma_semaphore, #tpu.memory_space<semaphore_mem>>) src(%dma_wait3A_310 : memref<80xi32, #tpu.memory_space<hbm>>) dst(%arg15 : memref<80xi32, #tpu.memory_space<vmem>>)
      "tpu.region"() ({
        %run_scoped3A = tpu.sem_alloc : memref<!tpu.dma_semaphore, #tpu.memory_space<semaphore_mem>>
        %dma_start3A_1204 = arith.constant 0 : i32
        %dma_start3A_1205 = arith.constant 0 : i32
        %dma_start3A_1206 = tpu.memref_slice %arg24[%dma_start3A_1204, %dma_start3A_1205] : memref<10112x128xf32, #tpu.memory_space<vmem_shared>> -> memref<10112x128xf32, #tpu.memory_space<vmem_shared>>
        tpu.enqueue_indirect_dma source(%arg20 : memref<80x128xf32, #tpu.memory_space<vmem>>) target(%dma_start3A_1206 : memref<10112x128xf32, #tpu.memory_space<vmem_shared>>) offsets(%arg15 : memref<80xi32, #tpu.memory_space<vmem>>) semaphore(%run_scoped3A : memref<!tpu.dma_semaphore, #tpu.memory_space<semaphore_mem>>) {add = true}
        %dma_wait3A_1207 = arith.constant 0 : i32
        %dma_wait3A_1208 = arith.constant 0 : i32
        %dma_wait3A_1209 = tpu.memref_slice %arg24[%dma_wait3A_1207, %dma_wait3A_1208] : memref<10112x128xf32, #tpu.memory_space<vmem_shared>> -> memref<10112x128xf32, #tpu.memory_space<vmem_shared>>
        tpu.wait_indirect_dma semaphore(%run_scoped3A : memref<!tpu.dma_semaphore, #tpu.memory_space<semaphore_mem>>) src(%arg20 : memref<80x128xf32, #tpu.memory_space<vmem>>) dst(%dma_wait3A_1209 : memref<10112x128xf32, #tpu.memory_space<vmem_shared>>)
        tpu.yield
      }) : () -> ()
      "tpu.region"() ({
        %run_scoped3A = tpu.sem_alloc : memref<!tpu.dma_semaphore, #tpu.memory_space<semaphore_mem>>
        %dma_start3A_1204 = arith.constant 0 : i32
        %dma_start3A_1205 = tpu.memref_slice %arg25[%dma_start3A_1204] : memref<10112xf32, #tpu.memory_space<vmem_shared>> -> memref<10112xf32, #tpu.memory_space<vmem_shared>>
        tpu.enqueue_indirect_dma source(%arg22 : memref<80xf32, #tpu.memory_space<vmem>>) target(%dma_start3A_1205 : memref<10112xf32, #tpu.memory_space<vmem_shared>>) offsets(%arg15 : memref<80xi32, #tpu.memory_space<vmem>>) semaphore(%run_scoped3A : memref<!tpu.dma_semaphore, #tpu.memory_space<semaphore_mem>>) {add = true}
        %dma_wait3A_1206 = arith.constant 0 : i32
        %dma_wait3A_1207 = tpu.memref_slice %arg25[%dma_wait3A_1206] : memref<10112xf32, #tpu.memory_space<vmem_shared>> -> memref<10112xf32, #tpu.memory_space<vmem_shared>>
        tpu.wait_indirect_dma semaphore(%run_scoped3A : memref<!tpu.dma_semaphore, #tpu.memory_space<semaphore_mem>>) src(%arg22 : memref<80xf32, #tpu.memory_space<vmem>>) dst(%dma_wait3A_1207 : memref<10112xf32, #tpu.memory_space<vmem_shared>>)
        tpu.yield
      }) : () -> ()
      %add3A_311 = arith.constant 4 : i32
      %add3A_312 = arith.addi %add3A_297, %add3A_311 : i32
      %mul3A_313 = arith.constant 80 : i32
      %mul3A_314 = arith.muli %add3A_312, %mul3A_313 : i32
      %add3A_315 = arith.addi %add3A, %mul3A_314 : i32
      %multiple_of3A_316 = tpu.assume_multiple %add3A_315, 8 : i32
      %dma_start3A_317 = arith.constant 1 : i32
      %dma_start3A_318 = tpu.memref_slice %arg3[%multiple_of3A_316] : memref<320000xi32, #tpu.memory_space<hbm>> -> memref<80xi32, #tpu.memory_space<hbm>>
      %dma_start3A_319 = tpu.memref_slice %arg26[%dma_start3A_317] : memref<5x!tpu.dma_semaphore, #tpu.memory_space<semaphore_mem>> -> memref<1x!tpu.dma_semaphore, #tpu.memory_space<semaphore_mem>>
      %dma_start3A_320 = tpu.memref_squeeze %dma_start3A_319 : memref<1x!tpu.dma_semaphore, #tpu.memory_space<semaphore_mem>> -> memref<!tpu.dma_semaphore, #tpu.memory_space<semaphore_mem>>
      %dma_start3A_321 = tpu.memref_slice %arg3[%multiple_of3A_316] : memref<320000xi32, #tpu.memory_space<hbm>> -> memref<80xi32, #tpu.memory_space<hbm>>
      tpu.enqueue_dma source(%dma_start3A_321 : memref<80xi32, #tpu.memory_space<hbm>>) target(%arg9 : memref<80xi32, #tpu.memory_space<vmem>>) target_semaphore(%dma_start3A_320 : memref<!tpu.dma_semaphore, #tpu.memory_space<semaphore_mem>>)
      %dma_start3A_322 = arith.constant 1 : i32
      %dma_start3A_323 = tpu.memref_slice %arg4[%multiple_of3A_316] : memref<320000xi32, #tpu.memory_space<hbm>> -> memref<80xi32, #tpu.memory_space<hbm>>
      %dma_start3A_324 = tpu.memref_slice %arg27[%dma_start3A_322] : memref<5x!tpu.dma_semaphore, #tpu.memory_space<semaphore_mem>> -> memref<1x!tpu.dma_semaphore, #tpu.memory_space<semaphore_mem>>
      %dma_start3A_325 = tpu.memref_squeeze %dma_start3A_324 : memref<1x!tpu.dma_semaphore, #tpu.memory_space<semaphore_mem>> -> memref<!tpu.dma_semaphore, #tpu.memory_space<semaphore_mem>>
      %dma_start3A_326 = tpu.memref_slice %arg4[%multiple_of3A_316] : memref<320000xi32, #tpu.memory_space<hbm>> -> memref<80xi32, #tpu.memory_space<hbm>>
      tpu.enqueue_dma source(%dma_start3A_326 : memref<80xi32, #tpu.memory_space<hbm>>) target(%arg14 : memref<80xi32, #tpu.memory_space<vmem>>) target_semaphore(%dma_start3A_325 : memref<!tpu.dma_semaphore, #tpu.memory_space<semaphore_mem>>)
      %dma_wait3A_327 = arith.constant 0 : i32
      %dma_wait3A_328 = arith.constant 0 : i32
      %dma_wait3A_329 = tpu.memref_slice %arg3[%dma_wait3A_328] : memref<320000xi32, #tpu.memory_space<hbm>> -> memref<80xi32, #tpu.memory_space<hbm>>
      %dma_wait3A_330 = tpu.memref_slice %arg26[%dma_wait3A_327] : memref<5x!tpu.dma_semaphore, #tpu.memory_space<semaphore_mem>> -> memref<1x!tpu.dma_semaphore, #tpu.memory_space<semaphore_mem>>
      %dma_wait3A_331 = tpu.memref_squeeze %dma_wait3A_330 : memref<1x!tpu.dma_semaphore, #tpu.memory_space<semaphore_mem>> -> memref<!tpu.dma_semaphore, #tpu.memory_space<semaphore_mem>>
      %dma_wait3A_332 = arith.constant 0 : i32
      %dma_wait3A_333 = tpu.memref_slice %arg3[%dma_wait3A_332] : memref<320000xi32, #tpu.memory_space<hbm>> -> memref<80xi32, #tpu.memory_space<hbm>>
      tpu.wait_dma2 semaphore(%dma_wait3A_331 : memref<!tpu.dma_semaphore, #tpu.memory_space<semaphore_mem>>) src(%dma_wait3A_333 : memref<80xi32, #tpu.memory_space<hbm>>) dst(%arg8 : memref<80xi32, #tpu.memory_space<vmem>>)
      %dma_start3A_334 = arith.constant 1 : i32
      %dma_start3A_335 = arith.constant 0 : i32
      %dma_start3A_336 = arith.constant 0 : i32
      %dma_start3A_337 = tpu.memref_slice %arg2[%dma_start3A_335, %dma_start3A_336] : memref<10000x128xf32, #tpu.memory_space<hbm>> -> memref<10000x128xf32, #tpu.memory_space<hbm>>
      %dma_start3A_338 = tpu.memref_slice %arg28[%dma_start3A_334] : memref<4x!tpu.dma_semaphore, #tpu.memory_space<semaphore_mem>> -> memref<1x!tpu.dma_semaphore, #tpu.memory_space<semaphore_mem>>
      %dma_start3A_339 = tpu.memref_squeeze %dma_start3A_338 : memref<1x!tpu.dma_semaphore, #tpu.memory_space<semaphore_mem>> -> memref<!tpu.dma_semaphore, #tpu.memory_space<semaphore_mem>>
      tpu.enqueue_indirect_dma source(%dma_start3A_337 : memref<10000x128xf32, #tpu.memory_space<hbm>>) target(%arg19 : memref<80x128xf32, #tpu.memory_space<vmem>>) offsets(%arg8 : memref<80xi32, #tpu.memory_space<vmem>>) semaphore(%dma_start3A_339 : memref<!tpu.dma_semaphore, #tpu.memory_space<semaphore_mem>>)
      %mul3A_340 = arith.constant 20 : i32
      %mul3A_341 = arith.muli %scan3A_243, %mul3A_340 : i32
      %add3A_342 = arith.constant 1 : i32
      %add3A_343 = arith.addi %add3A_342, %mul3A_341 : i32
      %add3A_344 = arith.constant 2 : i32
      %add3A_345 = arith.addi %add3A_343, %add3A_344 : i32
      %dma_wait3A_346 = arith.constant 3 : i32
      %dma_wait3A_347 = arith.constant 0 : i32
      %dma_wait3A_348 = arith.constant 0 : i32
      %dma_wait3A_349 = tpu.memref_slice %arg2[%dma_wait3A_347, %dma_wait3A_348] : memref<10000x128xf32, #tpu.memory_space<hbm>> -> memref<10000x128xf32, #tpu.memory_space<hbm>>
      %dma_wait3A_350 = tpu.memref_slice %arg28[%dma_wait3A_346] : memref<4x!tpu.dma_semaphore, #tpu.memory_space<semaphore_mem>> -> memref<1x!tpu.dma_semaphore, #tpu.memory_space<semaphore_mem>>
      %dma_wait3A_351 = tpu.memref_squeeze %dma_wait3A_350 : memref<1x!tpu.dma_semaphore, #tpu.memory_space<semaphore_mem>> -> memref<!tpu.dma_semaphore, #tpu.memory_space<semaphore_mem>>
      tpu.wait_indirect_dma semaphore(%dma_wait3A_351 : memref<!tpu.dma_semaphore, #tpu.memory_space<semaphore_mem>>) src(%dma_wait3A_349 : memref<10000x128xf32, #tpu.memory_space<hbm>>) dst(%arg21 : memref<80x128xf32, #tpu.memory_space<vmem>>)
      %dma_wait3A_352 = arith.constant 3 : i32
      %dma_wait3A_353 = arith.constant 0 : i32
      %dma_wait3A_354 = tpu.memref_slice %arg4[%dma_wait3A_353] : memref<320000xi32, #tpu.memory_space<hbm>> -> memref<80xi32, #tpu.memory_space<hbm>>
      %dma_wait3A_355 = tpu.memref_slice %arg27[%dma_wait3A_352] : memref<5x!tpu.dma_semaphore, #tpu.memory_space<semaphore_mem>> -> memref<1x!tpu.dma_semaphore, #tpu.memory_space<semaphore_mem>>
      %dma_wait3A_356 = tpu.memref_squeeze %dma_wait3A_355 : memref<1x!tpu.dma_semaphore, #tpu.memory_space<semaphore_mem>> -> memref<!tpu.dma_semaphore, #tpu.memory_space<semaphore_mem>>
      %dma_wait3A_357 = arith.constant 0 : i32
      %dma_wait3A_358 = tpu.memref_slice %arg4[%dma_wait3A_357] : memref<320000xi32, #tpu.memory_space<hbm>> -> memref<80xi32, #tpu.memory_space<hbm>>
      tpu.wait_dma2 semaphore(%dma_wait3A_356 : memref<!tpu.dma_semaphore, #tpu.memory_space<semaphore_mem>>) src(%dma_wait3A_358 : memref<80xi32, #tpu.memory_space<hbm>>) dst(%arg16 : memref<80xi32, #tpu.memory_space<vmem>>)
      "tpu.region"() ({
        %run_scoped3A = tpu.sem_alloc : memref<!tpu.dma_semaphore, #tpu.memory_space<semaphore_mem>>
        %dma_start3A_1204 = arith.constant 0 : i32
        %dma_start3A_1205 = arith.constant 0 : i32
        %dma_start3A_1206 = tpu.memref_slice %arg24[%dma_start3A_1204, %dma_start3A_1205] : memref<10112x128xf32, #tpu.memory_space<vmem_shared>> -> memref<10112x128xf32, #tpu.memory_space<vmem_shared>>
        tpu.enqueue_indirect_dma source(%arg21 : memref<80x128xf32, #tpu.memory_space<vmem>>) target(%dma_start3A_1206 : memref<10112x128xf32, #tpu.memory_space<vmem_shared>>) offsets(%arg16 : memref<80xi32, #tpu.memory_space<vmem>>) semaphore(%run_scoped3A : memref<!tpu.dma_semaphore, #tpu.memory_space<semaphore_mem>>) {add = true}
        %dma_wait3A_1207 = arith.constant 0 : i32
        %dma_wait3A_1208 = arith.constant 0 : i32
        %dma_wait3A_1209 = tpu.memref_slice %arg24[%dma_wait3A_1207, %dma_wait3A_1208] : memref<10112x128xf32, #tpu.memory_space<vmem_shared>> -> memref<10112x128xf32, #tpu.memory_space<vmem_shared>>
        tpu.wait_indirect_dma semaphore(%run_scoped3A : memref<!tpu.dma_semaphore, #tpu.memory_space<semaphore_mem>>) src(%arg21 : memref<80x128xf32, #tpu.memory_space<vmem>>) dst(%dma_wait3A_1209 : memref<10112x128xf32, #tpu.memory_space<vmem_shared>>)
        tpu.yield
      }) : () -> ()
      "tpu.region"() ({
        %run_scoped3A = tpu.sem_alloc : memref<!tpu.dma_semaphore, #tpu.memory_space<semaphore_mem>>
        %dma_start3A_1204 = arith.constant 0 : i32
        %dma_start3A_1205 = tpu.memref_slice %arg25[%dma_start3A_1204] : memref<10112xf32, #tpu.memory_space<vmem_shared>> -> memref<10112xf32, #tpu.memory_space<vmem_shared>>
        tpu.enqueue_indirect_dma source(%arg22 : memref<80xf32, #tpu.memory_space<vmem>>) target(%dma_start3A_1205 : memref<10112xf32, #tpu.memory_space<vmem_shared>>) offsets(%arg16 : memref<80xi32, #tpu.memory_space<vmem>>) semaphore(%run_scoped3A : memref<!tpu.dma_semaphore, #tpu.memory_space<semaphore_mem>>) {add = true}
        %dma_wait3A_1206 = arith.constant 0 : i32
        %dma_wait3A_1207 = tpu.memref_slice %arg25[%dma_wait3A_1206] : memref<10112xf32, #tpu.memory_space<vmem_shared>> -> memref<10112xf32, #tpu.memory_space<vmem_shared>>
        tpu.wait_indirect_dma semaphore(%run_scoped3A : memref<!tpu.dma_semaphore, #tpu.memory_space<semaphore_mem>>) src(%arg22 : memref<80xf32, #tpu.memory_space<vmem>>) dst(%dma_wait3A_1207 : memref<10112xf32, #tpu.memory_space<vmem_shared>>)
        tpu.yield
      }) : () -> ()
      %add3A_359 = arith.constant 4 : i32
      %add3A_360 = arith.addi %add3A_345, %add3A_359 : i32
      %mul3A_361 = arith.constant 80 : i32
      %mul3A_362 = arith.muli %add3A_360, %mul3A_361 : i32
      %add3A_363 = arith.addi %add3A, %mul3A_362 : i32
      %multiple_of3A_364 = tpu.assume_multiple %add3A_363, 8 : i32
      %dma_start3A_365 = arith.constant 2 : i32
      %dma_start3A_366 = tpu.memref_slice %arg3[%multiple_of3A_364] : memref<320000xi32, #tpu.memory_space<hbm>> -> memref<80xi32, #tpu.memory_space<hbm>>
      %dma_start3A_367 = tpu.memref_slice %arg26[%dma_start3A_365] : memref<5x!tpu.dma_semaphore, #tpu.memory_space<semaphore_mem>> -> memref<1x!tpu.dma_semaphore, #tpu.memory_space<semaphore_mem>>
      %dma_start3A_368 = tpu.memref_squeeze %dma_start3A_367 : memref<1x!tpu.dma_semaphore, #tpu.memory_space<semaphore_mem>> -> memref<!tpu.dma_semaphore, #tpu.memory_space<semaphore_mem>>
      %dma_start3A_369 = tpu.memref_slice %arg3[%multiple_of3A_364] : memref<320000xi32, #tpu.memory_space<hbm>> -> memref<80xi32, #tpu.memory_space<hbm>>
      tpu.enqueue_dma source(%dma_start3A_369 : memref<80xi32, #tpu.memory_space<hbm>>) target(%arg10 : memref<80xi32, #tpu.memory_space<vmem>>) target_semaphore(%dma_start3A_368 : memref<!tpu.dma_semaphore, #tpu.memory_space<semaphore_mem>>)
      %dma_start3A_370 = arith.constant 2 : i32
      %dma_start3A_371 = tpu.memref_slice %arg4[%multiple_of3A_364] : memref<320000xi32, #tpu.memory_space<hbm>> -> memref<80xi32, #tpu.memory_space<hbm>>
      %dma_start3A_372 = tpu.memref_slice %arg27[%dma_start3A_370] : memref<5x!tpu.dma_semaphore, #tpu.memory_space<semaphore_mem>> -> memref<1x!tpu.dma_semaphore, #tpu.memory_space<semaphore_mem>>
      %dma_start3A_373 = tpu.memref_squeeze %dma_start3A_372 : memref<1x!tpu.dma_semaphore, #tpu.memory_space<semaphore_mem>> -> memref<!tpu.dma_semaphore, #tpu.memory_space<semaphore_mem>>
      %dma_start3A_374 = tpu.memref_slice %arg4[%multiple_of3A_364] : memref<320000xi32, #tpu.memory_space<hbm>> -> memref<80xi32, #tpu.memory_space<hbm>>
      tpu.enqueue_dma source(%dma_start3A_374 : memref<80xi32, #tpu.memory_space<hbm>>) target(%arg15 : memref<80xi32, #tpu.memory_space<vmem>>) target_semaphore(%dma_start3A_373 : memref<!tpu.dma_semaphore, #tpu.memory_space<semaphore_mem>>)
      %dma_wait3A_375 = arith.constant 1 : i32
      %dma_wait3A_376 = arith.constant 0 : i32
      %dma_wait3A_377 = tpu.memref_slice %arg3[%dma_wait3A_376] : memref<320000xi32, #tpu.memory_space<hbm>> -> memref<80xi32, #tpu.memory_space<hbm>>
      %dma_wait3A_378 = tpu.memref_slice %arg26[%dma_wait3A_375] : memref<5x!tpu.dma_semaphore, #tpu.memory_space<semaphore_mem>> -> memref<1x!tpu.dma_semaphore, #tpu.memory_space<semaphore_mem>>
      %dma_wait3A_379 = tpu.memref_squeeze %dma_wait3A_378 : memref<1x!tpu.dma_semaphore, #tpu.memory_space<semaphore_mem>> -> memref<!tpu.dma_semaphore, #tpu.memory_space<semaphore_mem>>
      %dma_wait3A_380 = arith.constant 0 : i32
      %dma_wait3A_381 = tpu.memref_slice %arg3[%dma_wait3A_380] : memref<320000xi32, #tpu.memory_space<hbm>> -> memref<80xi32, #tpu.memory_space<hbm>>
      tpu.wait_dma2 semaphore(%dma_wait3A_379 : memref<!tpu.dma_semaphore, #tpu.memory_space<semaphore_mem>>) src(%dma_wait3A_381 : memref<80xi32, #tpu.memory_space<hbm>>) dst(%arg9 : memref<80xi32, #tpu.memory_space<vmem>>)
      %dma_start3A_382 = arith.constant 2 : i32
      %dma_start3A_383 = arith.constant 0 : i32
      %dma_start3A_384 = arith.constant 0 : i32
      %dma_start3A_385 = tpu.memref_slice %arg2[%dma_start3A_383, %dma_start3A_384] : memref<10000x128xf32, #tpu.memory_space<hbm>> -> memref<10000x128xf32, #tpu.memory_space<hbm>>
      %dma_start3A_386 = tpu.memref_slice %arg28[%dma_start3A_382] : memref<4x!tpu.dma_semaphore, #tpu.memory_space<semaphore_mem>> -> memref<1x!tpu.dma_semaphore, #tpu.memory_space<semaphore_mem>>
      %dma_start3A_387 = tpu.memref_squeeze %dma_start3A_386 : memref<1x!tpu.dma_semaphore, #tpu.memory_space<semaphore_mem>> -> memref<!tpu.dma_semaphore, #tpu.memory_space<semaphore_mem>>
      tpu.enqueue_indirect_dma source(%dma_start3A_385 : memref<10000x128xf32, #tpu.memory_space<hbm>>) target(%arg20 : memref<80x128xf32, #tpu.memory_space<vmem>>) offsets(%arg9 : memref<80xi32, #tpu.memory_space<vmem>>) semaphore(%dma_start3A_387 : memref<!tpu.dma_semaphore, #tpu.memory_space<semaphore_mem>>)
      %mul3A_388 = arith.constant 20 : i32
      %mul3A_389 = arith.muli %scan3A_243, %mul3A_388 : i32
      %add3A_390 = arith.constant 1 : i32
      %add3A_391 = arith.addi %add3A_390, %mul3A_389 : i32
      %add3A_392 = arith.constant 3 : i32
      %add3A_393 = arith.addi %add3A_391, %add3A_392 : i32
      %dma_wait3A_394 = arith.constant 0 : i32
      %dma_wait3A_395 = arith.constant 0 : i32
      %dma_wait3A_396 = arith.constant 0 : i32
      %dma_wait3A_397 = tpu.memref_slice %arg2[%dma_wait3A_395, %dma_wait3A_396] : memref<10000x128xf32, #tpu.memory_space<hbm>> -> memref<10000x128xf32, #tpu.memory_space<hbm>>
      %dma_wait3A_398 = tpu.memref_slice %arg28[%dma_wait3A_394] : memref<4x!tpu.dma_semaphore, #tpu.memory_space<semaphore_mem>> -> memref<1x!tpu.dma_semaphore, #tpu.memory_space<semaphore_mem>>
      %dma_wait3A_399 = tpu.memref_squeeze %dma_wait3A_398 : memref<1x!tpu.dma_semaphore, #tpu.memory_space<semaphore_mem>> -> memref<!tpu.dma_semaphore, #tpu.memory_space<semaphore_mem>>
      tpu.wait_indirect_dma semaphore(%dma_wait3A_399 : memref<!tpu.dma_semaphore, #tpu.memory_space<semaphore_mem>>) src(%dma_wait3A_397 : memref<10000x128xf32, #tpu.memory_space<hbm>>) dst(%arg18 : memref<80x128xf32, #tpu.memory_space<vmem>>)
      %dma_wait3A_400 = arith.constant 4 : i32
      %dma_wait3A_401 = arith.constant 0 : i32
      %dma_wait3A_402 = tpu.memref_slice %arg4[%dma_wait3A_401] : memref<320000xi32, #tpu.memory_space<hbm>> -> memref<80xi32, #tpu.memory_space<hbm>>
      %dma_wait3A_403 = tpu.memref_slice %arg27[%dma_wait3A_400] : memref<5x!tpu.dma_semaphore, #tpu.memory_space<semaphore_mem>> -> memref<1x!tpu.dma_semaphore, #tpu.memory_space<semaphore_mem>>
      %dma_wait3A_404 = tpu.memref_squeeze %dma_wait3A_403 : memref<1x!tpu.dma_semaphore, #tpu.memory_space<semaphore_mem>> -> memref<!tpu.dma_semaphore, #tpu.memory_space<semaphore_mem>>
      %dma_wait3A_405 = arith.constant 0 : i32
      %dma_wait3A_406 = tpu.memref_slice %arg4[%dma_wait3A_405] : memref<320000xi32, #tpu.memory_space<hbm>> -> memref<80xi32, #tpu.memory_space<hbm>>
      tpu.wait_dma2 semaphore(%dma_wait3A_404 : memref<!tpu.dma_semaphore, #tpu.memory_space<semaphore_mem>>) src(%dma_wait3A_406 : memref<80xi32, #tpu.memory_space<hbm>>) dst(%arg17 : memref<80xi32, #tpu.memory_space<vmem>>)
      "tpu.region"() ({
        %run_scoped3A = tpu.sem_alloc : memref<!tpu.dma_semaphore, #tpu.memory_space<semaphore_mem>>
        %dma_start3A_1204 = arith.constant 0 : i32
        %dma_start3A_1205 = arith.constant 0 : i32
        %dma_start3A_1206 = tpu.memref_slice %arg24[%dma_start3A_1204, %dma_start3A_1205] : memref<10112x128xf32, #tpu.memory_space<vmem_shared>> -> memref<10112x128xf32, #tpu.memory_space<vmem_shared>>
        tpu.enqueue_indirect_dma source(%arg18 : memref<80x128xf32, #tpu.memory_space<vmem>>) target(%dma_start3A_1206 : memref<10112x128xf32, #tpu.memory_space<vmem_shared>>) offsets(%arg17 : memref<80xi32, #tpu.memory_space<vmem>>) semaphore(%run_scoped3A : memref<!tpu.dma_semaphore, #tpu.memory_space<semaphore_mem>>) {add = true}
        %dma_wait3A_1207 = arith.constant 0 : i32
        %dma_wait3A_1208 = arith.constant 0 : i32
        %dma_wait3A_1209 = tpu.memref_slice %arg24[%dma_wait3A_1207, %dma_wait3A_1208] : memref<10112x128xf32, #tpu.memory_space<vmem_shared>> -> memref<10112x128xf32, #tpu.memory_space<vmem_shared>>
        tpu.wait_indirect_dma semaphore(%run_scoped3A : memref<!tpu.dma_semaphore, #tpu.memory_space<semaphore_mem>>) src(%arg18 : memref<80x128xf32, #tpu.memory_space<vmem>>) dst(%dma_wait3A_1209 : memref<10112x128xf32, #tpu.memory_space<vmem_shared>>)
        tpu.yield
      }) : () -> ()
      "tpu.region"() ({
        %run_scoped3A = tpu.sem_alloc : memref<!tpu.dma_semaphore, #tpu.memory_space<semaphore_mem>>
        %dma_start3A_1204 = arith.constant 0 : i32
        %dma_start3A_1205 = tpu.memref_slice %arg25[%dma_start3A_1204] : memref<10112xf32, #tpu.memory_space<vmem_shared>> -> memref<10112xf32, #tpu.memory_space<vmem_shared>>
        tpu.enqueue_indirect_dma source(%arg22 : memref<80xf32, #tpu.memory_space<vmem>>) target(%dma_start3A_1205 : memref<10112xf32, #tpu.memory_space<vmem_shared>>) offsets(%arg17 : memref<80xi32, #tpu.memory_space<vmem>>) semaphore(%run_scoped3A : memref<!tpu.dma_semaphore, #tpu.memory_space<semaphore_mem>>) {add = true}
        %dma_wait3A_1206 = arith.constant 0 : i32
        %dma_wait3A_1207 = tpu.memref_slice %arg25[%dma_wait3A_1206] : memref<10112xf32, #tpu.memory_space<vmem_shared>> -> memref<10112xf32, #tpu.memory_space<vmem_shared>>
        tpu.wait_indirect_dma semaphore(%run_scoped3A : memref<!tpu.dma_semaphore, #tpu.memory_space<semaphore_mem>>) src(%arg22 : memref<80xf32, #tpu.memory_space<vmem>>) dst(%dma_wait3A_1207 : memref<10112xf32, #tpu.memory_space<vmem_shared>>)
        tpu.yield
      }) : () -> ()
      %add3A_407 = arith.constant 4 : i32
      %add3A_408 = arith.addi %add3A_393, %add3A_407 : i32
      %mul3A_409 = arith.constant 80 : i32
      %mul3A_410 = arith.muli %add3A_408, %mul3A_409 : i32
      %add3A_411 = arith.addi %add3A, %mul3A_410 : i32
      %multiple_of3A_412 = tpu.assume_multiple %add3A_411, 8 : i32
      %dma_start3A_413 = arith.constant 3 : i32
      %dma_start3A_414 = tpu.memref_slice %arg3[%multiple_of3A_412] : memref<320000xi32, #tpu.memory_space<hbm>> -> memref<80xi32, #tpu.memory_space<hbm>>
      %dma_start3A_415 = tpu.memref_slice %arg26[%dma_start3A_413] : memref<5x!tpu.dma_semaphore, #tpu.memory_space<semaphore_mem>> -> memref<1x!tpu.dma_semaphore, #tpu.memory_space<semaphore_mem>>
      %dma_start3A_416 = tpu.memref_squeeze %dma_start3A_415 : memref<1x!tpu.dma_semaphore, #tpu.memory_space<semaphore_mem>> -> memref<!tpu.dma_semaphore, #tpu.memory_space<semaphore_mem>>
      %dma_start3A_417 = tpu.memref_slice %arg3[%multiple_of3A_412] : memref<320000xi32, #tpu.memory_space<hbm>> -> memref<80xi32, #tpu.memory_space<hbm>>
      tpu.enqueue_dma source(%dma_start3A_417 : memref<80xi32, #tpu.memory_space<hbm>>) target(%arg11 : memref<80xi32, #tpu.memory_space<vmem>>) target_semaphore(%dma_start3A_416 : memref<!tpu.dma_semaphore, #tpu.memory_space<semaphore_mem>>)
      %dma_start3A_418 = arith.constant 3 : i32
      %dma_start3A_419 = tpu.memref_slice %arg4[%multiple_of3A_412] : memref<320000xi32, #tpu.memory_space<hbm>> -> memref<80xi32, #tpu.memory_space<hbm>>
      %dma_start3A_420 = tpu.memref_slice %arg27[%dma_start3A_418] : memref<5x!tpu.dma_semaphore, #tpu.memory_space<semaphore_mem>> -> memref<1x!tpu.dma_semaphore, #tpu.memory_space<semaphore_mem>>
      %dma_start3A_421 = tpu.memref_squeeze %dma_start3A_420 : memref<1x!tpu.dma_semaphore, #tpu.memory_space<semaphore_mem>> -> memref<!tpu.dma_semaphore, #tpu.memory_space<semaphore_mem>>
      %dma_start3A_422 = tpu.memref_slice %arg4[%multiple_of3A_412] : memref<320000xi32, #tpu.memory_space<hbm>> -> memref<80xi32, #tpu.memory_space<hbm>>
      tpu.enqueue_dma source(%dma_start3A_422 : memref<80xi32, #tpu.memory_space<hbm>>) target(%arg16 : memref<80xi32, #tpu.memory_space<vmem>>) target_semaphore(%dma_start3A_421 : memref<!tpu.dma_semaphore, #tpu.memory_space<semaphore_mem>>)
      %dma_wait3A_423 = arith.constant 2 : i32
      %dma_wait3A_424 = arith.constant 0 : i32
      %dma_wait3A_425 = tpu.memref_slice %arg3[%dma_wait3A_424] : memref<320000xi32, #tpu.memory_space<hbm>> -> memref<80xi32, #tpu.memory_space<hbm>>
      %dma_wait3A_426 = tpu.memref_slice %arg26[%dma_wait3A_423] : memref<5x!tpu.dma_semaphore, #tpu.memory_space<semaphore_mem>> -> memref<1x!tpu.dma_semaphore, #tpu.memory_space<semaphore_mem>>
      %dma_wait3A_427 = tpu.memref_squeeze %dma_wait3A_426 : memref<1x!tpu.dma_semaphore, #tpu.memory_space<semaphore_mem>> -> memref<!tpu.dma_semaphore, #tpu.memory_space<semaphore_mem>>
      %dma_wait3A_428 = arith.constant 0 : i32
      %dma_wait3A_429 = tpu.memref_slice %arg3[%dma_wait3A_428] : memref<320000xi32, #tpu.memory_space<hbm>> -> memref<80xi32, #tpu.memory_space<hbm>>
      tpu.wait_dma2 semaphore(%dma_wait3A_427 : memref<!tpu.dma_semaphore, #tpu.memory_space<semaphore_mem>>) src(%dma_wait3A_429 : memref<80xi32, #tpu.memory_space<hbm>>) dst(%arg10 : memref<80xi32, #tpu.memory_space<vmem>>)
      %dma_start3A_430 = arith.constant 3 : i32
      %dma_start3A_431 = arith.constant 0 : i32
      %dma_start3A_432 = arith.constant 0 : i32
      %dma_start3A_433 = tpu.memref_slice %arg2[%dma_start3A_431, %dma_start3A_432] : memref<10000x128xf32, #tpu.memory_space<hbm>> -> memref<10000x128xf32, #tpu.memory_space<hbm>>
      %dma_start3A_434 = tpu.memref_slice %arg28[%dma_start3A_430] : memref<4x!tpu.dma_semaphore, #tpu.memory_space<semaphore_mem>> -> memref<1x!tpu.dma_semaphore, #tpu.memory_space<semaphore_mem>>
      %dma_start3A_435 = tpu.memref_squeeze %dma_start3A_434 : memref<1x!tpu.dma_semaphore, #tpu.memory_space<semaphore_mem>> -> memref<!tpu.dma_semaphore, #tpu.memory_space<semaphore_mem>>
      tpu.enqueue_indirect_dma source(%dma_start3A_433 : memref<10000x128xf32, #tpu.memory_space<hbm>>) target(%arg21 : memref<80x128xf32, #tpu.memory_space<vmem>>) offsets(%arg10 : memref<80xi32, #tpu.memory_space<vmem>>) semaphore(%dma_start3A_435 : memref<!tpu.dma_semaphore, #tpu.memory_space<semaphore_mem>>)
      %mul3A_436 = arith.constant 20 : i32
      %mul3A_437 = arith.muli %scan3A_243, %mul3A_436 : i32
      %add3A_438 = arith.constant 1 : i32
      %add3A_439 = arith.addi %add3A_438, %mul3A_437 : i32
      %add3A_440 = arith.constant 4 : i32
      %add3A_441 = arith.addi %add3A_439, %add3A_440 : i32
      %dma_wait3A_442 = arith.constant 1 : i32
      %dma_wait3A_443 = arith.constant 0 : i32
      %dma_wait3A_444 = arith.constant 0 : i32
      %dma_wait3A_445 = tpu.memref_slice %arg2[%dma_wait3A_443, %dma_wait3A_444] : memref<10000x128xf32, #tpu.memory_space<hbm>> -> memref<10000x128xf32, #tpu.memory_space<hbm>>
      %dma_wait3A_446 = tpu.memref_slice %arg28[%dma_wait3A_442] : memref<4x!tpu.dma_semaphore, #tpu.memory_space<semaphore_mem>> -> memref<1x!tpu.dma_semaphore, #tpu.memory_space<semaphore_mem>>
      %dma_wait3A_447 = tpu.memref_squeeze %dma_wait3A_446 : memref<1x!tpu.dma_semaphore, #tpu.memory_space<semaphore_mem>> -> memref<!tpu.dma_semaphore, #tpu.memory_space<semaphore_mem>>
      tpu.wait_indirect_dma semaphore(%dma_wait3A_447 : memref<!tpu.dma_semaphore, #tpu.memory_space<semaphore_mem>>) src(%dma_wait3A_445 : memref<10000x128xf32, #tpu.memory_space<hbm>>) dst(%arg19 : memref<80x128xf32, #tpu.memory_space<vmem>>)
      %dma_wait3A_448 = arith.constant 0 : i32
      %dma_wait3A_449 = arith.constant 0 : i32
      %dma_wait3A_450 = tpu.memref_slice %arg4[%dma_wait3A_449] : memref<320000xi32, #tpu.memory_space<hbm>> -> memref<80xi32, #tpu.memory_space<hbm>>
      %dma_wait3A_451 = tpu.memref_slice %arg27[%dma_wait3A_448] : memref<5x!tpu.dma_semaphore, #tpu.memory_space<semaphore_mem>> -> memref<1x!tpu.dma_semaphore, #tpu.memory_space<semaphore_mem>>
      %dma_wait3A_452 = tpu.memref_squeeze %dma_wait3A_451 : memref<1x!tpu.dma_semaphore, #tpu.memory_space<semaphore_mem>> -> memref<!tpu.dma_semaphore, #tpu.memory_space<semaphore_mem>>
      %dma_wait3A_453 = arith.constant 0 : i32
      %dma_wait3A_454 = tpu.memref_slice %arg4[%dma_wait3A_453] : memref<320000xi32, #tpu.memory_space<hbm>> -> memref<80xi32, #tpu.memory_space<hbm>>
      tpu.wait_dma2 semaphore(%dma_wait3A_452 : memref<!tpu.dma_semaphore, #tpu.memory_space<semaphore_mem>>) src(%dma_wait3A_454 : memref<80xi32, #tpu.memory_space<hbm>>) dst(%arg13 : memref<80xi32, #tpu.memory_space<vmem>>)
      "tpu.region"() ({
        %run_scoped3A = tpu.sem_alloc : memref<!tpu.dma_semaphore, #tpu.memory_space<semaphore_mem>>
        %dma_start3A_1204 = arith.constant 0 : i32
        %dma_start3A_1205 = arith.constant 0 : i32
        %dma_start3A_1206 = tpu.memref_slice %arg24[%dma_start3A_1204, %dma_start3A_1205] : memref<10112x128xf32, #tpu.memory_space<vmem_shared>> -> memref<10112x128xf32, #tpu.memory_space<vmem_shared>>
        tpu.enqueue_indirect_dma source(%arg19 : memref<80x128xf32, #tpu.memory_space<vmem>>) target(%dma_start3A_1206 : memref<10112x128xf32, #tpu.memory_space<vmem_shared>>) offsets(%arg13 : memref<80xi32, #tpu.memory_space<vmem>>) semaphore(%run_scoped3A : memref<!tpu.dma_semaphore, #tpu.memory_space<semaphore_mem>>) {add = true}
        %dma_wait3A_1207 = arith.constant 0 : i32
        %dma_wait3A_1208 = arith.constant 0 : i32
        %dma_wait3A_1209 = tpu.memref_slice %arg24[%dma_wait3A_1207, %dma_wait3A_1208] : memref<10112x128xf32, #tpu.memory_space<vmem_shared>> -> memref<10112x128xf32, #tpu.memory_space<vmem_shared>>
        tpu.wait_indirect_dma semaphore(%run_scoped3A : memref<!tpu.dma_semaphore, #tpu.memory_space<semaphore_mem>>) src(%arg19 : memref<80x128xf32, #tpu.memory_space<vmem>>) dst(%dma_wait3A_1209 : memref<10112x128xf32, #tpu.memory_space<vmem_shared>>)
        tpu.yield
      }) : () -> ()
      "tpu.region"() ({
        %run_scoped3A = tpu.sem_alloc : memref<!tpu.dma_semaphore, #tpu.memory_space<semaphore_mem>>
        %dma_start3A_1204 = arith.constant 0 : i32
        %dma_start3A_1205 = tpu.memref_slice %arg25[%dma_start3A_1204] : memref<10112xf32, #tpu.memory_space<vmem_shared>> -> memref<10112xf32, #tpu.memory_space<vmem_shared>>
        tpu.enqueue_indirect_dma source(%arg22 : memref<80xf32, #tpu.memory_space<vmem>>) target(%dma_start3A_1205 : memref<10112xf32, #tpu.memory_space<vmem_shared>>) offsets(%arg13 : memref<80xi32, #tpu.memory_space<vmem>>) semaphore(%run_scoped3A : memref<!tpu.dma_semaphore, #tpu.memory_space<semaphore_mem>>) {add = true}
        %dma_wait3A_1206 = arith.constant 0 : i32
        %dma_wait3A_1207 = tpu.memref_slice %arg25[%dma_wait3A_1206] : memref<10112xf32, #tpu.memory_space<vmem_shared>> -> memref<10112xf32, #tpu.memory_space<vmem_shared>>
        tpu.wait_indirect_dma semaphore(%run_scoped3A : memref<!tpu.dma_semaphore, #tpu.memory_space<semaphore_mem>>) src(%arg22 : memref<80xf32, #tpu.memory_space<vmem>>) dst(%dma_wait3A_1207 : memref<10112xf32, #tpu.memory_space<vmem_shared>>)
        tpu.yield
      }) : () -> ()
      %add3A_455 = arith.constant 4 : i32
      %add3A_456 = arith.addi %add3A_441, %add3A_455 : i32
      %mul3A_457 = arith.constant 80 : i32
      %mul3A_458 = arith.muli %add3A_456, %mul3A_457 : i32
      %add3A_459 = arith.addi %add3A, %mul3A_458 : i32
      %multiple_of3A_460 = tpu.assume_multiple %add3A_459, 8 : i32
      %dma_start3A_461 = arith.constant 4 : i32
      %dma_start3A_462 = tpu.memref_slice %arg3[%multiple_of3A_460] : memref<320000xi32, #tpu.memory_space<hbm>> -> memref<80xi32, #tpu.memory_space<hbm>>
      %dma_start3A_463 = tpu.memref_slice %arg26[%dma_start3A_461] : memref<5x!tpu.dma_semaphore, #tpu.memory_space<semaphore_mem>> -> memref<1x!tpu.dma_semaphore, #tpu.memory_space<semaphore_mem>>
      %dma_start3A_464 = tpu.memref_squeeze %dma_start3A_463 : memref<1x!tpu.dma_semaphore, #tpu.memory_space<semaphore_mem>> -> memref<!tpu.dma_semaphore, #tpu.memory_space<semaphore_mem>>
      %dma_start3A_465 = tpu.memref_slice %arg3[%multiple_of3A_460] : memref<320000xi32, #tpu.memory_space<hbm>> -> memref<80xi32, #tpu.memory_space<hbm>>
      tpu.enqueue_dma source(%dma_start3A_465 : memref<80xi32, #tpu.memory_space<hbm>>) target(%arg12 : memref<80xi32, #tpu.memory_space<vmem>>) target_semaphore(%dma_start3A_464 : memref<!tpu.dma_semaphore, #tpu.memory_space<semaphore_mem>>)
      %dma_start3A_466 = arith.constant 4 : i32
      %dma_start3A_467 = tpu.memref_slice %arg4[%multiple_of3A_460] : memref<320000xi32, #tpu.memory_space<hbm>> -> memref<80xi32, #tpu.memory_space<hbm>>
      %dma_start3A_468 = tpu.memref_slice %arg27[%dma_start3A_466] : memref<5x!tpu.dma_semaphore, #tpu.memory_space<semaphore_mem>> -> memref<1x!tpu.dma_semaphore, #tpu.memory_space<semaphore_mem>>
      %dma_start3A_469 = tpu.memref_squeeze %dma_start3A_468 : memref<1x!tpu.dma_semaphore, #tpu.memory_space<semaphore_mem>> -> memref<!tpu.dma_semaphore, #tpu.memory_space<semaphore_mem>>
      %dma_start3A_470 = tpu.memref_slice %arg4[%multiple_of3A_460] : memref<320000xi32, #tpu.memory_space<hbm>> -> memref<80xi32, #tpu.memory_space<hbm>>
      tpu.enqueue_dma source(%dma_start3A_470 : memref<80xi32, #tpu.memory_space<hbm>>) target(%arg17 : memref<80xi32, #tpu.memory_space<vmem>>) target_semaphore(%dma_start3A_469 : memref<!tpu.dma_semaphore, #tpu.memory_space<semaphore_mem>>)
      %dma_wait3A_471 = arith.constant 3 : i32
      %dma_wait3A_472 = arith.constant 0 : i32
      %dma_wait3A_473 = tpu.memref_slice %arg3[%dma_wait3A_472] : memref<320000xi32, #tpu.memory_space<hbm>> -> memref<80xi32, #tpu.memory_space<hbm>>
      %dma_wait3A_474 = tpu.memref_slice %arg26[%dma_wait3A_471] : memref<5x!tpu.dma_semaphore, #tpu.memory_space<semaphore_mem>> -> memref<1x!tpu.dma_semaphore, #tpu.memory_space<semaphore_mem>>
      %dma_wait3A_475 = tpu.memref_squeeze %dma_wait3A_474 : memref<1x!tpu.dma_semaphore, #tpu.memory_space<semaphore_mem>> -> memref<!tpu.dma_semaphore, #tpu.memory_space<semaphore_mem>>
      %dma_wait3A_476 = arith.constant 0 : i32
      %dma_wait3A_477 = tpu.memref_slice %arg3[%dma_wait3A_476] : memref<320000xi32, #tpu.memory_space<hbm>> -> memref<80xi32, #tpu.memory_space<hbm>>
      tpu.wait_dma2 semaphore(%dma_wait3A_475 : memref<!tpu.dma_semaphore, #tpu.memory_space<semaphore_mem>>) src(%dma_wait3A_477 : memref<80xi32, #tpu.memory_space<hbm>>) dst(%arg11 : memref<80xi32, #tpu.memory_space<vmem>>)
      %dma_start3A_478 = arith.constant 0 : i32
      %dma_start3A_479 = arith.constant 0 : i32
      %dma_start3A_480 = arith.constant 0 : i32
      %dma_start3A_481 = tpu.memref_slice %arg2[%dma_start3A_479, %dma_start3A_480] : memref<10000x128xf32, #tpu.memory_space<hbm>> -> memref<10000x128xf32, #tpu.memory_space<hbm>>
      %dma_start3A_482 = tpu.memref_slice %arg28[%dma_start3A_478] : memref<4x!tpu.dma_semaphore, #tpu.memory_space<semaphore_mem>> -> memref<1x!tpu.dma_semaphore, #tpu.memory_space<semaphore_mem>>
      %dma_start3A_483 = tpu.memref_squeeze %dma_start3A_482 : memref<1x!tpu.dma_semaphore, #tpu.memory_space<semaphore_mem>> -> memref<!tpu.dma_semaphore, #tpu.memory_space<semaphore_mem>>
      tpu.enqueue_indirect_dma source(%dma_start3A_481 : memref<10000x128xf32, #tpu.memory_space<hbm>>) target(%arg18 : memref<80x128xf32, #tpu.memory_space<vmem>>) offsets(%arg11 : memref<80xi32, #tpu.memory_space<vmem>>) semaphore(%dma_start3A_483 : memref<!tpu.dma_semaphore, #tpu.memory_space<semaphore_mem>>)
      %mul3A_484 = arith.constant 20 : i32
      %mul3A_485 = arith.muli %scan3A_243, %mul3A_484 : i32
      %add3A_486 = arith.constant 1 : i32
      %add3A_487 = arith.addi %add3A_486, %mul3A_485 : i32
      %add3A_488 = arith.constant 5 : i32
      %add3A_489 = arith.addi %add3A_487, %add3A_488 : i32
      %dma_wait3A_490 = arith.constant 2 : i32
      %dma_wait3A_491 = arith.constant 0 : i32
      %dma_wait3A_492 = arith.constant 0 : i32
      %dma_wait3A_493 = tpu.memref_slice %arg2[%dma_wait3A_491, %dma_wait3A_492] : memref<10000x128xf32, #tpu.memory_space<hbm>> -> memref<10000x128xf32, #tpu.memory_space<hbm>>
      %dma_wait3A_494 = tpu.memref_slice %arg28[%dma_wait3A_490] : memref<4x!tpu.dma_semaphore, #tpu.memory_space<semaphore_mem>> -> memref<1x!tpu.dma_semaphore, #tpu.memory_space<semaphore_mem>>
      %dma_wait3A_495 = tpu.memref_squeeze %dma_wait3A_494 : memref<1x!tpu.dma_semaphore, #tpu.memory_space<semaphore_mem>> -> memref<!tpu.dma_semaphore, #tpu.memory_space<semaphore_mem>>
      tpu.wait_indirect_dma semaphore(%dma_wait3A_495 : memref<!tpu.dma_semaphore, #tpu.memory_space<semaphore_mem>>) src(%dma_wait3A_493 : memref<10000x128xf32, #tpu.memory_space<hbm>>) dst(%arg20 : memref<80x128xf32, #tpu.memory_space<vmem>>)
      %dma_wait3A_496 = arith.constant 1 : i32
      %dma_wait3A_497 = arith.constant 0 : i32
      %dma_wait3A_498 = tpu.memref_slice %arg4[%dma_wait3A_497] : memref<320000xi32, #tpu.memory_space<hbm>> -> memref<80xi32, #tpu.memory_space<hbm>>
      %dma_wait3A_499 = tpu.memref_slice %arg27[%dma_wait3A_496] : memref<5x!tpu.dma_semaphore, #tpu.memory_space<semaphore_mem>> -> memref<1x!tpu.dma_semaphore, #tpu.memory_space<semaphore_mem>>
      %dma_wait3A_500 = tpu.memref_squeeze %dma_wait3A_499 : memref<1x!tpu.dma_semaphore, #tpu.memory_space<semaphore_mem>> -> memref<!tpu.dma_semaphore, #tpu.memory_space<semaphore_mem>>
      %dma_wait3A_501 = arith.constant 0 : i32
      %dma_wait3A_502 = tpu.memref_slice %arg4[%dma_wait3A_501] : memref<320000xi32, #tpu.memory_space<hbm>> -> memref<80xi32, #tpu.memory_space<hbm>>
      tpu.wait_dma2 semaphore(%dma_wait3A_500 : memref<!tpu.dma_semaphore, #tpu.memory_space<semaphore_mem>>) src(%dma_wait3A_502 : memref<80xi32, #tpu.memory_space<hbm>>) dst(%arg14 : memref<80xi32, #tpu.memory_space<vmem>>)
      "tpu.region"() ({
        %run_scoped3A = tpu.sem_alloc : memref<!tpu.dma_semaphore, #tpu.memory_space<semaphore_mem>>
        %dma_start3A_1204 = arith.constant 0 : i32
        %dma_start3A_1205 = arith.constant 0 : i32
        %dma_start3A_1206 = tpu.memref_slice %arg24[%dma_start3A_1204, %dma_start3A_1205] : memref<10112x128xf32, #tpu.memory_space<vmem_shared>> -> memref<10112x128xf32, #tpu.memory_space<vmem_shared>>
        tpu.enqueue_indirect_dma source(%arg20 : memref<80x128xf32, #tpu.memory_space<vmem>>) target(%dma_start3A_1206 : memref<10112x128xf32, #tpu.memory_space<vmem_shared>>) offsets(%arg14 : memref<80xi32, #tpu.memory_space<vmem>>) semaphore(%run_scoped3A : memref<!tpu.dma_semaphore, #tpu.memory_space<semaphore_mem>>) {add = true}
        %dma_wait3A_1207 = arith.constant 0 : i32
        %dma_wait3A_1208 = arith.constant 0 : i32
        %dma_wait3A_1209 = tpu.memref_slice %arg24[%dma_wait3A_1207, %dma_wait3A_1208] : memref<10112x128xf32, #tpu.memory_space<vmem_shared>> -> memref<10112x128xf32, #tpu.memory_space<vmem_shared>>
        tpu.wait_indirect_dma semaphore(%run_scoped3A : memref<!tpu.dma_semaphore, #tpu.memory_space<semaphore_mem>>) src(%arg20 : memref<80x128xf32, #tpu.memory_space<vmem>>) dst(%dma_wait3A_1209 : memref<10112x128xf32, #tpu.memory_space<vmem_shared>>)
        tpu.yield
      }) : () -> ()
      "tpu.region"() ({
        %run_scoped3A = tpu.sem_alloc : memref<!tpu.dma_semaphore, #tpu.memory_space<semaphore_mem>>
        %dma_start3A_1204 = arith.constant 0 : i32
        %dma_start3A_1205 = tpu.memref_slice %arg25[%dma_start3A_1204] : memref<10112xf32, #tpu.memory_space<vmem_shared>> -> memref<10112xf32, #tpu.memory_space<vmem_shared>>
        tpu.enqueue_indirect_dma source(%arg22 : memref<80xf32, #tpu.memory_space<vmem>>) target(%dma_start3A_1205 : memref<10112xf32, #tpu.memory_space<vmem_shared>>) offsets(%arg14 : memref<80xi32, #tpu.memory_space<vmem>>) semaphore(%run_scoped3A : memref<!tpu.dma_semaphore, #tpu.memory_space<semaphore_mem>>) {add = true}
        %dma_wait3A_1206 = arith.constant 0 : i32
        %dma_wait3A_1207 = tpu.memref_slice %arg25[%dma_wait3A_1206] : memref<10112xf32, #tpu.memory_space<vmem_shared>> -> memref<10112xf32, #tpu.memory_space<vmem_shared>>
        tpu.wait_indirect_dma semaphore(%run_scoped3A : memref<!tpu.dma_semaphore, #tpu.memory_space<semaphore_mem>>) src(%arg22 : memref<80xf32, #tpu.memory_space<vmem>>) dst(%dma_wait3A_1207 : memref<10112xf32, #tpu.memory_space<vmem_shared>>)
        tpu.yield
      }) : () -> ()
      %add3A_503 = arith.constant 4 : i32
      %add3A_504 = arith.addi %add3A_489, %add3A_503 : i32
      %mul3A_505 = arith.constant 80 : i32
      %mul3A_506 = arith.muli %add3A_504, %mul3A_505 : i32
      %add3A_507 = arith.addi %add3A, %mul3A_506 : i32
      %multiple_of3A_508 = tpu.assume_multiple %add3A_507, 8 : i32
      %dma_start3A_509 = arith.constant 0 : i32
      %dma_start3A_510 = tpu.memref_slice %arg3[%multiple_of3A_508] : memref<320000xi32, #tpu.memory_space<hbm>> -> memref<80xi32, #tpu.memory_space<hbm>>
      %dma_start3A_511 = tpu.memref_slice %arg26[%dma_start3A_509] : memref<5x!tpu.dma_semaphore, #tpu.memory_space<semaphore_mem>> -> memref<1x!tpu.dma_semaphore, #tpu.memory_space<semaphore_mem>>
      %dma_start3A_512 = tpu.memref_squeeze %dma_start3A_511 : memref<1x!tpu.dma_semaphore, #tpu.memory_space<semaphore_mem>> -> memref<!tpu.dma_semaphore, #tpu.memory_space<semaphore_mem>>
      %dma_start3A_513 = tpu.memref_slice %arg3[%multiple_of3A_508] : memref<320000xi32, #tpu.memory_space<hbm>> -> memref<80xi32, #tpu.memory_space<hbm>>
      tpu.enqueue_dma source(%dma_start3A_513 : memref<80xi32, #tpu.memory_space<hbm>>) target(%arg8 : memref<80xi32, #tpu.memory_space<vmem>>) target_semaphore(%dma_start3A_512 : memref<!tpu.dma_semaphore, #tpu.memory_space<semaphore_mem>>)
      %dma_start3A_514 = arith.constant 0 : i32
      %dma_start3A_515 = tpu.memref_slice %arg4[%multiple_of3A_508] : memref<320000xi32, #tpu.memory_space<hbm>> -> memref<80xi32, #tpu.memory_space<hbm>>
      %dma_start3A_516 = tpu.memref_slice %arg27[%dma_start3A_514] : memref<5x!tpu.dma_semaphore, #tpu.memory_space<semaphore_mem>> -> memref<1x!tpu.dma_semaphore, #tpu.memory_space<semaphore_mem>>
      %dma_start3A_517 = tpu.memref_squeeze %dma_start3A_516 : memref<1x!tpu.dma_semaphore, #tpu.memory_space<semaphore_mem>> -> memref<!tpu.dma_semaphore, #tpu.memory_space<semaphore_mem>>
      %dma_start3A_518 = tpu.memref_slice %arg4[%multiple_of3A_508] : memref<320000xi32, #tpu.memory_space<hbm>> -> memref<80xi32, #tpu.memory_space<hbm>>
      tpu.enqueue_dma source(%dma_start3A_518 : memref<80xi32, #tpu.memory_space<hbm>>) target(%arg13 : memref<80xi32, #tpu.memory_space<vmem>>) target_semaphore(%dma_start3A_517 : memref<!tpu.dma_semaphore, #tpu.memory_space<semaphore_mem>>)
      %dma_wait3A_519 = arith.constant 4 : i32
      %dma_wait3A_520 = arith.constant 0 : i32
      %dma_wait3A_521 = tpu.memref_slice %arg3[%dma_wait3A_520] : memref<320000xi32, #tpu.memory_space<hbm>> -> memref<80xi32, #tpu.memory_space<hbm>>
      %dma_wait3A_522 = tpu.memref_slice %arg26[%dma_wait3A_519] : memref<5x!tpu.dma_semaphore, #tpu.memory_space<semaphore_mem>> -> memref<1x!tpu.dma_semaphore, #tpu.memory_space<semaphore_mem>>
      %dma_wait3A_523 = tpu.memref_squeeze %dma_wait3A_522 : memref<1x!tpu.dma_semaphore, #tpu.memory_space<semaphore_mem>> -> memref<!tpu.dma_semaphore, #tpu.memory_space<semaphore_mem>>
      %dma_wait3A_524 = arith.constant 0 : i32
      %dma_wait3A_525 = tpu.memref_slice %arg3[%dma_wait3A_524] : memref<320000xi32, #tpu.memory_space<hbm>> -> memref<80xi32, #tpu.memory_space<hbm>>
      tpu.wait_dma2 semaphore(%dma_wait3A_523 : memref<!tpu.dma_semaphore, #tpu.memory_space<semaphore_mem>>) src(%dma_wait3A_525 : memref<80xi32, #tpu.memory_space<hbm>>) dst(%arg12 : memref<80xi32, #tpu.memory_space<vmem>>)
      %dma_start3A_526 = arith.constant 1 : i32
      %dma_start3A_527 = arith.constant 0 : i32
      %dma_start3A_528 = arith.constant 0 : i32
      %dma_start3A_529 = tpu.memref_slice %arg2[%dma_start3A_527, %dma_start3A_528] : memref<10000x128xf32, #tpu.memory_space<hbm>> -> memref<10000x128xf32, #tpu.memory_space<hbm>>
      %dma_start3A_530 = tpu.memref_slice %arg28[%dma_start3A_526] : memref<4x!tpu.dma_semaphore, #tpu.memory_space<semaphore_mem>> -> memref<1x!tpu.dma_semaphore, #tpu.memory_space<semaphore_mem>>
      %dma_start3A_531 = tpu.memref_squeeze %dma_start3A_530 : memref<1x!tpu.dma_semaphore, #tpu.memory_space<semaphore_mem>> -> memref<!tpu.dma_semaphore, #tpu.memory_space<semaphore_mem>>
      tpu.enqueue_indirect_dma source(%dma_start3A_529 : memref<10000x128xf32, #tpu.memory_space<hbm>>) target(%arg19 : memref<80x128xf32, #tpu.memory_space<vmem>>) offsets(%arg12 : memref<80xi32, #tpu.memory_space<vmem>>) semaphore(%dma_start3A_531 : memref<!tpu.dma_semaphore, #tpu.memory_space<semaphore_mem>>)
      %mul3A_532 = arith.constant 20 : i32
      %mul3A_533 = arith.muli %scan3A_243, %mul3A_532 : i32
      %add3A_534 = arith.constant 1 : i32
      %add3A_535 = arith.addi %add3A_534, %mul3A_533 : i32
      %add3A_536 = arith.constant 6 : i32
      %add3A_537 = arith.addi %add3A_535, %add3A_536 : i32
      %dma_wait3A_538 = arith.constant 3 : i32
      %dma_wait3A_539 = arith.constant 0 : i32
      %dma_wait3A_540 = arith.constant 0 : i32
      %dma_wait3A_541 = tpu.memref_slice %arg2[%dma_wait3A_539, %dma_wait3A_540] : memref<10000x128xf32, #tpu.memory_space<hbm>> -> memref<10000x128xf32, #tpu.memory_space<hbm>>
      %dma_wait3A_542 = tpu.memref_slice %arg28[%dma_wait3A_538] : memref<4x!tpu.dma_semaphore, #tpu.memory_space<semaphore_mem>> -> memref<1x!tpu.dma_semaphore, #tpu.memory_space<semaphore_mem>>
      %dma_wait3A_543 = tpu.memref_squeeze %dma_wait3A_542 : memref<1x!tpu.dma_semaphore, #tpu.memory_space<semaphore_mem>> -> memref<!tpu.dma_semaphore, #tpu.memory_space<semaphore_mem>>
      tpu.wait_indirect_dma semaphore(%dma_wait3A_543 : memref<!tpu.dma_semaphore, #tpu.memory_space<semaphore_mem>>) src(%dma_wait3A_541 : memref<10000x128xf32, #tpu.memory_space<hbm>>) dst(%arg21 : memref<80x128xf32, #tpu.memory_space<vmem>>)
      %dma_wait3A_544 = arith.constant 2 : i32
      %dma_wait3A_545 = arith.constant 0 : i32
      %dma_wait3A_546 = tpu.memref_slice %arg4[%dma_wait3A_545] : memref<320000xi32, #tpu.memory_space<hbm>> -> memref<80xi32, #tpu.memory_space<hbm>>
      %dma_wait3A_547 = tpu.memref_slice %arg27[%dma_wait3A_544] : memref<5x!tpu.dma_semaphore, #tpu.memory_space<semaphore_mem>> -> memref<1x!tpu.dma_semaphore, #tpu.memory_space<semaphore_mem>>
      %dma_wait3A_548 = tpu.memref_squeeze %dma_wait3A_547 : memref<1x!tpu.dma_semaphore, #tpu.memory_space<semaphore_mem>> -> memref<!tpu.dma_semaphore, #tpu.memory_space<semaphore_mem>>
      %dma_wait3A_549 = arith.constant 0 : i32
      %dma_wait3A_550 = tpu.memref_slice %arg4[%dma_wait3A_549] : memref<320000xi32, #tpu.memory_space<hbm>> -> memref<80xi32, #tpu.memory_space<hbm>>
      tpu.wait_dma2 semaphore(%dma_wait3A_548 : memref<!tpu.dma_semaphore, #tpu.memory_space<semaphore_mem>>) src(%dma_wait3A_550 : memref<80xi32, #tpu.memory_space<hbm>>) dst(%arg15 : memref<80xi32, #tpu.memory_space<vmem>>)
      "tpu.region"() ({
        %run_scoped3A = tpu.sem_alloc : memref<!tpu.dma_semaphore, #tpu.memory_space<semaphore_mem>>
        %dma_start3A_1204 = arith.constant 0 : i32
        %dma_start3A_1205 = arith.constant 0 : i32
        %dma_start3A_1206 = tpu.memref_slice %arg24[%dma_start3A_1204, %dma_start3A_1205] : memref<10112x128xf32, #tpu.memory_space<vmem_shared>> -> memref<10112x128xf32, #tpu.memory_space<vmem_shared>>
        tpu.enqueue_indirect_dma source(%arg21 : memref<80x128xf32, #tpu.memory_space<vmem>>) target(%dma_start3A_1206 : memref<10112x128xf32, #tpu.memory_space<vmem_shared>>) offsets(%arg15 : memref<80xi32, #tpu.memory_space<vmem>>) semaphore(%run_scoped3A : memref<!tpu.dma_semaphore, #tpu.memory_space<semaphore_mem>>) {add = true}
        %dma_wait3A_1207 = arith.constant 0 : i32
        %dma_wait3A_1208 = arith.constant 0 : i32
        %dma_wait3A_1209 = tpu.memref_slice %arg24[%dma_wait3A_1207, %dma_wait3A_1208] : memref<10112x128xf32, #tpu.memory_space<vmem_shared>> -> memref<10112x128xf32, #tpu.memory_space<vmem_shared>>
        tpu.wait_indirect_dma semaphore(%run_scoped3A : memref<!tpu.dma_semaphore, #tpu.memory_space<semaphore_mem>>) src(%arg21 : memref<80x128xf32, #tpu.memory_space<vmem>>) dst(%dma_wait3A_1209 : memref<10112x128xf32, #tpu.memory_space<vmem_shared>>)
        tpu.yield
      }) : () -> ()
      "tpu.region"() ({
        %run_scoped3A = tpu.sem_alloc : memref<!tpu.dma_semaphore, #tpu.memory_space<semaphore_mem>>
        %dma_start3A_1204 = arith.constant 0 : i32
        %dma_start3A_1205 = tpu.memref_slice %arg25[%dma_start3A_1204] : memref<10112xf32, #tpu.memory_space<vmem_shared>> -> memref<10112xf32, #tpu.memory_space<vmem_shared>>
        tpu.enqueue_indirect_dma source(%arg22 : memref<80xf32, #tpu.memory_space<vmem>>) target(%dma_start3A_1205 : memref<10112xf32, #tpu.memory_space<vmem_shared>>) offsets(%arg15 : memref<80xi32, #tpu.memory_space<vmem>>) semaphore(%run_scoped3A : memref<!tpu.dma_semaphore, #tpu.memory_space<semaphore_mem>>) {add = true}
        %dma_wait3A_1206 = arith.constant 0 : i32
        %dma_wait3A_1207 = tpu.memref_slice %arg25[%dma_wait3A_1206] : memref<10112xf32, #tpu.memory_space<vmem_shared>> -> memref<10112xf32, #tpu.memory_space<vmem_shared>>
        tpu.wait_indirect_dma semaphore(%run_scoped3A : memref<!tpu.dma_semaphore, #tpu.memory_space<semaphore_mem>>) src(%arg22 : memref<80xf32, #tpu.memory_space<vmem>>) dst(%dma_wait3A_1207 : memref<10112xf32, #tpu.memory_space<vmem_shared>>)
        tpu.yield
      }) : () -> ()
      %add3A_551 = arith.constant 4 : i32
      %add3A_552 = arith.addi %add3A_537, %add3A_551 : i32
      %mul3A_553 = arith.constant 80 : i32
      %mul3A_554 = arith.muli %add3A_552, %mul3A_553 : i32
      %add3A_555 = arith.addi %add3A, %mul3A_554 : i32
      %multiple_of3A_556 = tpu.assume_multiple %add3A_555, 8 : i32
      %dma_start3A_557 = arith.constant 1 : i32
      %dma_start3A_558 = tpu.memref_slice %arg3[%multiple_of3A_556] : memref<320000xi32, #tpu.memory_space<hbm>> -> memref<80xi32, #tpu.memory_space<hbm>>
      %dma_start3A_559 = tpu.memref_slice %arg26[%dma_start3A_557] : memref<5x!tpu.dma_semaphore, #tpu.memory_space<semaphore_mem>> -> memref<1x!tpu.dma_semaphore, #tpu.memory_space<semaphore_mem>>
      %dma_start3A_560 = tpu.memref_squeeze %dma_start3A_559 : memref<1x!tpu.dma_semaphore, #tpu.memory_space<semaphore_mem>> -> memref<!tpu.dma_semaphore, #tpu.memory_space<semaphore_mem>>
      %dma_start3A_561 = tpu.memref_slice %arg3[%multiple_of3A_556] : memref<320000xi32, #tpu.memory_space<hbm>> -> memref<80xi32, #tpu.memory_space<hbm>>
      tpu.enqueue_dma source(%dma_start3A_561 : memref<80xi32, #tpu.memory_space<hbm>>) target(%arg9 : memref<80xi32, #tpu.memory_space<vmem>>) target_semaphore(%dma_start3A_560 : memref<!tpu.dma_semaphore, #tpu.memory_space<semaphore_mem>>)
      %dma_start3A_562 = arith.constant 1 : i32
      %dma_start3A_563 = tpu.memref_slice %arg4[%multiple_of3A_556] : memref<320000xi32, #tpu.memory_space<hbm>> -> memref<80xi32, #tpu.memory_space<hbm>>
      %dma_start3A_564 = tpu.memref_slice %arg27[%dma_start3A_562] : memref<5x!tpu.dma_semaphore, #tpu.memory_space<semaphore_mem>> -> memref<1x!tpu.dma_semaphore, #tpu.memory_space<semaphore_mem>>
      %dma_start3A_565 = tpu.memref_squeeze %dma_start3A_564 : memref<1x!tpu.dma_semaphore, #tpu.memory_space<semaphore_mem>> -> memref<!tpu.dma_semaphore, #tpu.memory_space<semaphore_mem>>
      %dma_start3A_566 = tpu.memref_slice %arg4[%multiple_of3A_556] : memref<320000xi32, #tpu.memory_space<hbm>> -> memref<80xi32, #tpu.memory_space<hbm>>
      tpu.enqueue_dma source(%dma_start3A_566 : memref<80xi32, #tpu.memory_space<hbm>>) target(%arg14 : memref<80xi32, #tpu.memory_space<vmem>>) target_semaphore(%dma_start3A_565 : memref<!tpu.dma_semaphore, #tpu.memory_space<semaphore_mem>>)
      %dma_wait3A_567 = arith.constant 0 : i32
      %dma_wait3A_568 = arith.constant 0 : i32
      %dma_wait3A_569 = tpu.memref_slice %arg3[%dma_wait3A_568] : memref<320000xi32, #tpu.memory_space<hbm>> -> memref<80xi32, #tpu.memory_space<hbm>>
      %dma_wait3A_570 = tpu.memref_slice %arg26[%dma_wait3A_567] : memref<5x!tpu.dma_semaphore, #tpu.memory_space<semaphore_mem>> -> memref<1x!tpu.dma_semaphore, #tpu.memory_space<semaphore_mem>>
      %dma_wait3A_571 = tpu.memref_squeeze %dma_wait3A_570 : memref<1x!tpu.dma_semaphore, #tpu.memory_space<semaphore_mem>> -> memref<!tpu.dma_semaphore, #tpu.memory_space<semaphore_mem>>
      %dma_wait3A_572 = arith.constant 0 : i32
      %dma_wait3A_573 = tpu.memref_slice %arg3[%dma_wait3A_572] : memref<320000xi32, #tpu.memory_space<hbm>> -> memref<80xi32, #tpu.memory_space<hbm>>
      tpu.wait_dma2 semaphore(%dma_wait3A_571 : memref<!tpu.dma_semaphore, #tpu.memory_space<semaphore_mem>>) src(%dma_wait3A_573 : memref<80xi32, #tpu.memory_space<hbm>>) dst(%arg8 : memref<80xi32, #tpu.memory_space<vmem>>)
      %dma_start3A_574 = arith.constant 2 : i32
      %dma_start3A_575 = arith.constant 0 : i32
      %dma_start3A_576 = arith.constant 0 : i32
      %dma_start3A_577 = tpu.memref_slice %arg2[%dma_start3A_575, %dma_start3A_576] : memref<10000x128xf32, #tpu.memory_space<hbm>> -> memref<10000x128xf32, #tpu.memory_space<hbm>>
      %dma_start3A_578 = tpu.memref_slice %arg28[%dma_start3A_574] : memref<4x!tpu.dma_semaphore, #tpu.memory_space<semaphore_mem>> -> memref<1x!tpu.dma_semaphore, #tpu.memory_space<semaphore_mem>>
      %dma_start3A_579 = tpu.memref_squeeze %dma_start3A_578 : memref<1x!tpu.dma_semaphore, #tpu.memory_space<semaphore_mem>> -> memref<!tpu.dma_semaphore, #tpu.memory_space<semaphore_mem>>
      tpu.enqueue_indirect_dma source(%dma_start3A_577 : memref<10000x128xf32, #tpu.memory_space<hbm>>) target(%arg20 : memref<80x128xf32, #tpu.memory_space<vmem>>) offsets(%arg8 : memref<80xi32, #tpu.memory_space<vmem>>) semaphore(%dma_start3A_579 : memref<!tpu.dma_semaphore, #tpu.memory_space<semaphore_mem>>)
      %mul3A_580 = arith.constant 20 : i32
      %mul3A_581 = arith.muli %scan3A_243, %mul3A_580 : i32
      %add3A_582 = arith.constant 1 : i32
      %add3A_583 = arith.addi %add3A_582, %mul3A_581 : i32
      %add3A_584 = arith.constant 7 : i32
      %add3A_585 = arith.addi %add3A_583, %add3A_584 : i32
      %dma_wait3A_586 = arith.constant 0 : i32
      %dma_wait3A_587 = arith.constant 0 : i32
      %dma_wait3A_588 = arith.constant 0 : i32
      %dma_wait3A_589 = tpu.memref_slice %arg2[%dma_wait3A_587, %dma_wait3A_588] : memref<10000x128xf32, #tpu.memory_space<hbm>> -> memref<10000x128xf32, #tpu.memory_space<hbm>>
      %dma_wait3A_590 = tpu.memref_slice %arg28[%dma_wait3A_586] : memref<4x!tpu.dma_semaphore, #tpu.memory_space<semaphore_mem>> -> memref<1x!tpu.dma_semaphore, #tpu.memory_space<semaphore_mem>>
      %dma_wait3A_591 = tpu.memref_squeeze %dma_wait3A_590 : memref<1x!tpu.dma_semaphore, #tpu.memory_space<semaphore_mem>> -> memref<!tpu.dma_semaphore, #tpu.memory_space<semaphore_mem>>
      tpu.wait_indirect_dma semaphore(%dma_wait3A_591 : memref<!tpu.dma_semaphore, #tpu.memory_space<semaphore_mem>>) src(%dma_wait3A_589 : memref<10000x128xf32, #tpu.memory_space<hbm>>) dst(%arg18 : memref<80x128xf32, #tpu.memory_space<vmem>>)
      %dma_wait3A_592 = arith.constant 3 : i32
      %dma_wait3A_593 = arith.constant 0 : i32
      %dma_wait3A_594 = tpu.memref_slice %arg4[%dma_wait3A_593] : memref<320000xi32, #tpu.memory_space<hbm>> -> memref<80xi32, #tpu.memory_space<hbm>>
      %dma_wait3A_595 = tpu.memref_slice %arg27[%dma_wait3A_592] : memref<5x!tpu.dma_semaphore, #tpu.memory_space<semaphore_mem>> -> memref<1x!tpu.dma_semaphore, #tpu.memory_space<semaphore_mem>>
      %dma_wait3A_596 = tpu.memref_squeeze %dma_wait3A_595 : memref<1x!tpu.dma_semaphore, #tpu.memory_space<semaphore_mem>> -> memref<!tpu.dma_semaphore, #tpu.memory_space<semaphore_mem>>
      %dma_wait3A_597 = arith.constant 0 : i32
      %dma_wait3A_598 = tpu.memref_slice %arg4[%dma_wait3A_597] : memref<320000xi32, #tpu.memory_space<hbm>> -> memref<80xi32, #tpu.memory_space<hbm>>
      tpu.wait_dma2 semaphore(%dma_wait3A_596 : memref<!tpu.dma_semaphore, #tpu.memory_space<semaphore_mem>>) src(%dma_wait3A_598 : memref<80xi32, #tpu.memory_space<hbm>>) dst(%arg16 : memref<80xi32, #tpu.memory_space<vmem>>)
      "tpu.region"() ({
        %run_scoped3A = tpu.sem_alloc : memref<!tpu.dma_semaphore, #tpu.memory_space<semaphore_mem>>
        %dma_start3A_1204 = arith.constant 0 : i32
        %dma_start3A_1205 = arith.constant 0 : i32
        %dma_start3A_1206 = tpu.memref_slice %arg24[%dma_start3A_1204, %dma_start3A_1205] : memref<10112x128xf32, #tpu.memory_space<vmem_shared>> -> memref<10112x128xf32, #tpu.memory_space<vmem_shared>>
        tpu.enqueue_indirect_dma source(%arg18 : memref<80x128xf32, #tpu.memory_space<vmem>>) target(%dma_start3A_1206 : memref<10112x128xf32, #tpu.memory_space<vmem_shared>>) offsets(%arg16 : memref<80xi32, #tpu.memory_space<vmem>>) semaphore(%run_scoped3A : memref<!tpu.dma_semaphore, #tpu.memory_space<semaphore_mem>>) {add = true}
        %dma_wait3A_1207 = arith.constant 0 : i32
        %dma_wait3A_1208 = arith.constant 0 : i32
        %dma_wait3A_1209 = tpu.memref_slice %arg24[%dma_wait3A_1207, %dma_wait3A_1208] : memref<10112x128xf32, #tpu.memory_space<vmem_shared>> -> memref<10112x128xf32, #tpu.memory_space<vmem_shared>>
        tpu.wait_indirect_dma semaphore(%run_scoped3A : memref<!tpu.dma_semaphore, #tpu.memory_space<semaphore_mem>>) src(%arg18 : memref<80x128xf32, #tpu.memory_space<vmem>>) dst(%dma_wait3A_1209 : memref<10112x128xf32, #tpu.memory_space<vmem_shared>>)
        tpu.yield
      }) : () -> ()
      "tpu.region"() ({
        %run_scoped3A = tpu.sem_alloc : memref<!tpu.dma_semaphore, #tpu.memory_space<semaphore_mem>>
        %dma_start3A_1204 = arith.constant 0 : i32
        %dma_start3A_1205 = tpu.memref_slice %arg25[%dma_start3A_1204] : memref<10112xf32, #tpu.memory_space<vmem_shared>> -> memref<10112xf32, #tpu.memory_space<vmem_shared>>
        tpu.enqueue_indirect_dma source(%arg22 : memref<80xf32, #tpu.memory_space<vmem>>) target(%dma_start3A_1205 : memref<10112xf32, #tpu.memory_space<vmem_shared>>) offsets(%arg16 : memref<80xi32, #tpu.memory_space<vmem>>) semaphore(%run_scoped3A : memref<!tpu.dma_semaphore, #tpu.memory_space<semaphore_mem>>) {add = true}
        %dma_wait3A_1206 = arith.constant 0 : i32
        %dma_wait3A_1207 = tpu.memref_slice %arg25[%dma_wait3A_1206] : memref<10112xf32, #tpu.memory_space<vmem_shared>> -> memref<10112xf32, #tpu.memory_space<vmem_shared>>
        tpu.wait_indirect_dma semaphore(%run_scoped3A : memref<!tpu.dma_semaphore, #tpu.memory_space<semaphore_mem>>) src(%arg22 : memref<80xf32, #tpu.memory_space<vmem>>) dst(%dma_wait3A_1207 : memref<10112xf32, #tpu.memory_space<vmem_shared>>)
        tpu.yield
      }) : () -> ()
      %add3A_599 = arith.constant 4 : i32
      %add3A_600 = arith.addi %add3A_585, %add3A_599 : i32
      %mul3A_601 = arith.constant 80 : i32
      %mul3A_602 = arith.muli %add3A_600, %mul3A_601 : i32
      %add3A_603 = arith.addi %add3A, %mul3A_602 : i32
      %multiple_of3A_604 = tpu.assume_multiple %add3A_603, 8 : i32
      %dma_start3A_605 = arith.constant 2 : i32
      %dma_start3A_606 = tpu.memref_slice %arg3[%multiple_of3A_604] : memref<320000xi32, #tpu.memory_space<hbm>> -> memref<80xi32, #tpu.memory_space<hbm>>
      %dma_start3A_607 = tpu.memref_slice %arg26[%dma_start3A_605] : memref<5x!tpu.dma_semaphore, #tpu.memory_space<semaphore_mem>> -> memref<1x!tpu.dma_semaphore, #tpu.memory_space<semaphore_mem>>
      %dma_start3A_608 = tpu.memref_squeeze %dma_start3A_607 : memref<1x!tpu.dma_semaphore, #tpu.memory_space<semaphore_mem>> -> memref<!tpu.dma_semaphore, #tpu.memory_space<semaphore_mem>>
      %dma_start3A_609 = tpu.memref_slice %arg3[%multiple_of3A_604] : memref<320000xi32, #tpu.memory_space<hbm>> -> memref<80xi32, #tpu.memory_space<hbm>>
      tpu.enqueue_dma source(%dma_start3A_609 : memref<80xi32, #tpu.memory_space<hbm>>) target(%arg10 : memref<80xi32, #tpu.memory_space<vmem>>) target_semaphore(%dma_start3A_608 : memref<!tpu.dma_semaphore, #tpu.memory_space<semaphore_mem>>)
      %dma_start3A_610 = arith.constant 2 : i32
      %dma_start3A_611 = tpu.memref_slice %arg4[%multiple_of3A_604] : memref<320000xi32, #tpu.memory_space<hbm>> -> memref<80xi32, #tpu.memory_space<hbm>>
      %dma_start3A_612 = tpu.memref_slice %arg27[%dma_start3A_610] : memref<5x!tpu.dma_semaphore, #tpu.memory_space<semaphore_mem>> -> memref<1x!tpu.dma_semaphore, #tpu.memory_space<semaphore_mem>>
      %dma_start3A_613 = tpu.memref_squeeze %dma_start3A_612 : memref<1x!tpu.dma_semaphore, #tpu.memory_space<semaphore_mem>> -> memref<!tpu.dma_semaphore, #tpu.memory_space<semaphore_mem>>
      %dma_start3A_614 = tpu.memref_slice %arg4[%multiple_of3A_604] : memref<320000xi32, #tpu.memory_space<hbm>> -> memref<80xi32, #tpu.memory_space<hbm>>
      tpu.enqueue_dma source(%dma_start3A_614 : memref<80xi32, #tpu.memory_space<hbm>>) target(%arg15 : memref<80xi32, #tpu.memory_space<vmem>>) target_semaphore(%dma_start3A_613 : memref<!tpu.dma_semaphore, #tpu.memory_space<semaphore_mem>>)
      %dma_wait3A_615 = arith.constant 1 : i32
      %dma_wait3A_616 = arith.constant 0 : i32
      %dma_wait3A_617 = tpu.memref_slice %arg3[%dma_wait3A_616] : memref<320000xi32, #tpu.memory_space<hbm>> -> memref<80xi32, #tpu.memory_space<hbm>>
      %dma_wait3A_618 = tpu.memref_slice %arg26[%dma_wait3A_615] : memref<5x!tpu.dma_semaphore, #tpu.memory_space<semaphore_mem>> -> memref<1x!tpu.dma_semaphore, #tpu.memory_space<semaphore_mem>>
      %dma_wait3A_619 = tpu.memref_squeeze %dma_wait3A_618 : memref<1x!tpu.dma_semaphore, #tpu.memory_space<semaphore_mem>> -> memref<!tpu.dma_semaphore, #tpu.memory_space<semaphore_mem>>
      %dma_wait3A_620 = arith.constant 0 : i32
      %dma_wait3A_621 = tpu.memref_slice %arg3[%dma_wait3A_620] : memref<320000xi32, #tpu.memory_space<hbm>> -> memref<80xi32, #tpu.memory_space<hbm>>
      tpu.wait_dma2 semaphore(%dma_wait3A_619 : memref<!tpu.dma_semaphore, #tpu.memory_space<semaphore_mem>>) src(%dma_wait3A_621 : memref<80xi32, #tpu.memory_space<hbm>>) dst(%arg9 : memref<80xi32, #tpu.memory_space<vmem>>)
      %dma_start3A_622 = arith.constant 3 : i32
      %dma_start3A_623 = arith.constant 0 : i32
      %dma_start3A_624 = arith.constant 0 : i32
      %dma_start3A_625 = tpu.memref_slice %arg2[%dma_start3A_623, %dma_start3A_624] : memref<10000x128xf32, #tpu.memory_space<hbm>> -> memref<10000x128xf32, #tpu.memory_space<hbm>>
      %dma_start3A_626 = tpu.memref_slice %arg28[%dma_start3A_622] : memref<4x!tpu.dma_semaphore, #tpu.memory_space<semaphore_mem>> -> memref<1x!tpu.dma_semaphore, #tpu.memory_space<semaphore_mem>>
      %dma_start3A_627 = tpu.memref_squeeze %dma_start3A_626 : memref<1x!tpu.dma_semaphore, #tpu.memory_space<semaphore_mem>> -> memref<!tpu.dma_semaphore, #tpu.memory_space<semaphore_mem>>
      tpu.enqueue_indirect_dma source(%dma_start3A_625 : memref<10000x128xf32, #tpu.memory_space<hbm>>) target(%arg21 : memref<80x128xf32, #tpu.memory_space<vmem>>) offsets(%arg9 : memref<80xi32, #tpu.memory_space<vmem>>) semaphore(%dma_start3A_627 : memref<!tpu.dma_semaphore, #tpu.memory_space<semaphore_mem>>)
      %mul3A_628 = arith.constant 20 : i32
      %mul3A_629 = arith.muli %scan3A_243, %mul3A_628 : i32
      %add3A_630 = arith.constant 1 : i32
      %add3A_631 = arith.addi %add3A_630, %mul3A_629 : i32
      %add3A_632 = arith.constant 8 : i32
      %add3A_633 = arith.addi %add3A_631, %add3A_632 : i32
      %dma_wait3A_634 = arith.constant 1 : i32
      %dma_wait3A_635 = arith.constant 0 : i32
      %dma_wait3A_636 = arith.constant 0 : i32
      %dma_wait3A_637 = tpu.memref_slice %arg2[%dma_wait3A_635, %dma_wait3A_636] : memref<10000x128xf32, #tpu.memory_space<hbm>> -> memref<10000x128xf32, #tpu.memory_space<hbm>>
      %dma_wait3A_638 = tpu.memref_slice %arg28[%dma_wait3A_634] : memref<4x!tpu.dma_semaphore, #tpu.memory_space<semaphore_mem>> -> memref<1x!tpu.dma_semaphore, #tpu.memory_space<semaphore_mem>>
      %dma_wait3A_639 = tpu.memref_squeeze %dma_wait3A_638 : memref<1x!tpu.dma_semaphore, #tpu.memory_space<semaphore_mem>> -> memref<!tpu.dma_semaphore, #tpu.memory_space<semaphore_mem>>
      tpu.wait_indirect_dma semaphore(%dma_wait3A_639 : memref<!tpu.dma_semaphore, #tpu.memory_space<semaphore_mem>>) src(%dma_wait3A_637 : memref<10000x128xf32, #tpu.memory_space<hbm>>) dst(%arg19 : memref<80x128xf32, #tpu.memory_space<vmem>>)
      %dma_wait3A_640 = arith.constant 4 : i32
      %dma_wait3A_641 = arith.constant 0 : i32
      %dma_wait3A_642 = tpu.memref_slice %arg4[%dma_wait3A_641] : memref<320000xi32, #tpu.memory_space<hbm>> -> memref<80xi32, #tpu.memory_space<hbm>>
      %dma_wait3A_643 = tpu.memref_slice %arg27[%dma_wait3A_640] : memref<5x!tpu.dma_semaphore, #tpu.memory_space<semaphore_mem>> -> memref<1x!tpu.dma_semaphore, #tpu.memory_space<semaphore_mem>>
      %dma_wait3A_644 = tpu.memref_squeeze %dma_wait3A_643 : memref<1x!tpu.dma_semaphore, #tpu.memory_space<semaphore_mem>> -> memref<!tpu.dma_semaphore, #tpu.memory_space<semaphore_mem>>
      %dma_wait3A_645 = arith.constant 0 : i32
      %dma_wait3A_646 = tpu.memref_slice %arg4[%dma_wait3A_645] : memref<320000xi32, #tpu.memory_space<hbm>> -> memref<80xi32, #tpu.memory_space<hbm>>
      tpu.wait_dma2 semaphore(%dma_wait3A_644 : memref<!tpu.dma_semaphore, #tpu.memory_space<semaphore_mem>>) src(%dma_wait3A_646 : memref<80xi32, #tpu.memory_space<hbm>>) dst(%arg17 : memref<80xi32, #tpu.memory_space<vmem>>)
      "tpu.region"() ({
        %run_scoped3A = tpu.sem_alloc : memref<!tpu.dma_semaphore, #tpu.memory_space<semaphore_mem>>
        %dma_start3A_1204 = arith.constant 0 : i32
        %dma_start3A_1205 = arith.constant 0 : i32
        %dma_start3A_1206 = tpu.memref_slice %arg24[%dma_start3A_1204, %dma_start3A_1205] : memref<10112x128xf32, #tpu.memory_space<vmem_shared>> -> memref<10112x128xf32, #tpu.memory_space<vmem_shared>>
        tpu.enqueue_indirect_dma source(%arg19 : memref<80x128xf32, #tpu.memory_space<vmem>>) target(%dma_start3A_1206 : memref<10112x128xf32, #tpu.memory_space<vmem_shared>>) offsets(%arg17 : memref<80xi32, #tpu.memory_space<vmem>>) semaphore(%run_scoped3A : memref<!tpu.dma_semaphore, #tpu.memory_space<semaphore_mem>>) {add = true}
        %dma_wait3A_1207 = arith.constant 0 : i32
        %dma_wait3A_1208 = arith.constant 0 : i32
        %dma_wait3A_1209 = tpu.memref_slice %arg24[%dma_wait3A_1207, %dma_wait3A_1208] : memref<10112x128xf32, #tpu.memory_space<vmem_shared>> -> memref<10112x128xf32, #tpu.memory_space<vmem_shared>>
        tpu.wait_indirect_dma semaphore(%run_scoped3A : memref<!tpu.dma_semaphore, #tpu.memory_space<semaphore_mem>>) src(%arg19 : memref<80x128xf32, #tpu.memory_space<vmem>>) dst(%dma_wait3A_1209 : memref<10112x128xf32, #tpu.memory_space<vmem_shared>>)
        tpu.yield
      }) : () -> ()
      "tpu.region"() ({
        %run_scoped3A = tpu.sem_alloc : memref<!tpu.dma_semaphore, #tpu.memory_space<semaphore_mem>>
        %dma_start3A_1204 = arith.constant 0 : i32
        %dma_start3A_1205 = tpu.memref_slice %arg25[%dma_start3A_1204] : memref<10112xf32, #tpu.memory_space<vmem_shared>> -> memref<10112xf32, #tpu.memory_space<vmem_shared>>
        tpu.enqueue_indirect_dma source(%arg22 : memref<80xf32, #tpu.memory_space<vmem>>) target(%dma_start3A_1205 : memref<10112xf32, #tpu.memory_space<vmem_shared>>) offsets(%arg17 : memref<80xi32, #tpu.memory_space<vmem>>) semaphore(%run_scoped3A : memref<!tpu.dma_semaphore, #tpu.memory_space<semaphore_mem>>) {add = true}
        %dma_wait3A_1206 = arith.constant 0 : i32
        %dma_wait3A_1207 = tpu.memref_slice %arg25[%dma_wait3A_1206] : memref<10112xf32, #tpu.memory_space<vmem_shared>> -> memref<10112xf32, #tpu.memory_space<vmem_shared>>
        tpu.wait_indirect_dma semaphore(%run_scoped3A : memref<!tpu.dma_semaphore, #tpu.memory_space<semaphore_mem>>) src(%arg22 : memref<80xf32, #tpu.memory_space<vmem>>) dst(%dma_wait3A_1207 : memref<10112xf32, #tpu.memory_space<vmem_shared>>)
        tpu.yield
      }) : () -> ()
      %add3A_647 = arith.constant 4 : i32
      %add3A_648 = arith.addi %add3A_633, %add3A_647 : i32
      %mul3A_649 = arith.constant 80 : i32
      %mul3A_650 = arith.muli %add3A_648, %mul3A_649 : i32
      %add3A_651 = arith.addi %add3A, %mul3A_650 : i32
      %multiple_of3A_652 = tpu.assume_multiple %add3A_651, 8 : i32
      %dma_start3A_653 = arith.constant 3 : i32
      %dma_start3A_654 = tpu.memref_slice %arg3[%multiple_of3A_652] : memref<320000xi32, #tpu.memory_space<hbm>> -> memref<80xi32, #tpu.memory_space<hbm>>
      %dma_start3A_655 = tpu.memref_slice %arg26[%dma_start3A_653] : memref<5x!tpu.dma_semaphore, #tpu.memory_space<semaphore_mem>> -> memref<1x!tpu.dma_semaphore, #tpu.memory_space<semaphore_mem>>
      %dma_start3A_656 = tpu.memref_squeeze %dma_start3A_655 : memref<1x!tpu.dma_semaphore, #tpu.memory_space<semaphore_mem>> -> memref<!tpu.dma_semaphore, #tpu.memory_space<semaphore_mem>>
      %dma_start3A_657 = tpu.memref_slice %arg3[%multiple_of3A_652] : memref<320000xi32, #tpu.memory_space<hbm>> -> memref<80xi32, #tpu.memory_space<hbm>>
      tpu.enqueue_dma source(%dma_start3A_657 : memref<80xi32, #tpu.memory_space<hbm>>) target(%arg11 : memref<80xi32, #tpu.memory_space<vmem>>) target_semaphore(%dma_start3A_656 : memref<!tpu.dma_semaphore, #tpu.memory_space<semaphore_mem>>)
      %dma_start3A_658 = arith.constant 3 : i32
      %dma_start3A_659 = tpu.memref_slice %arg4[%multiple_of3A_652] : memref<320000xi32, #tpu.memory_space<hbm>> -> memref<80xi32, #tpu.memory_space<hbm>>
      %dma_start3A_660 = tpu.memref_slice %arg27[%dma_start3A_658] : memref<5x!tpu.dma_semaphore, #tpu.memory_space<semaphore_mem>> -> memref<1x!tpu.dma_semaphore, #tpu.memory_space<semaphore_mem>>
      %dma_start3A_661 = tpu.memref_squeeze %dma_start3A_660 : memref<1x!tpu.dma_semaphore, #tpu.memory_space<semaphore_mem>> -> memref<!tpu.dma_semaphore, #tpu.memory_space<semaphore_mem>>
      %dma_start3A_662 = tpu.memref_slice %arg4[%multiple_of3A_652] : memref<320000xi32, #tpu.memory_space<hbm>> -> memref<80xi32, #tpu.memory_space<hbm>>
      tpu.enqueue_dma source(%dma_start3A_662 : memref<80xi32, #tpu.memory_space<hbm>>) target(%arg16 : memref<80xi32, #tpu.memory_space<vmem>>) target_semaphore(%dma_start3A_661 : memref<!tpu.dma_semaphore, #tpu.memory_space<semaphore_mem>>)
      %dma_wait3A_663 = arith.constant 2 : i32
      %dma_wait3A_664 = arith.constant 0 : i32
      %dma_wait3A_665 = tpu.memref_slice %arg3[%dma_wait3A_664] : memref<320000xi32, #tpu.memory_space<hbm>> -> memref<80xi32, #tpu.memory_space<hbm>>
      %dma_wait3A_666 = tpu.memref_slice %arg26[%dma_wait3A_663] : memref<5x!tpu.dma_semaphore, #tpu.memory_space<semaphore_mem>> -> memref<1x!tpu.dma_semaphore, #tpu.memory_space<semaphore_mem>>
      %dma_wait3A_667 = tpu.memref_squeeze %dma_wait3A_666 : memref<1x!tpu.dma_semaphore, #tpu.memory_space<semaphore_mem>> -> memref<!tpu.dma_semaphore, #tpu.memory_space<semaphore_mem>>
      %dma_wait3A_668 = arith.constant 0 : i32
      %dma_wait3A_669 = tpu.memref_slice %arg3[%dma_wait3A_668] : memref<320000xi32, #tpu.memory_space<hbm>> -> memref<80xi32, #tpu.memory_space<hbm>>
      tpu.wait_dma2 semaphore(%dma_wait3A_667 : memref<!tpu.dma_semaphore, #tpu.memory_space<semaphore_mem>>) src(%dma_wait3A_669 : memref<80xi32, #tpu.memory_space<hbm>>) dst(%arg10 : memref<80xi32, #tpu.memory_space<vmem>>)
      %dma_start3A_670 = arith.constant 0 : i32
      %dma_start3A_671 = arith.constant 0 : i32
      %dma_start3A_672 = arith.constant 0 : i32
      %dma_start3A_673 = tpu.memref_slice %arg2[%dma_start3A_671, %dma_start3A_672] : memref<10000x128xf32, #tpu.memory_space<hbm>> -> memref<10000x128xf32, #tpu.memory_space<hbm>>
      %dma_start3A_674 = tpu.memref_slice %arg28[%dma_start3A_670] : memref<4x!tpu.dma_semaphore, #tpu.memory_space<semaphore_mem>> -> memref<1x!tpu.dma_semaphore, #tpu.memory_space<semaphore_mem>>
      %dma_start3A_675 = tpu.memref_squeeze %dma_start3A_674 : memref<1x!tpu.dma_semaphore, #tpu.memory_space<semaphore_mem>> -> memref<!tpu.dma_semaphore, #tpu.memory_space<semaphore_mem>>
      tpu.enqueue_indirect_dma source(%dma_start3A_673 : memref<10000x128xf32, #tpu.memory_space<hbm>>) target(%arg18 : memref<80x128xf32, #tpu.memory_space<vmem>>) offsets(%arg10 : memref<80xi32, #tpu.memory_space<vmem>>) semaphore(%dma_start3A_675 : memref<!tpu.dma_semaphore, #tpu.memory_space<semaphore_mem>>)
      %mul3A_676 = arith.constant 20 : i32
      %mul3A_677 = arith.muli %scan3A_243, %mul3A_676 : i32
      %add3A_678 = arith.constant 1 : i32
      %add3A_679 = arith.addi %add3A_678, %mul3A_677 : i32
      %add3A_680 = arith.constant 9 : i32
      %add3A_681 = arith.addi %add3A_679, %add3A_680 : i32
      %dma_wait3A_682 = arith.constant 2 : i32
      %dma_wait3A_683 = arith.constant 0 : i32
      %dma_wait3A_684 = arith.constant 0 : i32
      %dma_wait3A_685 = tpu.memref_slice %arg2[%dma_wait3A_683, %dma_wait3A_684] : memref<10000x128xf32, #tpu.memory_space<hbm>> -> memref<10000x128xf32, #tpu.memory_space<hbm>>
      %dma_wait3A_686 = tpu.memref_slice %arg28[%dma_wait3A_682] : memref<4x!tpu.dma_semaphore, #tpu.memory_space<semaphore_mem>> -> memref<1x!tpu.dma_semaphore, #tpu.memory_space<semaphore_mem>>
      %dma_wait3A_687 = tpu.memref_squeeze %dma_wait3A_686 : memref<1x!tpu.dma_semaphore, #tpu.memory_space<semaphore_mem>> -> memref<!tpu.dma_semaphore, #tpu.memory_space<semaphore_mem>>
      tpu.wait_indirect_dma semaphore(%dma_wait3A_687 : memref<!tpu.dma_semaphore, #tpu.memory_space<semaphore_mem>>) src(%dma_wait3A_685 : memref<10000x128xf32, #tpu.memory_space<hbm>>) dst(%arg20 : memref<80x128xf32, #tpu.memory_space<vmem>>)
      %dma_wait3A_688 = arith.constant 0 : i32
      %dma_wait3A_689 = arith.constant 0 : i32
      %dma_wait3A_690 = tpu.memref_slice %arg4[%dma_wait3A_689] : memref<320000xi32, #tpu.memory_space<hbm>> -> memref<80xi32, #tpu.memory_space<hbm>>
      %dma_wait3A_691 = tpu.memref_slice %arg27[%dma_wait3A_688] : memref<5x!tpu.dma_semaphore, #tpu.memory_space<semaphore_mem>> -> memref<1x!tpu.dma_semaphore, #tpu.memory_space<semaphore_mem>>
      %dma_wait3A_692 = tpu.memref_squeeze %dma_wait3A_691 : memref<1x!tpu.dma_semaphore, #tpu.memory_space<semaphore_mem>> -> memref<!tpu.dma_semaphore, #tpu.memory_space<semaphore_mem>>
      %dma_wait3A_693 = arith.constant 0 : i32
      %dma_wait3A_694 = tpu.memref_slice %arg4[%dma_wait3A_693] : memref<320000xi32, #tpu.memory_space<hbm>> -> memref<80xi32, #tpu.memory_space<hbm>>
      tpu.wait_dma2 semaphore(%dma_wait3A_692 : memref<!tpu.dma_semaphore, #tpu.memory_space<semaphore_mem>>) src(%dma_wait3A_694 : memref<80xi32, #tpu.memory_space<hbm>>) dst(%arg13 : memref<80xi32, #tpu.memory_space<vmem>>)
      "tpu.region"() ({
        %run_scoped3A = tpu.sem_alloc : memref<!tpu.dma_semaphore, #tpu.memory_space<semaphore_mem>>
        %dma_start3A_1204 = arith.constant 0 : i32
        %dma_start3A_1205 = arith.constant 0 : i32
        %dma_start3A_1206 = tpu.memref_slice %arg24[%dma_start3A_1204, %dma_start3A_1205] : memref<10112x128xf32, #tpu.memory_space<vmem_shared>> -> memref<10112x128xf32, #tpu.memory_space<vmem_shared>>
        tpu.enqueue_indirect_dma source(%arg20 : memref<80x128xf32, #tpu.memory_space<vmem>>) target(%dma_start3A_1206 : memref<10112x128xf32, #tpu.memory_space<vmem_shared>>) offsets(%arg13 : memref<80xi32, #tpu.memory_space<vmem>>) semaphore(%run_scoped3A : memref<!tpu.dma_semaphore, #tpu.memory_space<semaphore_mem>>) {add = true}
        %dma_wait3A_1207 = arith.constant 0 : i32
        %dma_wait3A_1208 = arith.constant 0 : i32
        %dma_wait3A_1209 = tpu.memref_slice %arg24[%dma_wait3A_1207, %dma_wait3A_1208] : memref<10112x128xf32, #tpu.memory_space<vmem_shared>> -> memref<10112x128xf32, #tpu.memory_space<vmem_shared>>
        tpu.wait_indirect_dma semaphore(%run_scoped3A : memref<!tpu.dma_semaphore, #tpu.memory_space<semaphore_mem>>) src(%arg20 : memref<80x128xf32, #tpu.memory_space<vmem>>) dst(%dma_wait3A_1209 : memref<10112x128xf32, #tpu.memory_space<vmem_shared>>)
        tpu.yield
      }) : () -> ()
      "tpu.region"() ({
        %run_scoped3A = tpu.sem_alloc : memref<!tpu.dma_semaphore, #tpu.memory_space<semaphore_mem>>
        %dma_start3A_1204 = arith.constant 0 : i32
        %dma_start3A_1205 = tpu.memref_slice %arg25[%dma_start3A_1204] : memref<10112xf32, #tpu.memory_space<vmem_shared>> -> memref<10112xf32, #tpu.memory_space<vmem_shared>>
        tpu.enqueue_indirect_dma source(%arg22 : memref<80xf32, #tpu.memory_space<vmem>>) target(%dma_start3A_1205 : memref<10112xf32, #tpu.memory_space<vmem_shared>>) offsets(%arg13 : memref<80xi32, #tpu.memory_space<vmem>>) semaphore(%run_scoped3A : memref<!tpu.dma_semaphore, #tpu.memory_space<semaphore_mem>>) {add = true}
        %dma_wait3A_1206 = arith.constant 0 : i32
        %dma_wait3A_1207 = tpu.memref_slice %arg25[%dma_wait3A_1206] : memref<10112xf32, #tpu.memory_space<vmem_shared>> -> memref<10112xf32, #tpu.memory_space<vmem_shared>>
        tpu.wait_indirect_dma semaphore(%run_scoped3A : memref<!tpu.dma_semaphore, #tpu.memory_space<semaphore_mem>>) src(%arg22 : memref<80xf32, #tpu.memory_space<vmem>>) dst(%dma_wait3A_1207 : memref<10112xf32, #tpu.memory_space<vmem_shared>>)
        tpu.yield
      }) : () -> ()
      %add3A_695 = arith.constant 4 : i32
      %add3A_696 = arith.addi %add3A_681, %add3A_695 : i32
      %mul3A_697 = arith.constant 80 : i32
      %mul3A_698 = arith.muli %add3A_696, %mul3A_697 : i32
      %add3A_699 = arith.addi %add3A, %mul3A_698 : i32
      %multiple_of3A_700 = tpu.assume_multiple %add3A_699, 8 : i32
      %dma_start3A_701 = arith.constant 4 : i32
      %dma_start3A_702 = tpu.memref_slice %arg3[%multiple_of3A_700] : memref<320000xi32, #tpu.memory_space<hbm>> -> memref<80xi32, #tpu.memory_space<hbm>>
      %dma_start3A_703 = tpu.memref_slice %arg26[%dma_start3A_701] : memref<5x!tpu.dma_semaphore, #tpu.memory_space<semaphore_mem>> -> memref<1x!tpu.dma_semaphore, #tpu.memory_space<semaphore_mem>>
      %dma_start3A_704 = tpu.memref_squeeze %dma_start3A_703 : memref<1x!tpu.dma_semaphore, #tpu.memory_space<semaphore_mem>> -> memref<!tpu.dma_semaphore, #tpu.memory_space<semaphore_mem>>
      %dma_start3A_705 = tpu.memref_slice %arg3[%multiple_of3A_700] : memref<320000xi32, #tpu.memory_space<hbm>> -> memref<80xi32, #tpu.memory_space<hbm>>
      tpu.enqueue_dma source(%dma_start3A_705 : memref<80xi32, #tpu.memory_space<hbm>>) target(%arg12 : memref<80xi32, #tpu.memory_space<vmem>>) target_semaphore(%dma_start3A_704 : memref<!tpu.dma_semaphore, #tpu.memory_space<semaphore_mem>>)
      %dma_start3A_706 = arith.constant 4 : i32
      %dma_start3A_707 = tpu.memref_slice %arg4[%multiple_of3A_700] : memref<320000xi32, #tpu.memory_space<hbm>> -> memref<80xi32, #tpu.memory_space<hbm>>
      %dma_start3A_708 = tpu.memref_slice %arg27[%dma_start3A_706] : memref<5x!tpu.dma_semaphore, #tpu.memory_space<semaphore_mem>> -> memref<1x!tpu.dma_semaphore, #tpu.memory_space<semaphore_mem>>
      %dma_start3A_709 = tpu.memref_squeeze %dma_start3A_708 : memref<1x!tpu.dma_semaphore, #tpu.memory_space<semaphore_mem>> -> memref<!tpu.dma_semaphore, #tpu.memory_space<semaphore_mem>>
      %dma_start3A_710 = tpu.memref_slice %arg4[%multiple_of3A_700] : memref<320000xi32, #tpu.memory_space<hbm>> -> memref<80xi32, #tpu.memory_space<hbm>>
      tpu.enqueue_dma source(%dma_start3A_710 : memref<80xi32, #tpu.memory_space<hbm>>) target(%arg17 : memref<80xi32, #tpu.memory_space<vmem>>) target_semaphore(%dma_start3A_709 : memref<!tpu.dma_semaphore, #tpu.memory_space<semaphore_mem>>)
      %dma_wait3A_711 = arith.constant 3 : i32
      %dma_wait3A_712 = arith.constant 0 : i32
      %dma_wait3A_713 = tpu.memref_slice %arg3[%dma_wait3A_712] : memref<320000xi32, #tpu.memory_space<hbm>> -> memref<80xi32, #tpu.memory_space<hbm>>
      %dma_wait3A_714 = tpu.memref_slice %arg26[%dma_wait3A_711] : memref<5x!tpu.dma_semaphore, #tpu.memory_space<semaphore_mem>> -> memref<1x!tpu.dma_semaphore, #tpu.memory_space<semaphore_mem>>
      %dma_wait3A_715 = tpu.memref_squeeze %dma_wait3A_714 : memref<1x!tpu.dma_semaphore, #tpu.memory_space<semaphore_mem>> -> memref<!tpu.dma_semaphore, #tpu.memory_space<semaphore_mem>>
      %dma_wait3A_716 = arith.constant 0 : i32
      %dma_wait3A_717 = tpu.memref_slice %arg3[%dma_wait3A_716] : memref<320000xi32, #tpu.memory_space<hbm>> -> memref<80xi32, #tpu.memory_space<hbm>>
      tpu.wait_dma2 semaphore(%dma_wait3A_715 : memref<!tpu.dma_semaphore, #tpu.memory_space<semaphore_mem>>) src(%dma_wait3A_717 : memref<80xi32, #tpu.memory_space<hbm>>) dst(%arg11 : memref<80xi32, #tpu.memory_space<vmem>>)
      %dma_start3A_718 = arith.constant 1 : i32
      %dma_start3A_719 = arith.constant 0 : i32
      %dma_start3A_720 = arith.constant 0 : i32
      %dma_start3A_721 = tpu.memref_slice %arg2[%dma_start3A_719, %dma_start3A_720] : memref<10000x128xf32, #tpu.memory_space<hbm>> -> memref<10000x128xf32, #tpu.memory_space<hbm>>
      %dma_start3A_722 = tpu.memref_slice %arg28[%dma_start3A_718] : memref<4x!tpu.dma_semaphore, #tpu.memory_space<semaphore_mem>> -> memref<1x!tpu.dma_semaphore, #tpu.memory_space<semaphore_mem>>
      %dma_start3A_723 = tpu.memref_squeeze %dma_start3A_722 : memref<1x!tpu.dma_semaphore, #tpu.memory_space<semaphore_mem>> -> memref<!tpu.dma_semaphore, #tpu.memory_space<semaphore_mem>>
      tpu.enqueue_indirect_dma source(%dma_start3A_721 : memref<10000x128xf32, #tpu.memory_space<hbm>>) target(%arg19 : memref<80x128xf32, #tpu.memory_space<vmem>>) offsets(%arg11 : memref<80xi32, #tpu.memory_space<vmem>>) semaphore(%dma_start3A_723 : memref<!tpu.dma_semaphore, #tpu.memory_space<semaphore_mem>>)
      %mul3A_724 = arith.constant 20 : i32
      %mul3A_725 = arith.muli %scan3A_243, %mul3A_724 : i32
      %add3A_726 = arith.constant 1 : i32
      %add3A_727 = arith.addi %add3A_726, %mul3A_725 : i32
      %add3A_728 = arith.constant 10 : i32
      %add3A_729 = arith.addi %add3A_727, %add3A_728 : i32
      %dma_wait3A_730 = arith.constant 3 : i32
      %dma_wait3A_731 = arith.constant 0 : i32
      %dma_wait3A_732 = arith.constant 0 : i32
      %dma_wait3A_733 = tpu.memref_slice %arg2[%dma_wait3A_731, %dma_wait3A_732] : memref<10000x128xf32, #tpu.memory_space<hbm>> -> memref<10000x128xf32, #tpu.memory_space<hbm>>
      %dma_wait3A_734 = tpu.memref_slice %arg28[%dma_wait3A_730] : memref<4x!tpu.dma_semaphore, #tpu.memory_space<semaphore_mem>> -> memref<1x!tpu.dma_semaphore, #tpu.memory_space<semaphore_mem>>
      %dma_wait3A_735 = tpu.memref_squeeze %dma_wait3A_734 : memref<1x!tpu.dma_semaphore, #tpu.memory_space<semaphore_mem>> -> memref<!tpu.dma_semaphore, #tpu.memory_space<semaphore_mem>>
      tpu.wait_indirect_dma semaphore(%dma_wait3A_735 : memref<!tpu.dma_semaphore, #tpu.memory_space<semaphore_mem>>) src(%dma_wait3A_733 : memref<10000x128xf32, #tpu.memory_space<hbm>>) dst(%arg21 : memref<80x128xf32, #tpu.memory_space<vmem>>)
      %dma_wait3A_736 = arith.constant 1 : i32
      %dma_wait3A_737 = arith.constant 0 : i32
      %dma_wait3A_738 = tpu.memref_slice %arg4[%dma_wait3A_737] : memref<320000xi32, #tpu.memory_space<hbm>> -> memref<80xi32, #tpu.memory_space<hbm>>
      %dma_wait3A_739 = tpu.memref_slice %arg27[%dma_wait3A_736] : memref<5x!tpu.dma_semaphore, #tpu.memory_space<semaphore_mem>> -> memref<1x!tpu.dma_semaphore, #tpu.memory_space<semaphore_mem>>
      %dma_wait3A_740 = tpu.memref_squeeze %dma_wait3A_739 : memref<1x!tpu.dma_semaphore, #tpu.memory_space<semaphore_mem>> -> memref<!tpu.dma_semaphore, #tpu.memory_space<semaphore_mem>>
      %dma_wait3A_741 = arith.constant 0 : i32
      %dma_wait3A_742 = tpu.memref_slice %arg4[%dma_wait3A_741] : memref<320000xi32, #tpu.memory_space<hbm>> -> memref<80xi32, #tpu.memory_space<hbm>>
      tpu.wait_dma2 semaphore(%dma_wait3A_740 : memref<!tpu.dma_semaphore, #tpu.memory_space<semaphore_mem>>) src(%dma_wait3A_742 : memref<80xi32, #tpu.memory_space<hbm>>) dst(%arg14 : memref<80xi32, #tpu.memory_space<vmem>>)
      "tpu.region"() ({
        %run_scoped3A = tpu.sem_alloc : memref<!tpu.dma_semaphore, #tpu.memory_space<semaphore_mem>>
        %dma_start3A_1204 = arith.constant 0 : i32
        %dma_start3A_1205 = arith.constant 0 : i32
        %dma_start3A_1206 = tpu.memref_slice %arg24[%dma_start3A_1204, %dma_start3A_1205] : memref<10112x128xf32, #tpu.memory_space<vmem_shared>> -> memref<10112x128xf32, #tpu.memory_space<vmem_shared>>
        tpu.enqueue_indirect_dma source(%arg21 : memref<80x128xf32, #tpu.memory_space<vmem>>) target(%dma_start3A_1206 : memref<10112x128xf32, #tpu.memory_space<vmem_shared>>) offsets(%arg14 : memref<80xi32, #tpu.memory_space<vmem>>) semaphore(%run_scoped3A : memref<!tpu.dma_semaphore, #tpu.memory_space<semaphore_mem>>) {add = true}
        %dma_wait3A_1207 = arith.constant 0 : i32
        %dma_wait3A_1208 = arith.constant 0 : i32
        %dma_wait3A_1209 = tpu.memref_slice %arg24[%dma_wait3A_1207, %dma_wait3A_1208] : memref<10112x128xf32, #tpu.memory_space<vmem_shared>> -> memref<10112x128xf32, #tpu.memory_space<vmem_shared>>
        tpu.wait_indirect_dma semaphore(%run_scoped3A : memref<!tpu.dma_semaphore, #tpu.memory_space<semaphore_mem>>) src(%arg21 : memref<80x128xf32, #tpu.memory_space<vmem>>) dst(%dma_wait3A_1209 : memref<10112x128xf32, #tpu.memory_space<vmem_shared>>)
        tpu.yield
      }) : () -> ()
      "tpu.region"() ({
        %run_scoped3A = tpu.sem_alloc : memref<!tpu.dma_semaphore, #tpu.memory_space<semaphore_mem>>
        %dma_start3A_1204 = arith.constant 0 : i32
        %dma_start3A_1205 = tpu.memref_slice %arg25[%dma_start3A_1204] : memref<10112xf32, #tpu.memory_space<vmem_shared>> -> memref<10112xf32, #tpu.memory_space<vmem_shared>>
        tpu.enqueue_indirect_dma source(%arg22 : memref<80xf32, #tpu.memory_space<vmem>>) target(%dma_start3A_1205 : memref<10112xf32, #tpu.memory_space<vmem_shared>>) offsets(%arg14 : memref<80xi32, #tpu.memory_space<vmem>>) semaphore(%run_scoped3A : memref<!tpu.dma_semaphore, #tpu.memory_space<semaphore_mem>>) {add = true}
        %dma_wait3A_1206 = arith.constant 0 : i32
        %dma_wait3A_1207 = tpu.memref_slice %arg25[%dma_wait3A_1206] : memref<10112xf32, #tpu.memory_space<vmem_shared>> -> memref<10112xf32, #tpu.memory_space<vmem_shared>>
        tpu.wait_indirect_dma semaphore(%run_scoped3A : memref<!tpu.dma_semaphore, #tpu.memory_space<semaphore_mem>>) src(%arg22 : memref<80xf32, #tpu.memory_space<vmem>>) dst(%dma_wait3A_1207 : memref<10112xf32, #tpu.memory_space<vmem_shared>>)
        tpu.yield
      }) : () -> ()
      %add3A_743 = arith.constant 4 : i32
      %add3A_744 = arith.addi %add3A_729, %add3A_743 : i32
      %mul3A_745 = arith.constant 80 : i32
      %mul3A_746 = arith.muli %add3A_744, %mul3A_745 : i32
      %add3A_747 = arith.addi %add3A, %mul3A_746 : i32
      %multiple_of3A_748 = tpu.assume_multiple %add3A_747, 8 : i32
      %dma_start3A_749 = arith.constant 0 : i32
      %dma_start3A_750 = tpu.memref_slice %arg3[%multiple_of3A_748] : memref<320000xi32, #tpu.memory_space<hbm>> -> memref<80xi32, #tpu.memory_space<hbm>>
      %dma_start3A_751 = tpu.memref_slice %arg26[%dma_start3A_749] : memref<5x!tpu.dma_semaphore, #tpu.memory_space<semaphore_mem>> -> memref<1x!tpu.dma_semaphore, #tpu.memory_space<semaphore_mem>>
      %dma_start3A_752 = tpu.memref_squeeze %dma_start3A_751 : memref<1x!tpu.dma_semaphore, #tpu.memory_space<semaphore_mem>> -> memref<!tpu.dma_semaphore, #tpu.memory_space<semaphore_mem>>
      %dma_start3A_753 = tpu.memref_slice %arg3[%multiple_of3A_748] : memref<320000xi32, #tpu.memory_space<hbm>> -> memref<80xi32, #tpu.memory_space<hbm>>
      tpu.enqueue_dma source(%dma_start3A_753 : memref<80xi32, #tpu.memory_space<hbm>>) target(%arg8 : memref<80xi32, #tpu.memory_space<vmem>>) target_semaphore(%dma_start3A_752 : memref<!tpu.dma_semaphore, #tpu.memory_space<semaphore_mem>>)
      %dma_start3A_754 = arith.constant 0 : i32
      %dma_start3A_755 = tpu.memref_slice %arg4[%multiple_of3A_748] : memref<320000xi32, #tpu.memory_space<hbm>> -> memref<80xi32, #tpu.memory_space<hbm>>
      %dma_start3A_756 = tpu.memref_slice %arg27[%dma_start3A_754] : memref<5x!tpu.dma_semaphore, #tpu.memory_space<semaphore_mem>> -> memref<1x!tpu.dma_semaphore, #tpu.memory_space<semaphore_mem>>
      %dma_start3A_757 = tpu.memref_squeeze %dma_start3A_756 : memref<1x!tpu.dma_semaphore, #tpu.memory_space<semaphore_mem>> -> memref<!tpu.dma_semaphore, #tpu.memory_space<semaphore_mem>>
      %dma_start3A_758 = tpu.memref_slice %arg4[%multiple_of3A_748] : memref<320000xi32, #tpu.memory_space<hbm>> -> memref<80xi32, #tpu.memory_space<hbm>>
      tpu.enqueue_dma source(%dma_start3A_758 : memref<80xi32, #tpu.memory_space<hbm>>) target(%arg13 : memref<80xi32, #tpu.memory_space<vmem>>) target_semaphore(%dma_start3A_757 : memref<!tpu.dma_semaphore, #tpu.memory_space<semaphore_mem>>)
      %dma_wait3A_759 = arith.constant 4 : i32
      %dma_wait3A_760 = arith.constant 0 : i32
      %dma_wait3A_761 = tpu.memref_slice %arg3[%dma_wait3A_760] : memref<320000xi32, #tpu.memory_space<hbm>> -> memref<80xi32, #tpu.memory_space<hbm>>
      %dma_wait3A_762 = tpu.memref_slice %arg26[%dma_wait3A_759] : memref<5x!tpu.dma_semaphore, #tpu.memory_space<semaphore_mem>> -> memref<1x!tpu.dma_semaphore, #tpu.memory_space<semaphore_mem>>
      %dma_wait3A_763 = tpu.memref_squeeze %dma_wait3A_762 : memref<1x!tpu.dma_semaphore, #tpu.memory_space<semaphore_mem>> -> memref<!tpu.dma_semaphore, #tpu.memory_space<semaphore_mem>>
      %dma_wait3A_764 = arith.constant 0 : i32
      %dma_wait3A_765 = tpu.memref_slice %arg3[%dma_wait3A_764] : memref<320000xi32, #tpu.memory_space<hbm>> -> memref<80xi32, #tpu.memory_space<hbm>>
      tpu.wait_dma2 semaphore(%dma_wait3A_763 : memref<!tpu.dma_semaphore, #tpu.memory_space<semaphore_mem>>) src(%dma_wait3A_765 : memref<80xi32, #tpu.memory_space<hbm>>) dst(%arg12 : memref<80xi32, #tpu.memory_space<vmem>>)
      %dma_start3A_766 = arith.constant 2 : i32
      %dma_start3A_767 = arith.constant 0 : i32
      %dma_start3A_768 = arith.constant 0 : i32
      %dma_start3A_769 = tpu.memref_slice %arg2[%dma_start3A_767, %dma_start3A_768] : memref<10000x128xf32, #tpu.memory_space<hbm>> -> memref<10000x128xf32, #tpu.memory_space<hbm>>
      %dma_start3A_770 = tpu.memref_slice %arg28[%dma_start3A_766] : memref<4x!tpu.dma_semaphore, #tpu.memory_space<semaphore_mem>> -> memref<1x!tpu.dma_semaphore, #tpu.memory_space<semaphore_mem>>
      %dma_start3A_771 = tpu.memref_squeeze %dma_start3A_770 : memref<1x!tpu.dma_semaphore, #tpu.memory_space<semaphore_mem>> -> memref<!tpu.dma_semaphore, #tpu.memory_space<semaphore_mem>>
      tpu.enqueue_indirect_dma source(%dma_start3A_769 : memref<10000x128xf32, #tpu.memory_space<hbm>>) target(%arg20 : memref<80x128xf32, #tpu.memory_space<vmem>>) offsets(%arg12 : memref<80xi32, #tpu.memory_space<vmem>>) semaphore(%dma_start3A_771 : memref<!tpu.dma_semaphore, #tpu.memory_space<semaphore_mem>>)
      %mul3A_772 = arith.constant 20 : i32
      %mul3A_773 = arith.muli %scan3A_243, %mul3A_772 : i32
      %add3A_774 = arith.constant 1 : i32
      %add3A_775 = arith.addi %add3A_774, %mul3A_773 : i32
      %add3A_776 = arith.constant 11 : i32
      %add3A_777 = arith.addi %add3A_775, %add3A_776 : i32
      %dma_wait3A_778 = arith.constant 0 : i32
      %dma_wait3A_779 = arith.constant 0 : i32
      %dma_wait3A_780 = arith.constant 0 : i32
      %dma_wait3A_781 = tpu.memref_slice %arg2[%dma_wait3A_779, %dma_wait3A_780] : memref<10000x128xf32, #tpu.memory_space<hbm>> -> memref<10000x128xf32, #tpu.memory_space<hbm>>
      %dma_wait3A_782 = tpu.memref_slice %arg28[%dma_wait3A_778] : memref<4x!tpu.dma_semaphore, #tpu.memory_space<semaphore_mem>> -> memref<1x!tpu.dma_semaphore, #tpu.memory_space<semaphore_mem>>
      %dma_wait3A_783 = tpu.memref_squeeze %dma_wait3A_782 : memref<1x!tpu.dma_semaphore, #tpu.memory_space<semaphore_mem>> -> memref<!tpu.dma_semaphore, #tpu.memory_space<semaphore_mem>>
      tpu.wait_indirect_dma semaphore(%dma_wait3A_783 : memref<!tpu.dma_semaphore, #tpu.memory_space<semaphore_mem>>) src(%dma_wait3A_781 : memref<10000x128xf32, #tpu.memory_space<hbm>>) dst(%arg18 : memref<80x128xf32, #tpu.memory_space<vmem>>)
      %dma_wait3A_784 = arith.constant 2 : i32
      %dma_wait3A_785 = arith.constant 0 : i32
      %dma_wait3A_786 = tpu.memref_slice %arg4[%dma_wait3A_785] : memref<320000xi32, #tpu.memory_space<hbm>> -> memref<80xi32, #tpu.memory_space<hbm>>
      %dma_wait3A_787 = tpu.memref_slice %arg27[%dma_wait3A_784] : memref<5x!tpu.dma_semaphore, #tpu.memory_space<semaphore_mem>> -> memref<1x!tpu.dma_semaphore, #tpu.memory_space<semaphore_mem>>
      %dma_wait3A_788 = tpu.memref_squeeze %dma_wait3A_787 : memref<1x!tpu.dma_semaphore, #tpu.memory_space<semaphore_mem>> -> memref<!tpu.dma_semaphore, #tpu.memory_space<semaphore_mem>>
      %dma_wait3A_789 = arith.constant 0 : i32
      %dma_wait3A_790 = tpu.memref_slice %arg4[%dma_wait3A_789] : memref<320000xi32, #tpu.memory_space<hbm>> -> memref<80xi32, #tpu.memory_space<hbm>>
      tpu.wait_dma2 semaphore(%dma_wait3A_788 : memref<!tpu.dma_semaphore, #tpu.memory_space<semaphore_mem>>) src(%dma_wait3A_790 : memref<80xi32, #tpu.memory_space<hbm>>) dst(%arg15 : memref<80xi32, #tpu.memory_space<vmem>>)
      "tpu.region"() ({
        %run_scoped3A = tpu.sem_alloc : memref<!tpu.dma_semaphore, #tpu.memory_space<semaphore_mem>>
        %dma_start3A_1204 = arith.constant 0 : i32
        %dma_start3A_1205 = arith.constant 0 : i32
        %dma_start3A_1206 = tpu.memref_slice %arg24[%dma_start3A_1204, %dma_start3A_1205] : memref<10112x128xf32, #tpu.memory_space<vmem_shared>> -> memref<10112x128xf32, #tpu.memory_space<vmem_shared>>
        tpu.enqueue_indirect_dma source(%arg18 : memref<80x128xf32, #tpu.memory_space<vmem>>) target(%dma_start3A_1206 : memref<10112x128xf32, #tpu.memory_space<vmem_shared>>) offsets(%arg15 : memref<80xi32, #tpu.memory_space<vmem>>) semaphore(%run_scoped3A : memref<!tpu.dma_semaphore, #tpu.memory_space<semaphore_mem>>) {add = true}
        %dma_wait3A_1207 = arith.constant 0 : i32
        %dma_wait3A_1208 = arith.constant 0 : i32
        %dma_wait3A_1209 = tpu.memref_slice %arg24[%dma_wait3A_1207, %dma_wait3A_1208] : memref<10112x128xf32, #tpu.memory_space<vmem_shared>> -> memref<10112x128xf32, #tpu.memory_space<vmem_shared>>
        tpu.wait_indirect_dma semaphore(%run_scoped3A : memref<!tpu.dma_semaphore, #tpu.memory_space<semaphore_mem>>) src(%arg18 : memref<80x128xf32, #tpu.memory_space<vmem>>) dst(%dma_wait3A_1209 : memref<10112x128xf32, #tpu.memory_space<vmem_shared>>)
        tpu.yield
      }) : () -> ()
      "tpu.region"() ({
        %run_scoped3A = tpu.sem_alloc : memref<!tpu.dma_semaphore, #tpu.memory_space<semaphore_mem>>
        %dma_start3A_1204 = arith.constant 0 : i32
        %dma_start3A_1205 = tpu.memref_slice %arg25[%dma_start3A_1204] : memref<10112xf32, #tpu.memory_space<vmem_shared>> -> memref<10112xf32, #tpu.memory_space<vmem_shared>>
        tpu.enqueue_indirect_dma source(%arg22 : memref<80xf32, #tpu.memory_space<vmem>>) target(%dma_start3A_1205 : memref<10112xf32, #tpu.memory_space<vmem_shared>>) offsets(%arg15 : memref<80xi32, #tpu.memory_space<vmem>>) semaphore(%run_scoped3A : memref<!tpu.dma_semaphore, #tpu.memory_space<semaphore_mem>>) {add = true}
        %dma_wait3A_1206 = arith.constant 0 : i32
        %dma_wait3A_1207 = tpu.memref_slice %arg25[%dma_wait3A_1206] : memref<10112xf32, #tpu.memory_space<vmem_shared>> -> memref<10112xf32, #tpu.memory_space<vmem_shared>>
        tpu.wait_indirect_dma semaphore(%run_scoped3A : memref<!tpu.dma_semaphore, #tpu.memory_space<semaphore_mem>>) src(%arg22 : memref<80xf32, #tpu.memory_space<vmem>>) dst(%dma_wait3A_1207 : memref<10112xf32, #tpu.memory_space<vmem_shared>>)
        tpu.yield
      }) : () -> ()
      %add3A_791 = arith.constant 4 : i32
      %add3A_792 = arith.addi %add3A_777, %add3A_791 : i32
      %mul3A_793 = arith.constant 80 : i32
      %mul3A_794 = arith.muli %add3A_792, %mul3A_793 : i32
      %add3A_795 = arith.addi %add3A, %mul3A_794 : i32
      %multiple_of3A_796 = tpu.assume_multiple %add3A_795, 8 : i32
      %dma_start3A_797 = arith.constant 1 : i32
      %dma_start3A_798 = tpu.memref_slice %arg3[%multiple_of3A_796] : memref<320000xi32, #tpu.memory_space<hbm>> -> memref<80xi32, #tpu.memory_space<hbm>>
      %dma_start3A_799 = tpu.memref_slice %arg26[%dma_start3A_797] : memref<5x!tpu.dma_semaphore, #tpu.memory_space<semaphore_mem>> -> memref<1x!tpu.dma_semaphore, #tpu.memory_space<semaphore_mem>>
      %dma_start3A_800 = tpu.memref_squeeze %dma_start3A_799 : memref<1x!tpu.dma_semaphore, #tpu.memory_space<semaphore_mem>> -> memref<!tpu.dma_semaphore, #tpu.memory_space<semaphore_mem>>
      %dma_start3A_801 = tpu.memref_slice %arg3[%multiple_of3A_796] : memref<320000xi32, #tpu.memory_space<hbm>> -> memref<80xi32, #tpu.memory_space<hbm>>
      tpu.enqueue_dma source(%dma_start3A_801 : memref<80xi32, #tpu.memory_space<hbm>>) target(%arg9 : memref<80xi32, #tpu.memory_space<vmem>>) target_semaphore(%dma_start3A_800 : memref<!tpu.dma_semaphore, #tpu.memory_space<semaphore_mem>>)
      %dma_start3A_802 = arith.constant 1 : i32
      %dma_start3A_803 = tpu.memref_slice %arg4[%multiple_of3A_796] : memref<320000xi32, #tpu.memory_space<hbm>> -> memref<80xi32, #tpu.memory_space<hbm>>
      %dma_start3A_804 = tpu.memref_slice %arg27[%dma_start3A_802] : memref<5x!tpu.dma_semaphore, #tpu.memory_space<semaphore_mem>> -> memref<1x!tpu.dma_semaphore, #tpu.memory_space<semaphore_mem>>
      %dma_start3A_805 = tpu.memref_squeeze %dma_start3A_804 : memref<1x!tpu.dma_semaphore, #tpu.memory_space<semaphore_mem>> -> memref<!tpu.dma_semaphore, #tpu.memory_space<semaphore_mem>>
      %dma_start3A_806 = tpu.memref_slice %arg4[%multiple_of3A_796] : memref<320000xi32, #tpu.memory_space<hbm>> -> memref<80xi32, #tpu.memory_space<hbm>>
      tpu.enqueue_dma source(%dma_start3A_806 : memref<80xi32, #tpu.memory_space<hbm>>) target(%arg14 : memref<80xi32, #tpu.memory_space<vmem>>) target_semaphore(%dma_start3A_805 : memref<!tpu.dma_semaphore, #tpu.memory_space<semaphore_mem>>)
      %dma_wait3A_807 = arith.constant 0 : i32
      %dma_wait3A_808 = arith.constant 0 : i32
      %dma_wait3A_809 = tpu.memref_slice %arg3[%dma_wait3A_808] : memref<320000xi32, #tpu.memory_space<hbm>> -> memref<80xi32, #tpu.memory_space<hbm>>
      %dma_wait3A_810 = tpu.memref_slice %arg26[%dma_wait3A_807] : memref<5x!tpu.dma_semaphore, #tpu.memory_space<semaphore_mem>> -> memref<1x!tpu.dma_semaphore, #tpu.memory_space<semaphore_mem>>
      %dma_wait3A_811 = tpu.memref_squeeze %dma_wait3A_810 : memref<1x!tpu.dma_semaphore, #tpu.memory_space<semaphore_mem>> -> memref<!tpu.dma_semaphore, #tpu.memory_space<semaphore_mem>>
      %dma_wait3A_812 = arith.constant 0 : i32
      %dma_wait3A_813 = tpu.memref_slice %arg3[%dma_wait3A_812] : memref<320000xi32, #tpu.memory_space<hbm>> -> memref<80xi32, #tpu.memory_space<hbm>>
      tpu.wait_dma2 semaphore(%dma_wait3A_811 : memref<!tpu.dma_semaphore, #tpu.memory_space<semaphore_mem>>) src(%dma_wait3A_813 : memref<80xi32, #tpu.memory_space<hbm>>) dst(%arg8 : memref<80xi32, #tpu.memory_space<vmem>>)
      %dma_start3A_814 = arith.constant 3 : i32
      %dma_start3A_815 = arith.constant 0 : i32
      %dma_start3A_816 = arith.constant 0 : i32
      %dma_start3A_817 = tpu.memref_slice %arg2[%dma_start3A_815, %dma_start3A_816] : memref<10000x128xf32, #tpu.memory_space<hbm>> -> memref<10000x128xf32, #tpu.memory_space<hbm>>
      %dma_start3A_818 = tpu.memref_slice %arg28[%dma_start3A_814] : memref<4x!tpu.dma_semaphore, #tpu.memory_space<semaphore_mem>> -> memref<1x!tpu.dma_semaphore, #tpu.memory_space<semaphore_mem>>
      %dma_start3A_819 = tpu.memref_squeeze %dma_start3A_818 : memref<1x!tpu.dma_semaphore, #tpu.memory_space<semaphore_mem>> -> memref<!tpu.dma_semaphore, #tpu.memory_space<semaphore_mem>>
      tpu.enqueue_indirect_dma source(%dma_start3A_817 : memref<10000x128xf32, #tpu.memory_space<hbm>>) target(%arg21 : memref<80x128xf32, #tpu.memory_space<vmem>>) offsets(%arg8 : memref<80xi32, #tpu.memory_space<vmem>>) semaphore(%dma_start3A_819 : memref<!tpu.dma_semaphore, #tpu.memory_space<semaphore_mem>>)
      %mul3A_820 = arith.constant 20 : i32
      %mul3A_821 = arith.muli %scan3A_243, %mul3A_820 : i32
      %add3A_822 = arith.constant 1 : i32
      %add3A_823 = arith.addi %add3A_822, %mul3A_821 : i32
      %add3A_824 = arith.constant 12 : i32
      %add3A_825 = arith.addi %add3A_823, %add3A_824 : i32
      %dma_wait3A_826 = arith.constant 1 : i32
      %dma_wait3A_827 = arith.constant 0 : i32
      %dma_wait3A_828 = arith.constant 0 : i32
      %dma_wait3A_829 = tpu.memref_slice %arg2[%dma_wait3A_827, %dma_wait3A_828] : memref<10000x128xf32, #tpu.memory_space<hbm>> -> memref<10000x128xf32, #tpu.memory_space<hbm>>
      %dma_wait3A_830 = tpu.memref_slice %arg28[%dma_wait3A_826] : memref<4x!tpu.dma_semaphore, #tpu.memory_space<semaphore_mem>> -> memref<1x!tpu.dma_semaphore, #tpu.memory_space<semaphore_mem>>
      %dma_wait3A_831 = tpu.memref_squeeze %dma_wait3A_830 : memref<1x!tpu.dma_semaphore, #tpu.memory_space<semaphore_mem>> -> memref<!tpu.dma_semaphore, #tpu.memory_space<semaphore_mem>>
      tpu.wait_indirect_dma semaphore(%dma_wait3A_831 : memref<!tpu.dma_semaphore, #tpu.memory_space<semaphore_mem>>) src(%dma_wait3A_829 : memref<10000x128xf32, #tpu.memory_space<hbm>>) dst(%arg19 : memref<80x128xf32, #tpu.memory_space<vmem>>)
      %dma_wait3A_832 = arith.constant 3 : i32
      %dma_wait3A_833 = arith.constant 0 : i32
      %dma_wait3A_834 = tpu.memref_slice %arg4[%dma_wait3A_833] : memref<320000xi32, #tpu.memory_space<hbm>> -> memref<80xi32, #tpu.memory_space<hbm>>
      %dma_wait3A_835 = tpu.memref_slice %arg27[%dma_wait3A_832] : memref<5x!tpu.dma_semaphore, #tpu.memory_space<semaphore_mem>> -> memref<1x!tpu.dma_semaphore, #tpu.memory_space<semaphore_mem>>
      %dma_wait3A_836 = tpu.memref_squeeze %dma_wait3A_835 : memref<1x!tpu.dma_semaphore, #tpu.memory_space<semaphore_mem>> -> memref<!tpu.dma_semaphore, #tpu.memory_space<semaphore_mem>>
      %dma_wait3A_837 = arith.constant 0 : i32
      %dma_wait3A_838 = tpu.memref_slice %arg4[%dma_wait3A_837] : memref<320000xi32, #tpu.memory_space<hbm>> -> memref<80xi32, #tpu.memory_space<hbm>>
      tpu.wait_dma2 semaphore(%dma_wait3A_836 : memref<!tpu.dma_semaphore, #tpu.memory_space<semaphore_mem>>) src(%dma_wait3A_838 : memref<80xi32, #tpu.memory_space<hbm>>) dst(%arg16 : memref<80xi32, #tpu.memory_space<vmem>>)
      "tpu.region"() ({
        %run_scoped3A = tpu.sem_alloc : memref<!tpu.dma_semaphore, #tpu.memory_space<semaphore_mem>>
        %dma_start3A_1204 = arith.constant 0 : i32
        %dma_start3A_1205 = arith.constant 0 : i32
        %dma_start3A_1206 = tpu.memref_slice %arg24[%dma_start3A_1204, %dma_start3A_1205] : memref<10112x128xf32, #tpu.memory_space<vmem_shared>> -> memref<10112x128xf32, #tpu.memory_space<vmem_shared>>
        tpu.enqueue_indirect_dma source(%arg19 : memref<80x128xf32, #tpu.memory_space<vmem>>) target(%dma_start3A_1206 : memref<10112x128xf32, #tpu.memory_space<vmem_shared>>) offsets(%arg16 : memref<80xi32, #tpu.memory_space<vmem>>) semaphore(%run_scoped3A : memref<!tpu.dma_semaphore, #tpu.memory_space<semaphore_mem>>) {add = true}
        %dma_wait3A_1207 = arith.constant 0 : i32
        %dma_wait3A_1208 = arith.constant 0 : i32
        %dma_wait3A_1209 = tpu.memref_slice %arg24[%dma_wait3A_1207, %dma_wait3A_1208] : memref<10112x128xf32, #tpu.memory_space<vmem_shared>> -> memref<10112x128xf32, #tpu.memory_space<vmem_shared>>
        tpu.wait_indirect_dma semaphore(%run_scoped3A : memref<!tpu.dma_semaphore, #tpu.memory_space<semaphore_mem>>) src(%arg19 : memref<80x128xf32, #tpu.memory_space<vmem>>) dst(%dma_wait3A_1209 : memref<10112x128xf32, #tpu.memory_space<vmem_shared>>)
        tpu.yield
      }) : () -> ()
      "tpu.region"() ({
        %run_scoped3A = tpu.sem_alloc : memref<!tpu.dma_semaphore, #tpu.memory_space<semaphore_mem>>
        %dma_start3A_1204 = arith.constant 0 : i32
        %dma_start3A_1205 = tpu.memref_slice %arg25[%dma_start3A_1204] : memref<10112xf32, #tpu.memory_space<vmem_shared>> -> memref<10112xf32, #tpu.memory_space<vmem_shared>>
        tpu.enqueue_indirect_dma source(%arg22 : memref<80xf32, #tpu.memory_space<vmem>>) target(%dma_start3A_1205 : memref<10112xf32, #tpu.memory_space<vmem_shared>>) offsets(%arg16 : memref<80xi32, #tpu.memory_space<vmem>>) semaphore(%run_scoped3A : memref<!tpu.dma_semaphore, #tpu.memory_space<semaphore_mem>>) {add = true}
        %dma_wait3A_1206 = arith.constant 0 : i32
        %dma_wait3A_1207 = tpu.memref_slice %arg25[%dma_wait3A_1206] : memref<10112xf32, #tpu.memory_space<vmem_shared>> -> memref<10112xf32, #tpu.memory_space<vmem_shared>>
        tpu.wait_indirect_dma semaphore(%run_scoped3A : memref<!tpu.dma_semaphore, #tpu.memory_space<semaphore_mem>>) src(%arg22 : memref<80xf32, #tpu.memory_space<vmem>>) dst(%dma_wait3A_1207 : memref<10112xf32, #tpu.memory_space<vmem_shared>>)
        tpu.yield
      }) : () -> ()
      %add3A_839 = arith.constant 4 : i32
      %add3A_840 = arith.addi %add3A_825, %add3A_839 : i32
      %mul3A_841 = arith.constant 80 : i32
      %mul3A_842 = arith.muli %add3A_840, %mul3A_841 : i32
      %add3A_843 = arith.addi %add3A, %mul3A_842 : i32
      %multiple_of3A_844 = tpu.assume_multiple %add3A_843, 8 : i32
      %dma_start3A_845 = arith.constant 2 : i32
      %dma_start3A_846 = tpu.memref_slice %arg3[%multiple_of3A_844] : memref<320000xi32, #tpu.memory_space<hbm>> -> memref<80xi32, #tpu.memory_space<hbm>>
      %dma_start3A_847 = tpu.memref_slice %arg26[%dma_start3A_845] : memref<5x!tpu.dma_semaphore, #tpu.memory_space<semaphore_mem>> -> memref<1x!tpu.dma_semaphore, #tpu.memory_space<semaphore_mem>>
      %dma_start3A_848 = tpu.memref_squeeze %dma_start3A_847 : memref<1x!tpu.dma_semaphore, #tpu.memory_space<semaphore_mem>> -> memref<!tpu.dma_semaphore, #tpu.memory_space<semaphore_mem>>
      %dma_start3A_849 = tpu.memref_slice %arg3[%multiple_of3A_844] : memref<320000xi32, #tpu.memory_space<hbm>> -> memref<80xi32, #tpu.memory_space<hbm>>
      tpu.enqueue_dma source(%dma_start3A_849 : memref<80xi32, #tpu.memory_space<hbm>>) target(%arg10 : memref<80xi32, #tpu.memory_space<vmem>>) target_semaphore(%dma_start3A_848 : memref<!tpu.dma_semaphore, #tpu.memory_space<semaphore_mem>>)
      %dma_start3A_850 = arith.constant 2 : i32
      %dma_start3A_851 = tpu.memref_slice %arg4[%multiple_of3A_844] : memref<320000xi32, #tpu.memory_space<hbm>> -> memref<80xi32, #tpu.memory_space<hbm>>
      %dma_start3A_852 = tpu.memref_slice %arg27[%dma_start3A_850] : memref<5x!tpu.dma_semaphore, #tpu.memory_space<semaphore_mem>> -> memref<1x!tpu.dma_semaphore, #tpu.memory_space<semaphore_mem>>
      %dma_start3A_853 = tpu.memref_squeeze %dma_start3A_852 : memref<1x!tpu.dma_semaphore, #tpu.memory_space<semaphore_mem>> -> memref<!tpu.dma_semaphore, #tpu.memory_space<semaphore_mem>>
      %dma_start3A_854 = tpu.memref_slice %arg4[%multiple_of3A_844] : memref<320000xi32, #tpu.memory_space<hbm>> -> memref<80xi32, #tpu.memory_space<hbm>>
      tpu.enqueue_dma source(%dma_start3A_854 : memref<80xi32, #tpu.memory_space<hbm>>) target(%arg15 : memref<80xi32, #tpu.memory_space<vmem>>) target_semaphore(%dma_start3A_853 : memref<!tpu.dma_semaphore, #tpu.memory_space<semaphore_mem>>)
      %dma_wait3A_855 = arith.constant 1 : i32
      %dma_wait3A_856 = arith.constant 0 : i32
      %dma_wait3A_857 = tpu.memref_slice %arg3[%dma_wait3A_856] : memref<320000xi32, #tpu.memory_space<hbm>> -> memref<80xi32, #tpu.memory_space<hbm>>
      %dma_wait3A_858 = tpu.memref_slice %arg26[%dma_wait3A_855] : memref<5x!tpu.dma_semaphore, #tpu.memory_space<semaphore_mem>> -> memref<1x!tpu.dma_semaphore, #tpu.memory_space<semaphore_mem>>
      %dma_wait3A_859 = tpu.memref_squeeze %dma_wait3A_858 : memref<1x!tpu.dma_semaphore, #tpu.memory_space<semaphore_mem>> -> memref<!tpu.dma_semaphore, #tpu.memory_space<semaphore_mem>>
      %dma_wait3A_860 = arith.constant 0 : i32
      %dma_wait3A_861 = tpu.memref_slice %arg3[%dma_wait3A_860] : memref<320000xi32, #tpu.memory_space<hbm>> -> memref<80xi32, #tpu.memory_space<hbm>>
      tpu.wait_dma2 semaphore(%dma_wait3A_859 : memref<!tpu.dma_semaphore, #tpu.memory_space<semaphore_mem>>) src(%dma_wait3A_861 : memref<80xi32, #tpu.memory_space<hbm>>) dst(%arg9 : memref<80xi32, #tpu.memory_space<vmem>>)
      %dma_start3A_862 = arith.constant 0 : i32
      %dma_start3A_863 = arith.constant 0 : i32
      %dma_start3A_864 = arith.constant 0 : i32
      %dma_start3A_865 = tpu.memref_slice %arg2[%dma_start3A_863, %dma_start3A_864] : memref<10000x128xf32, #tpu.memory_space<hbm>> -> memref<10000x128xf32, #tpu.memory_space<hbm>>
      %dma_start3A_866 = tpu.memref_slice %arg28[%dma_start3A_862] : memref<4x!tpu.dma_semaphore, #tpu.memory_space<semaphore_mem>> -> memref<1x!tpu.dma_semaphore, #tpu.memory_space<semaphore_mem>>
      %dma_start3A_867 = tpu.memref_squeeze %dma_start3A_866 : memref<1x!tpu.dma_semaphore, #tpu.memory_space<semaphore_mem>> -> memref<!tpu.dma_semaphore, #tpu.memory_space<semaphore_mem>>
      tpu.enqueue_indirect_dma source(%dma_start3A_865 : memref<10000x128xf32, #tpu.memory_space<hbm>>) target(%arg18 : memref<80x128xf32, #tpu.memory_space<vmem>>) offsets(%arg9 : memref<80xi32, #tpu.memory_space<vmem>>) semaphore(%dma_start3A_867 : memref<!tpu.dma_semaphore, #tpu.memory_space<semaphore_mem>>)
      %mul3A_868 = arith.constant 20 : i32
      %mul3A_869 = arith.muli %scan3A_243, %mul3A_868 : i32
      %add3A_870 = arith.constant 1 : i32
      %add3A_871 = arith.addi %add3A_870, %mul3A_869 : i32
      %add3A_872 = arith.constant 13 : i32
      %add3A_873 = arith.addi %add3A_871, %add3A_872 : i32
      %dma_wait3A_874 = arith.constant 2 : i32
      %dma_wait3A_875 = arith.constant 0 : i32
      %dma_wait3A_876 = arith.constant 0 : i32
      %dma_wait3A_877 = tpu.memref_slice %arg2[%dma_wait3A_875, %dma_wait3A_876] : memref<10000x128xf32, #tpu.memory_space<hbm>> -> memref<10000x128xf32, #tpu.memory_space<hbm>>
      %dma_wait3A_878 = tpu.memref_slice %arg28[%dma_wait3A_874] : memref<4x!tpu.dma_semaphore, #tpu.memory_space<semaphore_mem>> -> memref<1x!tpu.dma_semaphore, #tpu.memory_space<semaphore_mem>>
      %dma_wait3A_879 = tpu.memref_squeeze %dma_wait3A_878 : memref<1x!tpu.dma_semaphore, #tpu.memory_space<semaphore_mem>> -> memref<!tpu.dma_semaphore, #tpu.memory_space<semaphore_mem>>
      tpu.wait_indirect_dma semaphore(%dma_wait3A_879 : memref<!tpu.dma_semaphore, #tpu.memory_space<semaphore_mem>>) src(%dma_wait3A_877 : memref<10000x128xf32, #tpu.memory_space<hbm>>) dst(%arg20 : memref<80x128xf32, #tpu.memory_space<vmem>>)
      %dma_wait3A_880 = arith.constant 4 : i32
      %dma_wait3A_881 = arith.constant 0 : i32
      %dma_wait3A_882 = tpu.memref_slice %arg4[%dma_wait3A_881] : memref<320000xi32, #tpu.memory_space<hbm>> -> memref<80xi32, #tpu.memory_space<hbm>>
      %dma_wait3A_883 = tpu.memref_slice %arg27[%dma_wait3A_880] : memref<5x!tpu.dma_semaphore, #tpu.memory_space<semaphore_mem>> -> memref<1x!tpu.dma_semaphore, #tpu.memory_space<semaphore_mem>>
      %dma_wait3A_884 = tpu.memref_squeeze %dma_wait3A_883 : memref<1x!tpu.dma_semaphore, #tpu.memory_space<semaphore_mem>> -> memref<!tpu.dma_semaphore, #tpu.memory_space<semaphore_mem>>
      %dma_wait3A_885 = arith.constant 0 : i32
      %dma_wait3A_886 = tpu.memref_slice %arg4[%dma_wait3A_885] : memref<320000xi32, #tpu.memory_space<hbm>> -> memref<80xi32, #tpu.memory_space<hbm>>
      tpu.wait_dma2 semaphore(%dma_wait3A_884 : memref<!tpu.dma_semaphore, #tpu.memory_space<semaphore_mem>>) src(%dma_wait3A_886 : memref<80xi32, #tpu.memory_space<hbm>>) dst(%arg17 : memref<80xi32, #tpu.memory_space<vmem>>)
      "tpu.region"() ({
        %run_scoped3A = tpu.sem_alloc : memref<!tpu.dma_semaphore, #tpu.memory_space<semaphore_mem>>
        %dma_start3A_1204 = arith.constant 0 : i32
        %dma_start3A_1205 = arith.constant 0 : i32
        %dma_start3A_1206 = tpu.memref_slice %arg24[%dma_start3A_1204, %dma_start3A_1205] : memref<10112x128xf32, #tpu.memory_space<vmem_shared>> -> memref<10112x128xf32, #tpu.memory_space<vmem_shared>>
        tpu.enqueue_indirect_dma source(%arg20 : memref<80x128xf32, #tpu.memory_space<vmem>>) target(%dma_start3A_1206 : memref<10112x128xf32, #tpu.memory_space<vmem_shared>>) offsets(%arg17 : memref<80xi32, #tpu.memory_space<vmem>>) semaphore(%run_scoped3A : memref<!tpu.dma_semaphore, #tpu.memory_space<semaphore_mem>>) {add = true}
        %dma_wait3A_1207 = arith.constant 0 : i32
        %dma_wait3A_1208 = arith.constant 0 : i32
        %dma_wait3A_1209 = tpu.memref_slice %arg24[%dma_wait3A_1207, %dma_wait3A_1208] : memref<10112x128xf32, #tpu.memory_space<vmem_shared>> -> memref<10112x128xf32, #tpu.memory_space<vmem_shared>>
        tpu.wait_indirect_dma semaphore(%run_scoped3A : memref<!tpu.dma_semaphore, #tpu.memory_space<semaphore_mem>>) src(%arg20 : memref<80x128xf32, #tpu.memory_space<vmem>>) dst(%dma_wait3A_1209 : memref<10112x128xf32, #tpu.memory_space<vmem_shared>>)
        tpu.yield
      }) : () -> ()
      "tpu.region"() ({
        %run_scoped3A = tpu.sem_alloc : memref<!tpu.dma_semaphore, #tpu.memory_space<semaphore_mem>>
        %dma_start3A_1204 = arith.constant 0 : i32
        %dma_start3A_1205 = tpu.memref_slice %arg25[%dma_start3A_1204] : memref<10112xf32, #tpu.memory_space<vmem_shared>> -> memref<10112xf32, #tpu.memory_space<vmem_shared>>
        tpu.enqueue_indirect_dma source(%arg22 : memref<80xf32, #tpu.memory_space<vmem>>) target(%dma_start3A_1205 : memref<10112xf32, #tpu.memory_space<vmem_shared>>) offsets(%arg17 : memref<80xi32, #tpu.memory_space<vmem>>) semaphore(%run_scoped3A : memref<!tpu.dma_semaphore, #tpu.memory_space<semaphore_mem>>) {add = true}
        %dma_wait3A_1206 = arith.constant 0 : i32
        %dma_wait3A_1207 = tpu.memref_slice %arg25[%dma_wait3A_1206] : memref<10112xf32, #tpu.memory_space<vmem_shared>> -> memref<10112xf32, #tpu.memory_space<vmem_shared>>
        tpu.wait_indirect_dma semaphore(%run_scoped3A : memref<!tpu.dma_semaphore, #tpu.memory_space<semaphore_mem>>) src(%arg22 : memref<80xf32, #tpu.memory_space<vmem>>) dst(%dma_wait3A_1207 : memref<10112xf32, #tpu.memory_space<vmem_shared>>)
        tpu.yield
      }) : () -> ()
      %add3A_887 = arith.constant 4 : i32
      %add3A_888 = arith.addi %add3A_873, %add3A_887 : i32
      %mul3A_889 = arith.constant 80 : i32
      %mul3A_890 = arith.muli %add3A_888, %mul3A_889 : i32
      %add3A_891 = arith.addi %add3A, %mul3A_890 : i32
      %multiple_of3A_892 = tpu.assume_multiple %add3A_891, 8 : i32
      %dma_start3A_893 = arith.constant 3 : i32
      %dma_start3A_894 = tpu.memref_slice %arg3[%multiple_of3A_892] : memref<320000xi32, #tpu.memory_space<hbm>> -> memref<80xi32, #tpu.memory_space<hbm>>
      %dma_start3A_895 = tpu.memref_slice %arg26[%dma_start3A_893] : memref<5x!tpu.dma_semaphore, #tpu.memory_space<semaphore_mem>> -> memref<1x!tpu.dma_semaphore, #tpu.memory_space<semaphore_mem>>
      %dma_start3A_896 = tpu.memref_squeeze %dma_start3A_895 : memref<1x!tpu.dma_semaphore, #tpu.memory_space<semaphore_mem>> -> memref<!tpu.dma_semaphore, #tpu.memory_space<semaphore_mem>>
      %dma_start3A_897 = tpu.memref_slice %arg3[%multiple_of3A_892] : memref<320000xi32, #tpu.memory_space<hbm>> -> memref<80xi32, #tpu.memory_space<hbm>>
      tpu.enqueue_dma source(%dma_start3A_897 : memref<80xi32, #tpu.memory_space<hbm>>) target(%arg11 : memref<80xi32, #tpu.memory_space<vmem>>) target_semaphore(%dma_start3A_896 : memref<!tpu.dma_semaphore, #tpu.memory_space<semaphore_mem>>)
      %dma_start3A_898 = arith.constant 3 : i32
      %dma_start3A_899 = tpu.memref_slice %arg4[%multiple_of3A_892] : memref<320000xi32, #tpu.memory_space<hbm>> -> memref<80xi32, #tpu.memory_space<hbm>>
      %dma_start3A_900 = tpu.memref_slice %arg27[%dma_start3A_898] : memref<5x!tpu.dma_semaphore, #tpu.memory_space<semaphore_mem>> -> memref<1x!tpu.dma_semaphore, #tpu.memory_space<semaphore_mem>>
      %dma_start3A_901 = tpu.memref_squeeze %dma_start3A_900 : memref<1x!tpu.dma_semaphore, #tpu.memory_space<semaphore_mem>> -> memref<!tpu.dma_semaphore, #tpu.memory_space<semaphore_mem>>
      %dma_start3A_902 = tpu.memref_slice %arg4[%multiple_of3A_892] : memref<320000xi32, #tpu.memory_space<hbm>> -> memref<80xi32, #tpu.memory_space<hbm>>
      tpu.enqueue_dma source(%dma_start3A_902 : memref<80xi32, #tpu.memory_space<hbm>>) target(%arg16 : memref<80xi32, #tpu.memory_space<vmem>>) target_semaphore(%dma_start3A_901 : memref<!tpu.dma_semaphore, #tpu.memory_space<semaphore_mem>>)
      %dma_wait3A_903 = arith.constant 2 : i32
      %dma_wait3A_904 = arith.constant 0 : i32
      %dma_wait3A_905 = tpu.memref_slice %arg3[%dma_wait3A_904] : memref<320000xi32, #tpu.memory_space<hbm>> -> memref<80xi32, #tpu.memory_space<hbm>>
      %dma_wait3A_906 = tpu.memref_slice %arg26[%dma_wait3A_903] : memref<5x!tpu.dma_semaphore, #tpu.memory_space<semaphore_mem>> -> memref<1x!tpu.dma_semaphore, #tpu.memory_space<semaphore_mem>>
      %dma_wait3A_907 = tpu.memref_squeeze %dma_wait3A_906 : memref<1x!tpu.dma_semaphore, #tpu.memory_space<semaphore_mem>> -> memref<!tpu.dma_semaphore, #tpu.memory_space<semaphore_mem>>
      %dma_wait3A_908 = arith.constant 0 : i32
      %dma_wait3A_909 = tpu.memref_slice %arg3[%dma_wait3A_908] : memref<320000xi32, #tpu.memory_space<hbm>> -> memref<80xi32, #tpu.memory_space<hbm>>
      tpu.wait_dma2 semaphore(%dma_wait3A_907 : memref<!tpu.dma_semaphore, #tpu.memory_space<semaphore_mem>>) src(%dma_wait3A_909 : memref<80xi32, #tpu.memory_space<hbm>>) dst(%arg10 : memref<80xi32, #tpu.memory_space<vmem>>)
      %dma_start3A_910 = arith.constant 1 : i32
      %dma_start3A_911 = arith.constant 0 : i32
      %dma_start3A_912 = arith.constant 0 : i32
      %dma_start3A_913 = tpu.memref_slice %arg2[%dma_start3A_911, %dma_start3A_912] : memref<10000x128xf32, #tpu.memory_space<hbm>> -> memref<10000x128xf32, #tpu.memory_space<hbm>>
      %dma_start3A_914 = tpu.memref_slice %arg28[%dma_start3A_910] : memref<4x!tpu.dma_semaphore, #tpu.memory_space<semaphore_mem>> -> memref<1x!tpu.dma_semaphore, #tpu.memory_space<semaphore_mem>>
      %dma_start3A_915 = tpu.memref_squeeze %dma_start3A_914 : memref<1x!tpu.dma_semaphore, #tpu.memory_space<semaphore_mem>> -> memref<!tpu.dma_semaphore, #tpu.memory_space<semaphore_mem>>
      tpu.enqueue_indirect_dma source(%dma_start3A_913 : memref<10000x128xf32, #tpu.memory_space<hbm>>) target(%arg19 : memref<80x128xf32, #tpu.memory_space<vmem>>) offsets(%arg10 : memref<80xi32, #tpu.memory_space<vmem>>) semaphore(%dma_start3A_915 : memref<!tpu.dma_semaphore, #tpu.memory_space<semaphore_mem>>)
      %mul3A_916 = arith.constant 20 : i32
      %mul3A_917 = arith.muli %scan3A_243, %mul3A_916 : i32
      %add3A_918 = arith.constant 1 : i32
      %add3A_919 = arith.addi %add3A_918, %mul3A_917 : i32
      %add3A_920 = arith.constant 14 : i32
      %add3A_921 = arith.addi %add3A_919, %add3A_920 : i32
      %dma_wait3A_922 = arith.constant 3 : i32
      %dma_wait3A_923 = arith.constant 0 : i32
      %dma_wait3A_924 = arith.constant 0 : i32
      %dma_wait3A_925 = tpu.memref_slice %arg2[%dma_wait3A_923, %dma_wait3A_924] : memref<10000x128xf32, #tpu.memory_space<hbm>> -> memref<10000x128xf32, #tpu.memory_space<hbm>>
      %dma_wait3A_926 = tpu.memref_slice %arg28[%dma_wait3A_922] : memref<4x!tpu.dma_semaphore, #tpu.memory_space<semaphore_mem>> -> memref<1x!tpu.dma_semaphore, #tpu.memory_space<semaphore_mem>>
      %dma_wait3A_927 = tpu.memref_squeeze %dma_wait3A_926 : memref<1x!tpu.dma_semaphore, #tpu.memory_space<semaphore_mem>> -> memref<!tpu.dma_semaphore, #tpu.memory_space<semaphore_mem>>
      tpu.wait_indirect_dma semaphore(%dma_wait3A_927 : memref<!tpu.dma_semaphore, #tpu.memory_space<semaphore_mem>>) src(%dma_wait3A_925 : memref<10000x128xf32, #tpu.memory_space<hbm>>) dst(%arg21 : memref<80x128xf32, #tpu.memory_space<vmem>>)
      %dma_wait3A_928 = arith.constant 0 : i32
      %dma_wait3A_929 = arith.constant 0 : i32
      %dma_wait3A_930 = tpu.memref_slice %arg4[%dma_wait3A_929] : memref<320000xi32, #tpu.memory_space<hbm>> -> memref<80xi32, #tpu.memory_space<hbm>>
      %dma_wait3A_931 = tpu.memref_slice %arg27[%dma_wait3A_928] : memref<5x!tpu.dma_semaphore, #tpu.memory_space<semaphore_mem>> -> memref<1x!tpu.dma_semaphore, #tpu.memory_space<semaphore_mem>>
      %dma_wait3A_932 = tpu.memref_squeeze %dma_wait3A_931 : memref<1x!tpu.dma_semaphore, #tpu.memory_space<semaphore_mem>> -> memref<!tpu.dma_semaphore, #tpu.memory_space<semaphore_mem>>
      %dma_wait3A_933 = arith.constant 0 : i32
      %dma_wait3A_934 = tpu.memref_slice %arg4[%dma_wait3A_933] : memref<320000xi32, #tpu.memory_space<hbm>> -> memref<80xi32, #tpu.memory_space<hbm>>
      tpu.wait_dma2 semaphore(%dma_wait3A_932 : memref<!tpu.dma_semaphore, #tpu.memory_space<semaphore_mem>>) src(%dma_wait3A_934 : memref<80xi32, #tpu.memory_space<hbm>>) dst(%arg13 : memref<80xi32, #tpu.memory_space<vmem>>)
      "tpu.region"() ({
        %run_scoped3A = tpu.sem_alloc : memref<!tpu.dma_semaphore, #tpu.memory_space<semaphore_mem>>
        %dma_start3A_1204 = arith.constant 0 : i32
        %dma_start3A_1205 = arith.constant 0 : i32
        %dma_start3A_1206 = tpu.memref_slice %arg24[%dma_start3A_1204, %dma_start3A_1205] : memref<10112x128xf32, #tpu.memory_space<vmem_shared>> -> memref<10112x128xf32, #tpu.memory_space<vmem_shared>>
        tpu.enqueue_indirect_dma source(%arg21 : memref<80x128xf32, #tpu.memory_space<vmem>>) target(%dma_start3A_1206 : memref<10112x128xf32, #tpu.memory_space<vmem_shared>>) offsets(%arg13 : memref<80xi32, #tpu.memory_space<vmem>>) semaphore(%run_scoped3A : memref<!tpu.dma_semaphore, #tpu.memory_space<semaphore_mem>>) {add = true}
        %dma_wait3A_1207 = arith.constant 0 : i32
        %dma_wait3A_1208 = arith.constant 0 : i32
        %dma_wait3A_1209 = tpu.memref_slice %arg24[%dma_wait3A_1207, %dma_wait3A_1208] : memref<10112x128xf32, #tpu.memory_space<vmem_shared>> -> memref<10112x128xf32, #tpu.memory_space<vmem_shared>>
        tpu.wait_indirect_dma semaphore(%run_scoped3A : memref<!tpu.dma_semaphore, #tpu.memory_space<semaphore_mem>>) src(%arg21 : memref<80x128xf32, #tpu.memory_space<vmem>>) dst(%dma_wait3A_1209 : memref<10112x128xf32, #tpu.memory_space<vmem_shared>>)
        tpu.yield
      }) : () -> ()
      "tpu.region"() ({
        %run_scoped3A = tpu.sem_alloc : memref<!tpu.dma_semaphore, #tpu.memory_space<semaphore_mem>>
        %dma_start3A_1204 = arith.constant 0 : i32
        %dma_start3A_1205 = tpu.memref_slice %arg25[%dma_start3A_1204] : memref<10112xf32, #tpu.memory_space<vmem_shared>> -> memref<10112xf32, #tpu.memory_space<vmem_shared>>
        tpu.enqueue_indirect_dma source(%arg22 : memref<80xf32, #tpu.memory_space<vmem>>) target(%dma_start3A_1205 : memref<10112xf32, #tpu.memory_space<vmem_shared>>) offsets(%arg13 : memref<80xi32, #tpu.memory_space<vmem>>) semaphore(%run_scoped3A : memref<!tpu.dma_semaphore, #tpu.memory_space<semaphore_mem>>) {add = true}
        %dma_wait3A_1206 = arith.constant 0 : i32
        %dma_wait3A_1207 = tpu.memref_slice %arg25[%dma_wait3A_1206] : memref<10112xf32, #tpu.memory_space<vmem_shared>> -> memref<10112xf32, #tpu.memory_space<vmem_shared>>
        tpu.wait_indirect_dma semaphore(%run_scoped3A : memref<!tpu.dma_semaphore, #tpu.memory_space<semaphore_mem>>) src(%arg22 : memref<80xf32, #tpu.memory_space<vmem>>) dst(%dma_wait3A_1207 : memref<10112xf32, #tpu.memory_space<vmem_shared>>)
        tpu.yield
      }) : () -> ()
      %add3A_935 = arith.constant 4 : i32
      %add3A_936 = arith.addi %add3A_921, %add3A_935 : i32
      %mul3A_937 = arith.constant 80 : i32
      %mul3A_938 = arith.muli %add3A_936, %mul3A_937 : i32
      %add3A_939 = arith.addi %add3A, %mul3A_938 : i32
      %multiple_of3A_940 = tpu.assume_multiple %add3A_939, 8 : i32
      %dma_start3A_941 = arith.constant 4 : i32
      %dma_start3A_942 = tpu.memref_slice %arg3[%multiple_of3A_940] : memref<320000xi32, #tpu.memory_space<hbm>> -> memref<80xi32, #tpu.memory_space<hbm>>
      %dma_start3A_943 = tpu.memref_slice %arg26[%dma_start3A_941] : memref<5x!tpu.dma_semaphore, #tpu.memory_space<semaphore_mem>> -> memref<1x!tpu.dma_semaphore, #tpu.memory_space<semaphore_mem>>
      %dma_start3A_944 = tpu.memref_squeeze %dma_start3A_943 : memref<1x!tpu.dma_semaphore, #tpu.memory_space<semaphore_mem>> -> memref<!tpu.dma_semaphore, #tpu.memory_space<semaphore_mem>>
      %dma_start3A_945 = tpu.memref_slice %arg3[%multiple_of3A_940] : memref<320000xi32, #tpu.memory_space<hbm>> -> memref<80xi32, #tpu.memory_space<hbm>>
      tpu.enqueue_dma source(%dma_start3A_945 : memref<80xi32, #tpu.memory_space<hbm>>) target(%arg12 : memref<80xi32, #tpu.memory_space<vmem>>) target_semaphore(%dma_start3A_944 : memref<!tpu.dma_semaphore, #tpu.memory_space<semaphore_mem>>)
      %dma_start3A_946 = arith.constant 4 : i32
      %dma_start3A_947 = tpu.memref_slice %arg4[%multiple_of3A_940] : memref<320000xi32, #tpu.memory_space<hbm>> -> memref<80xi32, #tpu.memory_space<hbm>>
      %dma_start3A_948 = tpu.memref_slice %arg27[%dma_start3A_946] : memref<5x!tpu.dma_semaphore, #tpu.memory_space<semaphore_mem>> -> memref<1x!tpu.dma_semaphore, #tpu.memory_space<semaphore_mem>>
      %dma_start3A_949 = tpu.memref_squeeze %dma_start3A_948 : memref<1x!tpu.dma_semaphore, #tpu.memory_space<semaphore_mem>> -> memref<!tpu.dma_semaphore, #tpu.memory_space<semaphore_mem>>
      %dma_start3A_950 = tpu.memref_slice %arg4[%multiple_of3A_940] : memref<320000xi32, #tpu.memory_space<hbm>> -> memref<80xi32, #tpu.memory_space<hbm>>
      tpu.enqueue_dma source(%dma_start3A_950 : memref<80xi32, #tpu.memory_space<hbm>>) target(%arg17 : memref<80xi32, #tpu.memory_space<vmem>>) target_semaphore(%dma_start3A_949 : memref<!tpu.dma_semaphore, #tpu.memory_space<semaphore_mem>>)
      %dma_wait3A_951 = arith.constant 3 : i32
      %dma_wait3A_952 = arith.constant 0 : i32
      %dma_wait3A_953 = tpu.memref_slice %arg3[%dma_wait3A_952] : memref<320000xi32, #tpu.memory_space<hbm>> -> memref<80xi32, #tpu.memory_space<hbm>>
      %dma_wait3A_954 = tpu.memref_slice %arg26[%dma_wait3A_951] : memref<5x!tpu.dma_semaphore, #tpu.memory_space<semaphore_mem>> -> memref<1x!tpu.dma_semaphore, #tpu.memory_space<semaphore_mem>>
      %dma_wait3A_955 = tpu.memref_squeeze %dma_wait3A_954 : memref<1x!tpu.dma_semaphore, #tpu.memory_space<semaphore_mem>> -> memref<!tpu.dma_semaphore, #tpu.memory_space<semaphore_mem>>
      %dma_wait3A_956 = arith.constant 0 : i32
      %dma_wait3A_957 = tpu.memref_slice %arg3[%dma_wait3A_956] : memref<320000xi32, #tpu.memory_space<hbm>> -> memref<80xi32, #tpu.memory_space<hbm>>
      tpu.wait_dma2 semaphore(%dma_wait3A_955 : memref<!tpu.dma_semaphore, #tpu.memory_space<semaphore_mem>>) src(%dma_wait3A_957 : memref<80xi32, #tpu.memory_space<hbm>>) dst(%arg11 : memref<80xi32, #tpu.memory_space<vmem>>)
      %dma_start3A_958 = arith.constant 2 : i32
      %dma_start3A_959 = arith.constant 0 : i32
      %dma_start3A_960 = arith.constant 0 : i32
      %dma_start3A_961 = tpu.memref_slice %arg2[%dma_start3A_959, %dma_start3A_960] : memref<10000x128xf32, #tpu.memory_space<hbm>> -> memref<10000x128xf32, #tpu.memory_space<hbm>>
      %dma_start3A_962 = tpu.memref_slice %arg28[%dma_start3A_958] : memref<4x!tpu.dma_semaphore, #tpu.memory_space<semaphore_mem>> -> memref<1x!tpu.dma_semaphore, #tpu.memory_space<semaphore_mem>>
      %dma_start3A_963 = tpu.memref_squeeze %dma_start3A_962 : memref<1x!tpu.dma_semaphore, #tpu.memory_space<semaphore_mem>> -> memref<!tpu.dma_semaphore, #tpu.memory_space<semaphore_mem>>
      tpu.enqueue_indirect_dma source(%dma_start3A_961 : memref<10000x128xf32, #tpu.memory_space<hbm>>) target(%arg20 : memref<80x128xf32, #tpu.memory_space<vmem>>) offsets(%arg11 : memref<80xi32, #tpu.memory_space<vmem>>) semaphore(%dma_start3A_963 : memref<!tpu.dma_semaphore, #tpu.memory_space<semaphore_mem>>)
      %mul3A_964 = arith.constant 20 : i32
      %mul3A_965 = arith.muli %scan3A_243, %mul3A_964 : i32
      %add3A_966 = arith.constant 1 : i32
      %add3A_967 = arith.addi %add3A_966, %mul3A_965 : i32
      %add3A_968 = arith.constant 15 : i32
      %add3A_969 = arith.addi %add3A_967, %add3A_968 : i32
      %dma_wait3A_970 = arith.constant 0 : i32
      %dma_wait3A_971 = arith.constant 0 : i32
      %dma_wait3A_972 = arith.constant 0 : i32
      %dma_wait3A_973 = tpu.memref_slice %arg2[%dma_wait3A_971, %dma_wait3A_972] : memref<10000x128xf32, #tpu.memory_space<hbm>> -> memref<10000x128xf32, #tpu.memory_space<hbm>>
      %dma_wait3A_974 = tpu.memref_slice %arg28[%dma_wait3A_970] : memref<4x!tpu.dma_semaphore, #tpu.memory_space<semaphore_mem>> -> memref<1x!tpu.dma_semaphore, #tpu.memory_space<semaphore_mem>>
      %dma_wait3A_975 = tpu.memref_squeeze %dma_wait3A_974 : memref<1x!tpu.dma_semaphore, #tpu.memory_space<semaphore_mem>> -> memref<!tpu.dma_semaphore, #tpu.memory_space<semaphore_mem>>
      tpu.wait_indirect_dma semaphore(%dma_wait3A_975 : memref<!tpu.dma_semaphore, #tpu.memory_space<semaphore_mem>>) src(%dma_wait3A_973 : memref<10000x128xf32, #tpu.memory_space<hbm>>) dst(%arg18 : memref<80x128xf32, #tpu.memory_space<vmem>>)
      %dma_wait3A_976 = arith.constant 1 : i32
      %dma_wait3A_977 = arith.constant 0 : i32
      %dma_wait3A_978 = tpu.memref_slice %arg4[%dma_wait3A_977] : memref<320000xi32, #tpu.memory_space<hbm>> -> memref<80xi32, #tpu.memory_space<hbm>>
      %dma_wait3A_979 = tpu.memref_slice %arg27[%dma_wait3A_976] : memref<5x!tpu.dma_semaphore, #tpu.memory_space<semaphore_mem>> -> memref<1x!tpu.dma_semaphore, #tpu.memory_space<semaphore_mem>>
      %dma_wait3A_980 = tpu.memref_squeeze %dma_wait3A_979 : memref<1x!tpu.dma_semaphore, #tpu.memory_space<semaphore_mem>> -> memref<!tpu.dma_semaphore, #tpu.memory_space<semaphore_mem>>
      %dma_wait3A_981 = arith.constant 0 : i32
      %dma_wait3A_982 = tpu.memref_slice %arg4[%dma_wait3A_981] : memref<320000xi32, #tpu.memory_space<hbm>> -> memref<80xi32, #tpu.memory_space<hbm>>
      tpu.wait_dma2 semaphore(%dma_wait3A_980 : memref<!tpu.dma_semaphore, #tpu.memory_space<semaphore_mem>>) src(%dma_wait3A_982 : memref<80xi32, #tpu.memory_space<hbm>>) dst(%arg14 : memref<80xi32, #tpu.memory_space<vmem>>)
      "tpu.region"() ({
        %run_scoped3A = tpu.sem_alloc : memref<!tpu.dma_semaphore, #tpu.memory_space<semaphore_mem>>
        %dma_start3A_1204 = arith.constant 0 : i32
        %dma_start3A_1205 = arith.constant 0 : i32
        %dma_start3A_1206 = tpu.memref_slice %arg24[%dma_start3A_1204, %dma_start3A_1205] : memref<10112x128xf32, #tpu.memory_space<vmem_shared>> -> memref<10112x128xf32, #tpu.memory_space<vmem_shared>>
        tpu.enqueue_indirect_dma source(%arg18 : memref<80x128xf32, #tpu.memory_space<vmem>>) target(%dma_start3A_1206 : memref<10112x128xf32, #tpu.memory_space<vmem_shared>>) offsets(%arg14 : memref<80xi32, #tpu.memory_space<vmem>>) semaphore(%run_scoped3A : memref<!tpu.dma_semaphore, #tpu.memory_space<semaphore_mem>>) {add = true}
        %dma_wait3A_1207 = arith.constant 0 : i32
        %dma_wait3A_1208 = arith.constant 0 : i32
        %dma_wait3A_1209 = tpu.memref_slice %arg24[%dma_wait3A_1207, %dma_wait3A_1208] : memref<10112x128xf32, #tpu.memory_space<vmem_shared>> -> memref<10112x128xf32, #tpu.memory_space<vmem_shared>>
        tpu.wait_indirect_dma semaphore(%run_scoped3A : memref<!tpu.dma_semaphore, #tpu.memory_space<semaphore_mem>>) src(%arg18 : memref<80x128xf32, #tpu.memory_space<vmem>>) dst(%dma_wait3A_1209 : memref<10112x128xf32, #tpu.memory_space<vmem_shared>>)
        tpu.yield
      }) : () -> ()
      "tpu.region"() ({
        %run_scoped3A = tpu.sem_alloc : memref<!tpu.dma_semaphore, #tpu.memory_space<semaphore_mem>>
        %dma_start3A_1204 = arith.constant 0 : i32
        %dma_start3A_1205 = tpu.memref_slice %arg25[%dma_start3A_1204] : memref<10112xf32, #tpu.memory_space<vmem_shared>> -> memref<10112xf32, #tpu.memory_space<vmem_shared>>
        tpu.enqueue_indirect_dma source(%arg22 : memref<80xf32, #tpu.memory_space<vmem>>) target(%dma_start3A_1205 : memref<10112xf32, #tpu.memory_space<vmem_shared>>) offsets(%arg14 : memref<80xi32, #tpu.memory_space<vmem>>) semaphore(%run_scoped3A : memref<!tpu.dma_semaphore, #tpu.memory_space<semaphore_mem>>) {add = true}
        %dma_wait3A_1206 = arith.constant 0 : i32
        %dma_wait3A_1207 = tpu.memref_slice %arg25[%dma_wait3A_1206] : memref<10112xf32, #tpu.memory_space<vmem_shared>> -> memref<10112xf32, #tpu.memory_space<vmem_shared>>
        tpu.wait_indirect_dma semaphore(%run_scoped3A : memref<!tpu.dma_semaphore, #tpu.memory_space<semaphore_mem>>) src(%arg22 : memref<80xf32, #tpu.memory_space<vmem>>) dst(%dma_wait3A_1207 : memref<10112xf32, #tpu.memory_space<vmem_shared>>)
        tpu.yield
      }) : () -> ()
      %add3A_983 = arith.constant 4 : i32
      %add3A_984 = arith.addi %add3A_969, %add3A_983 : i32
      %mul3A_985 = arith.constant 80 : i32
      %mul3A_986 = arith.muli %add3A_984, %mul3A_985 : i32
      %add3A_987 = arith.addi %add3A, %mul3A_986 : i32
      %multiple_of3A_988 = tpu.assume_multiple %add3A_987, 8 : i32
      %dma_start3A_989 = arith.constant 0 : i32
      %dma_start3A_990 = tpu.memref_slice %arg3[%multiple_of3A_988] : memref<320000xi32, #tpu.memory_space<hbm>> -> memref<80xi32, #tpu.memory_space<hbm>>
      %dma_start3A_991 = tpu.memref_slice %arg26[%dma_start3A_989] : memref<5x!tpu.dma_semaphore, #tpu.memory_space<semaphore_mem>> -> memref<1x!tpu.dma_semaphore, #tpu.memory_space<semaphore_mem>>
      %dma_start3A_992 = tpu.memref_squeeze %dma_start3A_991 : memref<1x!tpu.dma_semaphore, #tpu.memory_space<semaphore_mem>> -> memref<!tpu.dma_semaphore, #tpu.memory_space<semaphore_mem>>
      %dma_start3A_993 = tpu.memref_slice %arg3[%multiple_of3A_988] : memref<320000xi32, #tpu.memory_space<hbm>> -> memref<80xi32, #tpu.memory_space<hbm>>
      tpu.enqueue_dma source(%dma_start3A_993 : memref<80xi32, #tpu.memory_space<hbm>>) target(%arg8 : memref<80xi32, #tpu.memory_space<vmem>>) target_semaphore(%dma_start3A_992 : memref<!tpu.dma_semaphore, #tpu.memory_space<semaphore_mem>>)
      %dma_start3A_994 = arith.constant 0 : i32
      %dma_start3A_995 = tpu.memref_slice %arg4[%multiple_of3A_988] : memref<320000xi32, #tpu.memory_space<hbm>> -> memref<80xi32, #tpu.memory_space<hbm>>
      %dma_start3A_996 = tpu.memref_slice %arg27[%dma_start3A_994] : memref<5x!tpu.dma_semaphore, #tpu.memory_space<semaphore_mem>> -> memref<1x!tpu.dma_semaphore, #tpu.memory_space<semaphore_mem>>
      %dma_start3A_997 = tpu.memref_squeeze %dma_start3A_996 : memref<1x!tpu.dma_semaphore, #tpu.memory_space<semaphore_mem>> -> memref<!tpu.dma_semaphore, #tpu.memory_space<semaphore_mem>>
      %dma_start3A_998 = tpu.memref_slice %arg4[%multiple_of3A_988] : memref<320000xi32, #tpu.memory_space<hbm>> -> memref<80xi32, #tpu.memory_space<hbm>>
      tpu.enqueue_dma source(%dma_start3A_998 : memref<80xi32, #tpu.memory_space<hbm>>) target(%arg13 : memref<80xi32, #tpu.memory_space<vmem>>) target_semaphore(%dma_start3A_997 : memref<!tpu.dma_semaphore, #tpu.memory_space<semaphore_mem>>)
      %dma_wait3A_999 = arith.constant 4 : i32
      %dma_wait3A_1000 = arith.constant 0 : i32
      %dma_wait3A_1001 = tpu.memref_slice %arg3[%dma_wait3A_1000] : memref<320000xi32, #tpu.memory_space<hbm>> -> memref<80xi32, #tpu.memory_space<hbm>>
      %dma_wait3A_1002 = tpu.memref_slice %arg26[%dma_wait3A_999] : memref<5x!tpu.dma_semaphore, #tpu.memory_space<semaphore_mem>> -> memref<1x!tpu.dma_semaphore, #tpu.memory_space<semaphore_mem>>
      %dma_wait3A_1003 = tpu.memref_squeeze %dma_wait3A_1002 : memref<1x!tpu.dma_semaphore, #tpu.memory_space<semaphore_mem>> -> memref<!tpu.dma_semaphore, #tpu.memory_space<semaphore_mem>>
      %dma_wait3A_1004 = arith.constant 0 : i32
      %dma_wait3A_1005 = tpu.memref_slice %arg3[%dma_wait3A_1004] : memref<320000xi32, #tpu.memory_space<hbm>> -> memref<80xi32, #tpu.memory_space<hbm>>
      tpu.wait_dma2 semaphore(%dma_wait3A_1003 : memref<!tpu.dma_semaphore, #tpu.memory_space<semaphore_mem>>) src(%dma_wait3A_1005 : memref<80xi32, #tpu.memory_space<hbm>>) dst(%arg12 : memref<80xi32, #tpu.memory_space<vmem>>)
      %dma_start3A_1006 = arith.constant 3 : i32
      %dma_start3A_1007 = arith.constant 0 : i32
      %dma_start3A_1008 = arith.constant 0 : i32
      %dma_start3A_1009 = tpu.memref_slice %arg2[%dma_start3A_1007, %dma_start3A_1008] : memref<10000x128xf32, #tpu.memory_space<hbm>> -> memref<10000x128xf32, #tpu.memory_space<hbm>>
      %dma_start3A_1010 = tpu.memref_slice %arg28[%dma_start3A_1006] : memref<4x!tpu.dma_semaphore, #tpu.memory_space<semaphore_mem>> -> memref<1x!tpu.dma_semaphore, #tpu.memory_space<semaphore_mem>>
      %dma_start3A_1011 = tpu.memref_squeeze %dma_start3A_1010 : memref<1x!tpu.dma_semaphore, #tpu.memory_space<semaphore_mem>> -> memref<!tpu.dma_semaphore, #tpu.memory_space<semaphore_mem>>
      tpu.enqueue_indirect_dma source(%dma_start3A_1009 : memref<10000x128xf32, #tpu.memory_space<hbm>>) target(%arg21 : memref<80x128xf32, #tpu.memory_space<vmem>>) offsets(%arg12 : memref<80xi32, #tpu.memory_space<vmem>>) semaphore(%dma_start3A_1011 : memref<!tpu.dma_semaphore, #tpu.memory_space<semaphore_mem>>)
      %mul3A_1012 = arith.constant 20 : i32
      %mul3A_1013 = arith.muli %scan3A_243, %mul3A_1012 : i32
      %add3A_1014 = arith.constant 1 : i32
      %add3A_1015 = arith.addi %add3A_1014, %mul3A_1013 : i32
      %add3A_1016 = arith.constant 16 : i32
      %add3A_1017 = arith.addi %add3A_1015, %add3A_1016 : i32
      %dma_wait3A_1018 = arith.constant 1 : i32
      %dma_wait3A_1019 = arith.constant 0 : i32
      %dma_wait3A_1020 = arith.constant 0 : i32
      %dma_wait3A_1021 = tpu.memref_slice %arg2[%dma_wait3A_1019, %dma_wait3A_1020] : memref<10000x128xf32, #tpu.memory_space<hbm>> -> memref<10000x128xf32, #tpu.memory_space<hbm>>
      %dma_wait3A_1022 = tpu.memref_slice %arg28[%dma_wait3A_1018] : memref<4x!tpu.dma_semaphore, #tpu.memory_space<semaphore_mem>> -> memref<1x!tpu.dma_semaphore, #tpu.memory_space<semaphore_mem>>
      %dma_wait3A_1023 = tpu.memref_squeeze %dma_wait3A_1022 : memref<1x!tpu.dma_semaphore, #tpu.memory_space<semaphore_mem>> -> memref<!tpu.dma_semaphore, #tpu.memory_space<semaphore_mem>>
      tpu.wait_indirect_dma semaphore(%dma_wait3A_1023 : memref<!tpu.dma_semaphore, #tpu.memory_space<semaphore_mem>>) src(%dma_wait3A_1021 : memref<10000x128xf32, #tpu.memory_space<hbm>>) dst(%arg19 : memref<80x128xf32, #tpu.memory_space<vmem>>)
      %dma_wait3A_1024 = arith.constant 2 : i32
      %dma_wait3A_1025 = arith.constant 0 : i32
      %dma_wait3A_1026 = tpu.memref_slice %arg4[%dma_wait3A_1025] : memref<320000xi32, #tpu.memory_space<hbm>> -> memref<80xi32, #tpu.memory_space<hbm>>
      %dma_wait3A_1027 = tpu.memref_slice %arg27[%dma_wait3A_1024] : memref<5x!tpu.dma_semaphore, #tpu.memory_space<semaphore_mem>> -> memref<1x!tpu.dma_semaphore, #tpu.memory_space<semaphore_mem>>
      %dma_wait3A_1028 = tpu.memref_squeeze %dma_wait3A_1027 : memref<1x!tpu.dma_semaphore, #tpu.memory_space<semaphore_mem>> -> memref<!tpu.dma_semaphore, #tpu.memory_space<semaphore_mem>>
      %dma_wait3A_1029 = arith.constant 0 : i32
      %dma_wait3A_1030 = tpu.memref_slice %arg4[%dma_wait3A_1029] : memref<320000xi32, #tpu.memory_space<hbm>> -> memref<80xi32, #tpu.memory_space<hbm>>
      tpu.wait_dma2 semaphore(%dma_wait3A_1028 : memref<!tpu.dma_semaphore, #tpu.memory_space<semaphore_mem>>) src(%dma_wait3A_1030 : memref<80xi32, #tpu.memory_space<hbm>>) dst(%arg15 : memref<80xi32, #tpu.memory_space<vmem>>)
      "tpu.region"() ({
        %run_scoped3A = tpu.sem_alloc : memref<!tpu.dma_semaphore, #tpu.memory_space<semaphore_mem>>
        %dma_start3A_1204 = arith.constant 0 : i32
        %dma_start3A_1205 = arith.constant 0 : i32
        %dma_start3A_1206 = tpu.memref_slice %arg24[%dma_start3A_1204, %dma_start3A_1205] : memref<10112x128xf32, #tpu.memory_space<vmem_shared>> -> memref<10112x128xf32, #tpu.memory_space<vmem_shared>>
        tpu.enqueue_indirect_dma source(%arg19 : memref<80x128xf32, #tpu.memory_space<vmem>>) target(%dma_start3A_1206 : memref<10112x128xf32, #tpu.memory_space<vmem_shared>>) offsets(%arg15 : memref<80xi32, #tpu.memory_space<vmem>>) semaphore(%run_scoped3A : memref<!tpu.dma_semaphore, #tpu.memory_space<semaphore_mem>>) {add = true}
        %dma_wait3A_1207 = arith.constant 0 : i32
        %dma_wait3A_1208 = arith.constant 0 : i32
        %dma_wait3A_1209 = tpu.memref_slice %arg24[%dma_wait3A_1207, %dma_wait3A_1208] : memref<10112x128xf32, #tpu.memory_space<vmem_shared>> -> memref<10112x128xf32, #tpu.memory_space<vmem_shared>>
        tpu.wait_indirect_dma semaphore(%run_scoped3A : memref<!tpu.dma_semaphore, #tpu.memory_space<semaphore_mem>>) src(%arg19 : memref<80x128xf32, #tpu.memory_space<vmem>>) dst(%dma_wait3A_1209 : memref<10112x128xf32, #tpu.memory_space<vmem_shared>>)
        tpu.yield
      }) : () -> ()
      "tpu.region"() ({
        %run_scoped3A = tpu.sem_alloc : memref<!tpu.dma_semaphore, #tpu.memory_space<semaphore_mem>>
        %dma_start3A_1204 = arith.constant 0 : i32
        %dma_start3A_1205 = tpu.memref_slice %arg25[%dma_start3A_1204] : memref<10112xf32, #tpu.memory_space<vmem_shared>> -> memref<10112xf32, #tpu.memory_space<vmem_shared>>
        tpu.enqueue_indirect_dma source(%arg22 : memref<80xf32, #tpu.memory_space<vmem>>) target(%dma_start3A_1205 : memref<10112xf32, #tpu.memory_space<vmem_shared>>) offsets(%arg15 : memref<80xi32, #tpu.memory_space<vmem>>) semaphore(%run_scoped3A : memref<!tpu.dma_semaphore, #tpu.memory_space<semaphore_mem>>) {add = true}
        %dma_wait3A_1206 = arith.constant 0 : i32
        %dma_wait3A_1207 = tpu.memref_slice %arg25[%dma_wait3A_1206] : memref<10112xf32, #tpu.memory_space<vmem_shared>> -> memref<10112xf32, #tpu.memory_space<vmem_shared>>
        tpu.wait_indirect_dma semaphore(%run_scoped3A : memref<!tpu.dma_semaphore, #tpu.memory_space<semaphore_mem>>) src(%arg22 : memref<80xf32, #tpu.memory_space<vmem>>) dst(%dma_wait3A_1207 : memref<10112xf32, #tpu.memory_space<vmem_shared>>)
        tpu.yield
      }) : () -> ()
      %add3A_1031 = arith.constant 4 : i32
      %add3A_1032 = arith.addi %add3A_1017, %add3A_1031 : i32
      %mul3A_1033 = arith.constant 80 : i32
      %mul3A_1034 = arith.muli %add3A_1032, %mul3A_1033 : i32
      %add3A_1035 = arith.addi %add3A, %mul3A_1034 : i32
      %multiple_of3A_1036 = tpu.assume_multiple %add3A_1035, 8 : i32
      %dma_start3A_1037 = arith.constant 1 : i32
      %dma_start3A_1038 = tpu.memref_slice %arg3[%multiple_of3A_1036] : memref<320000xi32, #tpu.memory_space<hbm>> -> memref<80xi32, #tpu.memory_space<hbm>>
      %dma_start3A_1039 = tpu.memref_slice %arg26[%dma_start3A_1037] : memref<5x!tpu.dma_semaphore, #tpu.memory_space<semaphore_mem>> -> memref<1x!tpu.dma_semaphore, #tpu.memory_space<semaphore_mem>>
      %dma_start3A_1040 = tpu.memref_squeeze %dma_start3A_1039 : memref<1x!tpu.dma_semaphore, #tpu.memory_space<semaphore_mem>> -> memref<!tpu.dma_semaphore, #tpu.memory_space<semaphore_mem>>
      %dma_start3A_1041 = tpu.memref_slice %arg3[%multiple_of3A_1036] : memref<320000xi32, #tpu.memory_space<hbm>> -> memref<80xi32, #tpu.memory_space<hbm>>
      tpu.enqueue_dma source(%dma_start3A_1041 : memref<80xi32, #tpu.memory_space<hbm>>) target(%arg9 : memref<80xi32, #tpu.memory_space<vmem>>) target_semaphore(%dma_start3A_1040 : memref<!tpu.dma_semaphore, #tpu.memory_space<semaphore_mem>>)
      %dma_start3A_1042 = arith.constant 1 : i32
      %dma_start3A_1043 = tpu.memref_slice %arg4[%multiple_of3A_1036] : memref<320000xi32, #tpu.memory_space<hbm>> -> memref<80xi32, #tpu.memory_space<hbm>>
      %dma_start3A_1044 = tpu.memref_slice %arg27[%dma_start3A_1042] : memref<5x!tpu.dma_semaphore, #tpu.memory_space<semaphore_mem>> -> memref<1x!tpu.dma_semaphore, #tpu.memory_space<semaphore_mem>>
      %dma_start3A_1045 = tpu.memref_squeeze %dma_start3A_1044 : memref<1x!tpu.dma_semaphore, #tpu.memory_space<semaphore_mem>> -> memref<!tpu.dma_semaphore, #tpu.memory_space<semaphore_mem>>
      %dma_start3A_1046 = tpu.memref_slice %arg4[%multiple_of3A_1036] : memref<320000xi32, #tpu.memory_space<hbm>> -> memref<80xi32, #tpu.memory_space<hbm>>
      tpu.enqueue_dma source(%dma_start3A_1046 : memref<80xi32, #tpu.memory_space<hbm>>) target(%arg14 : memref<80xi32, #tpu.memory_space<vmem>>) target_semaphore(%dma_start3A_1045 : memref<!tpu.dma_semaphore, #tpu.memory_space<semaphore_mem>>)
      %dma_wait3A_1047 = arith.constant 0 : i32
      %dma_wait3A_1048 = arith.constant 0 : i32
      %dma_wait3A_1049 = tpu.memref_slice %arg3[%dma_wait3A_1048] : memref<320000xi32, #tpu.memory_space<hbm>> -> memref<80xi32, #tpu.memory_space<hbm>>
      %dma_wait3A_1050 = tpu.memref_slice %arg26[%dma_wait3A_1047] : memref<5x!tpu.dma_semaphore, #tpu.memory_space<semaphore_mem>> -> memref<1x!tpu.dma_semaphore, #tpu.memory_space<semaphore_mem>>
      %dma_wait3A_1051 = tpu.memref_squeeze %dma_wait3A_1050 : memref<1x!tpu.dma_semaphore, #tpu.memory_space<semaphore_mem>> -> memref<!tpu.dma_semaphore, #tpu.memory_space<semaphore_mem>>
      %dma_wait3A_1052 = arith.constant 0 : i32
      %dma_wait3A_1053 = tpu.memref_slice %arg3[%dma_wait3A_1052] : memref<320000xi32, #tpu.memory_space<hbm>> -> memref<80xi32, #tpu.memory_space<hbm>>
      tpu.wait_dma2 semaphore(%dma_wait3A_1051 : memref<!tpu.dma_semaphore, #tpu.memory_space<semaphore_mem>>) src(%dma_wait3A_1053 : memref<80xi32, #tpu.memory_space<hbm>>) dst(%arg8 : memref<80xi32, #tpu.memory_space<vmem>>)
      %dma_start3A_1054 = arith.constant 0 : i32
      %dma_start3A_1055 = arith.constant 0 : i32
      %dma_start3A_1056 = arith.constant 0 : i32
      %dma_start3A_1057 = tpu.memref_slice %arg2[%dma_start3A_1055, %dma_start3A_1056] : memref<10000x128xf32, #tpu.memory_space<hbm>> -> memref<10000x128xf32, #tpu.memory_space<hbm>>
      %dma_start3A_1058 = tpu.memref_slice %arg28[%dma_start3A_1054] : memref<4x!tpu.dma_semaphore, #tpu.memory_space<semaphore_mem>> -> memref<1x!tpu.dma_semaphore, #tpu.memory_space<semaphore_mem>>
      %dma_start3A_1059 = tpu.memref_squeeze %dma_start3A_1058 : memref<1x!tpu.dma_semaphore, #tpu.memory_space<semaphore_mem>> -> memref<!tpu.dma_semaphore, #tpu.memory_space<semaphore_mem>>
      tpu.enqueue_indirect_dma source(%dma_start3A_1057 : memref<10000x128xf32, #tpu.memory_space<hbm>>) target(%arg18 : memref<80x128xf32, #tpu.memory_space<vmem>>) offsets(%arg8 : memref<80xi32, #tpu.memory_space<vmem>>) semaphore(%dma_start3A_1059 : memref<!tpu.dma_semaphore, #tpu.memory_space<semaphore_mem>>)
      %mul3A_1060 = arith.constant 20 : i32
      %mul3A_1061 = arith.muli %scan3A_243, %mul3A_1060 : i32
      %add3A_1062 = arith.constant 1 : i32
      %add3A_1063 = arith.addi %add3A_1062, %mul3A_1061 : i32
      %add3A_1064 = arith.constant 17 : i32
      %add3A_1065 = arith.addi %add3A_1063, %add3A_1064 : i32
      %dma_wait3A_1066 = arith.constant 2 : i32
      %dma_wait3A_1067 = arith.constant 0 : i32
      %dma_wait3A_1068 = arith.constant 0 : i32
      %dma_wait3A_1069 = tpu.memref_slice %arg2[%dma_wait3A_1067, %dma_wait3A_1068] : memref<10000x128xf32, #tpu.memory_space<hbm>> -> memref<10000x128xf32, #tpu.memory_space<hbm>>
      %dma_wait3A_1070 = tpu.memref_slice %arg28[%dma_wait3A_1066] : memref<4x!tpu.dma_semaphore, #tpu.memory_space<semaphore_mem>> -> memref<1x!tpu.dma_semaphore, #tpu.memory_space<semaphore_mem>>
      %dma_wait3A_1071 = tpu.memref_squeeze %dma_wait3A_1070 : memref<1x!tpu.dma_semaphore, #tpu.memory_space<semaphore_mem>> -> memref<!tpu.dma_semaphore, #tpu.memory_space<semaphore_mem>>
      tpu.wait_indirect_dma semaphore(%dma_wait3A_1071 : memref<!tpu.dma_semaphore, #tpu.memory_space<semaphore_mem>>) src(%dma_wait3A_1069 : memref<10000x128xf32, #tpu.memory_space<hbm>>) dst(%arg20 : memref<80x128xf32, #tpu.memory_space<vmem>>)
      %dma_wait3A_1072 = arith.constant 3 : i32
      %dma_wait3A_1073 = arith.constant 0 : i32
      %dma_wait3A_1074 = tpu.memref_slice %arg4[%dma_wait3A_1073] : memref<320000xi32, #tpu.memory_space<hbm>> -> memref<80xi32, #tpu.memory_space<hbm>>
      %dma_wait3A_1075 = tpu.memref_slice %arg27[%dma_wait3A_1072] : memref<5x!tpu.dma_semaphore, #tpu.memory_space<semaphore_mem>> -> memref<1x!tpu.dma_semaphore, #tpu.memory_space<semaphore_mem>>
      %dma_wait3A_1076 = tpu.memref_squeeze %dma_wait3A_1075 : memref<1x!tpu.dma_semaphore, #tpu.memory_space<semaphore_mem>> -> memref<!tpu.dma_semaphore, #tpu.memory_space<semaphore_mem>>
      %dma_wait3A_1077 = arith.constant 0 : i32
      %dma_wait3A_1078 = tpu.memref_slice %arg4[%dma_wait3A_1077] : memref<320000xi32, #tpu.memory_space<hbm>> -> memref<80xi32, #tpu.memory_space<hbm>>
      tpu.wait_dma2 semaphore(%dma_wait3A_1076 : memref<!tpu.dma_semaphore, #tpu.memory_space<semaphore_mem>>) src(%dma_wait3A_1078 : memref<80xi32, #tpu.memory_space<hbm>>) dst(%arg16 : memref<80xi32, #tpu.memory_space<vmem>>)
      "tpu.region"() ({
        %run_scoped3A = tpu.sem_alloc : memref<!tpu.dma_semaphore, #tpu.memory_space<semaphore_mem>>
        %dma_start3A_1204 = arith.constant 0 : i32
        %dma_start3A_1205 = arith.constant 0 : i32
        %dma_start3A_1206 = tpu.memref_slice %arg24[%dma_start3A_1204, %dma_start3A_1205] : memref<10112x128xf32, #tpu.memory_space<vmem_shared>> -> memref<10112x128xf32, #tpu.memory_space<vmem_shared>>
        tpu.enqueue_indirect_dma source(%arg20 : memref<80x128xf32, #tpu.memory_space<vmem>>) target(%dma_start3A_1206 : memref<10112x128xf32, #tpu.memory_space<vmem_shared>>) offsets(%arg16 : memref<80xi32, #tpu.memory_space<vmem>>) semaphore(%run_scoped3A : memref<!tpu.dma_semaphore, #tpu.memory_space<semaphore_mem>>) {add = true}
        %dma_wait3A_1207 = arith.constant 0 : i32
        %dma_wait3A_1208 = arith.constant 0 : i32
        %dma_wait3A_1209 = tpu.memref_slice %arg24[%dma_wait3A_1207, %dma_wait3A_1208] : memref<10112x128xf32, #tpu.memory_space<vmem_shared>> -> memref<10112x128xf32, #tpu.memory_space<vmem_shared>>
        tpu.wait_indirect_dma semaphore(%run_scoped3A : memref<!tpu.dma_semaphore, #tpu.memory_space<semaphore_mem>>) src(%arg20 : memref<80x128xf32, #tpu.memory_space<vmem>>) dst(%dma_wait3A_1209 : memref<10112x128xf32, #tpu.memory_space<vmem_shared>>)
        tpu.yield
      }) : () -> ()
      "tpu.region"() ({
        %run_scoped3A = tpu.sem_alloc : memref<!tpu.dma_semaphore, #tpu.memory_space<semaphore_mem>>
        %dma_start3A_1204 = arith.constant 0 : i32
        %dma_start3A_1205 = tpu.memref_slice %arg25[%dma_start3A_1204] : memref<10112xf32, #tpu.memory_space<vmem_shared>> -> memref<10112xf32, #tpu.memory_space<vmem_shared>>
        tpu.enqueue_indirect_dma source(%arg22 : memref<80xf32, #tpu.memory_space<vmem>>) target(%dma_start3A_1205 : memref<10112xf32, #tpu.memory_space<vmem_shared>>) offsets(%arg16 : memref<80xi32, #tpu.memory_space<vmem>>) semaphore(%run_scoped3A : memref<!tpu.dma_semaphore, #tpu.memory_space<semaphore_mem>>) {add = true}
        %dma_wait3A_1206 = arith.constant 0 : i32
        %dma_wait3A_1207 = tpu.memref_slice %arg25[%dma_wait3A_1206] : memref<10112xf32, #tpu.memory_space<vmem_shared>> -> memref<10112xf32, #tpu.memory_space<vmem_shared>>
        tpu.wait_indirect_dma semaphore(%run_scoped3A : memref<!tpu.dma_semaphore, #tpu.memory_space<semaphore_mem>>) src(%arg22 : memref<80xf32, #tpu.memory_space<vmem>>) dst(%dma_wait3A_1207 : memref<10112xf32, #tpu.memory_space<vmem_shared>>)
        tpu.yield
      }) : () -> ()
      %add3A_1079 = arith.constant 4 : i32
      %add3A_1080 = arith.addi %add3A_1065, %add3A_1079 : i32
      %mul3A_1081 = arith.constant 80 : i32
      %mul3A_1082 = arith.muli %add3A_1080, %mul3A_1081 : i32
      %add3A_1083 = arith.addi %add3A, %mul3A_1082 : i32
      %multiple_of3A_1084 = tpu.assume_multiple %add3A_1083, 8 : i32
      %dma_start3A_1085 = arith.constant 2 : i32
      %dma_start3A_1086 = tpu.memref_slice %arg3[%multiple_of3A_1084] : memref<320000xi32, #tpu.memory_space<hbm>> -> memref<80xi32, #tpu.memory_space<hbm>>
      %dma_start3A_1087 = tpu.memref_slice %arg26[%dma_start3A_1085] : memref<5x!tpu.dma_semaphore, #tpu.memory_space<semaphore_mem>> -> memref<1x!tpu.dma_semaphore, #tpu.memory_space<semaphore_mem>>
      %dma_start3A_1088 = tpu.memref_squeeze %dma_start3A_1087 : memref<1x!tpu.dma_semaphore, #tpu.memory_space<semaphore_mem>> -> memref<!tpu.dma_semaphore, #tpu.memory_space<semaphore_mem>>
      %dma_start3A_1089 = tpu.memref_slice %arg3[%multiple_of3A_1084] : memref<320000xi32, #tpu.memory_space<hbm>> -> memref<80xi32, #tpu.memory_space<hbm>>
      tpu.enqueue_dma source(%dma_start3A_1089 : memref<80xi32, #tpu.memory_space<hbm>>) target(%arg10 : memref<80xi32, #tpu.memory_space<vmem>>) target_semaphore(%dma_start3A_1088 : memref<!tpu.dma_semaphore, #tpu.memory_space<semaphore_mem>>)
      %dma_start3A_1090 = arith.constant 2 : i32
      %dma_start3A_1091 = tpu.memref_slice %arg4[%multiple_of3A_1084] : memref<320000xi32, #tpu.memory_space<hbm>> -> memref<80xi32, #tpu.memory_space<hbm>>
      %dma_start3A_1092 = tpu.memref_slice %arg27[%dma_start3A_1090] : memref<5x!tpu.dma_semaphore, #tpu.memory_space<semaphore_mem>> -> memref<1x!tpu.dma_semaphore, #tpu.memory_space<semaphore_mem>>
      %dma_start3A_1093 = tpu.memref_squeeze %dma_start3A_1092 : memref<1x!tpu.dma_semaphore, #tpu.memory_space<semaphore_mem>> -> memref<!tpu.dma_semaphore, #tpu.memory_space<semaphore_mem>>
      %dma_start3A_1094 = tpu.memref_slice %arg4[%multiple_of3A_1084] : memref<320000xi32, #tpu.memory_space<hbm>> -> memref<80xi32, #tpu.memory_space<hbm>>
      tpu.enqueue_dma source(%dma_start3A_1094 : memref<80xi32, #tpu.memory_space<hbm>>) target(%arg15 : memref<80xi32, #tpu.memory_space<vmem>>) target_semaphore(%dma_start3A_1093 : memref<!tpu.dma_semaphore, #tpu.memory_space<semaphore_mem>>)
      %dma_wait3A_1095 = arith.constant 1 : i32
      %dma_wait3A_1096 = arith.constant 0 : i32
      %dma_wait3A_1097 = tpu.memref_slice %arg3[%dma_wait3A_1096] : memref<320000xi32, #tpu.memory_space<hbm>> -> memref<80xi32, #tpu.memory_space<hbm>>
      %dma_wait3A_1098 = tpu.memref_slice %arg26[%dma_wait3A_1095] : memref<5x!tpu.dma_semaphore, #tpu.memory_space<semaphore_mem>> -> memref<1x!tpu.dma_semaphore, #tpu.memory_space<semaphore_mem>>
      %dma_wait3A_1099 = tpu.memref_squeeze %dma_wait3A_1098 : memref<1x!tpu.dma_semaphore, #tpu.memory_space<semaphore_mem>> -> memref<!tpu.dma_semaphore, #tpu.memory_space<semaphore_mem>>
      %dma_wait3A_1100 = arith.constant 0 : i32
      %dma_wait3A_1101 = tpu.memref_slice %arg3[%dma_wait3A_1100] : memref<320000xi32, #tpu.memory_space<hbm>> -> memref<80xi32, #tpu.memory_space<hbm>>
      tpu.wait_dma2 semaphore(%dma_wait3A_1099 : memref<!tpu.dma_semaphore, #tpu.memory_space<semaphore_mem>>) src(%dma_wait3A_1101 : memref<80xi32, #tpu.memory_space<hbm>>) dst(%arg9 : memref<80xi32, #tpu.memory_space<vmem>>)
      %dma_start3A_1102 = arith.constant 1 : i32
      %dma_start3A_1103 = arith.constant 0 : i32
      %dma_start3A_1104 = arith.constant 0 : i32
      %dma_start3A_1105 = tpu.memref_slice %arg2[%dma_start3A_1103, %dma_start3A_1104] : memref<10000x128xf32, #tpu.memory_space<hbm>> -> memref<10000x128xf32, #tpu.memory_space<hbm>>
      %dma_start3A_1106 = tpu.memref_slice %arg28[%dma_start3A_1102] : memref<4x!tpu.dma_semaphore, #tpu.memory_space<semaphore_mem>> -> memref<1x!tpu.dma_semaphore, #tpu.memory_space<semaphore_mem>>
      %dma_start3A_1107 = tpu.memref_squeeze %dma_start3A_1106 : memref<1x!tpu.dma_semaphore, #tpu.memory_space<semaphore_mem>> -> memref<!tpu.dma_semaphore, #tpu.memory_space<semaphore_mem>>
      tpu.enqueue_indirect_dma source(%dma_start3A_1105 : memref<10000x128xf32, #tpu.memory_space<hbm>>) target(%arg19 : memref<80x128xf32, #tpu.memory_space<vmem>>) offsets(%arg9 : memref<80xi32, #tpu.memory_space<vmem>>) semaphore(%dma_start3A_1107 : memref<!tpu.dma_semaphore, #tpu.memory_space<semaphore_mem>>)
      %mul3A_1108 = arith.constant 20 : i32
      %mul3A_1109 = arith.muli %scan3A_243, %mul3A_1108 : i32
      %add3A_1110 = arith.constant 1 : i32
      %add3A_1111 = arith.addi %add3A_1110, %mul3A_1109 : i32
      %add3A_1112 = arith.constant 18 : i32
      %add3A_1113 = arith.addi %add3A_1111, %add3A_1112 : i32
      %dma_wait3A_1114 = arith.constant 3 : i32
      %dma_wait3A_1115 = arith.constant 0 : i32
      %dma_wait3A_1116 = arith.constant 0 : i32
      %dma_wait3A_1117 = tpu.memref_slice %arg2[%dma_wait3A_1115, %dma_wait3A_1116] : memref<10000x128xf32, #tpu.memory_space<hbm>> -> memref<10000x128xf32, #tpu.memory_space<hbm>>
      %dma_wait3A_1118 = tpu.memref_slice %arg28[%dma_wait3A_1114] : memref<4x!tpu.dma_semaphore, #tpu.memory_space<semaphore_mem>> -> memref<1x!tpu.dma_semaphore, #tpu.memory_space<semaphore_mem>>
      %dma_wait3A_1119 = tpu.memref_squeeze %dma_wait3A_1118 : memref<1x!tpu.dma_semaphore, #tpu.memory_space<semaphore_mem>> -> memref<!tpu.dma_semaphore, #tpu.memory_space<semaphore_mem>>
      tpu.wait_indirect_dma semaphore(%dma_wait3A_1119 : memref<!tpu.dma_semaphore, #tpu.memory_space<semaphore_mem>>) src(%dma_wait3A_1117 : memref<10000x128xf32, #tpu.memory_space<hbm>>) dst(%arg21 : memref<80x128xf32, #tpu.memory_space<vmem>>)
      %dma_wait3A_1120 = arith.constant 4 : i32
      %dma_wait3A_1121 = arith.constant 0 : i32
      %dma_wait3A_1122 = tpu.memref_slice %arg4[%dma_wait3A_1121] : memref<320000xi32, #tpu.memory_space<hbm>> -> memref<80xi32, #tpu.memory_space<hbm>>
      %dma_wait3A_1123 = tpu.memref_slice %arg27[%dma_wait3A_1120] : memref<5x!tpu.dma_semaphore, #tpu.memory_space<semaphore_mem>> -> memref<1x!tpu.dma_semaphore, #tpu.memory_space<semaphore_mem>>
      %dma_wait3A_1124 = tpu.memref_squeeze %dma_wait3A_1123 : memref<1x!tpu.dma_semaphore, #tpu.memory_space<semaphore_mem>> -> memref<!tpu.dma_semaphore, #tpu.memory_space<semaphore_mem>>
      %dma_wait3A_1125 = arith.constant 0 : i32
      %dma_wait3A_1126 = tpu.memref_slice %arg4[%dma_wait3A_1125] : memref<320000xi32, #tpu.memory_space<hbm>> -> memref<80xi32, #tpu.memory_space<hbm>>
      tpu.wait_dma2 semaphore(%dma_wait3A_1124 : memref<!tpu.dma_semaphore, #tpu.memory_space<semaphore_mem>>) src(%dma_wait3A_1126 : memref<80xi32, #tpu.memory_space<hbm>>) dst(%arg17 : memref<80xi32, #tpu.memory_space<vmem>>)
      "tpu.region"() ({
        %run_scoped3A = tpu.sem_alloc : memref<!tpu.dma_semaphore, #tpu.memory_space<semaphore_mem>>
        %dma_start3A_1204 = arith.constant 0 : i32
        %dma_start3A_1205 = arith.constant 0 : i32
        %dma_start3A_1206 = tpu.memref_slice %arg24[%dma_start3A_1204, %dma_start3A_1205] : memref<10112x128xf32, #tpu.memory_space<vmem_shared>> -> memref<10112x128xf32, #tpu.memory_space<vmem_shared>>
        tpu.enqueue_indirect_dma source(%arg21 : memref<80x128xf32, #tpu.memory_space<vmem>>) target(%dma_start3A_1206 : memref<10112x128xf32, #tpu.memory_space<vmem_shared>>) offsets(%arg17 : memref<80xi32, #tpu.memory_space<vmem>>) semaphore(%run_scoped3A : memref<!tpu.dma_semaphore, #tpu.memory_space<semaphore_mem>>) {add = true}
        %dma_wait3A_1207 = arith.constant 0 : i32
        %dma_wait3A_1208 = arith.constant 0 : i32
        %dma_wait3A_1209 = tpu.memref_slice %arg24[%dma_wait3A_1207, %dma_wait3A_1208] : memref<10112x128xf32, #tpu.memory_space<vmem_shared>> -> memref<10112x128xf32, #tpu.memory_space<vmem_shared>>
        tpu.wait_indirect_dma semaphore(%run_scoped3A : memref<!tpu.dma_semaphore, #tpu.memory_space<semaphore_mem>>) src(%arg21 : memref<80x128xf32, #tpu.memory_space<vmem>>) dst(%dma_wait3A_1209 : memref<10112x128xf32, #tpu.memory_space<vmem_shared>>)
        tpu.yield
      }) : () -> ()
      "tpu.region"() ({
        %run_scoped3A = tpu.sem_alloc : memref<!tpu.dma_semaphore, #tpu.memory_space<semaphore_mem>>
        %dma_start3A_1204 = arith.constant 0 : i32
        %dma_start3A_1205 = tpu.memref_slice %arg25[%dma_start3A_1204] : memref<10112xf32, #tpu.memory_space<vmem_shared>> -> memref<10112xf32, #tpu.memory_space<vmem_shared>>
        tpu.enqueue_indirect_dma source(%arg22 : memref<80xf32, #tpu.memory_space<vmem>>) target(%dma_start3A_1205 : memref<10112xf32, #tpu.memory_space<vmem_shared>>) offsets(%arg17 : memref<80xi32, #tpu.memory_space<vmem>>) semaphore(%run_scoped3A : memref<!tpu.dma_semaphore, #tpu.memory_space<semaphore_mem>>) {add = true}
        %dma_wait3A_1206 = arith.constant 0 : i32
        %dma_wait3A_1207 = tpu.memref_slice %arg25[%dma_wait3A_1206] : memref<10112xf32, #tpu.memory_space<vmem_shared>> -> memref<10112xf32, #tpu.memory_space<vmem_shared>>
        tpu.wait_indirect_dma semaphore(%run_scoped3A : memref<!tpu.dma_semaphore, #tpu.memory_space<semaphore_mem>>) src(%arg22 : memref<80xf32, #tpu.memory_space<vmem>>) dst(%dma_wait3A_1207 : memref<10112xf32, #tpu.memory_space<vmem_shared>>)
        tpu.yield
      }) : () -> ()
      %add3A_1127 = arith.constant 4 : i32
      %add3A_1128 = arith.addi %add3A_1113, %add3A_1127 : i32
      %mul3A_1129 = arith.constant 80 : i32
      %mul3A_1130 = arith.muli %add3A_1128, %mul3A_1129 : i32
      %add3A_1131 = arith.addi %add3A, %mul3A_1130 : i32
      %multiple_of3A_1132 = tpu.assume_multiple %add3A_1131, 8 : i32
      %dma_start3A_1133 = arith.constant 3 : i32
      %dma_start3A_1134 = tpu.memref_slice %arg3[%multiple_of3A_1132] : memref<320000xi32, #tpu.memory_space<hbm>> -> memref<80xi32, #tpu.memory_space<hbm>>
      %dma_start3A_1135 = tpu.memref_slice %arg26[%dma_start3A_1133] : memref<5x!tpu.dma_semaphore, #tpu.memory_space<semaphore_mem>> -> memref<1x!tpu.dma_semaphore, #tpu.memory_space<semaphore_mem>>
      %dma_start3A_1136 = tpu.memref_squeeze %dma_start3A_1135 : memref<1x!tpu.dma_semaphore, #tpu.memory_space<semaphore_mem>> -> memref<!tpu.dma_semaphore, #tpu.memory_space<semaphore_mem>>
      %dma_start3A_1137 = tpu.memref_slice %arg3[%multiple_of3A_1132] : memref<320000xi32, #tpu.memory_space<hbm>> -> memref<80xi32, #tpu.memory_space<hbm>>
      tpu.enqueue_dma source(%dma_start3A_1137 : memref<80xi32, #tpu.memory_space<hbm>>) target(%arg11 : memref<80xi32, #tpu.memory_space<vmem>>) target_semaphore(%dma_start3A_1136 : memref<!tpu.dma_semaphore, #tpu.memory_space<semaphore_mem>>)
      %dma_start3A_1138 = arith.constant 3 : i32
      %dma_start3A_1139 = tpu.memref_slice %arg4[%multiple_of3A_1132] : memref<320000xi32, #tpu.memory_space<hbm>> -> memref<80xi32, #tpu.memory_space<hbm>>
      %dma_start3A_1140 = tpu.memref_slice %arg27[%dma_start3A_1138] : memref<5x!tpu.dma_semaphore, #tpu.memory_space<semaphore_mem>> -> memref<1x!tpu.dma_semaphore, #tpu.memory_space<semaphore_mem>>
      %dma_start3A_1141 = tpu.memref_squeeze %dma_start3A_1140 : memref<1x!tpu.dma_semaphore, #tpu.memory_space<semaphore_mem>> -> memref<!tpu.dma_semaphore, #tpu.memory_space<semaphore_mem>>
      %dma_start3A_1142 = tpu.memref_slice %arg4[%multiple_of3A_1132] : memref<320000xi32, #tpu.memory_space<hbm>> -> memref<80xi32, #tpu.memory_space<hbm>>
      tpu.enqueue_dma source(%dma_start3A_1142 : memref<80xi32, #tpu.memory_space<hbm>>) target(%arg16 : memref<80xi32, #tpu.memory_space<vmem>>) target_semaphore(%dma_start3A_1141 : memref<!tpu.dma_semaphore, #tpu.memory_space<semaphore_mem>>)
      %dma_wait3A_1143 = arith.constant 2 : i32
      %dma_wait3A_1144 = arith.constant 0 : i32
      %dma_wait3A_1145 = tpu.memref_slice %arg3[%dma_wait3A_1144] : memref<320000xi32, #tpu.memory_space<hbm>> -> memref<80xi32, #tpu.memory_space<hbm>>
      %dma_wait3A_1146 = tpu.memref_slice %arg26[%dma_wait3A_1143] : memref<5x!tpu.dma_semaphore, #tpu.memory_space<semaphore_mem>> -> memref<1x!tpu.dma_semaphore, #tpu.memory_space<semaphore_mem>>
      %dma_wait3A_1147 = tpu.memref_squeeze %dma_wait3A_1146 : memref<1x!tpu.dma_semaphore, #tpu.memory_space<semaphore_mem>> -> memref<!tpu.dma_semaphore, #tpu.memory_space<semaphore_mem>>
      %dma_wait3A_1148 = arith.constant 0 : i32
      %dma_wait3A_1149 = tpu.memref_slice %arg3[%dma_wait3A_1148] : memref<320000xi32, #tpu.memory_space<hbm>> -> memref<80xi32, #tpu.memory_space<hbm>>
      tpu.wait_dma2 semaphore(%dma_wait3A_1147 : memref<!tpu.dma_semaphore, #tpu.memory_space<semaphore_mem>>) src(%dma_wait3A_1149 : memref<80xi32, #tpu.memory_space<hbm>>) dst(%arg10 : memref<80xi32, #tpu.memory_space<vmem>>)
      %dma_start3A_1150 = arith.constant 2 : i32
      %dma_start3A_1151 = arith.constant 0 : i32
      %dma_start3A_1152 = arith.constant 0 : i32
      %dma_start3A_1153 = tpu.memref_slice %arg2[%dma_start3A_1151, %dma_start3A_1152] : memref<10000x128xf32, #tpu.memory_space<hbm>> -> memref<10000x128xf32, #tpu.memory_space<hbm>>
      %dma_start3A_1154 = tpu.memref_slice %arg28[%dma_start3A_1150] : memref<4x!tpu.dma_semaphore, #tpu.memory_space<semaphore_mem>> -> memref<1x!tpu.dma_semaphore, #tpu.memory_space<semaphore_mem>>
      %dma_start3A_1155 = tpu.memref_squeeze %dma_start3A_1154 : memref<1x!tpu.dma_semaphore, #tpu.memory_space<semaphore_mem>> -> memref<!tpu.dma_semaphore, #tpu.memory_space<semaphore_mem>>
      tpu.enqueue_indirect_dma source(%dma_start3A_1153 : memref<10000x128xf32, #tpu.memory_space<hbm>>) target(%arg20 : memref<80x128xf32, #tpu.memory_space<vmem>>) offsets(%arg10 : memref<80xi32, #tpu.memory_space<vmem>>) semaphore(%dma_start3A_1155 : memref<!tpu.dma_semaphore, #tpu.memory_space<semaphore_mem>>)
      %mul3A_1156 = arith.constant 20 : i32
      %mul3A_1157 = arith.muli %scan3A_243, %mul3A_1156 : i32
      %add3A_1158 = arith.constant 1 : i32
      %add3A_1159 = arith.addi %add3A_1158, %mul3A_1157 : i32
      %add3A_1160 = arith.constant 19 : i32
      %add3A_1161 = arith.addi %add3A_1159, %add3A_1160 : i32
      %dma_wait3A_1162 = arith.constant 0 : i32
      %dma_wait3A_1163 = arith.constant 0 : i32
      %dma_wait3A_1164 = arith.constant 0 : i32
      %dma_wait3A_1165 = tpu.memref_slice %arg2[%dma_wait3A_1163, %dma_wait3A_1164] : memref<10000x128xf32, #tpu.memory_space<hbm>> -> memref<10000x128xf32, #tpu.memory_space<hbm>>
      %dma_wait3A_1166 = tpu.memref_slice %arg28[%dma_wait3A_1162] : memref<4x!tpu.dma_semaphore, #tpu.memory_space<semaphore_mem>> -> memref<1x!tpu.dma_semaphore, #tpu.memory_space<semaphore_mem>>
      %dma_wait3A_1167 = tpu.memref_squeeze %dma_wait3A_1166 : memref<1x!tpu.dma_semaphore, #tpu.memory_space<semaphore_mem>> -> memref<!tpu.dma_semaphore, #tpu.memory_space<semaphore_mem>>
      tpu.wait_indirect_dma semaphore(%dma_wait3A_1167 : memref<!tpu.dma_semaphore, #tpu.memory_space<semaphore_mem>>) src(%dma_wait3A_1165 : memref<10000x128xf32, #tpu.memory_space<hbm>>) dst(%arg18 : memref<80x128xf32, #tpu.memory_space<vmem>>)
      %dma_wait3A_1168 = arith.constant 0 : i32
      %dma_wait3A_1169 = arith.constant 0 : i32
      %dma_wait3A_1170 = tpu.memref_slice %arg4[%dma_wait3A_1169] : memref<320000xi32, #tpu.memory_space<hbm>> -> memref<80xi32, #tpu.memory_space<hbm>>
      %dma_wait3A_1171 = tpu.memref_slice %arg27[%dma_wait3A_1168] : memref<5x!tpu.dma_semaphore, #tpu.memory_space<semaphore_mem>> -> memref<1x!tpu.dma_semaphore, #tpu.memory_space<semaphore_mem>>
      %dma_wait3A_1172 = tpu.memref_squeeze %dma_wait3A_1171 : memref<1x!tpu.dma_semaphore, #tpu.memory_space<semaphore_mem>> -> memref<!tpu.dma_semaphore, #tpu.memory_space<semaphore_mem>>
      %dma_wait3A_1173 = arith.constant 0 : i32
      %dma_wait3A_1174 = tpu.memref_slice %arg4[%dma_wait3A_1173] : memref<320000xi32, #tpu.memory_space<hbm>> -> memref<80xi32, #tpu.memory_space<hbm>>
      tpu.wait_dma2 semaphore(%dma_wait3A_1172 : memref<!tpu.dma_semaphore, #tpu.memory_space<semaphore_mem>>) src(%dma_wait3A_1174 : memref<80xi32, #tpu.memory_space<hbm>>) dst(%arg13 : memref<80xi32, #tpu.memory_space<vmem>>)
      "tpu.region"() ({
        %run_scoped3A = tpu.sem_alloc : memref<!tpu.dma_semaphore, #tpu.memory_space<semaphore_mem>>
        %dma_start3A_1204 = arith.constant 0 : i32
        %dma_start3A_1205 = arith.constant 0 : i32
        %dma_start3A_1206 = tpu.memref_slice %arg24[%dma_start3A_1204, %dma_start3A_1205] : memref<10112x128xf32, #tpu.memory_space<vmem_shared>> -> memref<10112x128xf32, #tpu.memory_space<vmem_shared>>
        tpu.enqueue_indirect_dma source(%arg18 : memref<80x128xf32, #tpu.memory_space<vmem>>) target(%dma_start3A_1206 : memref<10112x128xf32, #tpu.memory_space<vmem_shared>>) offsets(%arg13 : memref<80xi32, #tpu.memory_space<vmem>>) semaphore(%run_scoped3A : memref<!tpu.dma_semaphore, #tpu.memory_space<semaphore_mem>>) {add = true}
        %dma_wait3A_1207 = arith.constant 0 : i32
        %dma_wait3A_1208 = arith.constant 0 : i32
        %dma_wait3A_1209 = tpu.memref_slice %arg24[%dma_wait3A_1207, %dma_wait3A_1208] : memref<10112x128xf32, #tpu.memory_space<vmem_shared>> -> memref<10112x128xf32, #tpu.memory_space<vmem_shared>>
        tpu.wait_indirect_dma semaphore(%run_scoped3A : memref<!tpu.dma_semaphore, #tpu.memory_space<semaphore_mem>>) src(%arg18 : memref<80x128xf32, #tpu.memory_space<vmem>>) dst(%dma_wait3A_1209 : memref<10112x128xf32, #tpu.memory_space<vmem_shared>>)
        tpu.yield
      }) : () -> ()
      "tpu.region"() ({
        %run_scoped3A = tpu.sem_alloc : memref<!tpu.dma_semaphore, #tpu.memory_space<semaphore_mem>>
        %dma_start3A_1204 = arith.constant 0 : i32
        %dma_start3A_1205 = tpu.memref_slice %arg25[%dma_start3A_1204] : memref<10112xf32, #tpu.memory_space<vmem_shared>> -> memref<10112xf32, #tpu.memory_space<vmem_shared>>
        tpu.enqueue_indirect_dma source(%arg22 : memref<80xf32, #tpu.memory_space<vmem>>) target(%dma_start3A_1205 : memref<10112xf32, #tpu.memory_space<vmem_shared>>) offsets(%arg13 : memref<80xi32, #tpu.memory_space<vmem>>) semaphore(%run_scoped3A : memref<!tpu.dma_semaphore, #tpu.memory_space<semaphore_mem>>) {add = true}
        %dma_wait3A_1206 = arith.constant 0 : i32
        %dma_wait3A_1207 = tpu.memref_slice %arg25[%dma_wait3A_1206] : memref<10112xf32, #tpu.memory_space<vmem_shared>> -> memref<10112xf32, #tpu.memory_space<vmem_shared>>
        tpu.wait_indirect_dma semaphore(%run_scoped3A : memref<!tpu.dma_semaphore, #tpu.memory_space<semaphore_mem>>) src(%arg22 : memref<80xf32, #tpu.memory_space<vmem>>) dst(%dma_wait3A_1207 : memref<10112xf32, #tpu.memory_space<vmem_shared>>)
        tpu.yield
      }) : () -> ()
      %add3A_1175 = arith.constant 4 : i32
      %add3A_1176 = arith.addi %add3A_1161, %add3A_1175 : i32
      %mul3A_1177 = arith.constant 80 : i32
      %mul3A_1178 = arith.muli %add3A_1176, %mul3A_1177 : i32
      %add3A_1179 = arith.addi %add3A, %mul3A_1178 : i32
      %multiple_of3A_1180 = tpu.assume_multiple %add3A_1179, 8 : i32
      %dma_start3A_1181 = arith.constant 4 : i32
      %dma_start3A_1182 = tpu.memref_slice %arg3[%multiple_of3A_1180] : memref<320000xi32, #tpu.memory_space<hbm>> -> memref<80xi32, #tpu.memory_space<hbm>>
      %dma_start3A_1183 = tpu.memref_slice %arg26[%dma_start3A_1181] : memref<5x!tpu.dma_semaphore, #tpu.memory_space<semaphore_mem>> -> memref<1x!tpu.dma_semaphore, #tpu.memory_space<semaphore_mem>>
      %dma_start3A_1184 = tpu.memref_squeeze %dma_start3A_1183 : memref<1x!tpu.dma_semaphore, #tpu.memory_space<semaphore_mem>> -> memref<!tpu.dma_semaphore, #tpu.memory_space<semaphore_mem>>
      %dma_start3A_1185 = tpu.memref_slice %arg3[%multiple_of3A_1180] : memref<320000xi32, #tpu.memory_space<hbm>> -> memref<80xi32, #tpu.memory_space<hbm>>
      tpu.enqueue_dma source(%dma_start3A_1185 : memref<80xi32, #tpu.memory_space<hbm>>) target(%arg12 : memref<80xi32, #tpu.memory_space<vmem>>) target_semaphore(%dma_start3A_1184 : memref<!tpu.dma_semaphore, #tpu.memory_space<semaphore_mem>>)
      %dma_start3A_1186 = arith.constant 4 : i32
      %dma_start3A_1187 = tpu.memref_slice %arg4[%multiple_of3A_1180] : memref<320000xi32, #tpu.memory_space<hbm>> -> memref<80xi32, #tpu.memory_space<hbm>>
      %dma_start3A_1188 = tpu.memref_slice %arg27[%dma_start3A_1186] : memref<5x!tpu.dma_semaphore, #tpu.memory_space<semaphore_mem>> -> memref<1x!tpu.dma_semaphore, #tpu.memory_space<semaphore_mem>>
      %dma_start3A_1189 = tpu.memref_squeeze %dma_start3A_1188 : memref<1x!tpu.dma_semaphore, #tpu.memory_space<semaphore_mem>> -> memref<!tpu.dma_semaphore, #tpu.memory_space<semaphore_mem>>
      %dma_start3A_1190 = tpu.memref_slice %arg4[%multiple_of3A_1180] : memref<320000xi32, #tpu.memory_space<hbm>> -> memref<80xi32, #tpu.memory_space<hbm>>
      tpu.enqueue_dma source(%dma_start3A_1190 : memref<80xi32, #tpu.memory_space<hbm>>) target(%arg17 : memref<80xi32, #tpu.memory_space<vmem>>) target_semaphore(%dma_start3A_1189 : memref<!tpu.dma_semaphore, #tpu.memory_space<semaphore_mem>>)
      %dma_wait3A_1191 = arith.constant 3 : i32
      %dma_wait3A_1192 = arith.constant 0 : i32
      %dma_wait3A_1193 = tpu.memref_slice %arg3[%dma_wait3A_1192] : memref<320000xi32, #tpu.memory_space<hbm>> -> memref<80xi32, #tpu.memory_space<hbm>>
      %dma_wait3A_1194 = tpu.memref_slice %arg26[%dma_wait3A_1191] : memref<5x!tpu.dma_semaphore, #tpu.memory_space<semaphore_mem>> -> memref<1x!tpu.dma_semaphore, #tpu.memory_space<semaphore_mem>>
      %dma_wait3A_1195 = tpu.memref_squeeze %dma_wait3A_1194 : memref<1x!tpu.dma_semaphore, #tpu.memory_space<semaphore_mem>> -> memref<!tpu.dma_semaphore, #tpu.memory_space<semaphore_mem>>
      %dma_wait3A_1196 = arith.constant 0 : i32
      %dma_wait3A_1197 = tpu.memref_slice %arg3[%dma_wait3A_1196] : memref<320000xi32, #tpu.memory_space<hbm>> -> memref<80xi32, #tpu.memory_space<hbm>>
      tpu.wait_dma2 semaphore(%dma_wait3A_1195 : memref<!tpu.dma_semaphore, #tpu.memory_space<semaphore_mem>>) src(%dma_wait3A_1197 : memref<80xi32, #tpu.memory_space<hbm>>) dst(%arg11 : memref<80xi32, #tpu.memory_space<vmem>>)
      %dma_start3A_1198 = arith.constant 3 : i32
      %dma_start3A_1199 = arith.constant 0 : i32
      %dma_start3A_1200 = arith.constant 0 : i32
      %dma_start3A_1201 = tpu.memref_slice %arg2[%dma_start3A_1199, %dma_start3A_1200] : memref<10000x128xf32, #tpu.memory_space<hbm>> -> memref<10000x128xf32, #tpu.memory_space<hbm>>
      %dma_start3A_1202 = tpu.memref_slice %arg28[%dma_start3A_1198] : memref<4x!tpu.dma_semaphore, #tpu.memory_space<semaphore_mem>> -> memref<1x!tpu.dma_semaphore, #tpu.memory_space<semaphore_mem>>
      %dma_start3A_1203 = tpu.memref_squeeze %dma_start3A_1202 : memref<1x!tpu.dma_semaphore, #tpu.memory_space<semaphore_mem>> -> memref<!tpu.dma_semaphore, #tpu.memory_space<semaphore_mem>>
      tpu.enqueue_indirect_dma source(%dma_start3A_1201 : memref<10000x128xf32, #tpu.memory_space<hbm>>) target(%arg21 : memref<80x128xf32, #tpu.memory_space<vmem>>) offsets(%arg11 : memref<80xi32, #tpu.memory_space<vmem>>) semaphore(%dma_start3A_1203 : memref<!tpu.dma_semaphore, #tpu.memory_space<semaphore_mem>>)
    }
    %scan3A_170 = arith.constant 6 : i32
    %dma_wait3A_171 = arith.constant 1 : i32
    %dma_wait3A_172 = arith.constant 0 : i32
    %dma_wait3A_173 = arith.constant 0 : i32
    %dma_wait3A_174 = tpu.memref_slice %arg2[%dma_wait3A_172, %dma_wait3A_173] : memref<10000x128xf32, #tpu.memory_space<hbm>> -> memref<10000x128xf32, #tpu.memory_space<hbm>>
    %dma_wait3A_175 = tpu.memref_slice %arg28[%dma_wait3A_171] : memref<4x!tpu.dma_semaphore, #tpu.memory_space<semaphore_mem>> -> memref<1x!tpu.dma_semaphore, #tpu.memory_space<semaphore_mem>>
    %dma_wait3A_176 = tpu.memref_squeeze %dma_wait3A_175 : memref<1x!tpu.dma_semaphore, #tpu.memory_space<semaphore_mem>> -> memref<!tpu.dma_semaphore, #tpu.memory_space<semaphore_mem>>
    tpu.wait_indirect_dma semaphore(%dma_wait3A_176 : memref<!tpu.dma_semaphore, #tpu.memory_space<semaphore_mem>>) src(%dma_wait3A_174 : memref<10000x128xf32, #tpu.memory_space<hbm>>) dst(%arg19 : memref<80x128xf32, #tpu.memory_space<vmem>>)
    %dma_wait3A_177 = arith.constant 1 : i32
    %dma_wait3A_178 = arith.constant 0 : i32
    %dma_wait3A_179 = tpu.memref_slice %arg4[%dma_wait3A_178] : memref<320000xi32, #tpu.memory_space<hbm>> -> memref<80xi32, #tpu.memory_space<hbm>>
    %dma_wait3A_180 = tpu.memref_slice %arg27[%dma_wait3A_177] : memref<5x!tpu.dma_semaphore, #tpu.memory_space<semaphore_mem>> -> memref<1x!tpu.dma_semaphore, #tpu.memory_space<semaphore_mem>>
    %dma_wait3A_181 = tpu.memref_squeeze %dma_wait3A_180 : memref<1x!tpu.dma_semaphore, #tpu.memory_space<semaphore_mem>> -> memref<!tpu.dma_semaphore, #tpu.memory_space<semaphore_mem>>
    %dma_wait3A_182 = arith.constant 0 : i32
    %dma_wait3A_183 = tpu.memref_slice %arg4[%dma_wait3A_182] : memref<320000xi32, #tpu.memory_space<hbm>> -> memref<80xi32, #tpu.memory_space<hbm>>
    tpu.wait_dma2 semaphore(%dma_wait3A_181 : memref<!tpu.dma_semaphore, #tpu.memory_space<semaphore_mem>>) src(%dma_wait3A_183 : memref<80xi32, #tpu.memory_space<hbm>>) dst(%arg14 : memref<80xi32, #tpu.memory_space<vmem>>)
    "tpu.region"() ({
      %run_scoped3A = tpu.sem_alloc : memref<!tpu.dma_semaphore, #tpu.memory_space<semaphore_mem>>
      %dma_start3A_243 = arith.constant 0 : i32
      %dma_start3A_244 = arith.constant 0 : i32
      %dma_start3A_245 = tpu.memref_slice %arg24[%dma_start3A_243, %dma_start3A_244] : memref<10112x128xf32, #tpu.memory_space<vmem_shared>> -> memref<10112x128xf32, #tpu.memory_space<vmem_shared>>
      tpu.enqueue_indirect_dma source(%arg19 : memref<80x128xf32, #tpu.memory_space<vmem>>) target(%dma_start3A_245 : memref<10112x128xf32, #tpu.memory_space<vmem_shared>>) offsets(%arg14 : memref<80xi32, #tpu.memory_space<vmem>>) semaphore(%run_scoped3A : memref<!tpu.dma_semaphore, #tpu.memory_space<semaphore_mem>>) {add = true}
      %dma_wait3A_246 = arith.constant 0 : i32
      %dma_wait3A_247 = arith.constant 0 : i32
      %dma_wait3A_248 = tpu.memref_slice %arg24[%dma_wait3A_246, %dma_wait3A_247] : memref<10112x128xf32, #tpu.memory_space<vmem_shared>> -> memref<10112x128xf32, #tpu.memory_space<vmem_shared>>
      tpu.wait_indirect_dma semaphore(%run_scoped3A : memref<!tpu.dma_semaphore, #tpu.memory_space<semaphore_mem>>) src(%arg19 : memref<80x128xf32, #tpu.memory_space<vmem>>) dst(%dma_wait3A_248 : memref<10112x128xf32, #tpu.memory_space<vmem_shared>>)
      tpu.yield
    }) : () -> ()
    "tpu.region"() ({
      %run_scoped3A = tpu.sem_alloc : memref<!tpu.dma_semaphore, #tpu.memory_space<semaphore_mem>>
      %dma_start3A_243 = arith.constant 0 : i32
      %dma_start3A_244 = tpu.memref_slice %arg25[%dma_start3A_243] : memref<10112xf32, #tpu.memory_space<vmem_shared>> -> memref<10112xf32, #tpu.memory_space<vmem_shared>>
      tpu.enqueue_indirect_dma source(%arg22 : memref<80xf32, #tpu.memory_space<vmem>>) target(%dma_start3A_244 : memref<10112xf32, #tpu.memory_space<vmem_shared>>) offsets(%arg14 : memref<80xi32, #tpu.memory_space<vmem>>) semaphore(%run_scoped3A : memref<!tpu.dma_semaphore, #tpu.memory_space<semaphore_mem>>) {add = true}
      %dma_wait3A_245 = arith.constant 0 : i32
      %dma_wait3A_246 = tpu.memref_slice %arg25[%dma_wait3A_245] : memref<10112xf32, #tpu.memory_space<vmem_shared>> -> memref<10112xf32, #tpu.memory_space<vmem_shared>>
      tpu.wait_indirect_dma semaphore(%run_scoped3A : memref<!tpu.dma_semaphore, #tpu.memory_space<semaphore_mem>>) src(%arg22 : memref<80xf32, #tpu.memory_space<vmem>>) dst(%dma_wait3A_246 : memref<10112xf32, #tpu.memory_space<vmem_shared>>)
      tpu.yield
    }) : () -> ()
    %dma_wait3A_184 = arith.constant 4 : i32
    %dma_wait3A_185 = arith.constant 0 : i32
    %dma_wait3A_186 = tpu.memref_slice %arg3[%dma_wait3A_185] : memref<320000xi32, #tpu.memory_space<hbm>> -> memref<80xi32, #tpu.memory_space<hbm>>
    %dma_wait3A_187 = tpu.memref_slice %arg26[%dma_wait3A_184] : memref<5x!tpu.dma_semaphore, #tpu.memory_space<semaphore_mem>> -> memref<1x!tpu.dma_semaphore, #tpu.memory_space<semaphore_mem>>
    %dma_wait3A_188 = tpu.memref_squeeze %dma_wait3A_187 : memref<1x!tpu.dma_semaphore, #tpu.memory_space<semaphore_mem>> -> memref<!tpu.dma_semaphore, #tpu.memory_space<semaphore_mem>>
    %dma_wait3A_189 = arith.constant 0 : i32
    %dma_wait3A_190 = tpu.memref_slice %arg3[%dma_wait3A_189] : memref<320000xi32, #tpu.memory_space<hbm>> -> memref<80xi32, #tpu.memory_space<hbm>>
    tpu.wait_dma2 semaphore(%dma_wait3A_188 : memref<!tpu.dma_semaphore, #tpu.memory_space<semaphore_mem>>) src(%dma_wait3A_190 : memref<80xi32, #tpu.memory_space<hbm>>) dst(%arg12 : memref<80xi32, #tpu.memory_space<vmem>>)
    %dma_start3A_191 = arith.constant 0 : i32
    %dma_start3A_192 = arith.constant 0 : i32
    %dma_start3A_193 = arith.constant 0 : i32
    %dma_start3A_194 = tpu.memref_slice %arg2[%dma_start3A_192, %dma_start3A_193] : memref<10000x128xf32, #tpu.memory_space<hbm>> -> memref<10000x128xf32, #tpu.memory_space<hbm>>
    %dma_start3A_195 = tpu.memref_slice %arg28[%dma_start3A_191] : memref<4x!tpu.dma_semaphore, #tpu.memory_space<semaphore_mem>> -> memref<1x!tpu.dma_semaphore, #tpu.memory_space<semaphore_mem>>
    %dma_start3A_196 = tpu.memref_squeeze %dma_start3A_195 : memref<1x!tpu.dma_semaphore, #tpu.memory_space<semaphore_mem>> -> memref<!tpu.dma_semaphore, #tpu.memory_space<semaphore_mem>>
    tpu.enqueue_indirect_dma source(%dma_start3A_194 : memref<10000x128xf32, #tpu.memory_space<hbm>>) target(%arg18 : memref<80x128xf32, #tpu.memory_space<vmem>>) offsets(%arg12 : memref<80xi32, #tpu.memory_space<vmem>>) semaphore(%dma_start3A_196 : memref<!tpu.dma_semaphore, #tpu.memory_space<semaphore_mem>>)
    %dma_wait3A_197 = arith.constant 2 : i32
    %dma_wait3A_198 = arith.constant 0 : i32
    %dma_wait3A_199 = arith.constant 0 : i32
    %dma_wait3A_200 = tpu.memref_slice %arg2[%dma_wait3A_198, %dma_wait3A_199] : memref<10000x128xf32, #tpu.memory_space<hbm>> -> memref<10000x128xf32, #tpu.memory_space<hbm>>
    %dma_wait3A_201 = tpu.memref_slice %arg28[%dma_wait3A_197] : memref<4x!tpu.dma_semaphore, #tpu.memory_space<semaphore_mem>> -> memref<1x!tpu.dma_semaphore, #tpu.memory_space<semaphore_mem>>
    %dma_wait3A_202 = tpu.memref_squeeze %dma_wait3A_201 : memref<1x!tpu.dma_semaphore, #tpu.memory_space<semaphore_mem>> -> memref<!tpu.dma_semaphore, #tpu.memory_space<semaphore_mem>>
    tpu.wait_indirect_dma semaphore(%dma_wait3A_202 : memref<!tpu.dma_semaphore, #tpu.memory_space<semaphore_mem>>) src(%dma_wait3A_200 : memref<10000x128xf32, #tpu.memory_space<hbm>>) dst(%arg20 : memref<80x128xf32, #tpu.memory_space<vmem>>)
    %dma_wait3A_203 = arith.constant 2 : i32
    %dma_wait3A_204 = arith.constant 0 : i32
    %dma_wait3A_205 = tpu.memref_slice %arg4[%dma_wait3A_204] : memref<320000xi32, #tpu.memory_space<hbm>> -> memref<80xi32, #tpu.memory_space<hbm>>
    %dma_wait3A_206 = tpu.memref_slice %arg27[%dma_wait3A_203] : memref<5x!tpu.dma_semaphore, #tpu.memory_space<semaphore_mem>> -> memref<1x!tpu.dma_semaphore, #tpu.memory_space<semaphore_mem>>
    %dma_wait3A_207 = tpu.memref_squeeze %dma_wait3A_206 : memref<1x!tpu.dma_semaphore, #tpu.memory_space<semaphore_mem>> -> memref<!tpu.dma_semaphore, #tpu.memory_space<semaphore_mem>>
    %dma_wait3A_208 = arith.constant 0 : i32
    %dma_wait3A_209 = tpu.memref_slice %arg4[%dma_wait3A_208] : memref<320000xi32, #tpu.memory_space<hbm>> -> memref<80xi32, #tpu.memory_space<hbm>>
    tpu.wait_dma2 semaphore(%dma_wait3A_207 : memref<!tpu.dma_semaphore, #tpu.memory_space<semaphore_mem>>) src(%dma_wait3A_209 : memref<80xi32, #tpu.memory_space<hbm>>) dst(%arg15 : memref<80xi32, #tpu.memory_space<vmem>>)
    "tpu.region"() ({
      %run_scoped3A = tpu.sem_alloc : memref<!tpu.dma_semaphore, #tpu.memory_space<semaphore_mem>>
      %dma_start3A_243 = arith.constant 0 : i32
      %dma_start3A_244 = arith.constant 0 : i32
      %dma_start3A_245 = tpu.memref_slice %arg24[%dma_start3A_243, %dma_start3A_244] : memref<10112x128xf32, #tpu.memory_space<vmem_shared>> -> memref<10112x128xf32, #tpu.memory_space<vmem_shared>>
      tpu.enqueue_indirect_dma source(%arg20 : memref<80x128xf32, #tpu.memory_space<vmem>>) target(%dma_start3A_245 : memref<10112x128xf32, #tpu.memory_space<vmem_shared>>) offsets(%arg15 : memref<80xi32, #tpu.memory_space<vmem>>) semaphore(%run_scoped3A : memref<!tpu.dma_semaphore, #tpu.memory_space<semaphore_mem>>) {add = true}
      %dma_wait3A_246 = arith.constant 0 : i32
      %dma_wait3A_247 = arith.constant 0 : i32
      %dma_wait3A_248 = tpu.memref_slice %arg24[%dma_wait3A_246, %dma_wait3A_247] : memref<10112x128xf32, #tpu.memory_space<vmem_shared>> -> memref<10112x128xf32, #tpu.memory_space<vmem_shared>>
      tpu.wait_indirect_dma semaphore(%run_scoped3A : memref<!tpu.dma_semaphore, #tpu.memory_space<semaphore_mem>>) src(%arg20 : memref<80x128xf32, #tpu.memory_space<vmem>>) dst(%dma_wait3A_248 : memref<10112x128xf32, #tpu.memory_space<vmem_shared>>)
      tpu.yield
    }) : () -> ()
    "tpu.region"() ({
      %run_scoped3A = tpu.sem_alloc : memref<!tpu.dma_semaphore, #tpu.memory_space<semaphore_mem>>
      %dma_start3A_243 = arith.constant 0 : i32
      %dma_start3A_244 = tpu.memref_slice %arg25[%dma_start3A_243] : memref<10112xf32, #tpu.memory_space<vmem_shared>> -> memref<10112xf32, #tpu.memory_space<vmem_shared>>
      tpu.enqueue_indirect_dma source(%arg22 : memref<80xf32, #tpu.memory_space<vmem>>) target(%dma_start3A_244 : memref<10112xf32, #tpu.memory_space<vmem_shared>>) offsets(%arg15 : memref<80xi32, #tpu.memory_space<vmem>>) semaphore(%run_scoped3A : memref<!tpu.dma_semaphore, #tpu.memory_space<semaphore_mem>>) {add = true}
      %dma_wait3A_245 = arith.constant 0 : i32
      %dma_wait3A_246 = tpu.memref_slice %arg25[%dma_wait3A_245] : memref<10112xf32, #tpu.memory_space<vmem_shared>> -> memref<10112xf32, #tpu.memory_space<vmem_shared>>
      tpu.wait_indirect_dma semaphore(%run_scoped3A : memref<!tpu.dma_semaphore, #tpu.memory_space<semaphore_mem>>) src(%arg22 : memref<80xf32, #tpu.memory_space<vmem>>) dst(%dma_wait3A_246 : memref<10112xf32, #tpu.memory_space<vmem_shared>>)
      tpu.yield
    }) : () -> ()
    %dma_wait3A_210 = arith.constant 3 : i32
    %dma_wait3A_211 = arith.constant 0 : i32
    %dma_wait3A_212 = arith.constant 0 : i32
    %dma_wait3A_213 = tpu.memref_slice %arg2[%dma_wait3A_211, %dma_wait3A_212] : memref<10000x128xf32, #tpu.memory_space<hbm>> -> memref<10000x128xf32, #tpu.memory_space<hbm>>
    %dma_wait3A_214 = tpu.memref_slice %arg28[%dma_wait3A_210] : memref<4x!tpu.dma_semaphore, #tpu.memory_space<semaphore_mem>> -> memref<1x!tpu.dma_semaphore, #tpu.memory_space<semaphore_mem>>
    %dma_wait3A_215 = tpu.memref_squeeze %dma_wait3A_214 : memref<1x!tpu.dma_semaphore, #tpu.memory_space<semaphore_mem>> -> memref<!tpu.dma_semaphore, #tpu.memory_space<semaphore_mem>>
    tpu.wait_indirect_dma semaphore(%dma_wait3A_215 : memref<!tpu.dma_semaphore, #tpu.memory_space<semaphore_mem>>) src(%dma_wait3A_213 : memref<10000x128xf32, #tpu.memory_space<hbm>>) dst(%arg21 : memref<80x128xf32, #tpu.memory_space<vmem>>)
    %dma_wait3A_216 = arith.constant 3 : i32
    %dma_wait3A_217 = arith.constant 0 : i32
    %dma_wait3A_218 = tpu.memref_slice %arg4[%dma_wait3A_217] : memref<320000xi32, #tpu.memory_space<hbm>> -> memref<80xi32, #tpu.memory_space<hbm>>
    %dma_wait3A_219 = tpu.memref_slice %arg27[%dma_wait3A_216] : memref<5x!tpu.dma_semaphore, #tpu.memory_space<semaphore_mem>> -> memref<1x!tpu.dma_semaphore, #tpu.memory_space<semaphore_mem>>
    %dma_wait3A_220 = tpu.memref_squeeze %dma_wait3A_219 : memref<1x!tpu.dma_semaphore, #tpu.memory_space<semaphore_mem>> -> memref<!tpu.dma_semaphore, #tpu.memory_space<semaphore_mem>>
    %dma_wait3A_221 = arith.constant 0 : i32
    %dma_wait3A_222 = tpu.memref_slice %arg4[%dma_wait3A_221] : memref<320000xi32, #tpu.memory_space<hbm>> -> memref<80xi32, #tpu.memory_space<hbm>>
    tpu.wait_dma2 semaphore(%dma_wait3A_220 : memref<!tpu.dma_semaphore, #tpu.memory_space<semaphore_mem>>) src(%dma_wait3A_222 : memref<80xi32, #tpu.memory_space<hbm>>) dst(%arg16 : memref<80xi32, #tpu.memory_space<vmem>>)
    "tpu.region"() ({
      %run_scoped3A = tpu.sem_alloc : memref<!tpu.dma_semaphore, #tpu.memory_space<semaphore_mem>>
      %dma_start3A_243 = arith.constant 0 : i32
      %dma_start3A_244 = arith.constant 0 : i32
      %dma_start3A_245 = tpu.memref_slice %arg24[%dma_start3A_243, %dma_start3A_244] : memref<10112x128xf32, #tpu.memory_space<vmem_shared>> -> memref<10112x128xf32, #tpu.memory_space<vmem_shared>>
      tpu.enqueue_indirect_dma source(%arg21 : memref<80x128xf32, #tpu.memory_space<vmem>>) target(%dma_start3A_245 : memref<10112x128xf32, #tpu.memory_space<vmem_shared>>) offsets(%arg16 : memref<80xi32, #tpu.memory_space<vmem>>) semaphore(%run_scoped3A : memref<!tpu.dma_semaphore, #tpu.memory_space<semaphore_mem>>) {add = true}
      %dma_wait3A_246 = arith.constant 0 : i32
      %dma_wait3A_247 = arith.constant 0 : i32
      %dma_wait3A_248 = tpu.memref_slice %arg24[%dma_wait3A_246, %dma_wait3A_247] : memref<10112x128xf32, #tpu.memory_space<vmem_shared>> -> memref<10112x128xf32, #tpu.memory_space<vmem_shared>>
      tpu.wait_indirect_dma semaphore(%run_scoped3A : memref<!tpu.dma_semaphore, #tpu.memory_space<semaphore_mem>>) src(%arg21 : memref<80x128xf32, #tpu.memory_space<vmem>>) dst(%dma_wait3A_248 : memref<10112x128xf32, #tpu.memory_space<vmem_shared>>)
      tpu.yield
    }) : () -> ()
    "tpu.region"() ({
      %run_scoped3A = tpu.sem_alloc : memref<!tpu.dma_semaphore, #tpu.memory_space<semaphore_mem>>
      %dma_start3A_243 = arith.constant 0 : i32
      %dma_start3A_244 = tpu.memref_slice %arg25[%dma_start3A_243] : memref<10112xf32, #tpu.memory_space<vmem_shared>> -> memref<10112xf32, #tpu.memory_space<vmem_shared>>
      tpu.enqueue_indirect_dma source(%arg22 : memref<80xf32, #tpu.memory_space<vmem>>) target(%dma_start3A_244 : memref<10112xf32, #tpu.memory_space<vmem_shared>>) offsets(%arg16 : memref<80xi32, #tpu.memory_space<vmem>>) semaphore(%run_scoped3A : memref<!tpu.dma_semaphore, #tpu.memory_space<semaphore_mem>>) {add = true}
      %dma_wait3A_245 = arith.constant 0 : i32
      %dma_wait3A_246 = tpu.memref_slice %arg25[%dma_wait3A_245] : memref<10112xf32, #tpu.memory_space<vmem_shared>> -> memref<10112xf32, #tpu.memory_space<vmem_shared>>
      tpu.wait_indirect_dma semaphore(%run_scoped3A : memref<!tpu.dma_semaphore, #tpu.memory_space<semaphore_mem>>) src(%arg22 : memref<80xf32, #tpu.memory_space<vmem>>) dst(%dma_wait3A_246 : memref<10112xf32, #tpu.memory_space<vmem_shared>>)
      tpu.yield
    }) : () -> ()
    %dma_wait3A_223 = arith.constant 0 : i32
    %dma_wait3A_224 = arith.constant 0 : i32
    %dma_wait3A_225 = arith.constant 0 : i32
    %dma_wait3A_226 = tpu.memref_slice %arg2[%dma_wait3A_224, %dma_wait3A_225] : memref<10000x128xf32, #tpu.memory_space<hbm>> -> memref<10000x128xf32, #tpu.memory_space<hbm>>
    %dma_wait3A_227 = tpu.memref_slice %arg28[%dma_wait3A_223] : memref<4x!tpu.dma_semaphore, #tpu.memory_space<semaphore_mem>> -> memref<1x!tpu.dma_semaphore, #tpu.memory_space<semaphore_mem>>
    %dma_wait3A_228 = tpu.memref_squeeze %dma_wait3A_227 : memref<1x!tpu.dma_semaphore, #tpu.memory_space<semaphore_mem>> -> memref<!tpu.dma_semaphore, #tpu.memory_space<semaphore_mem>>
    tpu.wait_indirect_dma semaphore(%dma_wait3A_228 : memref<!tpu.dma_semaphore, #tpu.memory_space<semaphore_mem>>) src(%dma_wait3A_226 : memref<10000x128xf32, #tpu.memory_space<hbm>>) dst(%arg18 : memref<80x128xf32, #tpu.memory_space<vmem>>)
    %dma_wait3A_229 = arith.constant 4 : i32
    %dma_wait3A_230 = arith.constant 0 : i32
    %dma_wait3A_231 = tpu.memref_slice %arg4[%dma_wait3A_230] : memref<320000xi32, #tpu.memory_space<hbm>> -> memref<80xi32, #tpu.memory_space<hbm>>
    %dma_wait3A_232 = tpu.memref_slice %arg27[%dma_wait3A_229] : memref<5x!tpu.dma_semaphore, #tpu.memory_space<semaphore_mem>> -> memref<1x!tpu.dma_semaphore, #tpu.memory_space<semaphore_mem>>
    %dma_wait3A_233 = tpu.memref_squeeze %dma_wait3A_232 : memref<1x!tpu.dma_semaphore, #tpu.memory_space<semaphore_mem>> -> memref<!tpu.dma_semaphore, #tpu.memory_space<semaphore_mem>>
    %dma_wait3A_234 = arith.constant 0 : i32
    %dma_wait3A_235 = tpu.memref_slice %arg4[%dma_wait3A_234] : memref<320000xi32, #tpu.memory_space<hbm>> -> memref<80xi32, #tpu.memory_space<hbm>>
    tpu.wait_dma2 semaphore(%dma_wait3A_233 : memref<!tpu.dma_semaphore, #tpu.memory_space<semaphore_mem>>) src(%dma_wait3A_235 : memref<80xi32, #tpu.memory_space<hbm>>) dst(%arg17 : memref<80xi32, #tpu.memory_space<vmem>>)
    "tpu.region"() ({
      %run_scoped3A = tpu.sem_alloc : memref<!tpu.dma_semaphore, #tpu.memory_space<semaphore_mem>>
      %dma_start3A_243 = arith.constant 0 : i32
      %dma_start3A_244 = arith.constant 0 : i32
      %dma_start3A_245 = tpu.memref_slice %arg24[%dma_start3A_243, %dma_start3A_244] : memref<10112x128xf32, #tpu.memory_space<vmem_shared>> -> memref<10112x128xf32, #tpu.memory_space<vmem_shared>>
      tpu.enqueue_indirect_dma source(%arg18 : memref<80x128xf32, #tpu.memory_space<vmem>>) target(%dma_start3A_245 : memref<10112x128xf32, #tpu.memory_space<vmem_shared>>) offsets(%arg17 : memref<80xi32, #tpu.memory_space<vmem>>) semaphore(%run_scoped3A : memref<!tpu.dma_semaphore, #tpu.memory_space<semaphore_mem>>) {add = true}
      %dma_wait3A_246 = arith.constant 0 : i32
      %dma_wait3A_247 = arith.constant 0 : i32
      %dma_wait3A_248 = tpu.memref_slice %arg24[%dma_wait3A_246, %dma_wait3A_247] : memref<10112x128xf32, #tpu.memory_space<vmem_shared>> -> memref<10112x128xf32, #tpu.memory_space<vmem_shared>>
      tpu.wait_indirect_dma semaphore(%run_scoped3A : memref<!tpu.dma_semaphore, #tpu.memory_space<semaphore_mem>>) src(%arg18 : memref<80x128xf32, #tpu.memory_space<vmem>>) dst(%dma_wait3A_248 : memref<10112x128xf32, #tpu.memory_space<vmem_shared>>)
      tpu.yield
    }) : () -> ()
    "tpu.region"() ({
      %run_scoped3A = tpu.sem_alloc : memref<!tpu.dma_semaphore, #tpu.memory_space<semaphore_mem>>
      %dma_start3A_243 = arith.constant 0 : i32
      %dma_start3A_244 = tpu.memref_slice %arg25[%dma_start3A_243] : memref<10112xf32, #tpu.memory_space<vmem_shared>> -> memref<10112xf32, #tpu.memory_space<vmem_shared>>
      tpu.enqueue_indirect_dma source(%arg22 : memref<80xf32, #tpu.memory_space<vmem>>) target(%dma_start3A_244 : memref<10112xf32, #tpu.memory_space<vmem_shared>>) offsets(%arg17 : memref<80xi32, #tpu.memory_space<vmem>>) semaphore(%run_scoped3A : memref<!tpu.dma_semaphore, #tpu.memory_space<semaphore_mem>>) {add = true}
      %dma_wait3A_245 = arith.constant 0 : i32
      %dma_wait3A_246 = tpu.memref_slice %arg25[%dma_wait3A_245] : memref<10112xf32, #tpu.memory_space<vmem_shared>> -> memref<10112xf32, #tpu.memory_space<vmem_shared>>
      tpu.wait_indirect_dma semaphore(%run_scoped3A : memref<!tpu.dma_semaphore, #tpu.memory_space<semaphore_mem>>) src(%arg22 : memref<80xf32, #tpu.memory_space<vmem>>) dst(%dma_wait3A_246 : memref<10112xf32, #tpu.memory_space<vmem_shared>>)
      tpu.yield
    }) : () -> ()
    %barrier3A_236 = arith.constant 0 : index
    tpu.barrier barrier_id(%barrier3A_236)
    %mul3A_237 = arith.constant 10112 : i32
    %mul3A_238 = arith.muli %arg0, %mul3A_237 : i32
    %add3A_239 = arith.addi %mul3A_238, %mul3A_0 : i32
    "tpu.region"() ({
      %run_scoped3A = tpu.sem_alloc : memref<!tpu.dma_semaphore, #tpu.memory_space<semaphore_mem>>
      %dma_start3A_243 = arith.constant 0 : i32
      %dma_start3A_244 = tpu.memref_slice %arg6[%add3A_239, %dma_start3A_243] : memref<20224x128xf32, #tpu.memory_space<hbm>> -> memref<632x128xf32, #tpu.memory_space<hbm>>
      %dma_start3A_245 = arith.constant 0 : i32
      %dma_start3A_246 = tpu.memref_slice %arg24[%mul3A_0, %dma_start3A_245] : memref<10112x128xf32, #tpu.memory_space<vmem_shared>> -> memref<632x128xf32, #tpu.memory_space<vmem_shared>>
      tpu.enqueue_dma source(%dma_start3A_246 : memref<632x128xf32, #tpu.memory_space<vmem_shared>>) target(%dma_start3A_244 : memref<632x128xf32, #tpu.memory_space<hbm>>) target_semaphore(%run_scoped3A : memref<!tpu.dma_semaphore, #tpu.memory_space<semaphore_mem>>)
      %dma_wait3A_247 = arith.constant 0 : i32
      %dma_wait3A_248 = tpu.memref_slice %arg6[%add3A_239, %dma_wait3A_247] : memref<20224x128xf32, #tpu.memory_space<hbm>> -> memref<632x128xf32, #tpu.memory_space<hbm>>
      %dma_wait3A_249 = arith.constant 0 : i32
      %dma_wait3A_250 = tpu.memref_slice %arg24[%mul3A_0, %dma_wait3A_249] : memref<10112x128xf32, #tpu.memory_space<vmem_shared>> -> memref<632x128xf32, #tpu.memory_space<vmem_shared>>
      tpu.wait_dma2 semaphore(%run_scoped3A : memref<!tpu.dma_semaphore, #tpu.memory_space<semaphore_mem>>) src(%dma_wait3A_250 : memref<632x128xf32, #tpu.memory_space<vmem_shared>>) dst(%dma_wait3A_248 : memref<632x128xf32, #tpu.memory_space<hbm>>)
      tpu.yield
    }) : () -> ()
    "tpu.region"() ({
      %run_scoped3A = tpu.sem_alloc : memref<!tpu.dma_semaphore, #tpu.memory_space<semaphore_mem>>
      %dma_start3A_243 = tpu.memref_slice %arg25[%mul3A_0] : memref<10112xf32, #tpu.memory_space<vmem_shared>> -> memref<632xf32, #tpu.memory_space<vmem_shared>>
      %dma_start3A_244 = tpu.memref_slice %arg25[%mul3A_0] : memref<10112xf32, #tpu.memory_space<vmem_shared>> -> memref<632xf32, #tpu.memory_space<vmem_shared>>
      tpu.enqueue_dma source(%dma_start3A_244 : memref<632xf32, #tpu.memory_space<vmem_shared>>) target(%arg23 : memref<632xf32, #tpu.memory_space<vmem>>) target_semaphore(%run_scoped3A : memref<!tpu.dma_semaphore, #tpu.memory_space<semaphore_mem>>)
      %dma_wait3A_245 = tpu.memref_slice %arg25[%mul3A_0] : memref<10112xf32, #tpu.memory_space<vmem_shared>> -> memref<632xf32, #tpu.memory_space<vmem_shared>>
      %dma_wait3A_246 = tpu.memref_slice %arg25[%mul3A_0] : memref<10112xf32, #tpu.memory_space<vmem_shared>> -> memref<632xf32, #tpu.memory_space<vmem_shared>>
      tpu.wait_dma2 semaphore(%run_scoped3A : memref<!tpu.dma_semaphore, #tpu.memory_space<semaphore_mem>>) src(%dma_wait3A_246 : memref<632xf32, #tpu.memory_space<vmem_shared>>) dst(%arg23 : memref<632xf32, #tpu.memory_space<vmem>>)
      tpu.yield
    }) : () -> ()
    %mul3A_240 = arith.constant 16 : i32
    %mul3A_241 = arith.muli %arg0, %mul3A_240 : i32
    %add3A_242 = arith.addi %mul3A_241, %arg1 : i32
    "tpu.region"() ({
      %run_scoped3A = tpu.sem_alloc : memref<!tpu.dma_semaphore, #tpu.memory_space<semaphore_mem>>
      %dma_start3A_243 = arith.constant 0 : i32
      %dma_start3A_244 = tpu.memref_slice %arg7[%add3A_242, %dma_start3A_243] : memref<32x632xf32, #tpu.memory_space<hbm>> -> memref<1x632xf32, #tpu.memory_space<hbm>>
      %dma_start3A_245 = tpu.memref_squeeze %dma_start3A_244 : memref<1x632xf32, #tpu.memory_space<hbm>> -> memref<632xf32, #tpu.memory_space<hbm>>
      %dma_start3A_246 = arith.constant 0 : i32
      %dma_start3A_247 = tpu.memref_slice %arg7[%add3A_242, %dma_start3A_246] : memref<32x632xf32, #tpu.memory_space<hbm>> -> memref<1x632xf32, #tpu.memory_space<hbm>>
      %dma_start3A_248 = tpu.memref_squeeze %dma_start3A_247 : memref<1x632xf32, #tpu.memory_space<hbm>> -> memref<632xf32, #tpu.memory_space<hbm>>
      tpu.enqueue_dma source(%arg23 : memref<632xf32, #tpu.memory_space<vmem>>) target(%dma_start3A_248 : memref<632xf32, #tpu.memory_space<hbm>>) target_semaphore(%run_scoped3A : memref<!tpu.dma_semaphore, #tpu.memory_space<semaphore_mem>>)
      %dma_wait3A_249 = arith.constant 0 : i32
      %dma_wait3A_250 = tpu.memref_slice %arg7[%add3A_242, %dma_wait3A_249] : memref<32x632xf32, #tpu.memory_space<hbm>> -> memref<1x632xf32, #tpu.memory_space<hbm>>
      %dma_wait3A_251 = tpu.memref_squeeze %dma_wait3A_250 : memref<1x632xf32, #tpu.memory_space<hbm>> -> memref<632xf32, #tpu.memory_space<hbm>>
      %dma_wait3A_252 = arith.constant 0 : i32
      %dma_wait3A_253 = tpu.memref_slice %arg7[%add3A_242, %dma_wait3A_252] : memref<32x632xf32, #tpu.memory_space<hbm>> -> memref<1x632xf32, #tpu.memory_space<hbm>>
      %dma_wait3A_254 = tpu.memref_squeeze %dma_wait3A_253 : memref<1x632xf32, #tpu.memory_space<hbm>> -> memref<632xf32, #tpu.memory_space<hbm>>
      tpu.wait_dma2 semaphore(%run_scoped3A : memref<!tpu.dma_semaphore, #tpu.memory_space<semaphore_mem>>) src(%arg23 : memref<632xf32, #tpu.memory_space<vmem>>) dst(%dma_wait3A_254 : memref<632xf32, #tpu.memory_space<hbm>>)
      tpu.yield
    }) : () -> ()
    return
  }
}

module attributes {stable_mosaic.version = 14 : i64} {
  func.func @_proj_body(%arg0: i32, %arg1: memref<1000x128xf32, #tpu.memory_space<vmem>>, %arg2: memref<128x128xf32, #tpu.memory_space<vmem>>, %arg3: memref<1x128xf32, #tpu.memory_space<vmem>>, %arg4: memref<1000x128xf32, #tpu.memory_space<vmem>>) attributes {dimension_semantics = [#tpu.dimension_semantics<arbitrary>], iteration_bounds = array<i64: 10>, scalar_prefetch = 0 : i64, scratch_operands = 0 : i64, tpu.core_type = #tpu.core_type<tc>, window_params = [{transform_indices = @transform_0, window_bounds = array<i64: 1000, 128>}, {pipeline_mode = #tpu.pipeline_mode<synchronous>, transform_indices = @transform_1, window_bounds = array<i64: 128, 128>}, {pipeline_mode = #tpu.pipeline_mode<synchronous>, transform_indices = @transform_2, window_bounds = array<i64: 1, 128>}, {transform_indices = @transform_3, window_bounds = array<i64: 1000, 128>}]} {
    %get3A = arith.constant 0 : index
    %get3A_0 = arith.constant 0 : index
    %get3A_1 = vector.load %arg1[%get3A, %get3A_0] : memref<1000x128xf32, #tpu.memory_space<vmem>>, vector<1000x128xf32>
    %get3A_2 = arith.constant 0 : index
    %get3A_3 = arith.constant 0 : index
    %get3A_4 = vector.load %arg2[%get3A_2, %get3A_3] : memref<128x128xf32, #tpu.memory_space<vmem>>, vector<128x128xf32>
    %dot_general3A = arith.constant dense<0.000000e+00> : vector<1000x128xf32>
    %dot_general3A_5 = tpu.matmul %get3A_1, %get3A_4, %dot_general3A {dimension_numbers = #tpu.dot_dimension_numbers<[1], [1], [0], [0], [0, 0, 1, 0], [], []>, transpose_lhs_hint = false} : vector<1000x128xf32>, vector<128x128xf32>, vector<1000x128xf32> -> vector<1000x128xf32>
    %get3A_6 = arith.constant 0 : index
    %get3A_7 = arith.constant 0 : index
    %get3A_8 = vector.load %arg3[%get3A_6, %get3A_7] : memref<1x128xf32, #tpu.memory_space<vmem>>, vector<1x128xf32>
    %add3A = vector.broadcast %get3A_8 : vector<1x128xf32> to vector<1000x128xf32>
    %add3A_9 = arith.addf %dot_general3A_5, %add3A : vector<1000x128xf32>
    %max3A = arith.constant 0.000000e+00 : f32
    %max3A_10 = vector.broadcast %max3A : f32 to vector<1000x128xf32>
    %max3A_11 = arith.maximumf %add3A_9, %max3A_10 : vector<1000x128xf32>
    %swap3A = arith.constant 0 : index
    %swap3A_12 = arith.constant 0 : index
    %swap3A_13 = vector.load %arg4[%swap3A, %swap3A_12] : memref<1000x128xf32, #tpu.memory_space<vmem>>, vector<1000x128xf32>
    tpu.vector_store %arg4[%swap3A, %swap3A_12], %max3A_11 {strides = array<i32>} : memref<1000x128xf32, #tpu.memory_space<vmem>>, vector<1000x128xf32>,
    return
  }
  func.func @transform_0(%arg0: i32) -> (i32, i32) {
    %c0_i32 = arith.constant 0 : i32
    %c0_i32_0 = arith.constant 0 : i32
    return %arg0, %c0_i32 : i32, i32
  }
  func.func @transform_1(%arg0: i32) -> (i32, i32) {
    %c0_i32 = arith.constant 0 : i32
    %c0_i32_0 = arith.constant 0 : i32
    %c0_i32_1 = arith.constant 0 : i32
    return %c0_i32, %c0_i32_0 : i32, i32
  }
  func.func @transform_2(%arg0: i32) -> (i32, i32) {
    %c0_i32 = arith.constant 0 : i32
    %c0_i32_0 = arith.constant 0 : i32
    %c0_i32_1 = arith.constant 0 : i32
    return %c0_i32, %c0_i32_0 : i32, i32
  }
  func.func @transform_3(%arg0: i32) -> (i32, i32) {
    %c0_i32 = arith.constant 0 : i32
    %c0_i32_0 = arith.constant 0 : i32
    return %arg0, %c0_i32 : i32, i32
  }
}

module attributes {stable_mosaic.version = 14 : i64} {
  func.func @_post_body(%arg0: i32, %arg1: memref<2x1000x128xf32, #tpu.memory_space<vmem>>, %arg2: memref<2x1000x1xf32, #tpu.memory_space<vmem>>, %arg3: memref<1000x128xf32, #tpu.memory_space<vmem>>, %arg4: memref<128x128xf32, #tpu.memory_space<vmem>>, %arg5: memref<1x128xf32, #tpu.memory_space<vmem>>, %arg6: memref<128x128xf32, #tpu.memory_space<vmem>>, %arg7: memref<1x128xf32, #tpu.memory_space<vmem>>, %arg8: memref<1000x128xf32, #tpu.memory_space<vmem>>) attributes {dimension_semantics = [#tpu.dimension_semantics<arbitrary>], iteration_bounds = array<i64: 10>, scalar_prefetch = 0 : i64, scratch_operands = 0 : i64, tpu.core_type = #tpu.core_type<tc>, window_params = [{transform_indices = @transform_0, window_bounds = array<i64: 2, 1000, 128>}, {transform_indices = @transform_1, window_bounds = array<i64: 2, 1000, 1>}, {transform_indices = @transform_2, window_bounds = array<i64: 1000, 128>}, {pipeline_mode = #tpu.pipeline_mode<synchronous>, transform_indices = @transform_3, window_bounds = array<i64: 128, 128>}, {pipeline_mode = #tpu.pipeline_mode<synchronous>, transform_indices = @transform_4, window_bounds = array<i64: 1, 128>}, {pipeline_mode = #tpu.pipeline_mode<synchronous>, transform_indices = @transform_5, window_bounds = array<i64: 128, 128>}, {pipeline_mode = #tpu.pipeline_mode<synchronous>, transform_indices = @transform_6, window_bounds = array<i64: 1, 128>}, {transform_indices = @transform_7, window_bounds = array<i64: 1000, 128>}]} {
    %get3A = arith.constant 0 : index
    %get3A_0 = arith.constant 0 : index
    %get3A_1 = arith.constant 0 : index
    %get3A_2 = vector.load %arg1[%get3A, %get3A_0, %get3A_1] : memref<2x1000x128xf32, #tpu.memory_space<vmem>>, vector<1x1000x128xf32>
    %get3A_3 = vector.shape_cast %get3A_2 : vector<1x1000x128xf32> to vector<1000x128xf32>
    %get3A_4 = arith.constant 1 : index
    %get3A_5 = arith.constant 0 : index
    %get3A_6 = arith.constant 0 : index
    %get3A_7 = vector.load %arg1[%get3A_4, %get3A_5, %get3A_6] : memref<2x1000x128xf32, #tpu.memory_space<vmem>>, vector<1x1000x128xf32>
    %get3A_8 = vector.shape_cast %get3A_7 : vector<1x1000x128xf32> to vector<1000x128xf32>
    %add3A = arith.addf %get3A_3, %get3A_8 : vector<1000x128xf32>
    %get3A_9 = arith.constant 0 : index
    %get3A_10 = arith.constant 0 : index
    %get3A_11 = arith.constant 0 : index
    %get3A_12 = vector.load %arg2[%get3A_9, %get3A_10, %get3A_11] : memref<2x1000x1xf32, #tpu.memory_space<vmem>>, vector<2x1000x1xf32>
    %reduce_sum3A = arith.constant dense<0.000000e+00> : vector<1000x1xf32>
    %reduce_sum3A_13 = vector.multi_reduction <add>, %get3A_12, %reduce_sum3A [0] : vector<2x1000x1xf32> to vector<1000x1xf32>
    %max3A = arith.constant 1.000000e+00 : f32
    %max3A_14 = vector.broadcast %max3A : f32 to vector<1000x1xf32>
    %max3A_15 = arith.maximumf %reduce_sum3A_13, %max3A_14 : vector<1000x1xf32>
    %div3A = vector.broadcast %max3A_15 : vector<1000x1xf32> to vector<1000x128xf32>
    %div3A_16 = arith.divf %add3A, %div3A : vector<1000x128xf32>
    %get3A_17 = arith.constant 0 : index
    %get3A_18 = arith.constant 0 : index
    %get3A_19 = vector.load %arg3[%get3A_17, %get3A_18] : memref<1000x128xf32, #tpu.memory_space<vmem>>, vector<1000x128xf32>
    %get3A_20 = arith.constant 0 : index
    %get3A_21 = arith.constant 0 : index
    %get3A_22 = vector.load %arg4[%get3A_20, %get3A_21] : memref<128x128xf32, #tpu.memory_space<vmem>>, vector<128x128xf32>
    %dot_general3A = arith.constant dense<0.000000e+00> : vector<1000x128xf32>
    %dot_general3A_23 = tpu.matmul %div3A_16, %get3A_22, %dot_general3A {dimension_numbers = #tpu.dot_dimension_numbers<[1], [1], [0], [0], [0, 0, 1, 0], [], []>, transpose_lhs_hint = false} : vector<1000x128xf32>, vector<128x128xf32>, vector<1000x128xf32> -> vector<1000x128xf32>
    %get3A_24 = arith.constant 0 : index
    %get3A_25 = arith.constant 0 : index
    %get3A_26 = vector.load %arg5[%get3A_24, %get3A_25] : memref<1x128xf32, #tpu.memory_space<vmem>>, vector<1x128xf32>
    %add3A_27 = vector.broadcast %get3A_26 : vector<1x128xf32> to vector<1000x128xf32>
    %add3A_28 = arith.addf %dot_general3A_23, %add3A_27 : vector<1000x128xf32>
    %get3A_29 = arith.constant 0 : index
    %get3A_30 = arith.constant 0 : index
    %get3A_31 = vector.load %arg6[%get3A_29, %get3A_30] : memref<128x128xf32, #tpu.memory_space<vmem>>, vector<128x128xf32>
    %dot_general3A_32 = arith.constant dense<0.000000e+00> : vector<1000x128xf32>
    %dot_general3A_33 = tpu.matmul %get3A_19, %get3A_31, %dot_general3A_32 {dimension_numbers = #tpu.dot_dimension_numbers<[1], [1], [0], [0], [0, 0, 1, 0], [], []>, transpose_lhs_hint = false} : vector<1000x128xf32>, vector<128x128xf32>, vector<1000x128xf32> -> vector<1000x128xf32>
    %add3A_34 = arith.addf %add3A_28, %dot_general3A_33 : vector<1000x128xf32>
    %get3A_35 = arith.constant 0 : index
    %get3A_36 = arith.constant 0 : index
    %get3A_37 = vector.load %arg7[%get3A_35, %get3A_36] : memref<1x128xf32, #tpu.memory_space<vmem>>, vector<1x128xf32>
    %add3A_38 = vector.broadcast %get3A_37 : vector<1x128xf32> to vector<1000x128xf32>
    %add3A_39 = arith.addf %add3A_34, %add3A_38 : vector<1000x128xf32>
    %gt3A = arith.constant 0.000000e+00 : f32
    %gt3A_40 = vector.broadcast %gt3A : f32 to vector<1000x128xf32>
    %gt3A_41 = arith.cmpf ogt, %add3A_39, %gt3A_40 : vector<1000x128xf32>
    %min3A = arith.constant 0.000000e+00 : f32
    %min3A_42 = vector.broadcast %min3A : f32 to vector<1000x128xf32>
    %min3A_43 = arith.minimumf %add3A_39, %min3A_42 : vector<1000x128xf32>
    %exp3A = math.exp %min3A_43 : vector<1000x128xf32>
    %sub3A = arith.constant 1.000000e+00 : f32
    %sub3A_44 = vector.broadcast %sub3A : f32 to vector<1000x128xf32>
    %sub3A_45 = arith.subf %exp3A, %sub3A_44 : vector<1000x128xf32>
    %select_n3A = arith.select %gt3A_41, %add3A_39, %sub3A_45 : vector<1000x128xi1>, vector<1000x128xf32>
    %mul3A = arith.mulf %select_n3A, %select_n3A : vector<1000x128xf32>
    %reduce_sum3A_46 = arith.constant dense<0.000000e+00> : vector<1000xf32>
    %reduce_sum3A_47 = vector.multi_reduction <add>, %mul3A, %reduce_sum3A_46 [1] : vector<1000x128xf32> to vector<1000xf32>
    %broadcast_in_dim3A = vector.shape_cast %reduce_sum3A_47 : vector<1000xf32> to vector<1000x1xf32>
    %sqrt3A = math.sqrt %broadcast_in_dim3A : vector<1000x1xf32>
    %max3A_48 = arith.constant 9.99999996E-13 : f32
    %max3A_49 = vector.broadcast %max3A_48 : f32 to vector<1000x1xf32>
    %max3A_50 = arith.maximumf %sqrt3A, %max3A_49 : vector<1000x1xf32>
    %div3A_51 = vector.broadcast %max3A_50 : vector<1000x1xf32> to vector<1000x128xf32>
    %div3A_52 = arith.divf %select_n3A, %div3A_51 : vector<1000x128xf32>
    %add3A_53 = arith.addf %get3A_19, %div3A_52 : vector<1000x128xf32>
    %swap3A = arith.constant 0 : index
    %swap3A_54 = arith.constant 0 : index
    %swap3A_55 = vector.load %arg8[%swap3A, %swap3A_54] : memref<1000x128xf32, #tpu.memory_space<vmem>>, vector<1000x128xf32>
    tpu.vector_store %arg8[%swap3A, %swap3A_54], %add3A_53 {strides = array<i32>} : memref<1000x128xf32, #tpu.memory_space<vmem>>, vector<1000x128xf32>,
    return
  }
  func.func @transform_0(%arg0: i32) -> (i32, i32, i32) {
    %c0_i32 = arith.constant 0 : i32
    %c0_i32_0 = arith.constant 0 : i32
    %c0_i32_1 = arith.constant 0 : i32
    return %c0_i32, %arg0, %c0_i32_0 : i32, i32, i32
  }
  func.func @transform_1(%arg0: i32) -> (i32, i32, i32) {
    %c0_i32 = arith.constant 0 : i32
    %c0_i32_0 = arith.constant 0 : i32
    %c0_i32_1 = arith.constant 0 : i32
    return %c0_i32, %arg0, %c0_i32_0 : i32, i32, i32
  }
  func.func @transform_2(%arg0: i32) -> (i32, i32) {
    %c0_i32 = arith.constant 0 : i32
    %c0_i32_0 = arith.constant 0 : i32
    return %arg0, %c0_i32 : i32, i32
  }
  func.func @transform_3(%arg0: i32) -> (i32, i32) {
    %c0_i32 = arith.constant 0 : i32
    %c0_i32_0 = arith.constant 0 : i32
    %c0_i32_1 = arith.constant 0 : i32
    return %c0_i32, %c0_i32_0 : i32, i32
  }
  func.func @transform_4(%arg0: i32) -> (i32, i32) {
    %c0_i32 = arith.constant 0 : i32
    %c0_i32_0 = arith.constant 0 : i32
    %c0_i32_1 = arith.constant 0 : i32
    return %c0_i32, %c0_i32_0 : i32, i32
  }
  func.func @transform_5(%arg0: i32) -> (i32, i32) {
    %c0_i32 = arith.constant 0 : i32
    %c0_i32_0 = arith.constant 0 : i32
    %c0_i32_1 = arith.constant 0 : i32
    return %c0_i32, %c0_i32_0 : i32, i32
  }
  func.func @transform_6(%arg0: i32) -> (i32, i32) {
    %c0_i32 = arith.constant 0 : i32
    %c0_i32_0 = arith.constant 0 : i32
    %c0_i32_1 = arith.constant 0 : i32
    return %c0_i32, %c0_i32_0 : i32, i32
  }
  func.func @transform_7(%arg0: i32) -> (i32, i32) {
    %c0_i32 = arith.constant 0 : i32
    %c0_i32_0 = arith.constant 0 : i32
    return %arg0, %c0_i32 : i32, i32
  }
}

</mosaic_0001>

<sc_bundles>
// kernel: kernel.5.cloned.1.call-start
scs
__scs_entry_jumppad:
0x0: {  	(pc) =	sbr.rel $0x88, $3  }
0x1: {  	(tag) =	ssettag $0x0;
	lr =	simm.s32 $0x1  }
0x2: {  	[smem:$0x3F99] =	sst lr;
	_ =	strace $0xD0000000  }
0x3: {  	_ = 	snop  }
0x4: {  	_ = 	snop  }
0x5: {  	_ = 	snop  }
0x6: {  	_ = 	snop  }
0x7: {  	_ = 	snop  }
__scs_overlays_trampoline_lowered:
0x8: {  	[smem:$0x3FA8] =	sst s0  }
0x9: {  	[smem:$0x3FA9] =	sst s1  }
0xa: {  	[smem:$0x3FAA] =	sst s2  }
0xb: {  	[smem:$0x3FAB] =	sst s3  }
0xc: {  	[smem:$0x3FAC] =	sst s4  }
0xd: {  	[smem:$0x3FAD] =	sst s5  }
0xe: {  	[smem:$0x3FAE] =	sst s6  }
0xf: {  	[smem:$0x3FAF] =	sst s7  }
0x10: {  	[smem:$0x3FB0] =	sst s8  }
0x11: {  	[smem:$0x3FB1] =	sst s9;
	s0 =	simm.s32 @!p0 $0x0  }
0x12: {  	s1 =	sld [smem:$0x3F97];
	s0 =	simm.s32 @p0 $0x1  }
0x13: {  	[smem:$0x3FB2] =	sst s0;
	s0 =	simm.s32 @!p1 $0x0  }
0x14: {  	s2 =	sld [smem:$0x3F96];
	s0 =	simm.s32 @p1 $0x1  }
0x15: {  	[smem:$0x3FB3] =	sst s0;
	s0 =	simm.s32 @!p2 $0x0  }
0x16: {  	s3 =	sld [smem:$0x3FDB];
	s0 =	simm.s32 @p2 $0x1  }
0x17: {  	s4 =	simm.s32 $0x1BF5;
	[smem:$0x3FB5] =	sst s0  }
0x18: {  	s0 =	sld [smem:$0x3F98];
	_ =	swait.ge [sflag:s4], $0x0  }
0x19: {  	s7 =	sld [smem:$0x3F99]  }
0x1a: {  	s8 =	sadd.s32 $0xFFFFE003, lr  }
0x1b: {  	s9 =	sadd.s32 $0xFFFFFEF7, lr;
	s5 =	simm.s32 $0xFFFFFFFF;
	p2 =	slt.u32 s8, $0xFFFFF086  }
0x1c: {  	p1 =	slt.u32 s9, $0xF7A;
	s5 =	simm.s32 @!p2 $0x0  }
0x1d: {  	s5 =	simm.s32 @p1 $0x1;
	p0 =	seq.s32 s7, s2  }
0x1e: {  	s7 =	smul.u32 @!p0 $0xF7A, s2;
	p2 =	seq.s32 @!p0 s5, $0x0  }
0x1f: {  	s9 =	smul.u32 $0xF7A, s1;
	s8 =	simm.s32 @!p0 $0x1BF5;
	p2 =	por !p2, p0  }
0x20: {  	[sflag:s8] =	ssyncset.s32 @!p0 $0xFFFFF086;
	s6 =	sadd.s32 @!p0 s3, s7;
	s7 =	simm.s32 @!p0 $0x108  }
0x21: {  	s3 =	sadd.s32 s3, s9;
	s6 =	sadd.s32 @!p0 $0x88, s6;
	s7 =	simm.s32 @p2 $0x1082  }
0x22: {  	[simem:s7], [sflag:s8] =	dma.local @!p0 [hbm:s6], $0xF7A  }
0x23: {  	s9 =	sor.u32 $0xD0000000, s2;
	s6 =	simm.s32 $0x108;
	_ =	swait.ge @!p0 [sflag:s8], $0x0  }
0x24: {  	s3 =	sadd.s32 $0x88, s3;
	s6 =	simm.s32 @!p1 $0x1082;
	[sflag:s4] =	ssyncset.s32 $0xFFFFF086  }
0x25: {  	[simem:s6], [sflag:s4] =	dma.local [hbm:s3], $0xF7A  }
0x26: {  	[smem:$0x3F99] =	sst s1;
	(tag) =	ssettag s2;
	_ =	strace s9  }
0x27: {  	s1 =	sld [smem:$0x3FA9]  }
0x28: {  	s2 =	sld [smem:$0x3FAA]  }
0x29: {  	s4 =	sld [smem:$0x3FAC]  }
0x2a: {  	p0 =	seq.s32 s5, $0x0;
	s5 =	sld [smem:$0x3FAD]  }
0x2b: {  	s6 =	sld [smem:$0x3FAE]  }
0x2c: {  	s7 =	sld [smem:$0x3FAF]  }
0x2d: {  	s3 =	simm.s32 $0x108;
	s8 =	sld [smem:$0x3FB0]  }
0x2e: {  	s3 =	simm.s32 @!p0 $0x1082;
	s9 =	sld [smem:$0x3FB1]  }
0x2f: {  	lr =	sadd.s32 s0, s3;
	s0 =	sld [smem:$0x3FA8]  }
0x30: {  	s3 =	sld [smem:$0x3FAB]  }
0x31: {  	[smem:$0x3FB4] =	sst s10  }
0x32: {  	s10 =	sld [smem:$0x3FB2];
	_ =	sdelay $0x3  }
0x33: {  	p0 =	seq.s32 s10, $0x1;
	s10 =	sld [smem:$0x3FB4];
	_ =	sdelay $0x3  }
0x34: {  	[smem:$0x3FB4] =	sst s10  }
0x35: {  	s10 =	sld [smem:$0x3FB3];
	_ =	sdelay $0x3  }
0x36: {  	p1 =	seq.s32 s10, $0x1;
	s10 =	sld [smem:$0x3FB4];
	_ =	sdelay $0x3  }
0x37: {  	[smem:$0x3FB4] =	sst s10  }
0x38: {  	s10 =	sld [smem:$0x3FB5]  }
0x39: {  	_ = 	snop;
	(pc) =	sbr.ind lr, $3  }
0x3a: {  	_ = 	snop  }
0x3b: {  	_ = 	snop  }
0x3c: {  	p2 =	seq.s32 s10, $0x1;
	s10 =	sld [smem:$0x3FB4]  }
0x3d: {  	_ =	shalt  }
0x3e: {  	_ =	shalt  }
0x3f: {  	_ =	shalt  }
0x40: {  	_ =	shalt  }
0x41: {  	_ =	shalt  }
0x42: {  	_ =	shalt  }
0x43: {  	_ =	shalt  }
0x44: {  	_ =	shalt  }
0x45: {  	_ =	shalt  }
0x46: {  	_ =	shalt  }
0x47: {  	_ =	shalt  }
0x48: {  	_ =	shalt  }
0x49: {  	_ =	shalt  }
0x4a: {  	_ =	shalt  }
0x4b: {  	_ =	shalt  }
0x4c: {  	_ =	shalt  }
0x4d: {  	_ =	shalt  }
0x4e: {  	_ =	shalt  }
0x4f: {  	_ =	shalt  }
0x50: {  	_ =	shalt  }
0x51: {  	_ =	shalt  }
0x52: {  	_ =	shalt  }
0x53: {  	_ =	shalt  }
0x54: {  	_ =	shalt  }
0x55: {  	_ =	shalt  }
0x56: {  	_ =	shalt  }
0x57: {  	_ =	shalt  }
0x58: {  	_ =	shalt  }
0x59: {  	_ =	shalt  }
0x5a: {  	_ =	shalt  }
0x5b: {  	_ =	shalt  }
0x5c: {  	_ =	shalt  }
0x5d: {  	_ =	shalt  }
0x5e: {  	_ =	shalt  }
0x5f: {  	_ =	shalt  }
0x60: {  	_ =	shalt  }
0x61: {  	_ =	shalt  }
0x62: {  	_ =	shalt  }
0x63: {  	_ =	shalt  }
0x64: {  	_ =	shalt  }
0x65: {  	_ =	shalt  }
0x66: {  	_ =	shalt  }
0x67: {  	_ =	shalt  }
0x68: {  	_ =	shalt  }
0x69: {  	_ =	shalt  }
0x6a: {  	_ =	shalt  }
0x6b: {  	_ =	shalt  }
0x6c: {  	_ =	shalt  }
0x6d: {  	_ =	shalt  }
0x6e: {  	_ =	shalt  }
0x6f: {  	_ =	shalt  }
0x70: {  	_ =	shalt  }
0x71: {  	_ =	shalt  }
0x72: {  	_ =	shalt  }
0x73: {  	_ =	shalt  }
0x74: {  	_ =	shalt  }
0x75: {  	_ =	shalt  }
0x76: {  	_ =	shalt  }
0x77: {  	_ =	shalt  }
0x78: {  	_ =	shalt  }
0x79: {  	_ =	shalt  }
0x7a: {  	_ =	shalt  }
0x7b: {  	_ =	shalt  }
0x7c: {  	_ =	shalt  }
0x7d: {  	_ =	shalt  }
0x7e: {  	_ =	shalt  }
0x7f: {  	_ =	shalt  }
0x80: {  	_ =	shalt  }
0x81: {  	_ =	shalt  }
0x82: {  	_ =	shalt  }
0x83: {  	_ =	shalt  }
0x84: {  	_ =	shalt  }
0x85: {  	_ =	shalt  }
0x86: {  	_ =	shalt  }
0x87: {  	_ =	shalt  }
.Lfunc_end0:
.L_simem_size_0:
called_computation_lowered:
.L_overlay_start_0:
0x88: {  	s2 =	sld [smem:$0x3FD9]  }
0x89: {  	s3 =	sld [smem:$0x3FFE];
	_ =	sdelay $0x1  }
0x8a: {  	s1 =	srdreg.scid  }
0x8b: {  	s0 =	sand.u32 $0x1, s1  }
0x8c: {  	s17 =	sshll.u32 s0, $0xA;
	s2 =	sadd.s32 s3, s2  }
0x8d: {  	s2 =	sadd.s32 s2, s17  }
0x8e: {  	[smem:$0x3FC0] =	sst s2  }
0x8f: {  	_ = 	snop  }
0x90: {  	s2 =	sld [smem:$0x3FD0];
	(tm) =	ssettm $0x1  }
0x91: {  	s18 =	sld [smem:$0x3FFB];
	_ =	sdelay $0x3  }
0x92: {  	_ =	strace s18  }
0x93: {  	s3 =	sld [smem:$0x3FFC];
	_ =	sdelay $0x3  }
0x94: {  	_ =	strace s3  }
0x95: {  	s3 =	sld [smem:$0x3FFD];
	_ =	sdelay $0x3  }
0x96: {  	_ =	strace s3  }
0x97: {  	_ =	strace $0x8FFFFFFF  }
0x98: {  	s19 =	sld [smem:$0x3FDB];
	_ =	sdelay $0x1  }
0x99: {  	s4 =	simm.s32 $_scs_section_size  }
0x9a: {  	s5 =	simm.s32 $_size__tile_overlayer_lowered;
	s6 =	simm.s32 $_tile_overlayer_lowered  }
0x9b: {  	s22 =	simm.s32 $0x1BFF;
	s21 =	sshll.u32 s6, $0x1;
	s3 =	sadd.s32 s4, s19  }
0x9c: {  	s7 =	simm.s32 $0x0;
	s20 =	sshll.u32 s5, $0x1;
	s5 =	sadd.s32 s21, s3  }
0x9d: {  	[timem:s7], [sflag:s22] =	dma.local [hbm:s5], s20  }
0x9e: {  	_ =	swait.ge [sflag:s22], s20  }
0x9f: {  	s4 =	ssub.s32 $0x0, s20;
	[sflag:s22] =	ssyncset.done $0x0  }
0xa0: {  	[sflag:s22] =	ssyncadd.s32 s4;
	_ =	sdelay $0x1  }
0xa1: {  	s23 =	simm.s32 $0x1B8B  }
0xa2: {  	_ =	swait.ge [sflag:s23], $0x1  }
0xa3: {  	[sflag:s23] =	ssyncset.done $0x0  }
0xa4: {  	s25 =	simm.s32 $0x1B8E;
	s24 =	sld [smem:$0x3FFE];
	[sflag:s23] =	ssyncadd.s32 $0xFFFFFFFF  }
0xa5: {  	s26 =	simm.s32 $execute0_lowered;
	[smem:$0x3FD2] =	sst s25  }
0xa6: {  	s5 =	sshll.u32 s26, $0x1;
	_ =	strace $0x80000046;
	[dreg:$0x1] =	wrdreg $0xFFFFFFFF  }
0xa7: {  	s28 =	simm.s32 $_size_execute0_lowered;
	s3 =	sadd.s32 s3, s5;
	[dreg:$0x0] =	wrdreg $0x0  }
0xa8: {  	s5 =	sshll.u32 s28, $0x1;
	[dreg:$0x2] =	wrdreg s3  }
0xa9: {  	[dreg:$0x3] =	wrdreg s5  }
0xaa: {  	[dreg:$0x4] =	wrdreg $0xC0  }
0xab: {  	_ =	task [dreg:s7], $0x5FFFF  }
0xac: {  	[dreg:$0x1] =	wrdreg $0xFFFFFFFF  }
0xad: {  	[dreg:$0x0] =	wrdreg $0x60  }
0xae: {  	[dreg:$0x2] =	wrdreg s2  }
0xaf: {  	[dreg:$0x3] =	wrdreg s24  }
0xb0: {  	[dreg:$0x4] =	wrdreg $0xA8000  }
0xb1: {  	[dreg:$0x5] =	wrdreg $0x1E4000  }
0xb2: {  	[dreg:$0x6] =	wrdreg $0x9  }
0xb3: {  	_ =	task.clear_ibuf [dreg:s7], $0x7FFFF;
	_ =	strace $0x90000046  }
0xb4: {  	s29 =	simm.s32 $0x9;
	_ =	strace $0x80000048  }
0xb5: {  	_ =	swait.ge [sflag:s29], $0x1  }
0xb6: {  	[sflag:s29] =	ssyncadd.s32 $0xFFFFFFFF  }
0xb7: {  	_ =	strace $0x90000048  }
0xb8: {  	_ =	sfence  }
0xb9: {  	s30 =	sld [smem:$0x0];
	_ =	sdelay $0x2  }
0xba: {  	s31 =	sshll.u32 s1, $0xD;
	s1 =	sshrl.u32 s1, $0x2  }
0xbb: {  	s3 =	sand.u32 $0x4000, s31;
	s1 =	sadd.s32 s1, s30  }
0xbc: {  	s0 =	sor.u32 s3, s0;
	s1 =	sshll.u32 s1, $0x11  }
0xbd: {  	s0 =	sor.u32 s1, s0  }
0xbe: {  	s0 =	sadd.s32 $0x8F2B, s0  }
0xbf: {  	[sflag:s0] =	ssyncadd.remote.s32 $0x1  }
0xc0: {  	_ =	sfence.sel $0xFFFF  }
0xc1: {  	[dreg:$0x0] =	wrdreg $0xFFFFFFFF;
	(pc) =	sbr.abs _section_cstart, $3  }
0xc2: {  	[dreg:$0x1] =	wrdreg $0xFFFFFFFF  }
0xc3: {  	_ =	task.clear_ibuf [dreg:s7], $0x2FFFF;
	_ =	strace $0x9FFFFFFF  }
0xc4: {  	(tm) =	ssettm $0x7FFFFFFF  }
0xc5: {  	_ =	shalt  }
tec
execute0_lowered:
.L_overlay_start_1:
0x0: {  	(tag) =	ssettag $0x1  }
0x1: {  	s4 =	rddreg [dreg:$0x1]  }
0x2: {  	s1 =	rddreg [dreg:$0x2]  }
0x3: {  	s2 =	rddreg [dreg:$0x3];
	s5 =	simm.s32 $0x0;
	s0 =	srdreg.scid  }
0x4: {  	s14 =	stileid.u32;
	[smem:$0x7FF] =	sst s5  }
0x5: {  	s0 =	sand.u32 $0x1, s0;
	s9 =	smul.u32 $0x278, s14;
	s3 =	sadd.s32 $0xB000, s4  }
0x6: {  	s15 =	sadd.s32 $0x1200, s4;
	s8 =	sadd.s32 $0x14E00, s4;
	s10 =	smul.u32 $0x4F000, s14  }
0x7: {  	s30 =	sshll.u32 s14, $0x7;
	s13 =	smul.u32 $0x2710, s14;
	_ =	strace $0x80000047  }
0x8: {  	s6 =	sshll.u32 s0, $0x4;
	s7 =	smul.u32 $0x2780, s0;
	[smem:$0x7DF] =	sst s8  }
0x9: {  	s8 =	sand.u32 $0x380, s30;
	s31 =	ssub.s32 $0x2, s0;
	[smem:$0x7FC] =	sst s15  }
0xa: {  	s11 =	smul.u32 $0x27100, s0;
	[smem:$0x7FD] =	sst s3;
	s6 =	sor.u32 s14, s6  }
0xb: {  	s12 =	sshrl.u32 s31, $0x1;
	s6 =	sshrl.u32 s6, $0x3;
	s7 =	sadd.s32 s9, s7  }
0xc: {  	s28 =	sadd.s32 s9, s2;
	s6 =	smul.u32 $0x1400, s6;
	s7 =	sshll.u32 s7, $0x4  }
0xd: {  	s10 =	sshrl.u32 s10, $0x2;
	[smem:$0x7FB] =	sst s28;
	s0 =	sadd.s32 s7, s4  }
0xe: {  	s7 =	sadd.s32 s13, s11;
	s6 =	sor.u32 s8, s6;
	s8 =	sadd.s32 s10, s1  }
0xf: {  	s19 =	sadd.s32 $0x780, s7;
	s22 =	sadd.s32 $0x730, s7;
	s25 =	sadd.s32 $0x6E0, s7  }
0x10: {  	s0 =	sadd.s32 $0x18000, s0;
	[smem:$0x7E0] =	sst s8;
	s8 =	sshrl.u32 s7, $0x3  }
0x11: {  	s6 =	sshrl.u32 s6, $0x3;
	[smem:$0x7F6] =	sst s0;
	s13 =	sadd.s32 s3, s8  }
0x12: {  	s10 =	sshrl.u32 s19, $0x3;
	s17 =	sadd.s32 s15, s8;
	[smem:$0x7E1] =	sst s13  }
0x13: {  	s23 =	sshrl.u32 s22, $0x3;
	s21 =	sadd.s32 s10, s15;
	[smem:$0x7E2] =	sst s17  }
0x14: {  	s29 =	sshrl.u32 s25, $0x3;
	s10 =	sadd.s32 s10, s3;
	[dreg:$0x5] =	wrdreg s21  }
0x15: {  	s4 =	sadd.s32 s6, s4;
	s24 =	sadd.s32 s23, s15;
	[dreg:$0x6] =	wrdreg s10  }
0x16: {  	s6 =	ssub.s32 s31, s12;
	s26 =	sadd.s32 s23, s3;
	[dreg:$0x7] =	wrdreg s24  }
0x17: {  	s12 =	sshll.u32 s14, $0x6;
	s30 =	sadd.s32 s29, s15;
	[dreg:$0x8] =	wrdreg s26  }
0x18: {  	s14 =	sadd.s32 $0xA, s8;
	s1 =	sadd.s32 s29, s3;
	[dreg:$0x9] =	wrdreg s30  }
0x19: {  	s19 =	sadd.s32 $0x5A0, s7;
	s18 =	sadd.s32 s3, s14;
	[dreg:$0xa] =	wrdreg s1  }
0x1a: {  	s31 =	sadd.s32 $0x690, s7;
	s9 =	sadd.s32 s15, s14;
	[smem:$0x7E3] =	sst s18  }
0x1b: {  	s16 =	sor.u32 $0x1C0F, s12;
	s2 =	sshrl.u32 s31, $0x3;
	[smem:$0x7E4] =	sst s9  }
0x1c: {  	s23 =	sadd.s32 $0x550, s7;
	s12 =	sadd.s32 s2, s15;
	[smem:$0x7FA] =	sst s16  }
0x1d: {  	s21 =	sshrl.u32 s19, $0x3;
	s14 =	sadd.s32 s2, s3;
	[dreg:$0xb] =	wrdreg s12  }
0x1e: {  	s29 =	sadd.s32 $0x500, s7;
	s22 =	sadd.s32 s21, s15;
	[dreg:$0xc] =	wrdreg s14  }
0x1f: {  	s25 =	sshrl.u32 s23, $0x3;
	s24 =	sadd.s32 s21, s3;
	[dreg:$0xf] =	wrdreg s22  }
0x20: {  	s13 =	sadd.s32 $0x5F0, s7;
	s26 =	sadd.s32 s25, s15;
	[dreg:$0x10] =	wrdreg s24  }
0x21: {  	s31 =	sshrl.u32 s29, $0x3;
	s30 =	sadd.s32 s25, s3;
	[dreg:$0x11] =	wrdreg s26  }
0x22: {  	s9 =	sadd.s32 $0x14, s8;
	s1 =	sadd.s32 s31, s15;
	[dreg:$0x12] =	wrdreg s30  }
0x23: {  	s17 =	sshrl.u32 s13, $0x3;
	s11 =	sadd.s32 s31, s3;
	[dreg:$0x13] =	wrdreg s1  }
0x24: {  	s2 =	sadd.s32 $0x4B0, s7;
	s20 =	sadd.s32 s3, s9;
	[dreg:$0x14] =	wrdreg s11  }
0x25: {  	s21 =	sadd.s32 $0x410, s7;
	s18 =	sadd.s32 s17, s15;
	[smem:$0x7E5] =	sst s20  }
0x26: {  	s25 =	sadd.s32 $0x3C0, s7;
	s9 =	sadd.s32 s15, s9;
	[dreg:$0xd] =	wrdreg s18  }
0x27: {  	s13 =	sshrl.u32 s2, $0x3;
	s20 =	sadd.s32 s17, s3;
	[smem:$0x7EF] =	sst s9  }
0x28: {  	s31 =	sadd.s32 $0x370, s7;
	s14 =	sadd.s32 s13, s15;
	[dreg:$0xe] =	wrdreg s20  }
0x29: {  	s23 =	sshrl.u32 s21, $0x3;
	s18 =	sadd.s32 s13, s3;
	[dreg:$0x15] =	wrdreg s14  }
0x2a: {  	s29 =	sshrl.u32 s25, $0x3;
	s24 =	sadd.s32 s23, s15;
	[dreg:$0x16] =	wrdreg s18  }
0x2b: {  	s2 =	sshrl.u32 s31, $0x3;
	s26 =	sadd.s32 s23, s3;
	[dreg:$0x19] =	wrdreg s24  }
0x2c: {  	s17 =	sadd.s32 $0x460, s7;
	s30 =	sadd.s32 s29, s15;
	[dreg:$0x1a] =	wrdreg s26  }
0x2d: {  	s1 =	sadd.s32 s29, s3;
	s12 =	sadd.s32 s2, s15;
	[dreg:$0x1b] =	wrdreg s30  }
0x2e: {  	s13 =	sadd.s32 $0x320, s7;
	s29 =	sadd.s32 $0x230, s7;
	[dreg:$0x1c] =	wrdreg s1  }
0x2f: {  	s19 =	sshrl.u32 s17, $0x3;
	[dreg:$0x1d] =	wrdreg s12;
	s14 =	sadd.s32 s2, s3  }
0x30: {  	s31 =	sshrl.u32 s29, $0x3;
	s29 =	sadd.s32 $0x17600, s4;
	[dreg:$0x1e] =	wrdreg s14  }
0x31: {  	s23 =	sadd.s32 $0x280, s7;
	s20 =	sadd.s32 s19, s15;
	[smem:$0x7F7] =	sst s29  }
0x32: {  	s17 =	sshrl.u32 s13, $0x3;
	s22 =	sadd.s32 s19, s3;
	[dreg:$0x17] =	wrdreg s20  }
0x33: {  	s25 =	sshrl.u32 s23, $0x3;
	s18 =	sadd.s32 s17, s15;
	[dreg:$0x18] =	wrdreg s22  }
0x34: {  	s26 =	sadd.s32 s25, s15;
	[dreg:$0x1f] =	wrdreg s18  }
0x35: {  	s30 =	sadd.s32 s25, s3;
	[smem:$0x7E9] =	sst s26  }
0x36: {  	s1 =	sadd.s32 s31, s15;
	[smem:$0x7EA] =	sst s30  }
0x37: {  	s13 =	sadd.s32 s31, s3;
	[smem:$0x7EB] =	sst s1  }
0x38: {  	s2 =	sadd.s32 $0x1E0, s7;
	s31 =	sadd.s32 $0x640, s7;
	[smem:$0x7EC] =	sst s13  }
0x39: {  	s14 =	sshrl.u32 s2, $0x3;
	s20 =	sadd.s32 s17, s3;
	[smem:$0x7F9] =	sst s31  }
0x3a: {  	s19 =	sadd.s32 $0x2D0, s7;
	s17 =	sadd.s32 s14, s15;
	[smem:$0x7E6] =	sst s20  }
0x3b: {  	s21 =	sshrl.u32 s19, $0x3;
	s19 =	sadd.s32 s14, s3;
	[smem:$0x7ED] =	sst s17  }
0x3c: {  	s0 =	simm.s32 $0x6;
	s30 =	smax.u32 s6, $0x1;
	[smem:$0x7EE] =	sst s19  }
0x3d: {  	s18 =	sadd.s32 $0x190, s7;
	s22 =	sadd.s32 s21, s15;
	[smem:$0x7F8] =	sst s30  }
0x3e: {  	s24 =	sadd.s32 s21, s3;
	s20 =	sshrl.u32 s18, $0x3;
	[smem:$0x7E7] =	sst s22  }
0x3f: {  	s21 =	sadd.s32 $0x1E, s8;
	[smem:$0x7E8] =	sst s24;
	s22 =	sadd.s32 s20, s15  }
0x40: {  	s10 =	simm.s32 $0x100;
	s23 =	sadd.s32 s3, s21;
	[smem:$0x7F0] =	sst s22  }
0x41: {  	s13 =	simm.s32 $0x50;
	s24 =	sadd.s32 s15, s21;
	[smem:$0x7F1] =	sst s23  }
0x42: {  	s8 =	sadd.s32 $0x28, s8;
	s25 =	sadd.s32 s20, s3;
	[smem:$0x7F2] =	sst s24  }
0x43: {  	s1 =	simm.s32 $0x0;
	s26 =	sadd.s32 s3, s8;
	[smem:$0x7F3] =	sst s25  }
0x44: {  	s18 =	simm.s32 $0xA580;
	s8 =	sadd.s32 s15, s8;
	[smem:$0x7F4] =	sst s26  }
0x45: {  	s20 =	simm.s32 $0x1;
	[smem:$0x7F5] =	sst s8;
	s26 =	simm.s32 $0xF  }
0x46: {  	v0 =	vimm.f32 $0.0e+00;
	v1 =	vimm.f32 $1.000000000e+00;
	s23 =	simm.s32 $0x280;
	s24 =	simm.s32 $0x2;
	s25 =	simm.s32 $0x3  }
.LBB2_1:
0x47: {  	s14 =	sld [smem:$0x7E0];
	_ =	sdelay $0x1  }
0x48: {  	s31 =	sld [smem:$0x7DF]  }
0x49: {  	[smem:$0x7DD] =	sst s1;
	s29 =	sshrl.u32 s14, $0x3  }
0x4a: {  	[smem:$0x7DE] =	sst s29  }
0x4b: {  	[spmem:s29], [sflag:s16] =	dma.local [hbm:s31], $0x2780  }
0x4c: {  	_ =	swait.ge [sflag:s26], $0x2780  }
0x4d: {  	[sflag:s26] =	ssyncset.done $0x0  }
0x4e: {  	[sflag:s26] =	ssyncadd.s32 $0xFFFFD880  }
0x4f: {  	[tilespmem:$0xA580] =	vst v0  }
0x50: {  	[tilespmem:$0xA590] =	vst v0  }
0x51: {  	[tilespmem:$0xA5A0] =	vst v0  }
0x52: {  	[tilespmem:$0xA5B0] =	vst v0  }
0x53: {  	[tilespmem:$0xA5C0] =	vst v0  }
0x54: {  	[tilespmem:$0xA5D0] =	vst v0  }
0x55: {  	[tilespmem:$0xA5E0] =	vst v0  }
0x56: {  	[tilespmem:$0xA5F0] =	vst v0  }
0x57: {  	[tilespmem:$0xA600] =	vst v0  }
0x58: {  	[tilespmem:$0xA610] =	vst v0  }
0x59: {  	[tilespmem:$0xA620] =	vst v0  }
0x5a: {  	[tilespmem:$0xA630] =	vst v0  }
0x5b: {  	[tilespmem:$0xA640] =	vst v0  }
0x5c: {  	[tilespmem:$0xA650] =	vst v0  }
0x5d: {  	[tilespmem:$0xA660] =	vst v0  }
0x5e: {  	[tilespmem:$0xA670] =	vst v0  }
0x5f: {  	[tilespmem:$0xA680] =	vst v0  }
0x60: {  	[tilespmem:$0xA690] =	vst v0  }
0x61: {  	[tilespmem:$0xA6A0] =	vst v0  }
0x62: {  	[tilespmem:$0xA6B0] =	vst v0  }
0x63: {  	[tilespmem:$0xA6C0] =	vst v0  }
0x64: {  	[tilespmem:$0xA6D0] =	vst v0  }
0x65: {  	[tilespmem:$0xA6E0] =	vst v0  }
0x66: {  	[tilespmem:$0xA6F0] =	vst v0  }
0x67: {  	[tilespmem:$0xA700] =	vst v0  }
0x68: {  	[tilespmem:$0xA710] =	vst v0  }
0x69: {  	[tilespmem:$0xA720] =	vst v0  }
0x6a: {  	[tilespmem:$0xA730] =	vst v0  }
0x6b: {  	[tilespmem:$0xA740] =	vst v0  }
0x6c: {  	[tilespmem:$0xA750] =	vst v0  }
0x6d: {  	[tilespmem:$0xA760] =	vst v0  }
0x6e: {  	[tilespmem:$0xA770] =	vst v0  }
0x6f: {  	[tilespmem:$0xA780] =	vst v0  }
0x70: {  	[tilespmem:$0xA790] =	vst v0  }
0x71: {  	[tilespmem:$0xA7A0] =	vst v0  }
0x72: {  	[tilespmem:$0xA7B0] =	vst v0  }
0x73: {  	[tilespmem:$0xA7C0] =	vst v0  }
0x74: {  	[tilespmem:$0xA7D0] =	vst v0  }
0x75: {  	[tilespmem:$0xA7E0] =	vst v0  }
0x76: {  	[tilespmem:$0xA500] =	vst v1  }
0x77: {  	[tilespmem:$0xA510] =	vst v1  }
0x78: {  	[tilespmem:$0xA520] =	vst v1  }
0x79: {  	[tilespmem:$0xA530] =	vst v1  }
0x7a: {  	[tilespmem:$0xA540] =	vst v1  }
0x7b: {  	[spmem:s28] =	stream.linear.scatter [tilespmem:s18], [sflag:$0xF], $0x278, $0x38;
	[tilespmem:$0x1E678] =	vst v63  }
0x7c: {  	_ =	swait.ge [sflag:s26], $0x278  }
0x7d: {  	[sflag:s26] =	ssyncset.done $0x0  }
0x7e: {  	[sflag:s26] =	ssyncadd.s32 $0xFFFFFD88  }
0x7f: {  	[bflag:$0x0] =	sbarrier.arrive $0xFFFF  }
0x80: {  	s2 =	sld [smem:$0x7E1];
	_ =	sdelay $0x1  }
0x81: {  	s3 =	sld [smem:$0x7E2]  }
0x82: {  	[tilespmem:s5], [sflag:$0x1] =	stream.linear.gather [hbm4b:s2+s5], $0x50, $0x38;
	[tilespmem:$0x1E678] =	vst v63  }
0x83: {  	s4 =	sld [smem:$0x7E3]  }
0x84: {  	[tilespmem:s23], [sflag:$0x6] =	stream.linear.gather [hbm4b:s3+s5], $0x50, $0x38;
	[tilespmem:$0x1E678] =	vst v63  }
0x85: {  	s6 =	simm.s32 $0x80;
	s7 =	sld [smem:$0x7E4]  }
0x86: {  	[tilespmem:s6], [sflag:$0x2] =	stream.linear.gather [hbm4b:s4+s5], $0x50, $0x38;
	[tilespmem:$0x1E678] =	vst v63  }
0x87: {  	s12 =	simm.s32 $0x300;
	s8 =	sld [smem:$0x7E5]  }
0x88: {  	[tilespmem:s12], [sflag:$0x7] =	stream.linear.gather [hbm4b:s7+s5], $0x50, $0x38;
	[tilespmem:$0x1E678] =	vst v63  }
0x89: {  	s9 =	sld [smem:$0x7EF]  }
0x8a: {  	[tilespmem:s10], [sflag:$0x3] =	stream.linear.gather [hbm4b:s8+s5], $0x50, $0x38;
	[tilespmem:$0x1E678] =	vst v63  }
0x8b: {  	s29 =	simm.s32 $0x380;
	s11 =	sld [smem:$0x7F1]  }
0x8c: {  	[tilespmem:s29], [sflag:$0x8] =	stream.linear.gather [hbm4b:s9+s5], $0x50, $0x38;
	[tilespmem:$0x1E678] =	vst v63  }
0x8d: {  	s15 =	simm.s32 $0x180;
	s16 =	sld [smem:$0x7F2]  }
0x8e: {  	[tilespmem:s15], [sflag:$0x4] =	stream.linear.gather [hbm4b:s11+s5], $0x50, $0x38;
	[tilespmem:$0x1E678] =	vst v63  }
0x8f: {  	s18 =	simm.s32 $0x400  }
0x90: {  	[tilespmem:s18], [sflag:$0x9] =	stream.linear.gather [hbm4b:s16+s5], $0x50, $0x38;
	[tilespmem:$0x1E678] =	vst v63  }
0x91: {  	_ =	swait.ge [sflag:s20], $0x50  }
0x92: {  	[sflag:s20] =	ssyncset.done $0x0  }
0x93: {  	[sflag:s20] =	ssyncadd.s32 $0xFFFFFFB0  }
0x94: {  	s17 =	simm.s32 $0x500;
	s2 =	rddreg [dreg:$0x0]  }
0x95: {  	[tilespmem:s17], [sflag:$0xB] =	stream.indirect.gather [hbm4b:s2+s13], $0x80, s5, s13, $0xb8;
	[tilespmem:$0x1E678] =	vst v63  }
0x96: {  	_ =	swait.ge [sflag:s24], $0x50  }
0x97: {  	[sflag:s24] =	ssyncset.done $0x0  }
0x98: {  	s19 =	simm.s32 $0x2D00;
	s6 =	simm.s32 $0x80;
	[sflag:s24] =	ssyncadd.s32 $0xFFFFFFB0  }
0x99: {  	[tilespmem:s19], [sflag:$0xC] =	stream.indirect.gather [hbm4b:s2+s13], $0x80, s6, s13, $0xb8;
	[tilespmem:$0x1E678] =	vst v63  }
0x9a: {  	_ =	swait.ge [sflag:s25], $0x50  }
0x9b: {  	[sflag:s25] =	ssyncset.done $0x0  }
0x9c: {  	s21 =	simm.s32 $0x5500;
	s22 =	simm.s32 $0xB;
	[sflag:s25] =	ssyncadd.s32 $0xFFFFFFB0  }
0x9d: {  	[tilespmem:s21], [sflag:$0xD] =	stream.indirect.gather [hbm4b:s2+s13], $0x80, s10, s13, $0xb8;
	[tilespmem:$0x1E678] =	vst v63  }
0x9e: {  	_ =	swait.ge [sflag:s22], $0x2800  }
0x9f: {  	[sflag:s22] =	ssyncset.done $0x0  }
0xa0: {  	[sflag:s22] =	ssyncadd.s32 $0xFFFFD800  }
0xa1: {  	_ =	swait.ge [sflag:s0], $0x50  }
0xa2: {  	[sflag:s0] =	ssyncset.done $0x0  }
0xa3: {  	[sflag:s0] =	ssyncadd.s32 $0xFFFFFFB0  }
0xa4: {  	s7 =	simm.s32 $0x500;
	s3 =	rddreg [dreg:$0x2]  }
0xa5: {  	[spmem:s3] =	stream.indirect.scatter.add.f32 [tilespmem:s7], [sflag:$0xF], $0x80, s23, s13, $0xb8;
	[tilespmem:$0x1E678] =	vst v63  }
0xa6: {  	_ =	swait.ge [sflag:s26], $0x2800  }
0xa7: {  	[sflag:s26] =	ssyncset.done $0x0  }
0xa8: {  	[sflag:s26] =	ssyncadd.s32 $0xFFFFD800  }
0xa9: {  	s1 =	simm.s32 $0xA500;
	s22 =	rddreg [dreg:$0x3]  }
0xaa: {  	[spmem:s22] =	stream.indirect.scatter.add.f32 [tilespmem:s1], [sflag:$0xF], $0x1, s23, s13, $0xb8;
	[tilespmem:$0x1E678] =	vst v63  }
0xab: {  	_ =	swait.ge [sflag:s26], $0x50  }
0xac: {  	s28 =	sld [smem:$0x7F4]  }
0xad: {  	[sflag:s26] =	ssyncset.done $0x0  }
0xae: {  	s31 =	simm.s32 $0x200;
	s6 =	sld [smem:$0x7F5];
	[sflag:s26] =	ssyncadd.s32 $0xFFFFFFB0  }
0xaf: {  	[tilespmem:s31], [sflag:$0x5] =	stream.linear.gather [hbm4b:s28+s5], $0x50, $0x38;
	[tilespmem:$0x1E678] =	vst v63  }
0xb0: {  	s15 =	simm.s32 $0x4;
	s31 =	simm.s32 $0x480  }
0xb1: {  	[tilespmem:s31], [sflag:$0xA] =	stream.linear.gather [hbm4b:s6+s5], $0x50, $0x38;
	[tilespmem:$0x1E678] =	vst v63  }
0xb2: {  	_ =	swait.ge [sflag:s15], $0x50  }
0xb3: {  	s4 =	simm.s32 $0x180;
	[sflag:s15] =	ssyncset.done $0x0  }
0xb4: {  	s16 =	simm.s32 $0x7D00;
	s6 =	simm.s32 $0xC;
	[sflag:s15] =	ssyncadd.s32 $0xFFFFFFB0  }
0xb5: {  	[tilespmem:s16], [sflag:$0xE] =	stream.indirect.gather [hbm4b:s2+s13], $0x80, s4, s13, $0xb8;
	[tilespmem:$0x1E678] =	vst v63  }
0xb6: {  	_ =	swait.ge [sflag:s6], $0x2800  }
0xb7: {  	[sflag:s6] =	ssyncset.done $0x0  }
0xb8: {  	s28 =	simm.s32 $0x7;
	[sflag:s6] =	ssyncadd.s32 $0xFFFFD800  }
0xb9: {  	_ =	swait.ge [sflag:s28], $0x50  }
0xba: {  	[sflag:s28] =	ssyncset.done $0x0  }
0xbb: {  	s8 =	simm.s32 $0x2D00;
	[sflag:s28] =	ssyncadd.s32 $0xFFFFFFB0  }
0xbc: {  	[spmem:s3] =	stream.indirect.scatter.add.f32 [tilespmem:s8], [sflag:$0xF], $0x80, s12, s13, $0xb8;
	[tilespmem:$0x1E678] =	vst v63  }
0xbd: {  	_ =	swait.ge [sflag:s26], $0x2800  }
0xbe: {  	[sflag:s26] =	ssyncset.done $0x0  }
0xbf: {  	[sflag:s26] =	ssyncadd.s32 $0xFFFFD800  }
0xc0: {  	[spmem:s22] =	stream.indirect.scatter.add.f32 [tilespmem:s1], [sflag:$0xF], $0x1, s12, s13, $0xb8;
	[tilespmem:$0x1E678] =	vst v63  }
0xc1: {  	_ =	swait.ge [sflag:s26], $0x50  }
0xc2: {  	s17 =	sld [smem:$0x7F3];
	_ =	sdelay $0x1  }
0xc3: {  	[sflag:s26] =	ssyncset.done $0x0;
	s19 =	sld [smem:$0x7F0]  }
0xc4: {  	[sflag:s26] =	ssyncadd.s32 $0xFFFFFFB0;
	s14 =	sadd.s32 $0x0, s17  }
0xc5: {  	[tilespmem:s5], [sflag:$0x1] =	stream.linear.gather [hbm4b:s14+s5], $0x50, $0x38;
	[tilespmem:$0x1E678] =	vst v63  }
0xc6: {  	s15 =	simm.s32 $0x5;
	s8 =	sadd.s32 $0x0, s19  }
0xc7: {  	[tilespmem:s23], [sflag:$0x6] =	stream.linear.gather [hbm4b:s8+s5], $0x50, $0x38;
	[tilespmem:$0x1E678] =	vst v63  }
0xc8: {  	_ =	swait.ge [sflag:s15], $0x50  }
0xc9: {  	s9 =	simm.s32 $0x500;
	[sflag:s15] =	ssyncset.done $0x0  }
0xca: {  	s7 =	simm.s32 $0x200;
	[sflag:s15] =	ssyncadd.s32 $0xFFFFFFB0;
	s15 =	simm.s32 $0xD  }
0xcb: {  	[tilespmem:s9], [sflag:$0xB] =	stream.indirect.gather [hbm4b:s2+s13], $0x80, s7, s13, $0xb8;
	[tilespmem:$0x1E678] =	vst v63  }
0xcc: {  	_ =	swait.ge [sflag:s15], $0x2800  }
0xcd: {  	[sflag:s15] =	ssyncset.done $0x0  }
0xce: {  	s8 =	simm.s32 $0x8;
	[sflag:s15] =	ssyncadd.s32 $0xFFFFD800  }
0xcf: {  	_ =	swait.ge [sflag:s8], $0x50  }
0xd0: {  	[sflag:s8] =	ssyncset.done $0x0  }
0xd1: {  	s11 =	simm.s32 $0x5500;
	[sflag:s8] =	ssyncadd.s32 $0xFFFFFFB0  }
0xd2: {  	[spmem:s3] =	stream.indirect.scatter.add.f32 [tilespmem:s11], [sflag:$0xF], $0x80, s29, s13, $0xb8;
	[tilespmem:$0x1E678] =	vst v63  }
0xd3: {  	_ =	swait.ge [sflag:s26], $0x2800  }
0xd4: {  	[sflag:s26] =	ssyncset.done $0x0  }
0xd5: {  	[sflag:s26] =	ssyncadd.s32 $0xFFFFD800  }
0xd6: {  	[spmem:s22] =	stream.indirect.scatter.add.f32 [tilespmem:s1], [sflag:$0xF], $0x1, s29, s13, $0xb8;
	[tilespmem:$0x1E678] =	vst v63  }
0xd7: {  	_ =	swait.ge [sflag:s26], $0x50  }
0xd8: {  	s16 =	sld [smem:$0x7EE];
	_ =	sdelay $0x1  }
0xd9: {  	[sflag:s26] =	ssyncset.done $0x0;
	s19 =	sld [smem:$0x7ED]  }
0xda: {  	s11 =	simm.s32 $0x80;
	[sflag:s26] =	ssyncadd.s32 $0xFFFFFFB0;
	s14 =	sadd.s32 $0x0, s16  }
0xdb: {  	[tilespmem:s11], [sflag:$0x2] =	stream.linear.gather [hbm4b:s14+s5], $0x50, $0x38;
	[tilespmem:$0x1E678] =	vst v63  }
0xdc: {  	s7 =	sadd.s32 $0x0, s19  }
0xdd: {  	[tilespmem:s12], [sflag:$0x7] =	stream.linear.gather [hbm4b:s7+s5], $0x50, $0x38;
	[tilespmem:$0x1E678] =	vst v63  }
0xde: {  	_ =	swait.ge [sflag:s20], $0x50  }
0xdf: {  	[sflag:s20] =	ssyncset.done $0x0  }
0xe0: {  	s4 =	simm.s32 $0x2D00;
	[sflag:s20] =	ssyncadd.s32 $0xFFFFFFB0  }
0xe1: {  	[tilespmem:s4], [sflag:$0xC] =	stream.indirect.gather [hbm4b:s2+s13], $0x80, s5, s13, $0xb8;
	[tilespmem:$0x1E678] =	vst v63  }
0xe2: {  	s4 =	simm.s32 $0xE  }
0xe3: {  	_ =	swait.ge [sflag:s4], $0x2800  }
0xe4: {  	[sflag:s4] =	ssyncset.done $0x0  }
0xe5: {  	s7 =	simm.s32 $0x9;
	[sflag:s4] =	ssyncadd.s32 $0xFFFFD800  }
0xe6: {  	_ =	swait.ge [sflag:s7], $0x50  }
0xe7: {  	[sflag:s7] =	ssyncset.done $0x0  }
0xe8: {  	s21 =	simm.s32 $0x7D00;
	[sflag:s7] =	ssyncadd.s32 $0xFFFFFFB0  }
0xe9: {  	[spmem:s3] =	stream.indirect.scatter.add.f32 [tilespmem:s21], [sflag:$0xF], $0x80, s18, s13, $0xb8;
	[tilespmem:$0x1E678] =	vst v63  }
0xea: {  	_ =	swait.ge [sflag:s26], $0x2800  }
0xeb: {  	[sflag:s26] =	ssyncset.done $0x0  }
0xec: {  	[sflag:s26] =	ssyncadd.s32 $0xFFFFD800  }
0xed: {  	[spmem:s22] =	stream.indirect.scatter.add.f32 [tilespmem:s1], [sflag:$0xF], $0x1, s18, s13, $0xb8;
	[tilespmem:$0x1E678] =	vst v63  }
0xee: {  	_ =	swait.ge [sflag:s26], $0x50  }
0xef: {  	s16 =	sld [smem:$0x7EC];
	_ =	sdelay $0x1  }
0xf0: {  	[sflag:s26] =	ssyncset.done $0x0;
	s19 =	sld [smem:$0x7EB]  }
0xf1: {  	[sflag:s26] =	ssyncadd.s32 $0xFFFFFFB0;
	s14 =	sadd.s32 $0x0, s16  }
0xf2: {  	[tilespmem:s10], [sflag:$0x3] =	stream.linear.gather [hbm4b:s14+s5], $0x50, $0x38;
	[tilespmem:$0x1E678] =	vst v63  }
0xf3: {  	s19 =	sadd.s32 $0x0, s19  }
0xf4: {  	[tilespmem:s29], [sflag:$0x8] =	stream.linear.gather [hbm4b:s19+s5], $0x50, $0x38;
	[tilespmem:$0x1E678] =	vst v63  }
0xf5: {  	_ =	swait.ge [sflag:s24], $0x50  }
0xf6: {  	[sflag:s24] =	ssyncset.done $0x0  }
0xf7: {  	s30 =	simm.s32 $0xB;
	s9 =	simm.s32 $0x5500;
	[sflag:s24] =	ssyncadd.s32 $0xFFFFFFB0  }
0xf8: {  	[tilespmem:s9], [sflag:$0xD] =	stream.indirect.gather [hbm4b:s2+s13], $0x80, s11, s13, $0xb8;
	[tilespmem:$0x1E678] =	vst v63  }
0xf9: {  	_ =	swait.ge [sflag:s30], $0x2800  }
0xfa: {  	[sflag:s30] =	ssyncset.done $0x0  }
0xfb: {  	s11 =	simm.s32 $0xA;
	[sflag:s30] =	ssyncadd.s32 $0xFFFFD800  }
0xfc: {  	_ =	swait.ge [sflag:s11], $0x50  }
0xfd: {  	[sflag:s11] =	ssyncset.done $0x0  }
0xfe: {  	s17 =	simm.s32 $0x500;
	[sflag:s11] =	ssyncadd.s32 $0xFFFFFFB0  }
0xff: {  	[spmem:s3] =	stream.indirect.scatter.add.f32 [tilespmem:s17], [sflag:$0xF], $0x80, s31, s13, $0xb8;
	[tilespmem:$0x1E678] =	vst v63  }
0x100: {  	_ =	swait.ge [sflag:s26], $0x2800  }
0x101: {  	[sflag:s26] =	ssyncset.done $0x0  }
0x102: {  	[sflag:s26] =	ssyncadd.s32 $0xFFFFD800  }
0x103: {  	[spmem:s22] =	stream.indirect.scatter.add.f32 [tilespmem:s1], [sflag:$0xF], $0x1, s31, s13, $0xb8;
	[tilespmem:$0x1E678] =	vst v63  }
0x104: {  	_ =	swait.ge [sflag:s26], $0x50  }
0x105: {  	s16 =	sld [smem:$0x7EA];
	_ =	sdelay $0x1  }
0x106: {  	[sflag:s26] =	ssyncset.done $0x0;
	s17 =	sld [smem:$0x7E9]  }
0x107: {  	s9 =	simm.s32 $0x180;
	[sflag:s26] =	ssyncadd.s32 $0xFFFFFFB0;
	s14 =	sadd.s32 $0x0, s16  }
0x108: {  	[tilespmem:s9], [sflag:$0x4] =	stream.linear.gather [hbm4b:s14+s5], $0x50, $0x38;
	[tilespmem:$0x1E678] =	vst v63  }
0x109: {  	s16 =	sadd.s32 $0x0, s17  }
0x10a: {  	[tilespmem:s18], [sflag:$0x9] =	stream.linear.gather [hbm4b:s16+s5], $0x50, $0x38;
	[tilespmem:$0x1E678] =	vst v63  }
0x10b: {  	_ =	swait.ge [sflag:s25], $0x50  }
0x10c: {  	[sflag:s25] =	ssyncset.done $0x0  }
0x10d: {  	s21 =	simm.s32 $0x7D00;
	[sflag:s25] =	ssyncadd.s32 $0xFFFFFFB0  }
0x10e: {  	[tilespmem:s21], [sflag:$0xE] =	stream.indirect.gather [hbm4b:s2+s13], $0x80, s10, s13, $0xb8;
	[tilespmem:$0x1E678] =	vst v63  }
0x10f: {  	_ =	swait.ge [sflag:s6], $0x2800  }
0x110: {  	[sflag:s6] =	ssyncset.done $0x0  }
0x111: {  	[sflag:s6] =	ssyncadd.s32 $0xFFFFD800  }
0x112: {  	_ =	swait.ge [sflag:s0], $0x50  }
0x113: {  	[sflag:s0] =	ssyncset.done $0x0  }
0x114: {  	s17 =	simm.s32 $0x2D00;
	[sflag:s0] =	ssyncadd.s32 $0xFFFFFFB0  }
0x115: {  	[spmem:s3] =	stream.indirect.scatter.add.f32 [tilespmem:s17], [sflag:$0xF], $0x80, s23, s13, $0xb8;
	[tilespmem:$0x1E678] =	vst v63  }
0x116: {  	_ =	swait.ge [sflag:s26], $0x2800  }
0x117: {  	[sflag:s26] =	ssyncset.done $0x0  }
0x118: {  	[sflag:s26] =	ssyncadd.s32 $0xFFFFD800  }
0x119: {  	[spmem:s22] =	stream.indirect.scatter.add.f32 [tilespmem:s1], [sflag:$0xF], $0x1, s23, s13, $0xb8;
	[tilespmem:$0x1E678] =	vst v63  }
0x11a: {  	_ =	swait.ge [sflag:s26], $0x50  }
0x11b: {  	s21 =	sld [smem:$0x7E8];
	_ =	sdelay $0x1  }
0x11c: {  	[sflag:s26] =	ssyncset.done $0x0;
	s16 =	sld [smem:$0x7E7]  }
0x11d: {  	[sflag:s26] =	ssyncadd.s32 $0xFFFFFFB0;
	s14 =	sadd.s32 $0x0, s21;
	s21 =	simm.s32 $0x200  }
0x11e: {  	[tilespmem:s21], [sflag:$0x5] =	stream.linear.gather [hbm4b:s14+s5], $0x50, $0x38;
	[tilespmem:$0x1E678] =	vst v63  }
0x11f: {  	s16 =	sadd.s32 $0x0, s16  }
0x120: {  	[tilespmem:s31], [sflag:$0xA] =	stream.linear.gather [hbm4b:s16+s5], $0x50, $0x38;
	[tilespmem:$0x1E678] =	vst v63  }
0x121: {  	s16 =	simm.s32 $0x4  }
0x122: {  	_ =	swait.ge [sflag:s16], $0x50  }
0x123: {  	[sflag:s16] =	ssyncset.done $0x0  }
0x124: {  	s19 =	simm.s32 $0x500;
	[sflag:s16] =	ssyncadd.s32 $0xFFFFFFB0  }
0x125: {  	[tilespmem:s19], [sflag:$0xB] =	stream.indirect.gather [hbm4b:s2+s13], $0x80, s9, s13, $0xb8;
	[tilespmem:$0x1E678] =	vst v63  }
0x126: {  	_ =	swait.ge [sflag:s15], $0x2800  }
0x127: {  	[sflag:s15] =	ssyncset.done $0x0  }
0x128: {  	[sflag:s15] =	ssyncadd.s32 $0xFFFFD800  }
0x129: {  	_ =	swait.ge [sflag:s28], $0x50  }
0x12a: {  	[sflag:s28] =	ssyncset.done $0x0  }
0x12b: {  	s19 =	simm.s32 $0x5500;
	[sflag:s28] =	ssyncadd.s32 $0xFFFFFFB0  }
0x12c: {  	[spmem:s3] =	stream.indirect.scatter.add.f32 [tilespmem:s19], [sflag:$0xF], $0x80, s12, s13, $0xb8;
	[tilespmem:$0x1E678] =	vst v63  }
0x12d: {  	_ =	swait.ge [sflag:s26], $0x2800  }
0x12e: {  	[sflag:s26] =	ssyncset.done $0x0  }
0x12f: {  	[sflag:s26] =	ssyncadd.s32 $0xFFFFD800  }
0x130: {  	[spmem:s22] =	stream.indirect.scatter.add.f32 [tilespmem:s1], [sflag:$0xF], $0x1, s12, s13, $0xb8;
	[tilespmem:$0x1E678] =	vst v63  }
0x131: {  	_ =	swait.ge [sflag:s26], $0x50  }
0x132: {  	s16 =	sld [smem:$0x7E6];
	_ =	sdelay $0x1  }
0x133: {  	[sflag:s26] =	ssyncset.done $0x0  }
0x134: {  	s9 =	rddreg [dreg:$0x1f];
	[sflag:s26] =	ssyncadd.s32 $0xFFFFFFB0;
	s14 =	sadd.s32 $0x0, s16  }
0x135: {  	[tilespmem:s5], [sflag:$0x1] =	stream.linear.gather [hbm4b:s14+s5], $0x50, $0x38;
	[tilespmem:$0x1E678] =	vst v63  }
0x136: {  	s9 =	sadd.s32 $0x0, s9;
	s14 =	simm.s32 $0x5  }
0x137: {  	[tilespmem:s23], [sflag:$0x6] =	stream.linear.gather [hbm4b:s9+s5], $0x50, $0x38;
	[tilespmem:$0x1E678] =	vst v63  }
0x138: {  	_ =	swait.ge [sflag:s14], $0x50  }
0x139: {  	[sflag:s14] =	ssyncset.done $0x0  }
0x13a: {  	s17 =	simm.s32 $0x2D00;
	[sflag:s14] =	ssyncadd.s32 $0xFFFFFFB0  }
0x13b: {  	[tilespmem:s17], [sflag:$0xC] =	stream.indirect.gather [hbm4b:s2+s13], $0x80, s21, s13, $0xb8;
	[tilespmem:$0x1E678] =	vst v63  }
0x13c: {  	_ =	swait.ge [sflag:s4], $0x2800  }
0x13d: {  	[sflag:s4] =	ssyncset.done $0x0  }
0x13e: {  	[sflag:s4] =	ssyncadd.s32 $0xFFFFD800  }
0x13f: {  	_ =	swait.ge [sflag:s8], $0x50  }
0x140: {  	[sflag:s8] =	ssyncset.done $0x0  }
0x141: {  	s21 =	simm.s32 $0x7D00;
	[sflag:s8] =	ssyncadd.s32 $0xFFFFFFB0  }
0x142: {  	[spmem:s3] =	stream.indirect.scatter.add.f32 [tilespmem:s21], [sflag:$0xF], $0x80, s29, s13, $0xb8;
	[tilespmem:$0x1E678] =	vst v63  }
0x143: {  	_ =	swait.ge [sflag:s26], $0x2800  }
0x144: {  	[sflag:s26] =	ssyncset.done $0x0  }
0x145: {  	[sflag:s26] =	ssyncadd.s32 $0xFFFFD800  }
0x146: {  	[spmem:s22] =	stream.indirect.scatter.add.f32 [tilespmem:s1], [sflag:$0xF], $0x1, s29, s13, $0xb8;
	[tilespmem:$0x1E678] =	vst v63  }
0x147: {  	_ =	swait.ge [sflag:s26], $0x50  }
0x148: {  	s9 =	simm.s32 $0x80;
	s16 =	rddreg [dreg:$0x1e];
	[sflag:s26] =	ssyncset.done $0x0  }
0x149: {  	s17 =	rddreg [dreg:$0x1d];
	[sflag:s26] =	ssyncadd.s32 $0xFFFFFFB0;
	s14 =	sadd.s32 $0x0, s16  }
0x14a: {  	[tilespmem:s9], [sflag:$0x2] =	stream.linear.gather [hbm4b:s14+s5], $0x50, $0x38;
	[tilespmem:$0x1E678] =	vst v63  }
0x14b: {  	s17 =	sadd.s32 $0x0, s17  }
0x14c: {  	[tilespmem:s12], [sflag:$0x7] =	stream.linear.gather [hbm4b:s17+s5], $0x50, $0x38;
	[tilespmem:$0x1E678] =	vst v63  }
0x14d: {  	_ =	swait.ge [sflag:s20], $0x50  }
0x14e: {  	[sflag:s20] =	ssyncset.done $0x0  }
0x14f: {  	[sflag:s20] =	ssyncadd.s32 $0xFFFFFFB0  }
0x150: {  	[tilespmem:s19], [sflag:$0xD] =	stream.indirect.gather [hbm4b:s2+s13], $0x80, s5, s13, $0xb8;
	[tilespmem:$0x1E678] =	vst v63  }
0x151: {  	_ =	swait.ge [sflag:s30], $0x2800  }
0x152: {  	[sflag:s30] =	ssyncset.done $0x0  }
0x153: {  	[sflag:s30] =	ssyncadd.s32 $0xFFFFD800  }
0x154: {  	_ =	swait.ge [sflag:s7], $0x50  }
0x155: {  	[sflag:s7] =	ssyncset.done $0x0  }
0x156: {  	s19 =	simm.s32 $0x500;
	[sflag:s7] =	ssyncadd.s32 $0xFFFFFFB0  }
0x157: {  	[spmem:s3] =	stream.indirect.scatter.add.f32 [tilespmem:s19], [sflag:$0xF], $0x80, s18, s13, $0xb8;
	[tilespmem:$0x1E678] =	vst v63  }
0x158: {  	_ =	swait.ge [sflag:s26], $0x2800  }
0x159: {  	[sflag:s26] =	ssyncset.done $0x0  }
0x15a: {  	[sflag:s26] =	ssyncadd.s32 $0xFFFFD800  }
0x15b: {  	[spmem:s22] =	stream.indirect.scatter.add.f32 [tilespmem:s1], [sflag:$0xF], $0x1, s18, s13, $0xb8;
	[tilespmem:$0x1E678] =	vst v63  }
0x15c: {  	_ =	swait.ge [sflag:s26], $0x50  }
0x15d: {  	s14 =	rddreg [dreg:$0x1c];
	[sflag:s26] =	ssyncset.done $0x0  }
0x15e: {  	s16 =	rddreg [dreg:$0x1b];
	[sflag:s26] =	ssyncadd.s32 $0xFFFFFFB0;
	s14 =	sadd.s32 $0x0, s14  }
0x15f: {  	[tilespmem:s10], [sflag:$0x3] =	stream.linear.gather [hbm4b:s14+s5], $0x50, $0x38;
	[tilespmem:$0x1E678] =	vst v63  }
0x160: {  	s16 =	sadd.s32 $0x0, s16  }
0x161: {  	[tilespmem:s29], [sflag:$0x8] =	stream.linear.gather [hbm4b:s16+s5], $0x50, $0x38;
	[tilespmem:$0x1E678] =	vst v63  }
0x162: {  	_ =	swait.ge [sflag:s24], $0x50  }
0x163: {  	[sflag:s24] =	ssyncset.done $0x0  }
0x164: {  	[sflag:s24] =	ssyncadd.s32 $0xFFFFFFB0  }
0x165: {  	[tilespmem:s21], [sflag:$0xE] =	stream.indirect.gather [hbm4b:s2+s13], $0x80, s9, s13, $0xb8;
	[tilespmem:$0x1E678] =	vst v63  }
0x166: {  	_ =	swait.ge [sflag:s6], $0x2800  }
0x167: {  	[sflag:s6] =	ssyncset.done $0x0  }
0x168: {  	[sflag:s6] =	ssyncadd.s32 $0xFFFFD800  }
0x169: {  	_ =	swait.ge [sflag:s11], $0x50  }
0x16a: {  	[sflag:s11] =	ssyncset.done $0x0  }
0x16b: {  	s21 =	simm.s32 $0x2D00;
	[sflag:s11] =	ssyncadd.s32 $0xFFFFFFB0  }
0x16c: {  	[spmem:s3] =	stream.indirect.scatter.add.f32 [tilespmem:s21], [sflag:$0xF], $0x80, s31, s13, $0xb8;
	[tilespmem:$0x1E678] =	vst v63  }
0x16d: {  	_ =	swait.ge [sflag:s26], $0x2800  }
0x16e: {  	[sflag:s26] =	ssyncset.done $0x0  }
0x16f: {  	[sflag:s26] =	ssyncadd.s32 $0xFFFFD800  }
0x170: {  	[spmem:s22] =	stream.indirect.scatter.add.f32 [tilespmem:s1], [sflag:$0xF], $0x1, s31, s13, $0xb8;
	[tilespmem:$0x1E678] =	vst v63  }
0x171: {  	_ =	swait.ge [sflag:s26], $0x50  }
0x172: {  	s29 =	rddreg [dreg:$0x1a]  }
0x173: {  	[sflag:s26] =	ssyncset.done $0x0;
	s16 =	rddreg [dreg:$0x19]  }
0x174: {  	[sflag:s26] =	ssyncadd.s32 $0xFFFFFFB0;
	s14 =	sadd.s32 $0x0, s29;
	s29 =	simm.s32 $0x180  }
0x175: {  	[tilespmem:s29], [sflag:$0x4] =	stream.linear.gather [hbm4b:s14+s5], $0x50, $0x38;
	[tilespmem:$0x1E678] =	vst v63  }
0x176: {  	s16 =	sadd.s32 $0x0, s16  }
0x177: {  	[tilespmem:s18], [sflag:$0x9] =	stream.linear.gather [hbm4b:s16+s5], $0x50, $0x38;
	[tilespmem:$0x1E678] =	vst v63  }
0x178: {  	_ =	swait.ge [sflag:s25], $0x50  }
0x179: {  	[sflag:s25] =	ssyncset.done $0x0  }
0x17a: {  	[sflag:s25] =	ssyncadd.s32 $0xFFFFFFB0  }
0x17b: {  	[tilespmem:s19], [sflag:$0xB] =	stream.indirect.gather [hbm4b:s2+s13], $0x80, s10, s13, $0xb8;
	[tilespmem:$0x1E678] =	vst v63  }
0x17c: {  	_ =	swait.ge [sflag:s15], $0x2800  }
0x17d: {  	[sflag:s15] =	ssyncset.done $0x0  }
0x17e: {  	[sflag:s15] =	ssyncadd.s32 $0xFFFFD800  }
0x17f: {  	_ =	swait.ge [sflag:s0], $0x50  }
0x180: {  	[sflag:s0] =	ssyncset.done $0x0  }
0x181: {  	s17 =	simm.s32 $0x5500;
	[sflag:s0] =	ssyncadd.s32 $0xFFFFFFB0  }
0x182: {  	[spmem:s3] =	stream.indirect.scatter.add.f32 [tilespmem:s17], [sflag:$0xF], $0x80, s23, s13, $0xb8;
	[tilespmem:$0x1E678] =	vst v63  }
0x183: {  	_ =	swait.ge [sflag:s26], $0x2800  }
0x184: {  	[sflag:s26] =	ssyncset.done $0x0  }
0x185: {  	[sflag:s26] =	ssyncadd.s32 $0xFFFFD800  }
0x186: {  	[spmem:s22] =	stream.indirect.scatter.add.f32 [tilespmem:s1], [sflag:$0xF], $0x1, s23, s13, $0xb8;
	[tilespmem:$0x1E678] =	vst v63  }
0x187: {  	_ =	swait.ge [sflag:s26], $0x50  }
0x188: {  	s18 =	rddreg [dreg:$0x18]  }
0x189: {  	[sflag:s26] =	ssyncset.done $0x0;
	s19 =	rddreg [dreg:$0x17]  }
0x18a: {  	[sflag:s26] =	ssyncadd.s32 $0xFFFFFFB0;
	s14 =	sadd.s32 $0x0, s18;
	s18 =	simm.s32 $0x200  }
0x18b: {  	[tilespmem:s18], [sflag:$0x5] =	stream.linear.gather [hbm4b:s14+s5], $0x50, $0x38;
	[tilespmem:$0x1E678] =	vst v63  }
0x18c: {  	s17 =	simm.s32 $0x4;
	s16 =	sadd.s32 $0x0, s19  }
0x18d: {  	[tilespmem:s31], [sflag:$0xA] =	stream.linear.gather [hbm4b:s16+s5], $0x50, $0x38;
	[tilespmem:$0x1E678] =	vst v63  }
0x18e: {  	_ =	swait.ge [sflag:s17], $0x50  }
0x18f: {  	[sflag:s17] =	ssyncset.done $0x0  }
0x190: {  	[sflag:s17] =	ssyncadd.s32 $0xFFFFFFB0  }
0x191: {  	[tilespmem:s21], [sflag:$0xC] =	stream.indirect.gather [hbm4b:s2+s13], $0x80, s29, s13, $0xb8;
	[tilespmem:$0x1E678] =	vst v63  }
0x192: {  	_ =	swait.ge [sflag:s4], $0x2800  }
0x193: {  	[sflag:s4] =	ssyncset.done $0x0  }
0x194: {  	[sflag:s4] =	ssyncadd.s32 $0xFFFFD800  }
0x195: {  	_ =	swait.ge [sflag:s28], $0x50  }
0x196: {  	[sflag:s28] =	ssyncset.done $0x0  }
0x197: {  	s9 =	simm.s32 $0x7D00;
	[sflag:s28] =	ssyncadd.s32 $0xFFFFFFB0  }
0x198: {  	[spmem:s3] =	stream.indirect.scatter.add.f32 [tilespmem:s9], [sflag:$0xF], $0x80, s12, s13, $0xb8;
	[tilespmem:$0x1E678] =	vst v63  }
0x199: {  	_ =	swait.ge [sflag:s26], $0x2800  }
0x19a: {  	[sflag:s26] =	ssyncset.done $0x0  }
0x19b: {  	[sflag:s26] =	ssyncadd.s32 $0xFFFFD800  }
0x19c: {  	[spmem:s22] =	stream.indirect.scatter.add.f32 [tilespmem:s1], [sflag:$0xF], $0x1, s12, s13, $0xb8;
	[tilespmem:$0x1E678] =	vst v63  }
0x19d: {  	_ =	swait.ge [sflag:s26], $0x50  }
0x19e: {  	s19 =	rddreg [dreg:$0x16];
	[sflag:s26] =	ssyncset.done $0x0  }
0x19f: {  	s29 =	rddreg [dreg:$0x15];
	[sflag:s26] =	ssyncadd.s32 $0xFFFFFFB0;
	s14 =	sadd.s32 $0x0, s19  }
0x1a0: {  	[tilespmem:s5], [sflag:$0x1] =	stream.linear.gather [hbm4b:s14+s5], $0x50, $0x38;
	[tilespmem:$0x1E678] =	vst v63  }
0x1a1: {  	s16 =	simm.s32 $0x5;
	s9 =	sadd.s32 $0x0, s29  }
0x1a2: {  	[tilespmem:s23], [sflag:$0x6] =	stream.linear.gather [hbm4b:s9+s5], $0x50, $0x38;
	[tilespmem:$0x1E678] =	vst v63  }
0x1a3: {  	_ =	swait.ge [sflag:s16], $0x50  }
0x1a4: {  	[sflag:s16] =	ssyncset.done $0x0  }
0x1a5: {  	s9 =	simm.s32 $0x5500;
	[sflag:s16] =	ssyncadd.s32 $0xFFFFFFB0  }
0x1a6: {  	[tilespmem:s9], [sflag:$0xD] =	stream.indirect.gather [hbm4b:s2+s13], $0x80, s18, s13, $0xb8;
	[tilespmem:$0x1E678] =	vst v63  }
0x1a7: {  	_ =	swait.ge [sflag:s30], $0x2800  }
0x1a8: {  	[sflag:s30] =	ssyncset.done $0x0  }
0x1a9: {  	[sflag:s30] =	ssyncadd.s32 $0xFFFFD800  }
0x1aa: {  	_ =	swait.ge [sflag:s8], $0x50  }
0x1ab: {  	[sflag:s8] =	ssyncset.done $0x0  }
0x1ac: {  	s17 =	simm.s32 $0x380;
	s18 =	simm.s32 $0x500;
	[sflag:s8] =	ssyncadd.s32 $0xFFFFFFB0  }
0x1ad: {  	[spmem:s3] =	stream.indirect.scatter.add.f32 [tilespmem:s18], [sflag:$0xF], $0x80, s17, s13, $0xb8;
	[tilespmem:$0x1E678] =	vst v63  }
0x1ae: {  	_ =	swait.ge [sflag:s26], $0x2800  }
0x1af: {  	[sflag:s26] =	ssyncset.done $0x0  }
0x1b0: {  	[sflag:s26] =	ssyncadd.s32 $0xFFFFD800  }
0x1b1: {  	[spmem:s22] =	stream.indirect.scatter.add.f32 [tilespmem:s1], [sflag:$0xF], $0x1, s17, s13, $0xb8;
	[tilespmem:$0x1E678] =	vst v63  }
0x1b2: {  	_ =	swait.ge [sflag:s26], $0x50  }
0x1b3: {  	s29 =	rddreg [dreg:$0x14]  }
0x1b4: {  	[sflag:s26] =	ssyncset.done $0x0;
	s16 =	rddreg [dreg:$0x13]  }
0x1b5: {  	[sflag:s26] =	ssyncadd.s32 $0xFFFFFFB0;
	s14 =	sadd.s32 $0x0, s29;
	s29 =	simm.s32 $0x80  }
0x1b6: {  	[tilespmem:s29], [sflag:$0x2] =	stream.linear.gather [hbm4b:s14+s5], $0x50, $0x38;
	[tilespmem:$0x1E678] =	vst v63  }
0x1b7: {  	s16 =	sadd.s32 $0x0, s16  }
0x1b8: {  	[tilespmem:s12], [sflag:$0x7] =	stream.linear.gather [hbm4b:s16+s5], $0x50, $0x38;
	[tilespmem:$0x1E678] =	vst v63  }
0x1b9: {  	_ =	swait.ge [sflag:s20], $0x50  }
0x1ba: {  	[sflag:s20] =	ssyncset.done $0x0  }
0x1bb: {  	s31 =	simm.s32 $0x7D00;
	[sflag:s20] =	ssyncadd.s32 $0xFFFFFFB0  }
0x1bc: {  	[tilespmem:s31], [sflag:$0xE] =	stream.indirect.gather [hbm4b:s2+s13], $0x80, s5, s13, $0xb8;
	[tilespmem:$0x1E678] =	vst v63  }
0x1bd: {  	_ =	swait.ge [sflag:s6], $0x2800  }
0x1be: {  	[sflag:s6] =	ssyncset.done $0x0  }
0x1bf: {  	[sflag:s6] =	ssyncadd.s32 $0xFFFFD800  }
0x1c0: {  	_ =	swait.ge [sflag:s7], $0x50  }
0x1c1: {  	[sflag:s7] =	ssyncset.done $0x0  }
0x1c2: {  	s12 =	simm.s32 $0x400;
	[sflag:s7] =	ssyncadd.s32 $0xFFFFFFB0  }
0x1c3: {  	[spmem:s3] =	stream.indirect.scatter.add.f32 [tilespmem:s21], [sflag:$0xF], $0x80, s12, s13, $0xb8;
	[tilespmem:$0x1E678] =	vst v63  }
0x1c4: {  	_ =	swait.ge [sflag:s26], $0x2800  }
0x1c5: {  	[sflag:s26] =	ssyncset.done $0x0  }
0x1c6: {  	[sflag:s26] =	ssyncadd.s32 $0xFFFFD800  }
0x1c7: {  	[spmem:s22] =	stream.indirect.scatter.add.f32 [tilespmem:s1], [sflag:$0xF], $0x1, s12, s13, $0xb8;
	[tilespmem:$0x1E678] =	vst v63  }
0x1c8: {  	_ =	swait.ge [sflag:s26], $0x50  }
0x1c9: {  	s16 =	rddreg [dreg:$0x12];
	[sflag:s26] =	ssyncset.done $0x0  }
0x1ca: {  	s12 =	rddreg [dreg:$0x11];
	[sflag:s26] =	ssyncadd.s32 $0xFFFFFFB0;
	s14 =	sadd.s32 $0x0, s16  }
0x1cb: {  	[tilespmem:s10], [sflag:$0x3] =	stream.linear.gather [hbm4b:s14+s5], $0x50, $0x38;
	[tilespmem:$0x1E678] =	vst v63  }
0x1cc: {  	s17 =	simm.s32 $0x380;
	s12 =	sadd.s32 $0x0, s12  }
0x1cd: {  	[tilespmem:s17], [sflag:$0x8] =	stream.linear.gather [hbm4b:s12+s5], $0x50, $0x38;
	[tilespmem:$0x1E678] =	vst v63  }
0x1ce: {  	_ =	swait.ge [sflag:s24], $0x50  }
0x1cf: {  	[sflag:s24] =	ssyncset.done $0x0  }
0x1d0: {  	[sflag:s24] =	ssyncadd.s32 $0xFFFFFFB0  }
0x1d1: {  	[tilespmem:s18], [sflag:$0xB] =	stream.indirect.gather [hbm4b:s2+s13], $0x80, s29, s13, $0xb8;
	[tilespmem:$0x1E678] =	vst v63  }
0x1d2: {  	_ =	swait.ge [sflag:s15], $0x2800  }
0x1d3: {  	[sflag:s15] =	ssyncset.done $0x0  }
0x1d4: {  	[sflag:s15] =	ssyncadd.s32 $0xFFFFD800  }
0x1d5: {  	_ =	swait.ge [sflag:s11], $0x50  }
0x1d6: {  	[sflag:s11] =	ssyncset.done $0x0  }
0x1d7: {  	s16 =	simm.s32 $0x480;
	[sflag:s11] =	ssyncadd.s32 $0xFFFFFFB0  }
0x1d8: {  	[spmem:s3] =	stream.indirect.scatter.add.f32 [tilespmem:s9], [sflag:$0xF], $0x80, s16, s13, $0xb8;
	[tilespmem:$0x1E678] =	vst v63  }
0x1d9: {  	_ =	swait.ge [sflag:s26], $0x2800  }
0x1da: {  	[sflag:s26] =	ssyncset.done $0x0  }
0x1db: {  	[sflag:s26] =	ssyncadd.s32 $0xFFFFD800  }
0x1dc: {  	[spmem:s22] =	stream.indirect.scatter.add.f32 [tilespmem:s1], [sflag:$0xF], $0x1, s16, s13, $0xb8;
	[tilespmem:$0x1E678] =	vst v63  }
0x1dd: {  	_ =	swait.ge [sflag:s26], $0x50  }
0x1de: {  	s17 =	rddreg [dreg:$0x10]  }
0x1df: {  	[sflag:s26] =	ssyncset.done $0x0;
	s18 =	rddreg [dreg:$0xf]  }
0x1e0: {  	[sflag:s26] =	ssyncadd.s32 $0xFFFFFFB0;
	s14 =	sadd.s32 $0x0, s17;
	s17 =	simm.s32 $0x180  }
0x1e1: {  	[tilespmem:s17], [sflag:$0x4] =	stream.linear.gather [hbm4b:s14+s5], $0x50, $0x38;
	[tilespmem:$0x1E678] =	vst v63  }
0x1e2: {  	s31 =	simm.s32 $0x400;
	s18 =	sadd.s32 $0x0, s18  }
0x1e3: {  	[tilespmem:s31], [sflag:$0x9] =	stream.linear.gather [hbm4b:s18+s5], $0x50, $0x38;
	[tilespmem:$0x1E678] =	vst v63  }
0x1e4: {  	_ =	swait.ge [sflag:s25], $0x50  }
0x1e5: {  	[sflag:s25] =	ssyncset.done $0x0  }
0x1e6: {  	[sflag:s25] =	ssyncadd.s32 $0xFFFFFFB0  }
0x1e7: {  	[tilespmem:s21], [sflag:$0xC] =	stream.indirect.gather [hbm4b:s2+s13], $0x80, s10, s13, $0xb8;
	[tilespmem:$0x1E678] =	vst v63  }
0x1e8: {  	_ =	swait.ge [sflag:s4], $0x2800  }
0x1e9: {  	[sflag:s4] =	ssyncset.done $0x0  }
0x1ea: {  	[sflag:s4] =	ssyncadd.s32 $0xFFFFD800  }
0x1eb: {  	_ =	swait.ge [sflag:s0], $0x50  }
0x1ec: {  	[sflag:s0] =	ssyncset.done $0x0  }
0x1ed: {  	s30 =	simm.s32 $0x7D00;
	[sflag:s0] =	ssyncadd.s32 $0xFFFFFFB0  }
0x1ee: {  	[spmem:s3] =	stream.indirect.scatter.add.f32 [tilespmem:s30], [sflag:$0xF], $0x80, s23, s13, $0xb8;
	[tilespmem:$0x1E678] =	vst v63  }
0x1ef: {  	_ =	swait.ge [sflag:s26], $0x2800  }
0x1f0: {  	[sflag:s26] =	ssyncset.done $0x0  }
0x1f1: {  	[sflag:s26] =	ssyncadd.s32 $0xFFFFD800  }
0x1f2: {  	[spmem:s22] =	stream.indirect.scatter.add.f32 [tilespmem:s1], [sflag:$0xF], $0x1, s23, s13, $0xb8;
	[tilespmem:$0x1E678] =	vst v63  }
0x1f3: {  	_ =	swait.ge [sflag:s26], $0x50  }
0x1f4: {  	s31 =	simm.s32 $0x200;
	s16 =	rddreg [dreg:$0xe];
	[sflag:s26] =	ssyncset.done $0x0  }
0x1f5: {  	s18 =	rddreg [dreg:$0xd];
	[sflag:s26] =	ssyncadd.s32 $0xFFFFFFB0;
	s14 =	sadd.s32 $0x0, s16  }
0x1f6: {  	[tilespmem:s31], [sflag:$0x5] =	stream.linear.gather [hbm4b:s14+s5], $0x50, $0x38;
	[tilespmem:$0x1E678] =	vst v63  }
0x1f7: {  	s12 =	simm.s32 $0x480;
	s16 =	sadd.s32 $0x0, s18;
	s18 =	simm.s32 $0x4  }
0x1f8: {  	[tilespmem:s12], [sflag:$0xA] =	stream.linear.gather [hbm4b:s16+s5], $0x50, $0x38;
	[tilespmem:$0x1E678] =	vst v63  }
0x1f9: {  	_ =	swait.ge [sflag:s18], $0x50  }
0x1fa: {  	[sflag:s18] =	ssyncset.done $0x0  }
0x1fb: {  	s9 =	simm.s32 $0x5500;
	s14 =	simm.s32 $0xB;
	[sflag:s18] =	ssyncadd.s32 $0xFFFFFFB0  }
0x1fc: {  	[tilespmem:s9], [sflag:$0xD] =	stream.indirect.gather [hbm4b:s2+s13], $0x80, s17, s13, $0xb8;
	[tilespmem:$0x1E678] =	vst v63  }
0x1fd: {  	_ =	swait.ge [sflag:s14], $0x2800  }
0x1fe: {  	[sflag:s14] =	ssyncset.done $0x0  }
0x1ff: {  	[sflag:s14] =	ssyncadd.s32 $0xFFFFD800  }
0x200: {  	_ =	swait.ge [sflag:s28], $0x50  }
0x201: {  	[sflag:s28] =	ssyncset.done $0x0  }
0x202: {  	s29 =	simm.s32 $0x500;
	s16 =	simm.s32 $0x300;
	[sflag:s28] =	ssyncadd.s32 $0xFFFFFFB0  }
0x203: {  	[spmem:s3] =	stream.indirect.scatter.add.f32 [tilespmem:s29], [sflag:$0xF], $0x80, s16, s13, $0xb8;
	[tilespmem:$0x1E678] =	vst v63  }
0x204: {  	_ =	swait.ge [sflag:s26], $0x2800  }
0x205: {  	[sflag:s26] =	ssyncset.done $0x0  }
0x206: {  	[sflag:s26] =	ssyncadd.s32 $0xFFFFD800  }
0x207: {  	[spmem:s22] =	stream.indirect.scatter.add.f32 [tilespmem:s1], [sflag:$0xF], $0x1, s16, s13, $0xb8;
	[tilespmem:$0x1E678] =	vst v63  }
0x208: {  	_ =	swait.ge [sflag:s26], $0x50  }
0x209: {  	s28 =	sld [smem:$0x7F9]  }
0x20a: {  	s17 =	sld [smem:$0x7FD];
	_ =	sdelay $0x1  }
0x20b: {  	[sflag:s26] =	ssyncset.done $0x0;
	s29 =	sld [smem:$0x7FC];
	s14 =	sshrl.u32 s28, $0x3  }
0x20c: {  	[sflag:s26] =	ssyncadd.s32 $0xFFFFFFB0;
	s16 =	sadd.s32 s17, s14  }
0x20d: {  	[tilespmem:s5], [sflag:$0x1] =	stream.linear.gather [hbm4b:s16+s5], $0x50, $0x38;
	[tilespmem:$0x1E678] =	vst v63  }
0x20e: {  	s19 =	simm.s32 $0x5;
	s14 =	sadd.s32 s29, s14  }
0x20f: {  	[tilespmem:s23], [sflag:$0x6] =	stream.linear.gather [hbm4b:s14+s5], $0x50, $0x38;
	[tilespmem:$0x1E678] =	vst v63  }
0x210: {  	_ =	swait.ge [sflag:s19], $0x50  }
0x211: {  	[sflag:s19] =	ssyncset.done $0x0  }
0x212: {  	[sflag:s19] =	ssyncadd.s32 $0xFFFFFFB0  }
0x213: {  	[tilespmem:s30], [sflag:$0xE] =	stream.indirect.gather [hbm4b:s2+s13], $0x80, s31, s13, $0xb8;
	[tilespmem:$0x1E678] =	vst v63  }
0x214: {  	_ =	swait.ge [sflag:s6], $0x2800  }
0x215: {  	[sflag:s6] =	ssyncset.done $0x0  }
0x216: {  	[sflag:s6] =	ssyncadd.s32 $0xFFFFD800  }
0x217: {  	_ =	swait.ge [sflag:s8], $0x50  }
0x218: {  	[sflag:s8] =	ssyncset.done $0x0  }
0x219: {  	s31 =	simm.s32 $0x380;
	[sflag:s8] =	ssyncadd.s32 $0xFFFFFFB0  }
0x21a: {  	[spmem:s3] =	stream.indirect.scatter.add.f32 [tilespmem:s21], [sflag:$0xF], $0x80, s31, s13, $0xb8;
	[tilespmem:$0x1E678] =	vst v63  }
0x21b: {  	_ =	swait.ge [sflag:s26], $0x2800  }
0x21c: {  	[sflag:s26] =	ssyncset.done $0x0  }
0x21d: {  	[sflag:s26] =	ssyncadd.s32 $0xFFFFD800  }
0x21e: {  	[spmem:s22] =	stream.indirect.scatter.add.f32 [tilespmem:s1], [sflag:$0xF], $0x1, s31, s13, $0xb8;
	[tilespmem:$0x1E678] =	vst v63  }
0x21f: {  	_ =	swait.ge [sflag:s26], $0x50  }
0x220: {  	s29 =	simm.s32 $0x80;
	s6 =	rddreg [dreg:$0xc];
	[sflag:s26] =	ssyncset.done $0x0  }
0x221: {  	s8 =	rddreg [dreg:$0xb];
	[sflag:s26] =	ssyncadd.s32 $0xFFFFFFB0;
	s14 =	sadd.s32 $0x0, s6  }
0x222: {  	[tilespmem:s29], [sflag:$0x2] =	stream.linear.gather [hbm4b:s14+s5], $0x50, $0x38;
	[tilespmem:$0x1E678] =	vst v63  }
0x223: {  	s12 =	simm.s32 $0x300;
	s16 =	sadd.s32 $0x0, s8  }
0x224: {  	[tilespmem:s12], [sflag:$0x7] =	stream.linear.gather [hbm4b:s16+s5], $0x50, $0x38;
	[tilespmem:$0x1E678] =	vst v63  }
0x225: {  	_ =	swait.ge [sflag:s20], $0x50  }
0x226: {  	[sflag:s20] =	ssyncset.done $0x0  }
0x227: {  	s8 =	simm.s32 $0x500;
	[sflag:s20] =	ssyncadd.s32 $0xFFFFFFB0  }
0x228: {  	[tilespmem:s8], [sflag:$0xB] =	stream.indirect.gather [hbm4b:s2+s13], $0x80, s5, s13, $0xb8;
	[tilespmem:$0x1E678] =	vst v63  }
0x229: {  	_ =	swait.ge [sflag:s15], $0x2800  }
0x22a: {  	[sflag:s15] =	ssyncset.done $0x0  }
0x22b: {  	[sflag:s15] =	ssyncadd.s32 $0xFFFFD800  }
0x22c: {  	_ =	swait.ge [sflag:s7], $0x50  }
0x22d: {  	[sflag:s7] =	ssyncset.done $0x0  }
0x22e: {  	s6 =	simm.s32 $0x5500;
	s20 =	simm.s32 $0x400;
	[sflag:s7] =	ssyncadd.s32 $0xFFFFFFB0  }
0x22f: {  	[spmem:s3] =	stream.indirect.scatter.add.f32 [tilespmem:s6], [sflag:$0xF], $0x80, s20, s13, $0xb8;
	[tilespmem:$0x1E678] =	vst v63  }
0x230: {  	_ =	swait.ge [sflag:s26], $0x2800  }
0x231: {  	[sflag:s26] =	ssyncset.done $0x0  }
0x232: {  	[sflag:s26] =	ssyncadd.s32 $0xFFFFD800  }
0x233: {  	[spmem:s22] =	stream.indirect.scatter.add.f32 [tilespmem:s1], [sflag:$0xF], $0x1, s20, s13, $0xb8;
	[tilespmem:$0x1E678] =	vst v63  }
0x234: {  	_ =	swait.ge [sflag:s26], $0x50  }
0x235: {  	s31 =	rddreg [dreg:$0xa];
	[sflag:s26] =	ssyncset.done $0x0  }
0x236: {  	s12 =	rddreg [dreg:$0x9];
	[sflag:s26] =	ssyncadd.s32 $0xFFFFFFB0;
	s14 =	sadd.s32 $0x0, s31  }
0x237: {  	[tilespmem:s10], [sflag:$0x3] =	stream.linear.gather [hbm4b:s14+s5], $0x50, $0x38;
	[tilespmem:$0x1E678] =	vst v63  }
0x238: {  	s17 =	simm.s32 $0x380;
	s15 =	sadd.s32 $0x0, s12  }
0x239: {  	[tilespmem:s17], [sflag:$0x8] =	stream.linear.gather [hbm4b:s15+s5], $0x50, $0x38;
	[tilespmem:$0x1E678] =	vst v63  }
0x23a: {  	_ =	swait.ge [sflag:s24], $0x50  }
0x23b: {  	[sflag:s24] =	ssyncset.done $0x0  }
0x23c: {  	[sflag:s24] =	ssyncadd.s32 $0xFFFFFFB0  }
0x23d: {  	[tilespmem:s21], [sflag:$0xC] =	stream.indirect.gather [hbm4b:s2+s13], $0x80, s29, s13, $0xb8;
	[tilespmem:$0x1E678] =	vst v63  }
0x23e: {  	_ =	swait.ge [sflag:s4], $0x2800  }
0x23f: {  	[sflag:s4] =	ssyncset.done $0x0  }
0x240: {  	[sflag:s4] =	ssyncadd.s32 $0xFFFFD800  }
0x241: {  	_ =	swait.ge [sflag:s11], $0x50  }
0x242: {  	[sflag:s11] =	ssyncset.done $0x0  }
0x243: {  	s19 =	simm.s32 $0x7D00;
	s16 =	simm.s32 $0x480;
	[sflag:s11] =	ssyncadd.s32 $0xFFFFFFB0  }
0x244: {  	[spmem:s3] =	stream.indirect.scatter.add.f32 [tilespmem:s19], [sflag:$0xF], $0x80, s16, s13, $0xb8;
	[tilespmem:$0x1E678] =	vst v63  }
0x245: {  	_ =	swait.ge [sflag:s26], $0x2800  }
0x246: {  	[sflag:s26] =	ssyncset.done $0x0  }
0x247: {  	[sflag:s26] =	ssyncadd.s32 $0xFFFFD800  }
0x248: {  	[spmem:s22] =	stream.indirect.scatter.add.f32 [tilespmem:s1], [sflag:$0xF], $0x1, s16, s13, $0xb8;
	[tilespmem:$0x1E678] =	vst v63  }
0x249: {  	_ =	swait.ge [sflag:s26], $0x50  }
0x24a: {  	s21 =	simm.s32 $0x180;
	s19 =	rddreg [dreg:$0x8];
	[sflag:s26] =	ssyncset.done $0x0  }
0x24b: {  	s20 =	rddreg [dreg:$0x7];
	[sflag:s26] =	ssyncadd.s32 $0xFFFFFFB0;
	s14 =	sadd.s32 $0x0, s19  }
0x24c: {  	[tilespmem:s21], [sflag:$0x4] =	stream.linear.gather [hbm4b:s14+s5], $0x50, $0x38;
	[tilespmem:$0x1E678] =	vst v63  }
0x24d: {  	s7 =	simm.s32 $0x400;
	s24 =	sadd.s32 $0x0, s20  }
0x24e: {  	[tilespmem:s7], [sflag:$0x9] =	stream.linear.gather [hbm4b:s24+s5], $0x50, $0x38;
	[tilespmem:$0x1E678] =	vst v63  }
0x24f: {  	_ =	swait.ge [sflag:s25], $0x50  }
0x250: {  	[sflag:s25] =	ssyncset.done $0x0  }
0x251: {  	s9 =	simm.s32 $0xB;
	[sflag:s25] =	ssyncadd.s32 $0xFFFFFFB0  }
0x252: {  	[tilespmem:s6], [sflag:$0xD] =	stream.indirect.gather [hbm4b:s2+s13], $0x80, s10, s13, $0xb8;
	[tilespmem:$0x1E678] =	vst v63  }
0x253: {  	_ =	swait.ge [sflag:s9], $0x2800  }
0x254: {  	[sflag:s9] =	ssyncset.done $0x0  }
0x255: {  	[sflag:s9] =	ssyncadd.s32 $0xFFFFD800  }
0x256: {  	_ =	swait.ge [sflag:s0], $0x50  }
0x257: {  	[sflag:s0] =	ssyncset.done $0x0  }
0x258: {  	[sflag:s0] =	ssyncadd.s32 $0xFFFFFFB0  }
0x259: {  	[spmem:s3] =	stream.indirect.scatter.add.f32 [tilespmem:s8], [sflag:$0xF], $0x80, s23, s13, $0xb8;
	[tilespmem:$0x1E678] =	vst v63  }
0x25a: {  	_ =	swait.ge [sflag:s26], $0x2800  }
0x25b: {  	[sflag:s26] =	ssyncset.done $0x0  }
0x25c: {  	[sflag:s26] =	ssyncadd.s32 $0xFFFFD800  }
0x25d: {  	[spmem:s22] =	stream.indirect.scatter.add.f32 [tilespmem:s1], [sflag:$0xF], $0x1, s23, s13, $0xb8;
	[tilespmem:$0x1E678] =	vst v63  }
0x25e: {  	_ =	swait.ge [sflag:s26], $0x50  }
0x25f: {  	s30 =	simm.s32 $0x200;
	s25 =	rddreg [dreg:$0x6];
	[sflag:s26] =	ssyncset.done $0x0  }
0x260: {  	s29 =	rddreg [dreg:$0x5];
	[sflag:s26] =	ssyncadd.s32 $0xFFFFFFB0;
	s14 =	sadd.s32 $0x0, s25  }
0x261: {  	[tilespmem:s30], [sflag:$0x5] =	stream.linear.gather [hbm4b:s14+s5], $0x50, $0x38;
	[tilespmem:$0x1E678] =	vst v63  }
0x262: {  	s18 =	simm.s32 $0x4;
	s17 =	simm.s32 $0x480;
	s31 =	sadd.s32 $0x0, s29  }
0x263: {  	[tilespmem:s17], [sflag:$0xA] =	stream.linear.gather [hbm4b:s31+s5], $0x50, $0x38;
	[tilespmem:$0x1E678] =	vst v63  }
0x264: {  	_ =	swait.ge [sflag:s18], $0x50  }
0x265: {  	[sflag:s18] =	ssyncset.done $0x0  }
0x266: {  	s3 =	simm.s32 $0xC8;
	s30 =	sadd.s32 $0x640, s28;
	[sflag:s18] =	ssyncadd.s32 $0xFFFFFFB0  }
.LBB2_2:
0x267: {  	[smem:$0x7DB] =	sst s30;
	s0 =	simm.s32 $0x180  }
0x268: {  	s1 =	simm.s32 $0x7D00;
	s6 =	rddreg [dreg:$0x0];
	s8 =	simm.s32 $0xC  }
0x269: {  	[tilespmem:s1], [sflag:$0xE] =	stream.indirect.gather [hbm4b:s6+s13], $0x80, s0, s13, $0xb8;
	[tilespmem:$0x1E678] =	vst v63  }
0x26a: {  	_ =	swait.ge [sflag:s8], $0x2800  }
0x26b: {  	s18 =	sadd.s32 $0xC8, s3;
	[sflag:s8] =	ssyncset.done $0x0  }
0x26c: {  	s30 =	simm.s32 $0x7;
	[smem:$0x7DC] =	sst s18;
	[sflag:s8] =	ssyncadd.s32 $0xFFFFD800  }
0x26d: {  	_ =	swait.ge [sflag:s30], $0x50  }
0x26e: {  	[sflag:s30] =	ssyncset.done $0x0  }
0x26f: {  	s16 =	smov.u32 s3;
	p0 =	sne.s32 s3, $0x3E8;
	[sflag:s30] =	ssyncadd.s32 $0xFFFFFFB0  }
0x270: {  	s19 =	simm.s32 $0x300;
	s21 =	simm.s32 $0x2D00;
	s3 =	rddreg [dreg:$0x2]  }
0x271: {  	[spmem:s3] =	stream.indirect.scatter.add.f32 [tilespmem:s21], [sflag:$0xF], $0x80, s19, s13, $0xb8;
	[tilespmem:$0x1E678] =	vst v63  }
0x272: {  	_ =	swait.ge [sflag:s26], $0x2800  }
0x273: {  	[sflag:s26] =	ssyncset.done $0x0  }
0x274: {  	[sflag:s26] =	ssyncadd.s32 $0xFFFFD800  }
0x275: {  	s20 =	simm.s32 $0xA500;
	s21 =	rddreg [dreg:$0x3]  }
0x276: {  	[spmem:s21] =	stream.indirect.scatter.add.f32 [tilespmem:s20], [sflag:$0xF], $0x1, s19, s13, $0xb8;
	[tilespmem:$0x1E678] =	vst v63  }
0x277: {  	_ =	swait.ge [sflag:s26], $0x50  }
0x278: {  	s18 =	sld [smem:$0x7F3];
	_ =	sdelay $0x1  }
0x279: {  	[sflag:s26] =	ssyncset.done $0x0;
	s28 =	sld [smem:$0x7F0]  }
0x27a: {  	[sflag:s26] =	ssyncadd.s32 $0xFFFFFFB0;
	s18 =	sadd.s32 s16, s18  }
0x27b: {  	[tilespmem:s5], [sflag:$0x1] =	stream.linear.gather [hbm4b:s18+s5], $0x50, $0x38;
	[tilespmem:$0x1E678] =	vst v63  }
0x27c: {  	s12 =	simm.s32 $0x5;
	s22 =	sadd.s32 s16, s28  }
0x27d: {  	[tilespmem:s23], [sflag:$0x6] =	stream.linear.gather [hbm4b:s22+s5], $0x50, $0x38;
	[tilespmem:$0x1E678] =	vst v63  }
0x27e: {  	_ =	swait.ge [sflag:s12], $0x50  }
0x27f: {  	s7 =	simm.s32 $0x500;
	[sflag:s12] =	ssyncset.done $0x0  }
0x280: {  	s24 =	simm.s32 $0x200;
	s15 =	simm.s32 $0xD;
	[sflag:s12] =	ssyncadd.s32 $0xFFFFFFB0  }
0x281: {  	[tilespmem:s7], [sflag:$0xB] =	stream.indirect.gather [hbm4b:s6+s13], $0x80, s24, s13, $0xb8;
	[tilespmem:$0x1E678] =	vst v63  }
0x282: {  	_ =	swait.ge [sflag:s15], $0x2800  }
0x283: {  	[sflag:s15] =	ssyncset.done $0x0  }
0x284: {  	s25 =	simm.s32 $0x8;
	[sflag:s15] =	ssyncadd.s32 $0xFFFFD800  }
0x285: {  	_ =	swait.ge [sflag:s25], $0x50  }
0x286: {  	[sflag:s25] =	ssyncset.done $0x0  }
0x287: {  	s29 =	simm.s32 $0x5500;
	s28 =	simm.s32 $0x380;
	[sflag:s25] =	ssyncadd.s32 $0xFFFFFFB0  }
0x288: {  	[spmem:s3] =	stream.indirect.scatter.add.f32 [tilespmem:s29], [sflag:$0xF], $0x80, s28, s13, $0xb8;
	[tilespmem:$0x1E678] =	vst v63  }
0x289: {  	_ =	swait.ge [sflag:s26], $0x2800  }
0x28a: {  	[sflag:s26] =	ssyncset.done $0x0  }
0x28b: {  	[sflag:s26] =	ssyncadd.s32 $0xFFFFD800  }
0x28c: {  	[spmem:s21] =	stream.indirect.scatter.add.f32 [tilespmem:s20], [sflag:$0xF], $0x1, s28, s13, $0xb8;
	[tilespmem:$0x1E678] =	vst v63  }
0x28d: {  	_ =	swait.ge [sflag:s26], $0x50  }
0x28e: {  	s31 =	sld [smem:$0x7EE];
	_ =	sdelay $0x1  }
0x28f: {  	[sflag:s26] =	ssyncset.done $0x0;
	s2 =	sld [smem:$0x7ED]  }
0x290: {  	s14 =	simm.s32 $0x80;
	[sflag:s26] =	ssyncadd.s32 $0xFFFFFFB0;
	s18 =	sadd.s32 s16, s31  }
0x291: {  	[tilespmem:s14], [sflag:$0x2] =	stream.linear.gather [hbm4b:s18+s5], $0x50, $0x38;
	[tilespmem:$0x1E678] =	vst v63  }
0x292: {  	s4 =	simm.s32 $0x300;
	s19 =	simm.s32 $0x1;
	s9 =	sadd.s32 s16, s2  }
0x293: {  	[tilespmem:s4], [sflag:$0x7] =	stream.linear.gather [hbm4b:s9+s5], $0x50, $0x38;
	[tilespmem:$0x1E678] =	vst v63  }
0x294: {  	_ =	swait.ge [sflag:s19], $0x50  }
0x295: {  	[sflag:s19] =	ssyncset.done $0x0  }
0x296: {  	s10 =	simm.s32 $0x2D00;
	s24 =	simm.s32 $0xE;
	[sflag:s19] =	ssyncadd.s32 $0xFFFFFFB0  }
0x297: {  	[tilespmem:s10], [sflag:$0xC] =	stream.indirect.gather [hbm4b:s6+s13], $0x80, s5, s13, $0xb8;
	[tilespmem:$0x1E678] =	vst v63  }
0x298: {  	_ =	swait.ge [sflag:s24], $0x2800  }
0x299: {  	[sflag:s24] =	ssyncset.done $0x0  }
0x29a: {  	s25 =	simm.s32 $0x9;
	[sflag:s24] =	ssyncadd.s32 $0xFFFFD800  }
0x29b: {  	_ =	swait.ge [sflag:s25], $0x50  }
0x29c: {  	[sflag:s25] =	ssyncset.done $0x0  }
0x29d: {  	s14 =	simm.s32 $0x7D00;
	s9 =	simm.s32 $0x400;
	[sflag:s25] =	ssyncadd.s32 $0xFFFFFFB0  }
0x29e: {  	[spmem:s3] =	stream.indirect.scatter.add.f32 [tilespmem:s14], [sflag:$0xF], $0x80, s9, s13, $0xb8;
	[tilespmem:$0x1E678] =	vst v63  }
0x29f: {  	_ =	swait.ge [sflag:s26], $0x2800  }
0x2a0: {  	[sflag:s26] =	ssyncset.done $0x0  }
0x2a1: {  	[sflag:s26] =	ssyncadd.s32 $0xFFFFD800  }
0x2a2: {  	[spmem:s21] =	stream.indirect.scatter.add.f32 [tilespmem:s20], [sflag:$0xF], $0x1, s9, s13, $0xb8;
	[tilespmem:$0x1E678] =	vst v63  }
0x2a3: {  	_ =	swait.ge [sflag:s26], $0x50  }
0x2a4: {  	s11 =	sld [smem:$0x7EC];
	_ =	sdelay $0x1  }
0x2a5: {  	[sflag:s26] =	ssyncset.done $0x0;
	s17 =	sld [smem:$0x7EB]  }
0x2a6: {  	s23 =	simm.s32 $0x100;
	[sflag:s26] =	ssyncadd.s32 $0xFFFFFFB0;
	s18 =	sadd.s32 s16, s11  }
0x2a7: {  	[tilespmem:s23], [sflag:$0x3] =	stream.linear.gather [hbm4b:s18+s5], $0x50, $0x38;
	[tilespmem:$0x1E678] =	vst v63  }
0x2a8: {  	s1 =	simm.s32 $0x380;
	s28 =	sadd.s32 s16, s17;
	s23 =	simm.s32 $0x2  }
0x2a9: {  	[tilespmem:s1], [sflag:$0x8] =	stream.linear.gather [hbm4b:s28+s5], $0x50, $0x38;
	[tilespmem:$0x1E678] =	vst v63  }
0x2aa: {  	_ =	swait.ge [sflag:s23], $0x50  }
0x2ab: {  	s0 =	simm.s32 $0x5500;
	[sflag:s23] =	ssyncset.done $0x0  }
0x2ac: {  	s22 =	simm.s32 $0x80;
	s10 =	simm.s32 $0xB;
	[sflag:s23] =	ssyncadd.s32 $0xFFFFFFB0  }
0x2ad: {  	[tilespmem:s0], [sflag:$0xD] =	stream.indirect.gather [hbm4b:s6+s13], $0x80, s22, s13, $0xb8;
	[tilespmem:$0x1E678] =	vst v63  }
0x2ae: {  	_ =	swait.ge [sflag:s10], $0x2800  }
0x2af: {  	[sflag:s10] =	ssyncset.done $0x0  }
0x2b0: {  	s0 =	simm.s32 $0xA;
	[sflag:s10] =	ssyncadd.s32 $0xFFFFD800  }
0x2b1: {  	_ =	swait.ge [sflag:s0], $0x50  }
0x2b2: {  	[sflag:s0] =	ssyncset.done $0x0  }
0x2b3: {  	s7 =	simm.s32 $0x500;
	s2 =	simm.s32 $0x480;
	[sflag:s0] =	ssyncadd.s32 $0xFFFFFFB0  }
0x2b4: {  	[spmem:s3] =	stream.indirect.scatter.add.f32 [tilespmem:s7], [sflag:$0xF], $0x80, s2, s13, $0xb8;
	[tilespmem:$0x1E678] =	vst v63  }
0x2b5: {  	_ =	swait.ge [sflag:s26], $0x2800  }
0x2b6: {  	[sflag:s26] =	ssyncset.done $0x0  }
0x2b7: {  	[sflag:s26] =	ssyncadd.s32 $0xFFFFD800  }
0x2b8: {  	[spmem:s21] =	stream.indirect.scatter.add.f32 [tilespmem:s20], [sflag:$0xF], $0x1, s2, s13, $0xb8;
	[tilespmem:$0x1E678] =	vst v63  }
0x2b9: {  	_ =	swait.ge [sflag:s26], $0x50  }
0x2ba: {  	s7 =	sld [smem:$0x7EA];
	_ =	sdelay $0x1  }
0x2bb: {  	[sflag:s26] =	ssyncset.done $0x0;
	s17 =	sld [smem:$0x7E9]  }
0x2bc: {  	s22 =	simm.s32 $0x180;
	[sflag:s26] =	ssyncadd.s32 $0xFFFFFFB0;
	s18 =	sadd.s32 s16, s7  }
0x2bd: {  	[tilespmem:s22], [sflag:$0x4] =	stream.linear.gather [hbm4b:s18+s5], $0x50, $0x38;
	[tilespmem:$0x1E678] =	vst v63  }
0x2be: {  	s9 =	simm.s32 $0x400;
	s2 =	sadd.s32 s16, s17  }
0x2bf: {  	[tilespmem:s9], [sflag:$0x9] =	stream.linear.gather [hbm4b:s2+s5], $0x50, $0x38;
	[tilespmem:$0x1E678] =	vst v63  }
0x2c0: {  	s2 =	simm.s32 $0x3  }
0x2c1: {  	_ =	swait.ge [sflag:s2], $0x50  }
0x2c2: {  	[sflag:s2] =	ssyncset.done $0x0  }
0x2c3: {  	s29 =	simm.s32 $0x100;
	[sflag:s2] =	ssyncadd.s32 $0xFFFFFFB0  }
0x2c4: {  	[tilespmem:s14], [sflag:$0xE] =	stream.indirect.gather [hbm4b:s6+s13], $0x80, s29, s13, $0xb8;
	[tilespmem:$0x1E678] =	vst v63  }
0x2c5: {  	_ =	swait.ge [sflag:s8], $0x2800  }
0x2c6: {  	[sflag:s8] =	ssyncset.done $0x0  }
0x2c7: {  	s29 =	simm.s32 $0x6;
	[sflag:s8] =	ssyncadd.s32 $0xFFFFD800  }
0x2c8: {  	_ =	swait.ge [sflag:s29], $0x50  }
0x2c9: {  	[sflag:s29] =	ssyncset.done $0x0  }
0x2ca: {  	s31 =	simm.s32 $0x2D00;
	s7 =	simm.s32 $0x280;
	[sflag:s29] =	ssyncadd.s32 $0xFFFFFFB0  }
0x2cb: {  	[spmem:s3] =	stream.indirect.scatter.add.f32 [tilespmem:s31], [sflag:$0xF], $0x80, s7, s13, $0xb8;
	[tilespmem:$0x1E678] =	vst v63  }
0x2cc: {  	_ =	swait.ge [sflag:s26], $0x2800  }
0x2cd: {  	[sflag:s26] =	ssyncset.done $0x0  }
0x2ce: {  	s9 =	simm.s32 $0x280;
	[sflag:s26] =	ssyncadd.s32 $0xFFFFD800  }
0x2cf: {  	[spmem:s21] =	stream.indirect.scatter.add.f32 [tilespmem:s20], [sflag:$0xF], $0x1, s9, s13, $0xb8;
	[tilespmem:$0x1E678] =	vst v63  }
0x2d0: {  	_ =	swait.ge [sflag:s26], $0x50  }
0x2d1: {  	s14 =	sld [smem:$0x7E8];
	_ =	sdelay $0x1  }
0x2d2: {  	[sflag:s26] =	ssyncset.done $0x0;
	s17 =	sld [smem:$0x7E7]  }
0x2d3: {  	s31 =	simm.s32 $0x200;
	[sflag:s26] =	ssyncadd.s32 $0xFFFFFFB0;
	s18 =	sadd.s32 s16, s14  }
0x2d4: {  	[tilespmem:s31], [sflag:$0x5] =	stream.linear.gather [hbm4b:s18+s5], $0x50, $0x38;
	[tilespmem:$0x1E678] =	vst v63  }
0x2d5: {  	s1 =	simm.s32 $0x480;
	s28 =	sadd.s32 s16, s17;
	s14 =	simm.s32 $0x4  }
0x2d6: {  	[tilespmem:s1], [sflag:$0xA] =	stream.linear.gather [hbm4b:s28+s5], $0x50, $0x38;
	[tilespmem:$0x1E678] =	vst v63  }
0x2d7: {  	_ =	swait.ge [sflag:s14], $0x50  }
0x2d8: {  	[sflag:s14] =	ssyncset.done $0x0  }
0x2d9: {  	s4 =	simm.s32 $0x500;
	[sflag:s14] =	ssyncadd.s32 $0xFFFFFFB0  }
0x2da: {  	[tilespmem:s4], [sflag:$0xB] =	stream.indirect.gather [hbm4b:s6+s13], $0x80, s22, s13, $0xb8;
	[tilespmem:$0x1E678] =	vst v63  }
0x2db: {  	_ =	swait.ge [sflag:s15], $0x2800  }
0x2dc: {  	[sflag:s15] =	ssyncset.done $0x0  }
0x2dd: {  	[sflag:s15] =	ssyncadd.s32 $0xFFFFD800  }
0x2de: {  	_ =	swait.ge [sflag:s30], $0x50  }
0x2df: {  	[sflag:s30] =	ssyncset.done $0x0  }
0x2e0: {  	s11 =	simm.s32 $0x5500;
	s4 =	simm.s32 $0x300;
	[sflag:s30] =	ssyncadd.s32 $0xFFFFFFB0  }
0x2e1: {  	[spmem:s3] =	stream.indirect.scatter.add.f32 [tilespmem:s11], [sflag:$0xF], $0x80, s4, s13, $0xb8;
	[tilespmem:$0x1E678] =	vst v63  }
0x2e2: {  	_ =	swait.ge [sflag:s26], $0x2800  }
0x2e3: {  	[sflag:s26] =	ssyncset.done $0x0  }
0x2e4: {  	[sflag:s26] =	ssyncadd.s32 $0xFFFFD800  }
0x2e5: {  	[spmem:s21] =	stream.indirect.scatter.add.f32 [tilespmem:s20], [sflag:$0xF], $0x1, s4, s13, $0xb8;
	[tilespmem:$0x1E678] =	vst v63  }
0x2e6: {  	_ =	swait.ge [sflag:s26], $0x50  }
0x2e7: {  	s7 =	sld [smem:$0x7E6];
	_ =	sdelay $0x1  }
0x2e8: {  	[sflag:s26] =	ssyncset.done $0x0  }
0x2e9: {  	s9 =	rddreg [dreg:$0x1f];
	[sflag:s26] =	ssyncadd.s32 $0xFFFFFFB0;
	s18 =	sadd.s32 s16, s7  }
0x2ea: {  	[tilespmem:s5], [sflag:$0x1] =	stream.linear.gather [hbm4b:s18+s5], $0x50, $0x38;
	[tilespmem:$0x1E678] =	vst v63  }
0x2eb: {  	s17 =	simm.s32 $0x280;
	s11 =	sadd.s32 s16, s9  }
0x2ec: {  	[tilespmem:s17], [sflag:$0x6] =	stream.linear.gather [hbm4b:s11+s5], $0x50, $0x38;
	[tilespmem:$0x1E678] =	vst v63  }
0x2ed: {  	_ =	swait.ge [sflag:s12], $0x50  }
0x2ee: {  	[sflag:s12] =	ssyncset.done $0x0  }
0x2ef: {  	s11 =	simm.s32 $0x2D00;
	[sflag:s12] =	ssyncadd.s32 $0xFFFFFFB0  }
0x2f0: {  	[tilespmem:s11], [sflag:$0xC] =	stream.indirect.gather [hbm4b:s6+s13], $0x80, s31, s13, $0xb8;
	[tilespmem:$0x1E678] =	vst v63  }
0x2f1: {  	_ =	swait.ge [sflag:s24], $0x2800  }
0x2f2: {  	[sflag:s24] =	ssyncset.done $0x0  }
0x2f3: {  	s18 =	simm.s32 $0x8;
	[sflag:s24] =	ssyncadd.s32 $0xFFFFD800  }
0x2f4: {  	_ =	swait.ge [sflag:s18], $0x50  }
0x2f5: {  	[sflag:s18] =	ssyncset.done $0x0  }
0x2f6: {  	s28 =	simm.s32 $0x380;
	s17 =	simm.s32 $0x7D00;
	[sflag:s18] =	ssyncadd.s32 $0xFFFFFFB0  }
0x2f7: {  	[spmem:s3] =	stream.indirect.scatter.add.f32 [tilespmem:s17], [sflag:$0xF], $0x80, s28, s13, $0xb8;
	[tilespmem:$0x1E678] =	vst v63  }
0x2f8: {  	_ =	swait.ge [sflag:s26], $0x2800  }
0x2f9: {  	[sflag:s26] =	ssyncset.done $0x0  }
0x2fa: {  	[sflag:s26] =	ssyncadd.s32 $0xFFFFD800  }
0x2fb: {  	[spmem:s21] =	stream.indirect.scatter.add.f32 [tilespmem:s20], [sflag:$0xF], $0x1, s28, s13, $0xb8;
	[tilespmem:$0x1E678] =	vst v63  }
0x2fc: {  	_ =	swait.ge [sflag:s26], $0x50  }
0x2fd: {  	s9 =	simm.s32 $0x80;
	s31 =	rddreg [dreg:$0x1e];
	[sflag:s26] =	ssyncset.done $0x0  }
0x2fe: {  	s7 =	rddreg [dreg:$0x1d];
	[sflag:s26] =	ssyncadd.s32 $0xFFFFFFB0;
	s18 =	sadd.s32 s16, s31  }
0x2ff: {  	[tilespmem:s9], [sflag:$0x2] =	stream.linear.gather [hbm4b:s18+s5], $0x50, $0x38;
	[tilespmem:$0x1E678] =	vst v63  }
0x300: {  	s1 =	simm.s32 $0x300;
	s31 =	sadd.s32 s16, s7  }
0x301: {  	[tilespmem:s1], [sflag:$0x7] =	stream.linear.gather [hbm4b:s31+s5], $0x50, $0x38;
	[tilespmem:$0x1E678] =	vst v63  }
0x302: {  	_ =	swait.ge [sflag:s19], $0x50  }
0x303: {  	[sflag:s19] =	ssyncset.done $0x0  }
0x304: {  	s7 =	simm.s32 $0x5500;
	[sflag:s19] =	ssyncadd.s32 $0xFFFFFFB0  }
0x305: {  	[tilespmem:s7], [sflag:$0xD] =	stream.indirect.gather [hbm4b:s6+s13], $0x80, s5, s13, $0xb8;
	[tilespmem:$0x1E678] =	vst v63  }
0x306: {  	_ =	swait.ge [sflag:s10], $0x2800  }
0x307: {  	[sflag:s10] =	ssyncset.done $0x0  }
0x308: {  	[sflag:s10] =	ssyncadd.s32 $0xFFFFD800  }
0x309: {  	_ =	swait.ge [sflag:s25], $0x50  }
0x30a: {  	[sflag:s25] =	ssyncset.done $0x0  }
0x30b: {  	s22 =	simm.s32 $0x500;
	s18 =	simm.s32 $0x400;
	[sflag:s25] =	ssyncadd.s32 $0xFFFFFFB0  }
0x30c: {  	[spmem:s3] =	stream.indirect.scatter.add.f32 [tilespmem:s22], [sflag:$0xF], $0x80, s18, s13, $0xb8;
	[tilespmem:$0x1E678] =	vst v63  }
0x30d: {  	_ =	swait.ge [sflag:s26], $0x2800  }
0x30e: {  	[sflag:s26] =	ssyncset.done $0x0  }
0x30f: {  	[sflag:s26] =	ssyncadd.s32 $0xFFFFD800  }
0x310: {  	[spmem:s21] =	stream.indirect.scatter.add.f32 [tilespmem:s20], [sflag:$0xF], $0x1, s18, s13, $0xb8;
	[tilespmem:$0x1E678] =	vst v63  }
0x311: {  	_ =	swait.ge [sflag:s26], $0x50  }
0x312: {  	s22 =	rddreg [dreg:$0x1c]  }
0x313: {  	[sflag:s26] =	ssyncset.done $0x0;
	s31 =	rddreg [dreg:$0x1b]  }
0x314: {  	[sflag:s26] =	ssyncadd.s32 $0xFFFFFFB0;
	s18 =	sadd.s32 s16, s22;
	s22 =	simm.s32 $0x100  }
0x315: {  	[tilespmem:s22], [sflag:$0x3] =	stream.linear.gather [hbm4b:s18+s5], $0x50, $0x38;
	[tilespmem:$0x1E678] =	vst v63  }
0x316: {  	s4 =	simm.s32 $0x380;
	s31 =	sadd.s32 s16, s31  }
0x317: {  	[tilespmem:s4], [sflag:$0x8] =	stream.linear.gather [hbm4b:s31+s5], $0x50, $0x38;
	[tilespmem:$0x1E678] =	vst v63  }
0x318: {  	_ =	swait.ge [sflag:s23], $0x50  }
0x319: {  	[sflag:s23] =	ssyncset.done $0x0  }
0x31a: {  	[sflag:s23] =	ssyncadd.s32 $0xFFFFFFB0  }
0x31b: {  	[tilespmem:s17], [sflag:$0xE] =	stream.indirect.gather [hbm4b:s6+s13], $0x80, s9, s13, $0xb8;
	[tilespmem:$0x1E678] =	vst v63  }
0x31c: {  	_ =	swait.ge [sflag:s8], $0x2800  }
0x31d: {  	[sflag:s8] =	ssyncset.done $0x0  }
0x31e: {  	[sflag:s8] =	ssyncadd.s32 $0xFFFFD800  }
0x31f: {  	_ =	swait.ge [sflag:s0], $0x50  }
0x320: {  	[sflag:s0] =	ssyncset.done $0x0  }
0x321: {  	s28 =	simm.s32 $0x480;
	[sflag:s0] =	ssyncadd.s32 $0xFFFFFFB0  }
0x322: {  	[spmem:s3] =	stream.indirect.scatter.add.f32 [tilespmem:s11], [sflag:$0xF], $0x80, s28, s13, $0xb8;
	[tilespmem:$0x1E678] =	vst v63  }
0x323: {  	_ =	swait.ge [sflag:s26], $0x2800  }
0x324: {  	[sflag:s26] =	ssyncset.done $0x0  }
0x325: {  	[sflag:s26] =	ssyncadd.s32 $0xFFFFD800  }
0x326: {  	[spmem:s21] =	stream.indirect.scatter.add.f32 [tilespmem:s20], [sflag:$0xF], $0x1, s28, s13, $0xb8;
	[tilespmem:$0x1E678] =	vst v63  }
0x327: {  	_ =	swait.ge [sflag:s26], $0x50  }
0x328: {  	s17 =	simm.s32 $0x180;
	s31 =	rddreg [dreg:$0x1a];
	[sflag:s26] =	ssyncset.done $0x0  }
0x329: {  	s11 =	rddreg [dreg:$0x19];
	[sflag:s26] =	ssyncadd.s32 $0xFFFFFFB0;
	s18 =	sadd.s32 s16, s31  }
0x32a: {  	[tilespmem:s17], [sflag:$0x4] =	stream.linear.gather [hbm4b:s18+s5], $0x50, $0x38;
	[tilespmem:$0x1E678] =	vst v63  }
0x32b: {  	s1 =	simm.s32 $0x400;
	s28 =	sadd.s32 s16, s11  }
0x32c: {  	[tilespmem:s1], [sflag:$0x9] =	stream.linear.gather [hbm4b:s28+s5], $0x50, $0x38;
	[tilespmem:$0x1E678] =	vst v63  }
0x32d: {  	_ =	swait.ge [sflag:s2], $0x50  }
0x32e: {  	[sflag:s2] =	ssyncset.done $0x0  }
0x32f: {  	s7 =	simm.s32 $0x500;
	[sflag:s2] =	ssyncadd.s32 $0xFFFFFFB0  }
0x330: {  	[tilespmem:s7], [sflag:$0xB] =	stream.indirect.gather [hbm4b:s6+s13], $0x80, s22, s13, $0xb8;
	[tilespmem:$0x1E678] =	vst v63  }
0x331: {  	_ =	swait.ge [sflag:s15], $0x2800  }
0x332: {  	[sflag:s15] =	ssyncset.done $0x0  }
0x333: {  	[sflag:s15] =	ssyncadd.s32 $0xFFFFD800  }
0x334: {  	_ =	swait.ge [sflag:s29], $0x50  }
0x335: {  	[sflag:s29] =	ssyncset.done $0x0  }
0x336: {  	s31 =	simm.s32 $0x280;
	s1 =	simm.s32 $0x5500;
	[sflag:s29] =	ssyncadd.s32 $0xFFFFFFB0  }
0x337: {  	[spmem:s3] =	stream.indirect.scatter.add.f32 [tilespmem:s1], [sflag:$0xF], $0x80, s31, s13, $0xb8;
	[tilespmem:$0x1E678] =	vst v63  }
0x338: {  	_ =	swait.ge [sflag:s26], $0x2800  }
0x339: {  	[sflag:s26] =	ssyncset.done $0x0  }
0x33a: {  	s2 =	simm.s32 $0x280;
	[sflag:s26] =	ssyncadd.s32 $0xFFFFD800  }
0x33b: {  	[spmem:s21] =	stream.indirect.scatter.add.f32 [tilespmem:s20], [sflag:$0xF], $0x1, s2, s13, $0xb8;
	[tilespmem:$0x1E678] =	vst v63  }
0x33c: {  	_ =	swait.ge [sflag:s26], $0x50  }
0x33d: {  	s22 =	simm.s32 $0x200;
	s7 =	rddreg [dreg:$0x18];
	[sflag:s26] =	ssyncset.done $0x0  }
0x33e: {  	s11 =	rddreg [dreg:$0x17];
	[sflag:s26] =	ssyncadd.s32 $0xFFFFFFB0;
	s18 =	sadd.s32 s16, s7  }
0x33f: {  	[tilespmem:s22], [sflag:$0x5] =	stream.linear.gather [hbm4b:s18+s5], $0x50, $0x38;
	[tilespmem:$0x1E678] =	vst v63  }
0x340: {  	s0 =	simm.s32 $0x480;
	s28 =	sadd.s32 s16, s11  }
0x341: {  	[tilespmem:s0], [sflag:$0xA] =	stream.linear.gather [hbm4b:s28+s5], $0x50, $0x38;
	[tilespmem:$0x1E678] =	vst v63  }
0x342: {  	_ =	swait.ge [sflag:s14], $0x50  }
0x343: {  	[sflag:s14] =	ssyncset.done $0x0  }
0x344: {  	s9 =	simm.s32 $0x2D00;
	[sflag:s14] =	ssyncadd.s32 $0xFFFFFFB0  }
0x345: {  	[tilespmem:s9], [sflag:$0xC] =	stream.indirect.gather [hbm4b:s6+s13], $0x80, s17, s13, $0xb8;
	[tilespmem:$0x1E678] =	vst v63  }
0x346: {  	_ =	swait.ge [sflag:s24], $0x2800  }
0x347: {  	[sflag:s24] =	ssyncset.done $0x0  }
0x348: {  	[sflag:s24] =	ssyncadd.s32 $0xFFFFD800  }
0x349: {  	_ =	swait.ge [sflag:s30], $0x50  }
0x34a: {  	[sflag:s30] =	ssyncset.done $0x0  }
0x34b: {  	s4 =	simm.s32 $0x7D00;
	s31 =	simm.s32 $0x300;
	[sflag:s30] =	ssyncadd.s32 $0xFFFFFFB0  }
0x34c: {  	[spmem:s3] =	stream.indirect.scatter.add.f32 [tilespmem:s4], [sflag:$0xF], $0x80, s31, s13, $0xb8;
	[tilespmem:$0x1E678] =	vst v63  }
0x34d: {  	_ =	swait.ge [sflag:s26], $0x2800  }
0x34e: {  	[sflag:s26] =	ssyncset.done $0x0  }
0x34f: {  	[sflag:s26] =	ssyncadd.s32 $0xFFFFD800  }
0x350: {  	[spmem:s21] =	stream.indirect.scatter.add.f32 [tilespmem:s20], [sflag:$0xF], $0x1, s31, s13, $0xb8;
	[tilespmem:$0x1E678] =	vst v63  }
0x351: {  	_ =	swait.ge [sflag:s26], $0x50  }
0x352: {  	s7 =	rddreg [dreg:$0x16];
	[sflag:s26] =	ssyncset.done $0x0  }
0x353: {  	s9 =	rddreg [dreg:$0x15];
	[sflag:s26] =	ssyncadd.s32 $0xFFFFFFB0;
	s18 =	sadd.s32 s16, s7  }
0x354: {  	[tilespmem:s5], [sflag:$0x1] =	stream.linear.gather [hbm4b:s18+s5], $0x50, $0x38;
	[tilespmem:$0x1E678] =	vst v63  }
0x355: {  	s17 =	simm.s32 $0x280;
	s11 =	sadd.s32 s16, s9  }
0x356: {  	[tilespmem:s17], [sflag:$0x6] =	stream.linear.gather [hbm4b:s11+s5], $0x50, $0x38;
	[tilespmem:$0x1E678] =	vst v63  }
0x357: {  	_ =	swait.ge [sflag:s12], $0x50  }
0x358: {  	[sflag:s12] =	ssyncset.done $0x0  }
0x359: {  	[sflag:s12] =	ssyncadd.s32 $0xFFFFFFB0  }
0x35a: {  	[tilespmem:s1], [sflag:$0xD] =	stream.indirect.gather [hbm4b:s6+s13], $0x80, s22, s13, $0xb8;
	[tilespmem:$0x1E678] =	vst v63  }
0x35b: {  	_ =	swait.ge [sflag:s10], $0x2800  }
0x35c: {  	[sflag:s10] =	ssyncset.done $0x0  }
0x35d: {  	s22 =	simm.s32 $0x8;
	[sflag:s10] =	ssyncadd.s32 $0xFFFFD800  }
0x35e: {  	_ =	swait.ge [sflag:s22], $0x50  }
0x35f: {  	[sflag:s22] =	ssyncset.done $0x0  }
0x360: {  	s28 =	simm.s32 $0x380;
	s11 =	simm.s32 $0x500;
	[sflag:s22] =	ssyncadd.s32 $0xFFFFFFB0  }
0x361: {  	[spmem:s3] =	stream.indirect.scatter.add.f32 [tilespmem:s11], [sflag:$0xF], $0x80, s28, s13, $0xb8;
	[tilespmem:$0x1E678] =	vst v63  }
0x362: {  	_ =	swait.ge [sflag:s26], $0x2800  }
0x363: {  	[sflag:s26] =	ssyncset.done $0x0  }
0x364: {  	[sflag:s26] =	ssyncadd.s32 $0xFFFFD800  }
0x365: {  	[spmem:s21] =	stream.indirect.scatter.add.f32 [tilespmem:s20], [sflag:$0xF], $0x1, s28, s13, $0xb8;
	[tilespmem:$0x1E678] =	vst v63  }
0x366: {  	_ =	swait.ge [sflag:s26], $0x50  }
0x367: {  	s1 =	simm.s32 $0x80;
	s7 =	rddreg [dreg:$0x14];
	[sflag:s26] =	ssyncset.done $0x0  }
0x368: {  	s17 =	rddreg [dreg:$0x13];
	[sflag:s26] =	ssyncadd.s32 $0xFFFFFFB0;
	s18 =	sadd.s32 s16, s7  }
0x369: {  	[tilespmem:s1], [sflag:$0x2] =	stream.linear.gather [hbm4b:s18+s5], $0x50, $0x38;
	[tilespmem:$0x1E678] =	vst v63  }
0x36a: {  	s0 =	simm.s32 $0x300;
	s28 =	sadd.s32 s16, s17  }
0x36b: {  	[tilespmem:s0], [sflag:$0x7] =	stream.linear.gather [hbm4b:s28+s5], $0x50, $0x38;
	[tilespmem:$0x1E678] =	vst v63  }
0x36c: {  	_ =	swait.ge [sflag:s19], $0x50  }
0x36d: {  	[sflag:s19] =	ssyncset.done $0x0  }
0x36e: {  	s4 =	simm.s32 $0x7D00;
	[sflag:s19] =	ssyncadd.s32 $0xFFFFFFB0  }
0x36f: {  	[tilespmem:s4], [sflag:$0xE] =	stream.indirect.gather [hbm4b:s6+s13], $0x80, s5, s13, $0xb8;
	[tilespmem:$0x1E678] =	vst v63  }
0x370: {  	_ =	swait.ge [sflag:s8], $0x2800  }
0x371: {  	[sflag:s8] =	ssyncset.done $0x0  }
0x372: {  	[sflag:s8] =	ssyncadd.s32 $0xFFFFD800  }
0x373: {  	_ =	swait.ge [sflag:s25], $0x50  }
0x374: {  	[sflag:s25] =	ssyncset.done $0x0  }
0x375: {  	s2 =	simm.s32 $0x2D00;
	s4 =	simm.s32 $0x400;
	[sflag:s25] =	ssyncadd.s32 $0xFFFFFFB0  }
0x376: {  	[spmem:s3] =	stream.indirect.scatter.add.f32 [tilespmem:s2], [sflag:$0xF], $0x80, s4, s13, $0xb8;
	[tilespmem:$0x1E678] =	vst v63  }
0x377: {  	_ =	swait.ge [sflag:s26], $0x2800  }
0x378: {  	[sflag:s26] =	ssyncset.done $0x0  }
0x379: {  	[sflag:s26] =	ssyncadd.s32 $0xFFFFD800  }
0x37a: {  	[spmem:s21] =	stream.indirect.scatter.add.f32 [tilespmem:s20], [sflag:$0xF], $0x1, s4, s13, $0xb8;
	[tilespmem:$0x1E678] =	vst v63  }
0x37b: {  	_ =	swait.ge [sflag:s26], $0x50  }
0x37c: {  	s17 =	rddreg [dreg:$0x12]  }
0x37d: {  	[sflag:s26] =	ssyncset.done $0x0;
	s0 =	rddreg [dreg:$0x11]  }
0x37e: {  	[sflag:s26] =	ssyncadd.s32 $0xFFFFFFB0;
	s18 =	sadd.s32 s16, s17;
	s17 =	simm.s32 $0x100  }
0x37f: {  	[tilespmem:s17], [sflag:$0x3] =	stream.linear.gather [hbm4b:s18+s5], $0x50, $0x38;
	[tilespmem:$0x1E678] =	vst v63  }
0x380: {  	s22 =	simm.s32 $0x380;
	s2 =	sadd.s32 s16, s0  }
0x381: {  	[tilespmem:s22], [sflag:$0x8] =	stream.linear.gather [hbm4b:s2+s5], $0x50, $0x38;
	[tilespmem:$0x1E678] =	vst v63  }
0x382: {  	_ =	swait.ge [sflag:s23], $0x50  }
0x383: {  	[sflag:s23] =	ssyncset.done $0x0  }
0x384: {  	[sflag:s23] =	ssyncadd.s32 $0xFFFFFFB0  }
0x385: {  	[tilespmem:s11], [sflag:$0xB] =	stream.indirect.gather [hbm4b:s6+s13], $0x80, s1, s13, $0xb8;
	[tilespmem:$0x1E678] =	vst v63  }
0x386: {  	_ =	swait.ge [sflag:s15], $0x2800  }
0x387: {  	[sflag:s15] =	ssyncset.done $0x0  }
0x388: {  	s28 =	simm.s32 $0xA;
	[sflag:s15] =	ssyncadd.s32 $0xFFFFD800  }
0x389: {  	_ =	swait.ge [sflag:s28], $0x50  }
0x38a: {  	[sflag:s28] =	ssyncset.done $0x0  }
0x38b: {  	s9 =	simm.s32 $0x5500;
	s1 =	simm.s32 $0x480;
	[sflag:s28] =	ssyncadd.s32 $0xFFFFFFB0  }
0x38c: {  	[spmem:s3] =	stream.indirect.scatter.add.f32 [tilespmem:s9], [sflag:$0xF], $0x80, s1, s13, $0xb8;
	[tilespmem:$0x1E678] =	vst v63  }
0x38d: {  	_ =	swait.ge [sflag:s26], $0x2800  }
0x38e: {  	[sflag:s26] =	ssyncset.done $0x0  }
0x38f: {  	[sflag:s26] =	ssyncadd.s32 $0xFFFFD800  }
0x390: {  	[spmem:s21] =	stream.indirect.scatter.add.f32 [tilespmem:s20], [sflag:$0xF], $0x1, s1, s13, $0xb8;
	[tilespmem:$0x1E678] =	vst v63  }
0x391: {  	_ =	swait.ge [sflag:s26], $0x50  }
0x392: {  	s1 =	simm.s32 $0x180;
	s2 =	rddreg [dreg:$0x10];
	[sflag:s26] =	ssyncset.done $0x0  }
0x393: {  	s11 =	rddreg [dreg:$0xf];
	[sflag:s26] =	ssyncadd.s32 $0xFFFFFFB0;
	s18 =	sadd.s32 s16, s2  }
0x394: {  	[tilespmem:s1], [sflag:$0x4] =	stream.linear.gather [hbm4b:s18+s5], $0x50, $0x38;
	[tilespmem:$0x1E678] =	vst v63  }
0x395: {  	s4 =	simm.s32 $0x400;
	s28 =	simm.s32 $0x3;
	s22 =	sadd.s32 s16, s11  }
0x396: {  	[tilespmem:s4], [sflag:$0x9] =	stream.linear.gather [hbm4b:s22+s5], $0x50, $0x38;
	[tilespmem:$0x1E678] =	vst v63  }
0x397: {  	_ =	swait.ge [sflag:s28], $0x50  }
0x398: {  	[sflag:s28] =	ssyncset.done $0x0  }
0x399: {  	s7 =	simm.s32 $0x2D00;
	[sflag:s28] =	ssyncadd.s32 $0xFFFFFFB0  }
0x39a: {  	[tilespmem:s7], [sflag:$0xC] =	stream.indirect.gather [hbm4b:s6+s13], $0x80, s17, s13, $0xb8;
	[tilespmem:$0x1E678] =	vst v63  }
0x39b: {  	_ =	swait.ge [sflag:s24], $0x2800  }
0x39c: {  	[sflag:s24] =	ssyncset.done $0x0  }
0x39d: {  	[sflag:s24] =	ssyncadd.s32 $0xFFFFD800  }
0x39e: {  	_ =	swait.ge [sflag:s29], $0x50  }
0x39f: {  	[sflag:s29] =	ssyncset.done $0x0  }
0x3a0: {  	s2 =	simm.s32 $0x280;
	s4 =	simm.s32 $0x7D00;
	[sflag:s29] =	ssyncadd.s32 $0xFFFFFFB0  }
0x3a1: {  	[spmem:s3] =	stream.indirect.scatter.add.f32 [tilespmem:s4], [sflag:$0xF], $0x80, s2, s13, $0xb8;
	[tilespmem:$0x1E678] =	vst v63  }
0x3a2: {  	_ =	swait.ge [sflag:s26], $0x2800  }
0x3a3: {  	[sflag:s26] =	ssyncset.done $0x0  }
0x3a4: {  	s7 =	simm.s32 $0x280;
	[sflag:s26] =	ssyncadd.s32 $0xFFFFD800  }
0x3a5: {  	[spmem:s21] =	stream.indirect.scatter.add.f32 [tilespmem:s20], [sflag:$0xF], $0x1, s7, s13, $0xb8;
	[tilespmem:$0x1E678] =	vst v63  }
0x3a6: {  	_ =	swait.ge [sflag:s26], $0x50  }
0x3a7: {  	s4 =	simm.s32 $0x200;
	s11 =	rddreg [dreg:$0xe];
	[sflag:s26] =	ssyncset.done $0x0  }
0x3a8: {  	s17 =	rddreg [dreg:$0xd];
	[sflag:s26] =	ssyncadd.s32 $0xFFFFFFB0;
	s18 =	sadd.s32 s16, s11  }
0x3a9: {  	[tilespmem:s4], [sflag:$0x5] =	stream.linear.gather [hbm4b:s18+s5], $0x50, $0x38;
	[tilespmem:$0x1E678] =	vst v63  }
0x3aa: {  	s0 =	simm.s32 $0x480;
	s28 =	sadd.s32 s16, s17  }
0x3ab: {  	[tilespmem:s0], [sflag:$0xA] =	stream.linear.gather [hbm4b:s28+s5], $0x50, $0x38;
	[tilespmem:$0x1E678] =	vst v63  }
0x3ac: {  	_ =	swait.ge [sflag:s14], $0x50  }
0x3ad: {  	[sflag:s14] =	ssyncset.done $0x0  }
0x3ae: {  	s9 =	simm.s32 $0x5500;
	[sflag:s14] =	ssyncadd.s32 $0xFFFFFFB0  }
0x3af: {  	[tilespmem:s9], [sflag:$0xD] =	stream.indirect.gather [hbm4b:s6+s13], $0x80, s1, s13, $0xb8;
	[tilespmem:$0x1E678] =	vst v63  }
0x3b0: {  	_ =	swait.ge [sflag:s10], $0x2800  }
0x3b1: {  	[sflag:s10] =	ssyncset.done $0x0  }
0x3b2: {  	[sflag:s10] =	ssyncadd.s32 $0xFFFFD800  }
0x3b3: {  	_ =	swait.ge [sflag:s30], $0x50  }
0x3b4: {  	[sflag:s30] =	ssyncset.done $0x0  }
0x3b5: {  	s2 =	simm.s32 $0x500;
	s1 =	simm.s32 $0x300;
	[sflag:s30] =	ssyncadd.s32 $0xFFFFFFB0  }
0x3b6: {  	[spmem:s3] =	stream.indirect.scatter.add.f32 [tilespmem:s2], [sflag:$0xF], $0x80, s1, s13, $0xb8;
	[tilespmem:$0x1E678] =	vst v63  }
0x3b7: {  	s30 =	sld [smem:$0x7DB];
	_ =	swait.ge [sflag:s26], $0x2800  }
0x3b8: {  	[sflag:s26] =	ssyncset.done $0x0  }
0x3b9: {  	[sflag:s26] =	ssyncadd.s32 $0xFFFFD800  }
0x3ba: {  	[spmem:s21] =	stream.indirect.scatter.add.f32 [tilespmem:s20], [sflag:$0xF], $0x1, s1, s13, $0xb8;
	[tilespmem:$0x1E678] =	vst v63  }
0x3bb: {  	_ =	swait.ge [sflag:s26], $0x50  }
0x3bc: {  	s9 =	sld [smem:$0x7FD];
	_ =	sdelay $0x1  }
0x3bd: {  	s7 =	sshrl.u32 s30, $0x3;
	[sflag:s26] =	ssyncset.done $0x0;
	s11 =	sld [smem:$0x7FC]  }
0x3be: {  	[sflag:s26] =	ssyncadd.s32 $0xFFFFFFB0;
	s28 =	sadd.s32 s9, s7  }
0x3bf: {  	[tilespmem:s5], [sflag:$0x1] =	stream.linear.gather [hbm4b:s28+s5], $0x50, $0x38;
	[tilespmem:$0x1E678] =	vst v63  }
0x3c0: {  	s18 =	sadd.s32 s11, s7;
	s28 =	simm.s32 $0x280  }
0x3c1: {  	[tilespmem:s28], [sflag:$0x6] =	stream.linear.gather [hbm4b:s18+s5], $0x50, $0x38;
	[tilespmem:$0x1E678] =	vst v63  }
0x3c2: {  	_ =	swait.ge [sflag:s12], $0x50  }
0x3c3: {  	[sflag:s12] =	ssyncset.done $0x0  }
0x3c4: {  	s11 =	simm.s32 $0x7D00;
	[sflag:s12] =	ssyncadd.s32 $0xFFFFFFB0  }
0x3c5: {  	[tilespmem:s11], [sflag:$0xE] =	stream.indirect.gather [hbm4b:s6+s13], $0x80, s4, s13, $0xb8;
	[tilespmem:$0x1E678] =	vst v63  }
0x3c6: {  	_ =	swait.ge [sflag:s8], $0x2800  }
0x3c7: {  	[sflag:s8] =	ssyncset.done $0x0  }
0x3c8: {  	s31 =	simm.s32 $0x8;
	[sflag:s8] =	ssyncadd.s32 $0xFFFFD800  }
0x3c9: {  	_ =	swait.ge [sflag:s31], $0x50  }
0x3ca: {  	[sflag:s31] =	ssyncset.done $0x0  }
0x3cb: {  	s8 =	simm.s32 $0x2D00;
	[sflag:s31] =	ssyncadd.s32 $0xFFFFFFB0;
	s31 =	simm.s32 $0x380  }
0x3cc: {  	[spmem:s3] =	stream.indirect.scatter.add.f32 [tilespmem:s8], [sflag:$0xF], $0x80, s31, s13, $0xb8;
	[tilespmem:$0x1E678] =	vst v63  }
0x3cd: {  	_ =	swait.ge [sflag:s26], $0x2800  }
0x3ce: {  	[sflag:s26] =	ssyncset.done $0x0  }
0x3cf: {  	[sflag:s26] =	ssyncadd.s32 $0xFFFFD800  }
0x3d0: {  	[spmem:s21] =	stream.indirect.scatter.add.f32 [tilespmem:s20], [sflag:$0xF], $0x1, s31, s13, $0xb8;
	[tilespmem:$0x1E678] =	vst v63  }
0x3d1: {  	_ =	swait.ge [sflag:s26], $0x50  }
0x3d2: {  	s31 =	simm.s32 $0x80;
	s4 =	rddreg [dreg:$0xc];
	[sflag:s26] =	ssyncset.done $0x0  }
0x3d3: {  	s12 =	rddreg [dreg:$0xb];
	[sflag:s26] =	ssyncadd.s32 $0xFFFFFFB0;
	s18 =	sadd.s32 s16, s4  }
0x3d4: {  	[tilespmem:s31], [sflag:$0x2] =	stream.linear.gather [hbm4b:s18+s5], $0x50, $0x38;
	[tilespmem:$0x1E678] =	vst v63  }
0x3d5: {  	s0 =	simm.s32 $0x300;
	s1 =	sadd.s32 s16, s12  }
0x3d6: {  	[tilespmem:s0], [sflag:$0x7] =	stream.linear.gather [hbm4b:s1+s5], $0x50, $0x38;
	[tilespmem:$0x1E678] =	vst v63  }
0x3d7: {  	_ =	swait.ge [sflag:s19], $0x50  }
0x3d8: {  	[sflag:s19] =	ssyncset.done $0x0  }
0x3d9: {  	[sflag:s19] =	ssyncadd.s32 $0xFFFFFFB0  }
0x3da: {  	[tilespmem:s2], [sflag:$0xB] =	stream.indirect.gather [hbm4b:s6+s13], $0x80, s5, s13, $0xb8;
	[tilespmem:$0x1E678] =	vst v63  }
0x3db: {  	_ =	swait.ge [sflag:s15], $0x2800  }
0x3dc: {  	[sflag:s15] =	ssyncset.done $0x0  }
0x3dd: {  	[sflag:s15] =	ssyncadd.s32 $0xFFFFD800  }
0x3de: {  	_ =	swait.ge [sflag:s25], $0x50  }
0x3df: {  	[sflag:s25] =	ssyncset.done $0x0  }
0x3e0: {  	s17 =	simm.s32 $0x5500;
	s12 =	simm.s32 $0x400;
	[sflag:s25] =	ssyncadd.s32 $0xFFFFFFB0  }
0x3e1: {  	[spmem:s3] =	stream.indirect.scatter.add.f32 [tilespmem:s17], [sflag:$0xF], $0x80, s12, s13, $0xb8;
	[tilespmem:$0x1E678] =	vst v63  }
0x3e2: {  	_ =	swait.ge [sflag:s26], $0x2800  }
0x3e3: {  	[sflag:s26] =	ssyncset.done $0x0  }
0x3e4: {  	[sflag:s26] =	ssyncadd.s32 $0xFFFFD800  }
0x3e5: {  	[spmem:s21] =	stream.indirect.scatter.add.f32 [tilespmem:s20], [sflag:$0xF], $0x1, s12, s13, $0xb8;
	[tilespmem:$0x1E678] =	vst v63  }
0x3e6: {  	_ =	swait.ge [sflag:s26], $0x50  }
0x3e7: {  	s2 =	simm.s32 $0x100;
	s15 =	rddreg [dreg:$0xa];
	[sflag:s26] =	ssyncset.done $0x0  }
0x3e8: {  	s25 =	rddreg [dreg:$0x9];
	[sflag:s26] =	ssyncadd.s32 $0xFFFFFFB0;
	s18 =	sadd.s32 s16, s15  }
0x3e9: {  	[tilespmem:s2], [sflag:$0x3] =	stream.linear.gather [hbm4b:s18+s5], $0x50, $0x38;
	[tilespmem:$0x1E678] =	vst v63  }
0x3ea: {  	s7 =	simm.s32 $0x380;
	s28 =	sadd.s32 s16, s25  }
0x3eb: {  	[tilespmem:s7], [sflag:$0x8] =	stream.linear.gather [hbm4b:s28+s5], $0x50, $0x38;
	[tilespmem:$0x1E678] =	vst v63  }
0x3ec: {  	_ =	swait.ge [sflag:s23], $0x50  }
0x3ed: {  	[sflag:s23] =	ssyncset.done $0x0  }
0x3ee: {  	[sflag:s23] =	ssyncadd.s32 $0xFFFFFFB0  }
0x3ef: {  	[tilespmem:s8], [sflag:$0xC] =	stream.indirect.gather [hbm4b:s6+s13], $0x80, s31, s13, $0xb8;
	[tilespmem:$0x1E678] =	vst v63  }
0x3f0: {  	_ =	swait.ge [sflag:s24], $0x2800  }
0x3f1: {  	[sflag:s24] =	ssyncset.done $0x0  }
0x3f2: {  	s31 =	simm.s32 $0xA;
	[sflag:s24] =	ssyncadd.s32 $0xFFFFD800  }
0x3f3: {  	_ =	swait.ge [sflag:s31], $0x50  }
0x3f4: {  	s4 =	simm.s32 $0xA;
	[sflag:s31] =	ssyncset.done $0x0  }
0x3f5: {  	s7 =	simm.s32 $0x480;
	[sflag:s4] =	ssyncadd.s32 $0xFFFFFFB0  }
0x3f6: {  	[spmem:s3] =	stream.indirect.scatter.add.f32 [tilespmem:s11], [sflag:$0xF], $0x80, s7, s13, $0xb8;
	[tilespmem:$0x1E678] =	vst v63  }
0x3f7: {  	_ =	swait.ge [sflag:s26], $0x2800  }
0x3f8: {  	[sflag:s26] =	ssyncset.done $0x0  }
0x3f9: {  	[sflag:s26] =	ssyncadd.s32 $0xFFFFD800  }
0x3fa: {  	[spmem:s21] =	stream.indirect.scatter.add.f32 [tilespmem:s20], [sflag:$0xF], $0x1, s7, s13, $0xb8;
	[tilespmem:$0x1E678] =	vst v63  }
0x3fb: {  	_ =	swait.ge [sflag:s26], $0x50  }
0x3fc: {  	s25 =	simm.s32 $0x180;
	s11 =	rddreg [dreg:$0x8];
	[sflag:s26] =	ssyncset.done $0x0  }
0x3fd: {  	s24 =	rddreg [dreg:$0x7];
	[sflag:s26] =	ssyncadd.s32 $0xFFFFFFB0;
	s18 =	sadd.s32 s16, s11  }
0x3fe: {  	[tilespmem:s25], [sflag:$0x4] =	stream.linear.gather [hbm4b:s18+s5], $0x50, $0x38;
	[tilespmem:$0x1E678] =	vst v63  }
0x3ff: {  	s22 =	simm.s32 $0x3;
	s1 =	simm.s32 $0x400;
	s28 =	sadd.s32 s16, s24  }
0x400: {  	[tilespmem:s1], [sflag:$0x9] =	stream.linear.gather [hbm4b:s28+s5], $0x50, $0x38;
	[tilespmem:$0x1E678] =	vst v63  }
0x401: {  	_ =	swait.ge [sflag:s22], $0x50  }
0x402: {  	[sflag:s22] =	ssyncset.done $0x0  }
0x403: {  	[sflag:s22] =	ssyncadd.s32 $0xFFFFFFB0  }
0x404: {  	[tilespmem:s17], [sflag:$0xD] =	stream.indirect.gather [hbm4b:s6+s13], $0x80, s2, s13, $0xb8;
	[tilespmem:$0x1E678] =	vst v63  }
0x405: {  	_ =	swait.ge [sflag:s10], $0x2800  }
0x406: {  	[sflag:s10] =	ssyncset.done $0x0  }
0x407: {  	[sflag:s10] =	ssyncadd.s32 $0xFFFFD800  }
0x408: {  	_ =	swait.ge [sflag:s29], $0x50  }
0x409: {  	[sflag:s29] =	ssyncset.done $0x0  }
0x40a: {  	s19 =	simm.s32 $0x500;
	s23 =	simm.s32 $0x280;
	[sflag:s29] =	ssyncadd.s32 $0xFFFFFFB0  }
0x40b: {  	[spmem:s3] =	stream.indirect.scatter.add.f32 [tilespmem:s19], [sflag:$0xF], $0x80, s23, s13, $0xb8;
	[tilespmem:$0x1E678] =	vst v63  }
0x40c: {  	s3 =	sld [smem:$0x7DC];
	_ =	swait.ge [sflag:s26], $0x2800  }
0x40d: {  	[sflag:s26] =	ssyncset.done $0x0  }
0x40e: {  	[sflag:s26] =	ssyncadd.s32 $0xFFFFD800  }
0x40f: {  	[spmem:s21] =	stream.indirect.scatter.add.f32 [tilespmem:s20], [sflag:$0xF], $0x1, s23, s13, $0xb8;
	[tilespmem:$0x1E678] =	vst v63  }
0x410: {  	_ =	swait.ge [sflag:s26], $0x50  }
0x411: {  	s9 =	simm.s32 $0x200;
	s29 =	rddreg [dreg:$0x6];
	[sflag:s26] =	ssyncset.done $0x0  }
0x412: {  	s31 =	rddreg [dreg:$0x5];
	[sflag:s26] =	ssyncadd.s32 $0xFFFFFFB0;
	s18 =	sadd.s32 s16, s29  }
0x413: {  	[tilespmem:s9], [sflag:$0x5] =	stream.linear.gather [hbm4b:s18+s5], $0x50, $0x38;
	[tilespmem:$0x1E678] =	vst v63  }
.Ltmp0:
0x414: {  	s8 =	simm.s32 $0x480;
	s16 =	sadd.s32 s16, s31;
	(pc) =	sbr.rel @p0 .LBB2_2-.Ltmp0, $4  }
0x415: {  	[tilespmem:s8], [sflag:$0xA] =	stream.linear.gather [hbm4b:s16+s5], $0x50, $0x38;
	[tilespmem:$0x1E678] =	vst v63  }
0x416: {  	s30 =	sadd.s32 $0x640, s30;
	s12 =	simm.s32 $0x2D00;
	_ =	swait.ge [sflag:s14], $0x50  }
0x417: {  	s15 =	simm.s32 $0x80;
	s4 =	simm.s32 $0x180;
	[sflag:s14] =	ssyncset.done $0x0  }
0x418: {  	s7 =	simm.s32 $0x200;
	s11 =	simm.s32 $0x5500;
	[sflag:s14] =	ssyncadd.s32 $0xFFFFFFB0  }
0x419: {  	s0 =	simm.s32 $0x7D00;
	s2 =	rddreg [dreg:$0x0];
	s8 =	simm.s32 $0xC  }
0x41a: {  	[tilespmem:s0], [sflag:$0xE] =	stream.indirect.gather [hbm4b:s2+s13], $0x80, s4, s13, $0xb8;
	[tilespmem:$0x1E678] =	vst v63  }
0x41b: {  	_ =	swait.ge [sflag:s8], $0x2800  }
0x41c: {  	[sflag:s8] =	ssyncset.done $0x0  }
0x41d: {  	s9 =	simm.s32 $0x7;
	[sflag:s8] =	ssyncadd.s32 $0xFFFFD800  }
0x41e: {  	_ =	swait.ge [sflag:s9], $0x50  }
0x41f: {  	[sflag:s9] =	ssyncset.done $0x0  }
0x420: {  	[sflag:s9] =	ssyncadd.s32 $0xFFFFFFB0  }
0x421: {  	s10 =	simm.s32 $0x300;
	s3 =	rddreg [dreg:$0x2]  }
0x422: {  	[spmem:s3] =	stream.indirect.scatter.add.f32 [tilespmem:s12], [sflag:$0xF], $0x80, s10, s13, $0xb8;
	[tilespmem:$0x1E678] =	vst v63  }
0x423: {  	_ =	swait.ge [sflag:s26], $0x2800  }
0x424: {  	[sflag:s26] =	ssyncset.done $0x0  }
0x425: {  	[sflag:s26] =	ssyncadd.s32 $0xFFFFD800  }
0x426: {  	s8 =	simm.s32 $0xA500;
	s6 =	rddreg [dreg:$0x3]  }
0x427: {  	[spmem:s6] =	stream.indirect.scatter.add.f32 [tilespmem:s8], [sflag:$0xF], $0x1, s10, s13, $0xb8;
	[tilespmem:$0x1E678] =	vst v63  }
0x428: {  	_ =	swait.ge [sflag:s26], $0x50  }
0x429: {  	[sflag:s26] =	ssyncset.done $0x0  }
0x42a: {  	s1 =	simm.s32 $0x5;
	[sflag:s26] =	ssyncadd.s32 $0xFFFFFFB0  }
0x42b: {  	_ =	swait.ge [sflag:s1], $0x50  }
0x42c: {  	[sflag:s1] =	ssyncset.done $0x0  }
0x42d: {  	s14 =	simm.s32 $0xD;
	s9 =	simm.s32 $0x500;
	[sflag:s1] =	ssyncadd.s32 $0xFFFFFFB0  }
0x42e: {  	[tilespmem:s9], [sflag:$0xB] =	stream.indirect.gather [hbm4b:s2+s13], $0x80, s7, s13, $0xb8;
	[tilespmem:$0x1E678] =	vst v63  }
0x42f: {  	_ =	swait.ge [sflag:s14], $0x2800  }
0x430: {  	[sflag:s14] =	ssyncset.done $0x0  }
0x431: {  	s16 =	simm.s32 $0x8;
	[sflag:s14] =	ssyncadd.s32 $0xFFFFD800  }
0x432: {  	_ =	swait.ge [sflag:s16], $0x50  }
0x433: {  	[sflag:s16] =	ssyncset.done $0x0  }
0x434: {  	s17 =	simm.s32 $0x380;
	[sflag:s16] =	ssyncadd.s32 $0xFFFFFFB0  }
0x435: {  	[spmem:s3] =	stream.indirect.scatter.add.f32 [tilespmem:s11], [sflag:$0xF], $0x80, s17, s13, $0xb8;
	[tilespmem:$0x1E678] =	vst v63  }
0x436: {  	_ =	swait.ge [sflag:s26], $0x2800  }
0x437: {  	[sflag:s26] =	ssyncset.done $0x0  }
0x438: {  	[sflag:s26] =	ssyncadd.s32 $0xFFFFD800  }
0x439: {  	[spmem:s6] =	stream.indirect.scatter.add.f32 [tilespmem:s8], [sflag:$0xF], $0x1, s17, s13, $0xb8;
	[tilespmem:$0x1E678] =	vst v63  }
0x43a: {  	_ =	swait.ge [sflag:s26], $0x50  }
0x43b: {  	[sflag:s26] =	ssyncset.done $0x0  }
0x43c: {  	s18 =	simm.s32 $0xE;
	[sflag:s26] =	ssyncadd.s32 $0xFFFFFFB0  }
0x43d: {  	_ =	swait.ge [sflag:s18], $0x2800  }
0x43e: {  	[sflag:s18] =	ssyncset.done $0x0  }
0x43f: {  	s19 =	simm.s32 $0x9;
	[sflag:s18] =	ssyncadd.s32 $0xFFFFD800  }
0x440: {  	_ =	swait.ge [sflag:s19], $0x50  }
0x441: {  	[sflag:s19] =	ssyncset.done $0x0  }
0x442: {  	s20 =	simm.s32 $0x400;
	[sflag:s19] =	ssyncadd.s32 $0xFFFFFFB0  }
0x443: {  	[spmem:s3] =	stream.indirect.scatter.add.f32 [tilespmem:s0], [sflag:$0xF], $0x80, s20, s13, $0xb8;
	[tilespmem:$0x1E678] =	vst v63  }
0x444: {  	_ =	swait.ge [sflag:s26], $0x2800  }
0x445: {  	[sflag:s26] =	ssyncset.done $0x0  }
0x446: {  	[sflag:s26] =	ssyncadd.s32 $0xFFFFD800  }
0x447: {  	[spmem:s6] =	stream.indirect.scatter.add.f32 [tilespmem:s8], [sflag:$0xF], $0x1, s20, s13, $0xb8;
	[tilespmem:$0x1E678] =	vst v63  }
0x448: {  	_ =	swait.ge [sflag:s26], $0x50  }
0x449: {  	[sflag:s26] =	ssyncset.done $0x0  }
0x44a: {  	s21 =	simm.s32 $0xB;
	[sflag:s26] =	ssyncadd.s32 $0xFFFFFFB0  }
0x44b: {  	_ =	swait.ge [sflag:s21], $0x2800  }
0x44c: {  	[sflag:s21] =	ssyncset.done $0x0  }
0x44d: {  	s22 =	simm.s32 $0xA;
	[sflag:s21] =	ssyncadd.s32 $0xFFFFD800  }
0x44e: {  	_ =	swait.ge [sflag:s22], $0x50  }
0x44f: {  	[sflag:s22] =	ssyncset.done $0x0  }
0x450: {  	s24 =	simm.s32 $0x480;
	[sflag:s22] =	ssyncadd.s32 $0xFFFFFFB0  }
0x451: {  	[spmem:s3] =	stream.indirect.scatter.add.f32 [tilespmem:s9], [sflag:$0xF], $0x80, s24, s13, $0xb8;
	[tilespmem:$0x1E678] =	vst v63  }
0x452: {  	_ =	swait.ge [sflag:s26], $0x2800  }
0x453: {  	[sflag:s26] =	ssyncset.done $0x0  }
0x454: {  	[sflag:s26] =	ssyncadd.s32 $0xFFFFD800  }
0x455: {  	[spmem:s6] =	stream.indirect.scatter.add.f32 [tilespmem:s8], [sflag:$0xF], $0x1, s24, s13, $0xb8;
	[tilespmem:$0x1E678] =	vst v63  }
0x456: {  	_ =	swait.ge [sflag:s26], $0x50  }
0x457: {  	[sflag:s26] =	ssyncset.done $0x0  }
0x458: {  	[sflag:s26] =	ssyncadd.s32 $0xFFFFFFB0  }
0x459: {  	[bflag:$0x0] =	sbarrier.arrive $0xFFFF  }
0x45a: {  	s16 =	sld [smem:$0x7FA]  }
0x45b: {  	s14 =	sld [smem:$0x7F6]  }
0x45c: {  	s25 =	sld [smem:$0x7DE];
	_ =	sdelay $0x2  }
0x45d: {  	[hbm:s14], [sflag:s16] =	dma.local [spmem:s25], $0x2780  }
0x45e: {  	_ =	swait.ge [sflag:s26], $0x2780  }
0x45f: {  	s28 =	sld [smem:$0x7FB]  }
0x460: {  	[sflag:s26] =	ssyncset.done $0x0  }
0x461: {  	s18 =	simm.s32 $0xA580;
	[sflag:s26] =	ssyncadd.s32 $0xFFFFD880  }
0x462: {  	[tilespmem:s18], [sflag:$0xF] =	stream.linear.gather [spmem:s28], $0x278, $0x38;
	[tilespmem:$0x1E678] =	vst v63  }
0x463: {  	_ =	swait.ge [sflag:s26], $0x278  }
0x464: {  	s29 =	sld [smem:$0x7F7]  }
0x465: {  	[sflag:s26] =	ssyncset.done $0x0  }
0x466: {  	[sflag:s26] =	ssyncadd.s32 $0xFFFFFD88  }
0x467: {  	[hbm4b:s29+s15] =	stream.strided.scatter [tilespmem:s18], [sflag:$0xF], $0x280, s20, s15, $0x38;
	[tilespmem:$0x1E678] =	vst v63  }
0x468: {  	_ =	swait.ge [sflag:s26], $0x280  }
0x469: {  	s30 =	sld [smem:$0x7DD]  }
0x46a: {  	s31 =	sld [smem:$0x7F8];
	_ =	sdelay $0x1  }
0x46b: {  	s1 =	sadd.s32 $0x1, s30  }
0x46c: {  	p0 =	sne.s32 s1, s31  }
.Ltmp1:
0x46d: {  	_ = 	snop;
	(pc) =	sbr.rel @p0 .LBB2_1-.Ltmp1, $4  }
0x46e: {  	_ = 	snop  }
0x46f: {  	s10 =	simm.s32 $0x100  }
0x470: {  	s0 =	simm.s32 $0x6;
	s24 =	simm.s32 $0x2;
	[sflag:s26] =	ssyncset.done $0x0  }
0x471: {  	s25 =	simm.s32 $0x3;
	s20 =	simm.s32 $0x1;
	[sflag:s26] =	ssyncadd.s32 $0xFFFFFD80  }
0x472: {  	_ =	sfence.sel $0x180000  }
0x473: {  	[bflag:$0x0] =	sbarrier.arrive $0xFFFF  }
0x474: {  	_ =	strace $0x90000047  }
0x475: {  	s0 =	stileid.u32;
	[bflag:$0x2] =	sbarrier.arrive $0xFFFF  }
0x476: {  	p0 =	sne.s32 s0, $0x0;
	s0 =	rddreg [dreg:$0x4]  }
0x477: {  	s0 =	sadd.s32 @!p0 $0x100000, s0  }
0x478: {  	[sflag:s0] =	ssyncadd.tile.s32 @!p0 $0x1;
	_ =	shalt  }
.Lfunc_end2:
_tile_overlayer_lowered:
.L_overlay_start_2:
0x479: {  	(tag) =	ssettag $0x2  }
0x47a: {  	s0 =	rddreg [dreg:$0x0];
	s2 =	stileid.u32  }
0x47b: {  	s1 =	rddreg [dreg:$0x1];
	p0 =	sne.s32 s2, $0x0  }
0x47c: {  	s3 =	rddreg [dreg:$0x2];
	[bflag:$0x3] =	sbarrier.arrive $0xFFFF;
	s2 =	simm.s32 @!p0 $0x1C0F  }
0x47d: {  	[timem:s3], [sflag:s2] =	dma.local @!p0 [hbm:s0], s1  }
0x47e: {  	s0 =	simm.s32 @!p0 $0xF  }
0x47f: {  	_ =	swait.ge @!p0 [sflag:s0], s1  }
0x480: {  	s1 =	ssub.s32 @!p0 $0x0, s1;
	[sflag:s0] =	ssyncset.done @!p0 $0x0  }
0x481: {  	[sflag:s0] =	ssyncadd.s32 @!p0 s1  }
0x482: {  	[bflag:$0x3] =	sbarrier.arrive $0xFFFF  }
0x483: {  	_ =	shalt  }

</sc_bundles>
